<compile_context>
chip_gen: v7x
topology: tpu7x:2x2x1
jax: 0.10.2.dev20260603
libtpu: 0.0.44.dev20260713+nightly
codegen_flags: <defaults>
</compile_context>

<pallas_src>
import functools

import jax
import jax.numpy as jnp
from jax import lax
from jax.experimental import pallas as pl
from jax.experimental.pallas import tpu as pltpu
from jax.experimental.pallas import tpu_sc as plsc

N = 10000
E = 320000
H = 128
NL = 3
DOUT = 45
EPS = 1e-5

NC = 2
NS = 16
NW = NC * NS
CH = 128
G = 40
EPG = G * CH
NG0 = 3
NG1 = 1
TG = NS * (NG0 + NG1)
EPAD = TG * EPG
RPT = 632
NPAD = NS * RPT


_SC_MESH = plsc.VectorSubcoreMesh(core_axis_name="c", subcore_axis_name="s")


@functools.partial(
    pl.kernel,
    out_type=jax.ShapeDtypeStruct((NW, RPT, H), jnp.float32),
    mesh=_SC_MESH,
    scratch_types=[
        pltpu.VMEM((G, CH), jnp.int32),
        pltpu.VMEM((G, CH), jnp.int32),
        pltpu.VMEM((CH, H), jnp.float32),
        pltpu.VMEM((CH, H), jnp.float32),
        pltpu.VMEM_SHARED((NPAD, H), jnp.float32),
        pltpu.SemaphoreType.DMA,
        pltpu.SemaphoreType.DMA,
    ],
)
def _spmm_h(table_hbm, src_hbm, dst_hbm, zeros_hbm, out_hbm,
            src_v, dst_v, rows_a, rows_b, acc, sem_a, sem_b):
    c = lax.axis_index("c")
    s = lax.axis_index("s")
    wid = c * NS + s
    row0 = s * RPT
    pltpu.sync_copy(zeros_hbm.at[pl.ds(row0, RPT)], acc.at[pl.ds(row0, RPT)])
    plsc.subcore_barrier()

    def step(i, carry):
        j = 2 * i
        pltpu.make_async_copy(table_hbm.at[src_v.at[j]], rows_a, sem_a).wait()
        pltpu.async_copy(table_hbm.at[src_v.at[j + 1]], rows_b, sem_b)
        pltpu.sync_copy(rows_a, acc.at[dst_v.at[j]], add=True)
        pltpu.make_async_copy(table_hbm.at[src_v.at[j + 1]], rows_b, sem_b).wait()

        @pl.when(j + 2 < G)
        def _():
            pltpu.async_copy(table_hbm.at[src_v.at[j + 2]], rows_a, sem_a)

        pltpu.sync_copy(rows_b, acc.at[dst_v.at[j + 1]], add=True)
        return carry

    def do_groups(gbase, n):
        for g in range(n):
            pltpu.sync_copy(src_hbm.at[gbase + g], src_v)
            pltpu.sync_copy(dst_hbm.at[gbase + g], dst_v)
            pltpu.async_copy(table_hbm.at[src_v.at[0]], rows_a, sem_a)
            lax.fori_loop(0, G // 2, step, 0)

    @pl.when(c == 0)
    def _():
        do_groups(s * NG0, NG0)

    if NG1:
        @pl.when(c == 1)
        def _():
            do_groups(NS * NG0 + s, NG1)

    plsc.subcore_barrier()
    pl.delay(4000)
    plsc.subcore_barrier()
    pltpu.sync_copy(acc.at[pl.ds(row0, RPT)], out_hbm.at[wid])


@functools.partial(
    pl.kernel,
    out_type=jax.ShapeDtypeStruct((NW, RPT, H), jnp.float32),
    mesh=_SC_MESH,
    scratch_types=[
        pltpu.VMEM((G, CH), jnp.int32),
        pltpu.VMEM((CH, H), jnp.float32),
        pltpu.VMEM_SHARED((NPAD, H), jnp.float32),
    ],
)
def _spmm_cnt(ones_hbm, dst_hbm, zeros_hbm, out_hbm, dst_v, ones_v, acc):
    c = lax.axis_index("c")
    s = lax.axis_index("s")
    wid = c * NS + s
    pltpu.sync_copy(ones_hbm, ones_v)
    row0 = s * RPT
    pltpu.sync_copy(zeros_hbm.at[pl.ds(row0, RPT)], acc.at[pl.ds(row0, RPT)])
    plsc.subcore_barrier()

    ngroups = TG // NW

    def step(j, carry):
        pltpu.sync_copy(ones_v, acc.at[dst_v.at[j]], add=True)
        return carry

    for g in range(ngroups):
        pltpu.sync_copy(dst_hbm.at[wid * ngroups + g], dst_v)
        lax.fori_loop(0, G, step, 0)

    plsc.subcore_barrier()
    pl.delay(4000)
    plsc.subcore_barrier()
    pltpu.sync_copy(acc.at[pl.ds(row0, RPT)], out_hbm.at[wid])


def _lnorm(x, g, b):
    m = jnp.mean(x, axis=-1, keepdims=True)
    v = jnp.var(x, axis=-1, keepdims=True)
    return (x - m) / jnp.sqrt(v + EPS) * g + b


def _leaky(x):
    return jnp.where(x > 0, x, 0.1 * x)


def _gelu(x):
    return 0.5 * x * (1.0 + lax.erf(x * (2.0 ** -0.5)))


def _encoder_body(x_ref, w1, b1, g1, be1, w2, b2, g2, be2, o_ref):
    h = jnp.dot(x_ref[...], w1[...], preferred_element_type=jnp.float32) + b1[...]
    h = _lnorm(h, g1[...], be1[...])
    h = _leaky(h)
    h = jnp.dot(h, w2[...], preferred_element_type=jnp.float32) + b2[...]
    o_ref[...] = _lnorm(h, g2[...], be2[...])


def _layer_body(part, cntp, h_ref, skw, skb, wl, bl, wr, g, b, o_ref):
    h = h_ref[...]
    cnt = (cntp[0] + cntp[1])[:N, :1]
    cnt = jnp.maximum(cnt, 1.0)
    agg = (part[0] + part[1])[:N] / cnt
    out = (jnp.dot(agg, wl[...], preferred_element_type=jnp.float32) + bl[...]
           + jnp.dot(h, wr[...], preferred_element_type=jnp.float32))
    nrm = jnp.sqrt(jnp.sum(out * out, axis=-1, keepdims=True))
    out = out / jnp.maximum(nrm, 1e-12)
    m = jnp.mean(out, axis=0, keepdims=True)
    v = jnp.var(out, axis=0, keepdims=True)
    out = (out - m) / jnp.sqrt(v + EPS) * g[...] + b[...]
    res = jnp.dot(h, skw[...], preferred_element_type=jnp.float32) + skb[...]
    o_ref[...] = _leaky(out) + res


def _head_body(h_ref, w1, b1, g, be, w2, b2, w3, b3, o_ref):
    y = jnp.dot(h_ref[...], w1[...], preferred_element_type=jnp.float32) + b1[...]
    y = _lnorm(y, g[...], be[...])
    y = _gelu(y)
    y = jnp.dot(y, w2[...], preferred_element_type=jnp.float32) + b2[...]
    y = _gelu(y)
    y = jnp.dot(y, w3[...], preferred_element_type=jnp.float32) + b3[...]
    o_ref[...] = jax.nn.sigmoid(y)


def kernel(x, edge_index, params):
    p = params
    src = edge_index[0].astype(jnp.int32)
    dst = edge_index[1].astype(jnp.int32)
    pad = EPAD - E
    src = jnp.concatenate([src, jnp.zeros((pad,), jnp.int32)]).reshape(TG, G, CH)
    dst = jnp.concatenate([dst, jnp.full((pad,), N, jnp.int32)]).reshape(TG, G, CH)

    h = pl.pallas_call(
        _encoder_body,
        out_shape=jax.ShapeDtypeStruct((N, H), jnp.float32),
    )(x, p['enc_W1'], p['enc_b1'], p['enc_g1'], p['enc_be1'],
      p['enc_W2'], p['enc_b2'], p['enc_g2'], p['enc_be2'])

    ones_ch = jnp.ones((CH, H), jnp.float32)
    zh = jnp.zeros((NPAD, H), jnp.float32)

    cntp = _spmm_cnt(ones_ch, dst, zh).reshape(NC, NPAD, H)

    for l in range(NL):
        part = _spmm_h(h, src, dst, zh).reshape(NC, NPAD, H)
        h = pl.pallas_call(
            _layer_body,
            out_shape=jax.ShapeDtypeStruct((N, H), jnp.float32),
        )(part, cntp, h, p['skip_W'], p['skip_b'],
          p[f'sage_Wl{l}'], p[f'sage_bl{l}'], p[f'sage_Wr{l}'],
          p[f'bn_g{l}'], p[f'bn_b{l}'])

    y = pl.pallas_call(
        _head_body,
        out_shape=jax.ShapeDtypeStruct((N, DOUT), jnp.float32),
    )(h, p['head_W1'], p['head_b1'], p['head_g'], p['head_be'],
      p['head_W2'], p['head_b2'], p['head_W3'], p['head_b3'])
    return y

# --- scband reference (transcript-rebuilt; emitter-appended) ---
"""Pipeline reference for scband-ripple-gnn-69784628625942 (READ-ONLY COPY).

The authoritative reference and input builder live on the scoring server;
editing this copy changes nothing except your own understanding.
"""

import jax, jax.numpy as jnp
import numpy as np

N = 10000
E = 320000
DIN = 16
H = 128
NL = 3
DOUT = 45
EPS = 1e-5


def _ln(x, g, b):
    m = jnp.mean(x, axis=-1, keepdims=True)
    v = jnp.var(x, axis=-1, keepdims=True)
    return (x - m) / jnp.sqrt(v + EPS) * g + b


def _bn(x, g, b):
    m = jnp.mean(x, axis=0, keepdims=True)
    v = jnp.var(x, axis=0, keepdims=True)
    return (x - m) / jnp.sqrt(v + EPS) * g + b


def _l2norm(x):
    n = jnp.sqrt(jnp.sum(x * x, axis=-1, keepdims=True))
    return x / jnp.maximum(n, 1e-12)


def setup_inputs(seed: int = 0) -> dict:
    key = jax.random.key(seed)
    ks = jax.random.split(key, 64)
    i = 0

    def nxt(shape, scale=0.05):
        nonlocal i
        k = ks[i]
        i += 1
        return jax.random.normal(k, shape, dtype=jnp.float32) * scale

    x = jax.random.normal(ks[40], (N, DIN), dtype=jnp.float32)
    edge_index = jax.random.randint(ks[41], (2, E), 0, N, dtype=jnp.int64)

    params = {
        'enc_W1': nxt((DIN, H)), 'enc_b1': jnp.zeros((H,), jnp.float32),
        'enc_g1': jnp.ones((H,), jnp.float32), 'enc_be1': jnp.zeros((H,), jnp.float32),
        'enc_W2': nxt((H, H)), 'enc_b2': jnp.zeros((H,), jnp.float32),
        'enc_g2': jnp.ones((H,), jnp.float32), 'enc_be2': jnp.zeros((H,), jnp.float32),
        'skip_W': nxt((H, H)), 'skip_b': jnp.zeros((H,), jnp.float32),
        'head_W1': nxt((H, 2 * H)), 'head_b1': jnp.zeros((2 * H,), jnp.float32),
        'head_g': jnp.ones((2 * H,), jnp.float32), 'head_be': jnp.zeros((2 * H,), jnp.float32),
        'head_W2': nxt((2 * H, H)), 'head_b2': jnp.zeros((H,), jnp.float32),
        'head_W3': nxt((H, DOUT)), 'head_b3': jnp.zeros((DOUT,), jnp.float32),
    }
    for l in range(NL):
        params[f'sage_Wl{l}'] = nxt((H, H))
        params[f'sage_bl{l}'] = jnp.zeros((H,), jnp.float32)
        params[f'sage_Wr{l}'] = nxt((H, H))
        params[f'bn_g{l}'] = jnp.ones((H,), jnp.float32)
        params[f'bn_b{l}'] = jnp.zeros((H,), jnp.float32)
    return {'x': x, 'edge_index': edge_index, 'params': params}


def _forward(x, edge_index, params):
    p = params
    # NodeEncoder
    h = x @ p['enc_W1'] + p['enc_b1']
    h = _ln(h, p['enc_g1'], p['enc_be1'])
    h = jax.nn.leaky_relu(h, 0.1)
    h = h @ p['enc_W2'] + p['enc_b2']
    h = _ln(h, p['enc_g2'], p['enc_be2'])

    src = edge_index[0]
    dst = edge_index[1]
    cnt = jax.ops.segment_sum(jnp.ones((E,), jnp.float32), dst, num_segments=N)
    cnt = jnp.maximum(cnt, 1.0)[:, None]

    # GraphSAGE backbone (mean aggr, normalize=True), dropout=0 / eval
    for l in range(NL):
        res = h @ p['skip_W'] + p['skip_b']
        msg = jnp.take(h, src, axis=0)
        agg = jax.ops.segment_sum(msg, dst, num_segments=N) / cnt
        out = agg @ p[f'sage_Wl{l}'] + p[f'sage_bl{l}'] + h @ p[f'sage_Wr{l}']
        out = _l2norm(out)
        out = _bn(out, p[f'bn_g{l}'], p[f'bn_b{l}'])
        h = jax.nn.leaky_relu(out, 0.1) + res

    # RiskHead
    y = h @ p['head_W1'] + p['head_b1']
    y = _ln(y, p['head_g'], p['head_be'])
    y = jax.nn.gelu(y, approximate=False)
    y = y @ p['head_W2'] + p['head_b2']
    y = jax.nn.gelu(y, approximate=False)
    y = y @ p['head_W3'] + p['head_b3']
    return jax.nn.sigmoid(y)


def reference(x, edge_index, params):
    return _forward(x, edge_index, params)

if __name__ == "__main__":
    import jax
    _d = setup_inputs()
    print(jax.jit(kernel)(*tuple(_d.values())))

</pallas_src>

<mosaic_0001>
#map = affine_map<(d0, d1) -> (0, 0)>
#map1 = affine_map<(d0, d1) -> (0, 0, 0)>
module attributes {stable_mosaic.version = 14 : i64} {
  func.func @_spmm_cnt(%arg0: i32, %arg1: i32, %arg2: memref<128x128xf32, #tpu.memory_space<hbm>>, %arg3: memref<64x40x128xi32, #tpu.memory_space<hbm>>, %arg4: memref<10112x128xf32, #tpu.memory_space<hbm>>, %arg5: memref<32x632x128xf32, #tpu.memory_space<hbm>>, %arg6: memref<40x128xi32, #tpu.memory_space<vmem>>, %arg7: memref<128x128xf32, #tpu.memory_space<vmem>>, %arg8: memref<10112x128xf32, #tpu.memory_space<vmem_shared>>) attributes {dimension_semantics = [#tpu.dimension_semantics<core_parallel>, #tpu.dimension_semantics<subcore_parallel>], iteration_bounds = array<i64: 2, 16>, scalar_prefetch = 0 : i64, scratch_operands = 3 : i64, tpu.core_type = #tpu.core_type<sc_vector_subcore>, window_params = [{transform_indices = #map}, {transform_indices = #map1}, {transform_indices = #map}, {transform_indices = #map1}]} {
    %mul3A = arith.constant 16 : i32
    %mul3A_0 = arith.muli %arg0, %mul3A : i32
    %add3A = arith.addi %mul3A_0, %arg1 : i32
    "tpu.region"() ({
      %run_scoped3A = tpu.sem_alloc : memref<!tpu.dma_semaphore, #tpu.memory_space<semaphore_mem>>
      tpu.enqueue_dma source(%arg2 : memref<128x128xf32, #tpu.memory_space<hbm>>) target(%arg7 : memref<128x128xf32, #tpu.memory_space<vmem>>) target_semaphore(%run_scoped3A : memref<!tpu.dma_semaphore, #tpu.memory_space<semaphore_mem>>)
      tpu.wait_dma2 semaphore(%run_scoped3A : memref<!tpu.dma_semaphore, #tpu.memory_space<semaphore_mem>>) src(%arg2 : memref<128x128xf32, #tpu.memory_space<hbm>>) dst(%arg7 : memref<128x128xf32, #tpu.memory_space<vmem>>)
      tpu.yield
    }) : () -> ()
    %mul3A_1 = arith.constant 632 : i32
    %mul3A_2 = arith.muli %arg1, %mul3A_1 : i32
    "tpu.region"() ({
      %run_scoped3A = tpu.sem_alloc : memref<!tpu.dma_semaphore, #tpu.memory_space<semaphore_mem>>
      %dma_start3A = arith.constant 0 : i32
      %dma_start3A_24 = tpu.memref_slice %arg8[%mul3A_2, %dma_start3A] : memref<10112x128xf32, #tpu.memory_space<vmem_shared>> -> memref<632x128xf32, #tpu.memory_space<vmem_shared>>
      %dma_start3A_25 = arith.constant 0 : i32
      %dma_start3A_26 = tpu.memref_slice %arg4[%mul3A_2, %dma_start3A_25] : memref<10112x128xf32, #tpu.memory_space<hbm>> -> memref<632x128xf32, #tpu.memory_space<hbm>>
      tpu.enqueue_dma source(%dma_start3A_26 : memref<632x128xf32, #tpu.memory_space<hbm>>) target(%dma_start3A_24 : memref<632x128xf32, #tpu.memory_space<vmem_shared>>) target_semaphore(%run_scoped3A : memref<!tpu.dma_semaphore, #tpu.memory_space<semaphore_mem>>)
      %dma_wait3A = arith.constant 0 : i32
      %dma_wait3A_27 = tpu.memref_slice %arg8[%mul3A_2, %dma_wait3A] : memref<10112x128xf32, #tpu.memory_space<vmem_shared>> -> memref<632x128xf32, #tpu.memory_space<vmem_shared>>
      %dma_wait3A_28 = arith.constant 0 : i32
      %dma_wait3A_29 = tpu.memref_slice %arg4[%mul3A_2, %dma_wait3A_28] : memref<10112x128xf32, #tpu.memory_space<hbm>> -> memref<632x128xf32, #tpu.memory_space<hbm>>
      tpu.wait_dma2 semaphore(%run_scoped3A : memref<!tpu.dma_semaphore, #tpu.memory_space<semaphore_mem>>) src(%dma_wait3A_29 : memref<632x128xf32, #tpu.memory_space<hbm>>) dst(%dma_wait3A_27 : memref<632x128xf32, #tpu.memory_space<vmem_shared>>)
      tpu.yield
    }) : () -> ()
    %barrier3A = arith.constant 0 : index
    tpu.barrier barrier_id(%barrier3A)
    %mul3A_3 = arith.constant 2 : i32
    %mul3A_4 = arith.muli %add3A, %mul3A_3 : i32
    %add3A_5 = arith.constant 0 : i32
    %add3A_6 = arith.addi %mul3A_4, %add3A_5 : i32
    "tpu.region"() ({
      %run_scoped3A = tpu.sem_alloc : memref<!tpu.dma_semaphore, #tpu.memory_space<semaphore_mem>>
      %dma_start3A = arith.constant 0 : i32
      %dma_start3A_24 = arith.constant 0 : i32
      %dma_start3A_25 = tpu.memref_slice %arg3[%add3A_6, %dma_start3A, %dma_start3A_24] : memref<64x40x128xi32, #tpu.memory_space<hbm>> -> memref<1x40x128xi32, #tpu.memory_space<hbm>>
      %dma_start3A_26 = tpu.memref_squeeze %dma_start3A_25 : memref<1x40x128xi32, #tpu.memory_space<hbm>> -> memref<40x128xi32, #tpu.memory_space<hbm>>
      %dma_start3A_27 = arith.constant 0 : i32
      %dma_start3A_28 = arith.constant 0 : i32
      %dma_start3A_29 = tpu.memref_slice %arg3[%add3A_6, %dma_start3A_27, %dma_start3A_28] : memref<64x40x128xi32, #tpu.memory_space<hbm>> -> memref<1x40x128xi32, #tpu.memory_space<hbm>>
      %dma_start3A_30 = tpu.memref_squeeze %dma_start3A_29 : memref<1x40x128xi32, #tpu.memory_space<hbm>> -> memref<40x128xi32, #tpu.memory_space<hbm>>
      tpu.enqueue_dma source(%dma_start3A_30 : memref<40x128xi32, #tpu.memory_space<hbm>>) target(%arg6 : memref<40x128xi32, #tpu.memory_space<vmem>>) target_semaphore(%run_scoped3A : memref<!tpu.dma_semaphore, #tpu.memory_space<semaphore_mem>>)
      %dma_wait3A = arith.constant 0 : i32
      %dma_wait3A_31 = arith.constant 0 : i32
      %dma_wait3A_32 = tpu.memref_slice %arg3[%add3A_6, %dma_wait3A, %dma_wait3A_31] : memref<64x40x128xi32, #tpu.memory_space<hbm>> -> memref<1x40x128xi32, #tpu.memory_space<hbm>>
      %dma_wait3A_33 = tpu.memref_squeeze %dma_wait3A_32 : memref<1x40x128xi32, #tpu.memory_space<hbm>> -> memref<40x128xi32, #tpu.memory_space<hbm>>
      %dma_wait3A_34 = arith.constant 0 : i32
      %dma_wait3A_35 = arith.constant 0 : i32
      %dma_wait3A_36 = tpu.memref_slice %arg3[%add3A_6, %dma_wait3A_34, %dma_wait3A_35] : memref<64x40x128xi32, #tpu.memory_space<hbm>> -> memref<1x40x128xi32, #tpu.memory_space<hbm>>
      %dma_wait3A_37 = tpu.memref_squeeze %dma_wait3A_36 : memref<1x40x128xi32, #tpu.memory_space<hbm>> -> memref<40x128xi32, #tpu.memory_space<hbm>>
      tpu.wait_dma2 semaphore(%run_scoped3A : memref<!tpu.dma_semaphore, #tpu.memory_space<semaphore_mem>>) src(%dma_wait3A_37 : memref<40x128xi32, #tpu.memory_space<hbm>>) dst(%arg6 : memref<40x128xi32, #tpu.memory_space<vmem>>)
      tpu.yield
    }) : () -> ()
    %scan3A = arith.constant 0 : i32
    %scan3A_7 = arith.constant 0 : i32
    %scan3A_8 = arith.constant 40 : i32
    %scan3A_9 = arith.addi %scan3A_7, %scan3A_8 : i32
    %scan3A_10 = arith.constant 1 : i32
    scf.for %scan3A_24 = %scan3A_7 to %scan3A_9 step %scan3A_10  : i32 {
      "tpu.region"() ({
        %run_scoped3A = tpu.sem_alloc : memref<!tpu.dma_semaphore, #tpu.memory_space<semaphore_mem>>
        %dma_start3A = arith.constant 0 : i32
        %dma_start3A_25 = tpu.memref_slice %arg6[%scan3A_24, %dma_start3A] : memref<40x128xi32, #tpu.memory_space<vmem>> -> memref<1x128xi32, #tpu.memory_space<vmem>>
        %dma_start3A_26 = tpu.memref_squeeze %dma_start3A_25 : memref<1x128xi32, #tpu.memory_space<vmem>> -> memref<128xi32, #tpu.memory_space<vmem>>
        %dma_start3A_27 = arith.constant 0 : i32
        %dma_start3A_28 = arith.constant 0 : i32
        %dma_start3A_29 = tpu.memref_slice %arg8[%dma_start3A_27, %dma_start3A_28] : memref<10112x128xf32, #tpu.memory_space<vmem_shared>> -> memref<10112x128xf32, #tpu.memory_space<vmem_shared>>
        tpu.enqueue_indirect_dma source(%arg7 : memref<128x128xf32, #tpu.memory_space<vmem>>) target(%dma_start3A_29 : memref<10112x128xf32, #tpu.memory_space<vmem_shared>>) offsets(%dma_start3A_26 : memref<128xi32, #tpu.memory_space<vmem>>) semaphore(%run_scoped3A : memref<!tpu.dma_semaphore, #tpu.memory_space<semaphore_mem>>) {add = true}
        %dma_wait3A = arith.constant 0 : i32
        %dma_wait3A_30 = tpu.memref_slice %arg6[%scan3A_24, %dma_wait3A] : memref<40x128xi32, #tpu.memory_space<vmem>> -> memref<1x128xi32, #tpu.memory_space<vmem>>
        %dma_wait3A_31 = tpu.memref_squeeze %dma_wait3A_30 : memref<1x128xi32, #tpu.memory_space<vmem>> -> memref<128xi32, #tpu.memory_space<vmem>>
        %dma_wait3A_32 = arith.constant 0 : i32
        %dma_wait3A_33 = arith.constant 0 : i32
        %dma_wait3A_34 = tpu.memref_slice %arg8[%dma_wait3A_32, %dma_wait3A_33] : memref<10112x128xf32, #tpu.memory_space<vmem_shared>> -> memref<10112x128xf32, #tpu.memory_space<vmem_shared>>
        tpu.wait_indirect_dma semaphore(%run_scoped3A : memref<!tpu.dma_semaphore, #tpu.memory_space<semaphore_mem>>) src(%arg7 : memref<128x128xf32, #tpu.memory_space<vmem>>) dst(%dma_wait3A_34 : memref<10112x128xf32, #tpu.memory_space<vmem_shared>>)
        tpu.yield
      }) : () -> ()
    }
    %scan3A_11 = arith.constant 40 : i32
    %mul3A_12 = arith.constant 2 : i32
    %mul3A_13 = arith.muli %add3A, %mul3A_12 : i32
    %add3A_14 = arith.constant 1 : i32
    %add3A_15 = arith.addi %mul3A_13, %add3A_14 : i32
    "tpu.region"() ({
      %run_scoped3A = tpu.sem_alloc : memref<!tpu.dma_semaphore, #tpu.memory_space<semaphore_mem>>
      %dma_start3A = arith.constant 0 : i32
      %dma_start3A_24 = arith.constant 0 : i32
      %dma_start3A_25 = tpu.memref_slice %arg3[%add3A_15, %dma_start3A, %dma_start3A_24] : memref<64x40x128xi32, #tpu.memory_space<hbm>> -> memref<1x40x128xi32, #tpu.memory_space<hbm>>
      %dma_start3A_26 = tpu.memref_squeeze %dma_start3A_25 : memref<1x40x128xi32, #tpu.memory_space<hbm>> -> memref<40x128xi32, #tpu.memory_space<hbm>>
      %dma_start3A_27 = arith.constant 0 : i32
      %dma_start3A_28 = arith.constant 0 : i32
      %dma_start3A_29 = tpu.memref_slice %arg3[%add3A_15, %dma_start3A_27, %dma_start3A_28] : memref<64x40x128xi32, #tpu.memory_space<hbm>> -> memref<1x40x128xi32, #tpu.memory_space<hbm>>
      %dma_start3A_30 = tpu.memref_squeeze %dma_start3A_29 : memref<1x40x128xi32, #tpu.memory_space<hbm>> -> memref<40x128xi32, #tpu.memory_space<hbm>>
      tpu.enqueue_dma source(%dma_start3A_30 : memref<40x128xi32, #tpu.memory_space<hbm>>) target(%arg6 : memref<40x128xi32, #tpu.memory_space<vmem>>) target_semaphore(%run_scoped3A : memref<!tpu.dma_semaphore, #tpu.memory_space<semaphore_mem>>)
      %dma_wait3A = arith.constant 0 : i32
      %dma_wait3A_31 = arith.constant 0 : i32
      %dma_wait3A_32 = tpu.memref_slice %arg3[%add3A_15, %dma_wait3A, %dma_wait3A_31] : memref<64x40x128xi32, #tpu.memory_space<hbm>> -> memref<1x40x128xi32, #tpu.memory_space<hbm>>
      %dma_wait3A_33 = tpu.memref_squeeze %dma_wait3A_32 : memref<1x40x128xi32, #tpu.memory_space<hbm>> -> memref<40x128xi32, #tpu.memory_space<hbm>>
      %dma_wait3A_34 = arith.constant 0 : i32
      %dma_wait3A_35 = arith.constant 0 : i32
      %dma_wait3A_36 = tpu.memref_slice %arg3[%add3A_15, %dma_wait3A_34, %dma_wait3A_35] : memref<64x40x128xi32, #tpu.memory_space<hbm>> -> memref<1x40x128xi32, #tpu.memory_space<hbm>>
      %dma_wait3A_37 = tpu.memref_squeeze %dma_wait3A_36 : memref<1x40x128xi32, #tpu.memory_space<hbm>> -> memref<40x128xi32, #tpu.memory_space<hbm>>
      tpu.wait_dma2 semaphore(%run_scoped3A : memref<!tpu.dma_semaphore, #tpu.memory_space<semaphore_mem>>) src(%dma_wait3A_37 : memref<40x128xi32, #tpu.memory_space<hbm>>) dst(%arg6 : memref<40x128xi32, #tpu.memory_space<vmem>>)
      tpu.yield
    }) : () -> ()
    %scan3A_16 = arith.constant 0 : i32
    %scan3A_17 = arith.constant 0 : i32
    %scan3A_18 = arith.constant 40 : i32
    %scan3A_19 = arith.addi %scan3A_17, %scan3A_18 : i32
    %scan3A_20 = arith.constant 1 : i32
    scf.for %scan3A_24 = %scan3A_17 to %scan3A_19 step %scan3A_20  : i32 {
      "tpu.region"() ({
        %run_scoped3A = tpu.sem_alloc : memref<!tpu.dma_semaphore, #tpu.memory_space<semaphore_mem>>
        %dma_start3A = arith.constant 0 : i32
        %dma_start3A_25 = tpu.memref_slice %arg6[%scan3A_24, %dma_start3A] : memref<40x128xi32, #tpu.memory_space<vmem>> -> memref<1x128xi32, #tpu.memory_space<vmem>>
        %dma_start3A_26 = tpu.memref_squeeze %dma_start3A_25 : memref<1x128xi32, #tpu.memory_space<vmem>> -> memref<128xi32, #tpu.memory_space<vmem>>
        %dma_start3A_27 = arith.constant 0 : i32
        %dma_start3A_28 = arith.constant 0 : i32
        %dma_start3A_29 = tpu.memref_slice %arg8[%dma_start3A_27, %dma_start3A_28] : memref<10112x128xf32, #tpu.memory_space<vmem_shared>> -> memref<10112x128xf32, #tpu.memory_space<vmem_shared>>
        tpu.enqueue_indirect_dma source(%arg7 : memref<128x128xf32, #tpu.memory_space<vmem>>) target(%dma_start3A_29 : memref<10112x128xf32, #tpu.memory_space<vmem_shared>>) offsets(%dma_start3A_26 : memref<128xi32, #tpu.memory_space<vmem>>) semaphore(%run_scoped3A : memref<!tpu.dma_semaphore, #tpu.memory_space<semaphore_mem>>) {add = true}
        %dma_wait3A = arith.constant 0 : i32
        %dma_wait3A_30 = tpu.memref_slice %arg6[%scan3A_24, %dma_wait3A] : memref<40x128xi32, #tpu.memory_space<vmem>> -> memref<1x128xi32, #tpu.memory_space<vmem>>
        %dma_wait3A_31 = tpu.memref_squeeze %dma_wait3A_30 : memref<1x128xi32, #tpu.memory_space<vmem>> -> memref<128xi32, #tpu.memory_space<vmem>>
        %dma_wait3A_32 = arith.constant 0 : i32
        %dma_wait3A_33 = arith.constant 0 : i32
        %dma_wait3A_34 = tpu.memref_slice %arg8[%dma_wait3A_32, %dma_wait3A_33] : memref<10112x128xf32, #tpu.memory_space<vmem_shared>> -> memref<10112x128xf32, #tpu.memory_space<vmem_shared>>
        tpu.wait_indirect_dma semaphore(%run_scoped3A : memref<!tpu.dma_semaphore, #tpu.memory_space<semaphore_mem>>) src(%arg7 : memref<128x128xf32, #tpu.memory_space<vmem>>) dst(%dma_wait3A_34 : memref<10112x128xf32, #tpu.memory_space<vmem_shared>>)
        tpu.yield
      }) : () -> ()
    }
    %scan3A_21 = arith.constant 40 : i32
    %barrier3A_22 = arith.constant 0 : index
    tpu.barrier barrier_id(%barrier3A_22)
    %delay3A = arith.constant 4000 : i32
    tpu.delay %delay3A
    %barrier3A_23 = arith.constant 0 : index
    tpu.barrier barrier_id(%barrier3A_23)
    "tpu.region"() ({
      %run_scoped3A = tpu.sem_alloc : memref<!tpu.dma_semaphore, #tpu.memory_space<semaphore_mem>>
      %dma_start3A = arith.constant 0 : i32
      %dma_start3A_24 = arith.constant 0 : i32
      %dma_start3A_25 = tpu.memref_slice %arg5[%add3A, %dma_start3A, %dma_start3A_24] : memref<32x632x128xf32, #tpu.memory_space<hbm>> -> memref<1x632x128xf32, #tpu.memory_space<hbm>>
      %dma_start3A_26 = tpu.memref_squeeze %dma_start3A_25 : memref<1x632x128xf32, #tpu.memory_space<hbm>> -> memref<632x128xf32, #tpu.memory_space<hbm>>
      %dma_start3A_27 = arith.constant 0 : i32
      %dma_start3A_28 = tpu.memref_slice %arg8[%mul3A_2, %dma_start3A_27] : memref<10112x128xf32, #tpu.memory_space<vmem_shared>> -> memref<632x128xf32, #tpu.memory_space<vmem_shared>>
      tpu.enqueue_dma source(%dma_start3A_28 : memref<632x128xf32, #tpu.memory_space<vmem_shared>>) target(%dma_start3A_26 : memref<632x128xf32, #tpu.memory_space<hbm>>) target_semaphore(%run_scoped3A : memref<!tpu.dma_semaphore, #tpu.memory_space<semaphore_mem>>)
      %dma_wait3A = arith.constant 0 : i32
      %dma_wait3A_29 = arith.constant 0 : i32
      %dma_wait3A_30 = tpu.memref_slice %arg5[%add3A, %dma_wait3A, %dma_wait3A_29] : memref<32x632x128xf32, #tpu.memory_space<hbm>> -> memref<1x632x128xf32, #tpu.memory_space<hbm>>
      %dma_wait3A_31 = tpu.memref_squeeze %dma_wait3A_30 : memref<1x632x128xf32, #tpu.memory_space<hbm>> -> memref<632x128xf32, #tpu.memory_space<hbm>>
      %dma_wait3A_32 = arith.constant 0 : i32
      %dma_wait3A_33 = tpu.memref_slice %arg8[%mul3A_2, %dma_wait3A_32] : memref<10112x128xf32, #tpu.memory_space<vmem_shared>> -> memref<632x128xf32, #tpu.memory_space<vmem_shared>>
      tpu.wait_dma2 semaphore(%run_scoped3A : memref<!tpu.dma_semaphore, #tpu.memory_space<semaphore_mem>>) src(%dma_wait3A_33 : memref<632x128xf32, #tpu.memory_space<vmem_shared>>) dst(%dma_wait3A_31 : memref<632x128xf32, #tpu.memory_space<hbm>>)
      tpu.yield
    }) : () -> ()
    return
  }
}

#map = affine_map<(d0, d1) -> (0, 0)>
#map1 = affine_map<(d0, d1) -> (0, 0, 0)>
module attributes {stable_mosaic.version = 14 : i64} {
  func.func @_spmm_h(%arg0: i32, %arg1: i32, %arg2: memref<10000x128xf32, #tpu.memory_space<hbm>>, %arg3: memref<64x40x128xi32, #tpu.memory_space<hbm>>, %arg4: memref<64x40x128xi32, #tpu.memory_space<hbm>>, %arg5: memref<10112x128xf32, #tpu.memory_space<hbm>>, %arg6: memref<32x632x128xf32, #tpu.memory_space<hbm>>, %arg7: memref<40x128xi32, #tpu.memory_space<vmem>>, %arg8: memref<40x128xi32, #tpu.memory_space<vmem>>, %arg9: memref<128x128xf32, #tpu.memory_space<vmem>>, %arg10: memref<128x128xf32, #tpu.memory_space<vmem>>, %arg11: memref<10112x128xf32, #tpu.memory_space<vmem_shared>>, %arg12: memref<!tpu.dma_semaphore, #tpu.memory_space<semaphore_mem>>, %arg13: memref<!tpu.dma_semaphore, #tpu.memory_space<semaphore_mem>>) attributes {dimension_semantics = [#tpu.dimension_semantics<core_parallel>, #tpu.dimension_semantics<subcore_parallel>], iteration_bounds = array<i64: 2, 16>, scalar_prefetch = 0 : i64, scratch_operands = 7 : i64, tpu.core_type = #tpu.core_type<sc_vector_subcore>, window_params = [{transform_indices = #map}, {transform_indices = #map1}, {transform_indices = #map1}, {transform_indices = #map}, {transform_indices = #map1}]} {
    %mul3A = arith.constant 16 : i32
    %mul3A_0 = arith.muli %arg0, %mul3A : i32
    %add3A = arith.addi %mul3A_0, %arg1 : i32
    %mul3A_1 = arith.constant 632 : i32
    %mul3A_2 = arith.muli %arg1, %mul3A_1 : i32
    "tpu.region"() ({
      %run_scoped3A = tpu.sem_alloc : memref<!tpu.dma_semaphore, #tpu.memory_space<semaphore_mem>>
      %dma_start3A = arith.constant 0 : i32
      %dma_start3A_12 = tpu.memref_slice %arg11[%mul3A_2, %dma_start3A] : memref<10112x128xf32, #tpu.memory_space<vmem_shared>> -> memref<632x128xf32, #tpu.memory_space<vmem_shared>>
      %dma_start3A_13 = arith.constant 0 : i32
      %dma_start3A_14 = tpu.memref_slice %arg5[%mul3A_2, %dma_start3A_13] : memref<10112x128xf32, #tpu.memory_space<hbm>> -> memref<632x128xf32, #tpu.memory_space<hbm>>
      tpu.enqueue_dma source(%dma_start3A_14 : memref<632x128xf32, #tpu.memory_space<hbm>>) target(%dma_start3A_12 : memref<632x128xf32, #tpu.memory_space<vmem_shared>>) target_semaphore(%run_scoped3A : memref<!tpu.dma_semaphore, #tpu.memory_space<semaphore_mem>>)
      %dma_wait3A = arith.constant 0 : i32
      %dma_wait3A_15 = tpu.memref_slice %arg11[%mul3A_2, %dma_wait3A] : memref<10112x128xf32, #tpu.memory_space<vmem_shared>> -> memref<632x128xf32, #tpu.memory_space<vmem_shared>>
      %dma_wait3A_16 = arith.constant 0 : i32
      %dma_wait3A_17 = tpu.memref_slice %arg5[%mul3A_2, %dma_wait3A_16] : memref<10112x128xf32, #tpu.memory_space<hbm>> -> memref<632x128xf32, #tpu.memory_space<hbm>>
      tpu.wait_dma2 semaphore(%run_scoped3A : memref<!tpu.dma_semaphore, #tpu.memory_space<semaphore_mem>>) src(%dma_wait3A_17 : memref<632x128xf32, #tpu.memory_space<hbm>>) dst(%dma_wait3A_15 : memref<632x128xf32, #tpu.memory_space<vmem_shared>>)
      tpu.yield
    }) : () -> ()
    %barrier3A = arith.constant 0 : index
    tpu.barrier barrier_id(%barrier3A)
    %eq3A = arith.constant 0 : i32
    %eq3A_3 = arith.cmpi eq, %arg0, %eq3A : i32
    %convert_element_type3A = arith.extui %eq3A_3 : i1 to i32
    %cond3A = arith.constant 0 : i32
    %cond3A_4 = arith.cmpi ne, %convert_element_type3A, %cond3A : i32
    scf.if %cond3A_4 {
      %mul3A_12 = arith.constant 3 : i32
      %mul3A_13 = arith.muli %arg1, %mul3A_12 : i32
      %add3A_14 = arith.constant 0 : i32
      %add3A_15 = arith.addi %mul3A_13, %add3A_14 : i32
      "tpu.region"() ({
        %run_scoped3A = tpu.sem_alloc : memref<!tpu.dma_semaphore, #tpu.memory_space<semaphore_mem>>
        %dma_start3A_63 = arith.constant 0 : i32
        %dma_start3A_64 = arith.constant 0 : i32
        %dma_start3A_65 = tpu.memref_slice %arg3[%add3A_15, %dma_start3A_63, %dma_start3A_64] : memref<64x40x128xi32, #tpu.memory_space<hbm>> -> memref<1x40x128xi32, #tpu.memory_space<hbm>>
        %dma_start3A_66 = tpu.memref_squeeze %dma_start3A_65 : memref<1x40x128xi32, #tpu.memory_space<hbm>> -> memref<40x128xi32, #tpu.memory_space<hbm>>
        %dma_start3A_67 = arith.constant 0 : i32
        %dma_start3A_68 = arith.constant 0 : i32
        %dma_start3A_69 = tpu.memref_slice %arg3[%add3A_15, %dma_start3A_67, %dma_start3A_68] : memref<64x40x128xi32, #tpu.memory_space<hbm>> -> memref<1x40x128xi32, #tpu.memory_space<hbm>>
        %dma_start3A_70 = tpu.memref_squeeze %dma_start3A_69 : memref<1x40x128xi32, #tpu.memory_space<hbm>> -> memref<40x128xi32, #tpu.memory_space<hbm>>
        tpu.enqueue_dma source(%dma_start3A_70 : memref<40x128xi32, #tpu.memory_space<hbm>>) target(%arg7 : memref<40x128xi32, #tpu.memory_space<vmem>>) target_semaphore(%run_scoped3A : memref<!tpu.dma_semaphore, #tpu.memory_space<semaphore_mem>>)
        %dma_wait3A = arith.constant 0 : i32
        %dma_wait3A_71 = arith.constant 0 : i32
        %dma_wait3A_72 = tpu.memref_slice %arg3[%add3A_15, %dma_wait3A, %dma_wait3A_71] : memref<64x40x128xi32, #tpu.memory_space<hbm>> -> memref<1x40x128xi32, #tpu.memory_space<hbm>>
        %dma_wait3A_73 = tpu.memref_squeeze %dma_wait3A_72 : memref<1x40x128xi32, #tpu.memory_space<hbm>> -> memref<40x128xi32, #tpu.memory_space<hbm>>
        %dma_wait3A_74 = arith.constant 0 : i32
        %dma_wait3A_75 = arith.constant 0 : i32
        %dma_wait3A_76 = tpu.memref_slice %arg3[%add3A_15, %dma_wait3A_74, %dma_wait3A_75] : memref<64x40x128xi32, #tpu.memory_space<hbm>> -> memref<1x40x128xi32, #tpu.memory_space<hbm>>
        %dma_wait3A_77 = tpu.memref_squeeze %dma_wait3A_76 : memref<1x40x128xi32, #tpu.memory_space<hbm>> -> memref<40x128xi32, #tpu.memory_space<hbm>>
        tpu.wait_dma2 semaphore(%run_scoped3A : memref<!tpu.dma_semaphore, #tpu.memory_space<semaphore_mem>>) src(%dma_wait3A_77 : memref<40x128xi32, #tpu.memory_space<hbm>>) dst(%arg7 : memref<40x128xi32, #tpu.memory_space<vmem>>)
        tpu.yield
      }) : () -> ()
      %add3A_16 = arith.constant 0 : i32
      %add3A_17 = arith.addi %mul3A_13, %add3A_16 : i32
      "tpu.region"() ({
        %run_scoped3A = tpu.sem_alloc : memref<!tpu.dma_semaphore, #tpu.memory_space<semaphore_mem>>
        %dma_start3A_63 = arith.constant 0 : i32
        %dma_start3A_64 = arith.constant 0 : i32
        %dma_start3A_65 = tpu.memref_slice %arg4[%add3A_17, %dma_start3A_63, %dma_start3A_64] : memref<64x40x128xi32, #tpu.memory_space<hbm>> -> memref<1x40x128xi32, #tpu.memory_space<hbm>>
        %dma_start3A_66 = tpu.memref_squeeze %dma_start3A_65 : memref<1x40x128xi32, #tpu.memory_space<hbm>> -> memref<40x128xi32, #tpu.memory_space<hbm>>
        %dma_start3A_67 = arith.constant 0 : i32
        %dma_start3A_68 = arith.constant 0 : i32
        %dma_start3A_69 = tpu.memref_slice %arg4[%add3A_17, %dma_start3A_67, %dma_start3A_68] : memref<64x40x128xi32, #tpu.memory_space<hbm>> -> memref<1x40x128xi32, #tpu.memory_space<hbm>>
        %dma_start3A_70 = tpu.memref_squeeze %dma_start3A_69 : memref<1x40x128xi32, #tpu.memory_space<hbm>> -> memref<40x128xi32, #tpu.memory_space<hbm>>
        tpu.enqueue_dma source(%dma_start3A_70 : memref<40x128xi32, #tpu.memory_space<hbm>>) target(%arg8 : memref<40x128xi32, #tpu.memory_space<vmem>>) target_semaphore(%run_scoped3A : memref<!tpu.dma_semaphore, #tpu.memory_space<semaphore_mem>>)
        %dma_wait3A = arith.constant 0 : i32
        %dma_wait3A_71 = arith.constant 0 : i32
        %dma_wait3A_72 = tpu.memref_slice %arg4[%add3A_17, %dma_wait3A, %dma_wait3A_71] : memref<64x40x128xi32, #tpu.memory_space<hbm>> -> memref<1x40x128xi32, #tpu.memory_space<hbm>>
        %dma_wait3A_73 = tpu.memref_squeeze %dma_wait3A_72 : memref<1x40x128xi32, #tpu.memory_space<hbm>> -> memref<40x128xi32, #tpu.memory_space<hbm>>
        %dma_wait3A_74 = arith.constant 0 : i32
        %dma_wait3A_75 = arith.constant 0 : i32
        %dma_wait3A_76 = tpu.memref_slice %arg4[%add3A_17, %dma_wait3A_74, %dma_wait3A_75] : memref<64x40x128xi32, #tpu.memory_space<hbm>> -> memref<1x40x128xi32, #tpu.memory_space<hbm>>
        %dma_wait3A_77 = tpu.memref_squeeze %dma_wait3A_76 : memref<1x40x128xi32, #tpu.memory_space<hbm>> -> memref<40x128xi32, #tpu.memory_space<hbm>>
        tpu.wait_dma2 semaphore(%run_scoped3A : memref<!tpu.dma_semaphore, #tpu.memory_space<semaphore_mem>>) src(%dma_wait3A_77 : memref<40x128xi32, #tpu.memory_space<hbm>>) dst(%arg8 : memref<40x128xi32, #tpu.memory_space<vmem>>)
        tpu.yield
      }) : () -> ()
      %dma_start3A = arith.constant 0 : i32
      %dma_start3A_18 = arith.constant 0 : i32
      %dma_start3A_19 = tpu.memref_slice %arg7[%dma_start3A, %dma_start3A_18] : memref<40x128xi32, #tpu.memory_space<vmem>> -> memref<1x128xi32, #tpu.memory_space<vmem>>
      %dma_start3A_20 = tpu.memref_squeeze %dma_start3A_19 : memref<1x128xi32, #tpu.memory_space<vmem>> -> memref<128xi32, #tpu.memory_space<vmem>>
      %dma_start3A_21 = arith.constant 0 : i32
      %dma_start3A_22 = arith.constant 0 : i32
      %dma_start3A_23 = tpu.memref_slice %arg2[%dma_start3A_21, %dma_start3A_22] : memref<10000x128xf32, #tpu.memory_space<hbm>> -> memref<10000x128xf32, #tpu.memory_space<hbm>>
      tpu.enqueue_indirect_dma source(%dma_start3A_23 : memref<10000x128xf32, #tpu.memory_space<hbm>>) target(%arg9 : memref<128x128xf32, #tpu.memory_space<vmem>>) offsets(%dma_start3A_20 : memref<128xi32, #tpu.memory_space<vmem>>) semaphore(%arg12 : memref<!tpu.dma_semaphore, #tpu.memory_space<semaphore_mem>>)
      %scan3A = arith.constant 0 : i32
      %scan3A_24 = arith.constant 0 : i32
      %scan3A_25 = arith.constant 20 : i32
      %scan3A_26 = arith.addi %scan3A_24, %scan3A_25 : i32
      %scan3A_27 = arith.constant 1 : i32
      scf.for %scan3A_63 = %scan3A_24 to %scan3A_26 step %scan3A_27  : i32 {
        %mul3A_64 = arith.constant 2 : i32
        %mul3A_65 = arith.muli %mul3A_64, %scan3A_63 : i32
        %dma_wait3A = arith.constant 0 : i32
        %dma_wait3A_66 = tpu.memref_slice %arg7[%mul3A_65, %dma_wait3A] : memref<40x128xi32, #tpu.memory_space<vmem>> -> memref<1x128xi32, #tpu.memory_space<vmem>>
        %dma_wait3A_67 = tpu.memref_squeeze %dma_wait3A_66 : memref<1x128xi32, #tpu.memory_space<vmem>> -> memref<128xi32, #tpu.memory_space<vmem>>
        %dma_wait3A_68 = arith.constant 0 : i32
        %dma_wait3A_69 = arith.constant 0 : i32
        %dma_wait3A_70 = tpu.memref_slice %arg2[%dma_wait3A_68, %dma_wait3A_69] : memref<10000x128xf32, #tpu.memory_space<hbm>> -> memref<10000x128xf32, #tpu.memory_space<hbm>>
        tpu.wait_indirect_dma semaphore(%arg12 : memref<!tpu.dma_semaphore, #tpu.memory_space<semaphore_mem>>) src(%dma_wait3A_70 : memref<10000x128xf32, #tpu.memory_space<hbm>>) dst(%arg9 : memref<128x128xf32, #tpu.memory_space<vmem>>)
        %add3A_71 = arith.constant 1 : i32
        %add3A_72 = arith.addi %mul3A_65, %add3A_71 : i32
        %dma_start3A_73 = arith.constant 0 : i32
        %dma_start3A_74 = tpu.memref_slice %arg7[%add3A_72, %dma_start3A_73] : memref<40x128xi32, #tpu.memory_space<vmem>> -> memref<1x128xi32, #tpu.memory_space<vmem>>
        %dma_start3A_75 = tpu.memref_squeeze %dma_start3A_74 : memref<1x128xi32, #tpu.memory_space<vmem>> -> memref<128xi32, #tpu.memory_space<vmem>>
        %dma_start3A_76 = arith.constant 0 : i32
        %dma_start3A_77 = arith.constant 0 : i32
        %dma_start3A_78 = tpu.memref_slice %arg2[%dma_start3A_76, %dma_start3A_77] : memref<10000x128xf32, #tpu.memory_space<hbm>> -> memref<10000x128xf32, #tpu.memory_space<hbm>>
        tpu.enqueue_indirect_dma source(%dma_start3A_78 : memref<10000x128xf32, #tpu.memory_space<hbm>>) target(%arg10 : memref<128x128xf32, #tpu.memory_space<vmem>>) offsets(%dma_start3A_75 : memref<128xi32, #tpu.memory_space<vmem>>) semaphore(%arg13 : memref<!tpu.dma_semaphore, #tpu.memory_space<semaphore_mem>>)
        "tpu.region"() ({
          %run_scoped3A = tpu.sem_alloc : memref<!tpu.dma_semaphore, #tpu.memory_space<semaphore_mem>>
          %dma_start3A_95 = arith.constant 0 : i32
          %dma_start3A_96 = tpu.memref_slice %arg8[%mul3A_65, %dma_start3A_95] : memref<40x128xi32, #tpu.memory_space<vmem>> -> memref<1x128xi32, #tpu.memory_space<vmem>>
          %dma_start3A_97 = tpu.memref_squeeze %dma_start3A_96 : memref<1x128xi32, #tpu.memory_space<vmem>> -> memref<128xi32, #tpu.memory_space<vmem>>
          %dma_start3A_98 = arith.constant 0 : i32
          %dma_start3A_99 = arith.constant 0 : i32
          %dma_start3A_100 = tpu.memref_slice %arg11[%dma_start3A_98, %dma_start3A_99] : memref<10112x128xf32, #tpu.memory_space<vmem_shared>> -> memref<10112x128xf32, #tpu.memory_space<vmem_shared>>
          tpu.enqueue_indirect_dma source(%arg9 : memref<128x128xf32, #tpu.memory_space<vmem>>) target(%dma_start3A_100 : memref<10112x128xf32, #tpu.memory_space<vmem_shared>>) offsets(%dma_start3A_97 : memref<128xi32, #tpu.memory_space<vmem>>) semaphore(%run_scoped3A : memref<!tpu.dma_semaphore, #tpu.memory_space<semaphore_mem>>) {add = true}
          %dma_wait3A_101 = arith.constant 0 : i32
          %dma_wait3A_102 = tpu.memref_slice %arg8[%mul3A_65, %dma_wait3A_101] : memref<40x128xi32, #tpu.memory_space<vmem>> -> memref<1x128xi32, #tpu.memory_space<vmem>>
          %dma_wait3A_103 = tpu.memref_squeeze %dma_wait3A_102 : memref<1x128xi32, #tpu.memory_space<vmem>> -> memref<128xi32, #tpu.memory_space<vmem>>
          %dma_wait3A_104 = arith.constant 0 : i32
          %dma_wait3A_105 = arith.constant 0 : i32
          %dma_wait3A_106 = tpu.memref_slice %arg11[%dma_wait3A_104, %dma_wait3A_105] : memref<10112x128xf32, #tpu.memory_space<vmem_shared>> -> memref<10112x128xf32, #tpu.memory_space<vmem_shared>>
          tpu.wait_indirect_dma semaphore(%run_scoped3A : memref<!tpu.dma_semaphore, #tpu.memory_space<semaphore_mem>>) src(%arg9 : memref<128x128xf32, #tpu.memory_space<vmem>>) dst(%dma_wait3A_106 : memref<10112x128xf32, #tpu.memory_space<vmem_shared>>)
          tpu.yield
        }) : () -> ()
        %add3A_79 = arith.constant 1 : i32
        %add3A_80 = arith.addi %mul3A_65, %add3A_79 : i32
        %dma_wait3A_81 = arith.constant 0 : i32
        %dma_wait3A_82 = tpu.memref_slice %arg7[%add3A_80, %dma_wait3A_81] : memref<40x128xi32, #tpu.memory_space<vmem>> -> memref<1x128xi32, #tpu.memory_space<vmem>>
        %dma_wait3A_83 = tpu.memref_squeeze %dma_wait3A_82 : memref<1x128xi32, #tpu.memory_space<vmem>> -> memref<128xi32, #tpu.memory_space<vmem>>
        %dma_wait3A_84 = arith.constant 0 : i32
        %dma_wait3A_85 = arith.constant 0 : i32
        %dma_wait3A_86 = tpu.memref_slice %arg2[%dma_wait3A_84, %dma_wait3A_85] : memref<10000x128xf32, #tpu.memory_space<hbm>> -> memref<10000x128xf32, #tpu.memory_space<hbm>>
        tpu.wait_indirect_dma semaphore(%arg13 : memref<!tpu.dma_semaphore, #tpu.memory_space<semaphore_mem>>) src(%dma_wait3A_86 : memref<10000x128xf32, #tpu.memory_space<hbm>>) dst(%arg10 : memref<128x128xf32, #tpu.memory_space<vmem>>)
        %add3A_87 = arith.constant 2 : i32
        %add3A_88 = arith.addi %mul3A_65, %add3A_87 : i32
        %lt3A = arith.constant 40 : i32
        %lt3A_89 = arith.cmpi slt, %add3A_88, %lt3A : i32
        %convert_element_type3A_90 = arith.extui %lt3A_89 : i1 to i32
        %cond3A_91 = arith.constant 0 : i32
        %cond3A_92 = arith.cmpi ne, %convert_element_type3A_90, %cond3A_91 : i32
        scf.if %cond3A_92 {
          %add3A_95 = arith.constant 2 : i32
          %add3A_96 = arith.addi %mul3A_65, %add3A_95 : i32
          %dma_start3A_97 = arith.constant 0 : i32
          %dma_start3A_98 = tpu.memref_slice %arg7[%add3A_96, %dma_start3A_97] : memref<40x128xi32, #tpu.memory_space<vmem>> -> memref<1x128xi32, #tpu.memory_space<vmem>>
          %dma_start3A_99 = tpu.memref_squeeze %dma_start3A_98 : memref<1x128xi32, #tpu.memory_space<vmem>> -> memref<128xi32, #tpu.memory_space<vmem>>
          %dma_start3A_100 = arith.constant 0 : i32
          %dma_start3A_101 = arith.constant 0 : i32
          %dma_start3A_102 = tpu.memref_slice %arg2[%dma_start3A_100, %dma_start3A_101] : memref<10000x128xf32, #tpu.memory_space<hbm>> -> memref<10000x128xf32, #tpu.memory_space<hbm>>
          tpu.enqueue_indirect_dma source(%dma_start3A_102 : memref<10000x128xf32, #tpu.memory_space<hbm>>) target(%arg9 : memref<128x128xf32, #tpu.memory_space<vmem>>) offsets(%dma_start3A_99 : memref<128xi32, #tpu.memory_space<vmem>>) semaphore(%arg12 : memref<!tpu.dma_semaphore, #tpu.memory_space<semaphore_mem>>)
        } else {
        }
        %add3A_93 = arith.constant 1 : i32
        %add3A_94 = arith.addi %mul3A_65, %add3A_93 : i32
        "tpu.region"() ({
          %run_scoped3A = tpu.sem_alloc : memref<!tpu.dma_semaphore, #tpu.memory_space<semaphore_mem>>
          %dma_start3A_95 = arith.constant 0 : i32
          %dma_start3A_96 = tpu.memref_slice %arg8[%add3A_94, %dma_start3A_95] : memref<40x128xi32, #tpu.memory_space<vmem>> -> memref<1x128xi32, #tpu.memory_space<vmem>>
          %dma_start3A_97 = tpu.memref_squeeze %dma_start3A_96 : memref<1x128xi32, #tpu.memory_space<vmem>> -> memref<128xi32, #tpu.memory_space<vmem>>
          %dma_start3A_98 = arith.constant 0 : i32
          %dma_start3A_99 = arith.constant 0 : i32
          %dma_start3A_100 = tpu.memref_slice %arg11[%dma_start3A_98, %dma_start3A_99] : memref<10112x128xf32, #tpu.memory_space<vmem_shared>> -> memref<10112x128xf32, #tpu.memory_space<vmem_shared>>
          tpu.enqueue_indirect_dma source(%arg10 : memref<128x128xf32, #tpu.memory_space<vmem>>) target(%dma_start3A_100 : memref<10112x128xf32, #tpu.memory_space<vmem_shared>>) offsets(%dma_start3A_97 : memref<128xi32, #tpu.memory_space<vmem>>) semaphore(%run_scoped3A : memref<!tpu.dma_semaphore, #tpu.memory_space<semaphore_mem>>) {add = true}
          %dma_wait3A_101 = arith.constant 0 : i32
          %dma_wait3A_102 = tpu.memref_slice %arg8[%add3A_94, %dma_wait3A_101] : memref<40x128xi32, #tpu.memory_space<vmem>> -> memref<1x128xi32, #tpu.memory_space<vmem>>
          %dma_wait3A_103 = tpu.memref_squeeze %dma_wait3A_102 : memref<1x128xi32, #tpu.memory_space<vmem>> -> memref<128xi32, #tpu.memory_space<vmem>>
          %dma_wait3A_104 = arith.constant 0 : i32
          %dma_wait3A_105 = arith.constant 0 : i32
          %dma_wait3A_106 = tpu.memref_slice %arg11[%dma_wait3A_104, %dma_wait3A_105] : memref<10112x128xf32, #tpu.memory_space<vmem_shared>> -> memref<10112x128xf32, #tpu.memory_space<vmem_shared>>
          tpu.wait_indirect_dma semaphore(%run_scoped3A : memref<!tpu.dma_semaphore, #tpu.memory_space<semaphore_mem>>) src(%arg10 : memref<128x128xf32, #tpu.memory_space<vmem>>) dst(%dma_wait3A_106 : memref<10112x128xf32, #tpu.memory_space<vmem_shared>>)
          tpu.yield
        }) : () -> ()
      }
      %scan3A_28 = arith.constant 20 : i32
      %add3A_29 = arith.constant 1 : i32
      %add3A_30 = arith.addi %mul3A_13, %add3A_29 : i32
      "tpu.region"() ({
        %run_scoped3A = tpu.sem_alloc : memref<!tpu.dma_semaphore, #tpu.memory_space<semaphore_mem>>
        %dma_start3A_63 = arith.constant 0 : i32
        %dma_start3A_64 = arith.constant 0 : i32
        %dma_start3A_65 = tpu.memref_slice %arg3[%add3A_30, %dma_start3A_63, %dma_start3A_64] : memref<64x40x128xi32, #tpu.memory_space<hbm>> -> memref<1x40x128xi32, #tpu.memory_space<hbm>>
        %dma_start3A_66 = tpu.memref_squeeze %dma_start3A_65 : memref<1x40x128xi32, #tpu.memory_space<hbm>> -> memref<40x128xi32, #tpu.memory_space<hbm>>
        %dma_start3A_67 = arith.constant 0 : i32
        %dma_start3A_68 = arith.constant 0 : i32
        %dma_start3A_69 = tpu.memref_slice %arg3[%add3A_30, %dma_start3A_67, %dma_start3A_68] : memref<64x40x128xi32, #tpu.memory_space<hbm>> -> memref<1x40x128xi32, #tpu.memory_space<hbm>>
        %dma_start3A_70 = tpu.memref_squeeze %dma_start3A_69 : memref<1x40x128xi32, #tpu.memory_space<hbm>> -> memref<40x128xi32, #tpu.memory_space<hbm>>
        tpu.enqueue_dma source(%dma_start3A_70 : memref<40x128xi32, #tpu.memory_space<hbm>>) target(%arg7 : memref<40x128xi32, #tpu.memory_space<vmem>>) target_semaphore(%run_scoped3A : memref<!tpu.dma_semaphore, #tpu.memory_space<semaphore_mem>>)
        %dma_wait3A = arith.constant 0 : i32
        %dma_wait3A_71 = arith.constant 0 : i32
        %dma_wait3A_72 = tpu.memref_slice %arg3[%add3A_30, %dma_wait3A, %dma_wait3A_71] : memref<64x40x128xi32, #tpu.memory_space<hbm>> -> memref<1x40x128xi32, #tpu.memory_space<hbm>>
        %dma_wait3A_73 = tpu.memref_squeeze %dma_wait3A_72 : memref<1x40x128xi32, #tpu.memory_space<hbm>> -> memref<40x128xi32, #tpu.memory_space<hbm>>
        %dma_wait3A_74 = arith.constant 0 : i32
        %dma_wait3A_75 = arith.constant 0 : i32
        %dma_wait3A_76 = tpu.memref_slice %arg3[%add3A_30, %dma_wait3A_74, %dma_wait3A_75] : memref<64x40x128xi32, #tpu.memory_space<hbm>> -> memref<1x40x128xi32, #tpu.memory_space<hbm>>
        %dma_wait3A_77 = tpu.memref_squeeze %dma_wait3A_76 : memref<1x40x128xi32, #tpu.memory_space<hbm>> -> memref<40x128xi32, #tpu.memory_space<hbm>>
        tpu.wait_dma2 semaphore(%run_scoped3A : memref<!tpu.dma_semaphore, #tpu.memory_space<semaphore_mem>>) src(%dma_wait3A_77 : memref<40x128xi32, #tpu.memory_space<hbm>>) dst(%arg7 : memref<40x128xi32, #tpu.memory_space<vmem>>)
        tpu.yield
      }) : () -> ()
      %add3A_31 = arith.constant 1 : i32
      %add3A_32 = arith.addi %mul3A_13, %add3A_31 : i32
      "tpu.region"() ({
        %run_scoped3A = tpu.sem_alloc : memref<!tpu.dma_semaphore, #tpu.memory_space<semaphore_mem>>
        %dma_start3A_63 = arith.constant 0 : i32
        %dma_start3A_64 = arith.constant 0 : i32
        %dma_start3A_65 = tpu.memref_slice %arg4[%add3A_32, %dma_start3A_63, %dma_start3A_64] : memref<64x40x128xi32, #tpu.memory_space<hbm>> -> memref<1x40x128xi32, #tpu.memory_space<hbm>>
        %dma_start3A_66 = tpu.memref_squeeze %dma_start3A_65 : memref<1x40x128xi32, #tpu.memory_space<hbm>> -> memref<40x128xi32, #tpu.memory_space<hbm>>
        %dma_start3A_67 = arith.constant 0 : i32
        %dma_start3A_68 = arith.constant 0 : i32
        %dma_start3A_69 = tpu.memref_slice %arg4[%add3A_32, %dma_start3A_67, %dma_start3A_68] : memref<64x40x128xi32, #tpu.memory_space<hbm>> -> memref<1x40x128xi32, #tpu.memory_space<hbm>>
        %dma_start3A_70 = tpu.memref_squeeze %dma_start3A_69 : memref<1x40x128xi32, #tpu.memory_space<hbm>> -> memref<40x128xi32, #tpu.memory_space<hbm>>
        tpu.enqueue_dma source(%dma_start3A_70 : memref<40x128xi32, #tpu.memory_space<hbm>>) target(%arg8 : memref<40x128xi32, #tpu.memory_space<vmem>>) target_semaphore(%run_scoped3A : memref<!tpu.dma_semaphore, #tpu.memory_space<semaphore_mem>>)
        %dma_wait3A = arith.constant 0 : i32
        %dma_wait3A_71 = arith.constant 0 : i32
        %dma_wait3A_72 = tpu.memref_slice %arg4[%add3A_32, %dma_wait3A, %dma_wait3A_71] : memref<64x40x128xi32, #tpu.memory_space<hbm>> -> memref<1x40x128xi32, #tpu.memory_space<hbm>>
        %dma_wait3A_73 = tpu.memref_squeeze %dma_wait3A_72 : memref<1x40x128xi32, #tpu.memory_space<hbm>> -> memref<40x128xi32, #tpu.memory_space<hbm>>
        %dma_wait3A_74 = arith.constant 0 : i32
        %dma_wait3A_75 = arith.constant 0 : i32
        %dma_wait3A_76 = tpu.memref_slice %arg4[%add3A_32, %dma_wait3A_74, %dma_wait3A_75] : memref<64x40x128xi32, #tpu.memory_space<hbm>> -> memref<1x40x128xi32, #tpu.memory_space<hbm>>
        %dma_wait3A_77 = tpu.memref_squeeze %dma_wait3A_76 : memref<1x40x128xi32, #tpu.memory_space<hbm>> -> memref<40x128xi32, #tpu.memory_space<hbm>>
        tpu.wait_dma2 semaphore(%run_scoped3A : memref<!tpu.dma_semaphore, #tpu.memory_space<semaphore_mem>>) src(%dma_wait3A_77 : memref<40x128xi32, #tpu.memory_space<hbm>>) dst(%arg8 : memref<40x128xi32, #tpu.memory_space<vmem>>)
        tpu.yield
      }) : () -> ()
      %dma_start3A_33 = arith.constant 0 : i32
      %dma_start3A_34 = arith.constant 0 : i32
      %dma_start3A_35 = tpu.memref_slice %arg7[%dma_start3A_33, %dma_start3A_34] : memref<40x128xi32, #tpu.memory_space<vmem>> -> memref<1x128xi32, #tpu.memory_space<vmem>>
      %dma_start3A_36 = tpu.memref_squeeze %dma_start3A_35 : memref<1x128xi32, #tpu.memory_space<vmem>> -> memref<128xi32, #tpu.memory_space<vmem>>
      %dma_start3A_37 = arith.constant 0 : i32
      %dma_start3A_38 = arith.constant 0 : i32
      %dma_start3A_39 = tpu.memref_slice %arg2[%dma_start3A_37, %dma_start3A_38] : memref<10000x128xf32, #tpu.memory_space<hbm>> -> memref<10000x128xf32, #tpu.memory_space<hbm>>
      tpu.enqueue_indirect_dma source(%dma_start3A_39 : memref<10000x128xf32, #tpu.memory_space<hbm>>) target(%arg9 : memref<128x128xf32, #tpu.memory_space<vmem>>) offsets(%dma_start3A_36 : memref<128xi32, #tpu.memory_space<vmem>>) semaphore(%arg12 : memref<!tpu.dma_semaphore, #tpu.memory_space<semaphore_mem>>)
      %scan3A_40 = arith.constant 0 : i32
      %scan3A_41 = arith.constant 0 : i32
      %scan3A_42 = arith.constant 20 : i32
      %scan3A_43 = arith.addi %scan3A_41, %scan3A_42 : i32
      %scan3A_44 = arith.constant 1 : i32
      scf.for %scan3A_63 = %scan3A_41 to %scan3A_43 step %scan3A_44  : i32 {
        %mul3A_64 = arith.constant 2 : i32
        %mul3A_65 = arith.muli %mul3A_64, %scan3A_63 : i32
        %dma_wait3A = arith.constant 0 : i32
        %dma_wait3A_66 = tpu.memref_slice %arg7[%mul3A_65, %dma_wait3A] : memref<40x128xi32, #tpu.memory_space<vmem>> -> memref<1x128xi32, #tpu.memory_space<vmem>>
        %dma_wait3A_67 = tpu.memref_squeeze %dma_wait3A_66 : memref<1x128xi32, #tpu.memory_space<vmem>> -> memref<128xi32, #tpu.memory_space<vmem>>
        %dma_wait3A_68 = arith.constant 0 : i32
        %dma_wait3A_69 = arith.constant 0 : i32
        %dma_wait3A_70 = tpu.memref_slice %arg2[%dma_wait3A_68, %dma_wait3A_69] : memref<10000x128xf32, #tpu.memory_space<hbm>> -> memref<10000x128xf32, #tpu.memory_space<hbm>>
        tpu.wait_indirect_dma semaphore(%arg12 : memref<!tpu.dma_semaphore, #tpu.memory_space<semaphore_mem>>) src(%dma_wait3A_70 : memref<10000x128xf32, #tpu.memory_space<hbm>>) dst(%arg9 : memref<128x128xf32, #tpu.memory_space<vmem>>)
        %add3A_71 = arith.constant 1 : i32
        %add3A_72 = arith.addi %mul3A_65, %add3A_71 : i32
        %dma_start3A_73 = arith.constant 0 : i32
        %dma_start3A_74 = tpu.memref_slice %arg7[%add3A_72, %dma_start3A_73] : memref<40x128xi32, #tpu.memory_space<vmem>> -> memref<1x128xi32, #tpu.memory_space<vmem>>
        %dma_start3A_75 = tpu.memref_squeeze %dma_start3A_74 : memref<1x128xi32, #tpu.memory_space<vmem>> -> memref<128xi32, #tpu.memory_space<vmem>>
        %dma_start3A_76 = arith.constant 0 : i32
        %dma_start3A_77 = arith.constant 0 : i32
        %dma_start3A_78 = tpu.memref_slice %arg2[%dma_start3A_76, %dma_start3A_77] : memref<10000x128xf32, #tpu.memory_space<hbm>> -> memref<10000x128xf32, #tpu.memory_space<hbm>>
        tpu.enqueue_indirect_dma source(%dma_start3A_78 : memref<10000x128xf32, #tpu.memory_space<hbm>>) target(%arg10 : memref<128x128xf32, #tpu.memory_space<vmem>>) offsets(%dma_start3A_75 : memref<128xi32, #tpu.memory_space<vmem>>) semaphore(%arg13 : memref<!tpu.dma_semaphore, #tpu.memory_space<semaphore_mem>>)
        "tpu.region"() ({
          %run_scoped3A = tpu.sem_alloc : memref<!tpu.dma_semaphore, #tpu.memory_space<semaphore_mem>>
          %dma_start3A_95 = arith.constant 0 : i32
          %dma_start3A_96 = tpu.memref_slice %arg8[%mul3A_65, %dma_start3A_95] : memref<40x128xi32, #tpu.memory_space<vmem>> -> memref<1x128xi32, #tpu.memory_space<vmem>>
          %dma_start3A_97 = tpu.memref_squeeze %dma_start3A_96 : memref<1x128xi32, #tpu.memory_space<vmem>> -> memref<128xi32, #tpu.memory_space<vmem>>
          %dma_start3A_98 = arith.constant 0 : i32
          %dma_start3A_99 = arith.constant 0 : i32
          %dma_start3A_100 = tpu.memref_slice %arg11[%dma_start3A_98, %dma_start3A_99] : memref<10112x128xf32, #tpu.memory_space<vmem_shared>> -> memref<10112x128xf32, #tpu.memory_space<vmem_shared>>
          tpu.enqueue_indirect_dma source(%arg9 : memref<128x128xf32, #tpu.memory_space<vmem>>) target(%dma_start3A_100 : memref<10112x128xf32, #tpu.memory_space<vmem_shared>>) offsets(%dma_start3A_97 : memref<128xi32, #tpu.memory_space<vmem>>) semaphore(%run_scoped3A : memref<!tpu.dma_semaphore, #tpu.memory_space<semaphore_mem>>) {add = true}
          %dma_wait3A_101 = arith.constant 0 : i32
          %dma_wait3A_102 = tpu.memref_slice %arg8[%mul3A_65, %dma_wait3A_101] : memref<40x128xi32, #tpu.memory_space<vmem>> -> memref<1x128xi32, #tpu.memory_space<vmem>>
          %dma_wait3A_103 = tpu.memref_squeeze %dma_wait3A_102 : memref<1x128xi32, #tpu.memory_space<vmem>> -> memref<128xi32, #tpu.memory_space<vmem>>
          %dma_wait3A_104 = arith.constant 0 : i32
          %dma_wait3A_105 = arith.constant 0 : i32
          %dma_wait3A_106 = tpu.memref_slice %arg11[%dma_wait3A_104, %dma_wait3A_105] : memref<10112x128xf32, #tpu.memory_space<vmem_shared>> -> memref<10112x128xf32, #tpu.memory_space<vmem_shared>>
          tpu.wait_indirect_dma semaphore(%run_scoped3A : memref<!tpu.dma_semaphore, #tpu.memory_space<semaphore_mem>>) src(%arg9 : memref<128x128xf32, #tpu.memory_space<vmem>>) dst(%dma_wait3A_106 : memref<10112x128xf32, #tpu.memory_space<vmem_shared>>)
          tpu.yield
        }) : () -> ()
        %add3A_79 = arith.constant 1 : i32
        %add3A_80 = arith.addi %mul3A_65, %add3A_79 : i32
        %dma_wait3A_81 = arith.constant 0 : i32
        %dma_wait3A_82 = tpu.memref_slice %arg7[%add3A_80, %dma_wait3A_81] : memref<40x128xi32, #tpu.memory_space<vmem>> -> memref<1x128xi32, #tpu.memory_space<vmem>>
        %dma_wait3A_83 = tpu.memref_squeeze %dma_wait3A_82 : memref<1x128xi32, #tpu.memory_space<vmem>> -> memref<128xi32, #tpu.memory_space<vmem>>
        %dma_wait3A_84 = arith.constant 0 : i32
        %dma_wait3A_85 = arith.constant 0 : i32
        %dma_wait3A_86 = tpu.memref_slice %arg2[%dma_wait3A_84, %dma_wait3A_85] : memref<10000x128xf32, #tpu.memory_space<hbm>> -> memref<10000x128xf32, #tpu.memory_space<hbm>>
        tpu.wait_indirect_dma semaphore(%arg13 : memref<!tpu.dma_semaphore, #tpu.memory_space<semaphore_mem>>) src(%dma_wait3A_86 : memref<10000x128xf32, #tpu.memory_space<hbm>>) dst(%arg10 : memref<128x128xf32, #tpu.memory_space<vmem>>)
        %add3A_87 = arith.constant 2 : i32
        %add3A_88 = arith.addi %mul3A_65, %add3A_87 : i32
        %lt3A = arith.constant 40 : i32
        %lt3A_89 = arith.cmpi slt, %add3A_88, %lt3A : i32
        %convert_element_type3A_90 = arith.extui %lt3A_89 : i1 to i32
        %cond3A_91 = arith.constant 0 : i32
        %cond3A_92 = arith.cmpi ne, %convert_element_type3A_90, %cond3A_91 : i32
        scf.if %cond3A_92 {
          %add3A_95 = arith.constant 2 : i32
          %add3A_96 = arith.addi %mul3A_65, %add3A_95 : i32
          %dma_start3A_97 = arith.constant 0 : i32
          %dma_start3A_98 = tpu.memref_slice %arg7[%add3A_96, %dma_start3A_97] : memref<40x128xi32, #tpu.memory_space<vmem>> -> memref<1x128xi32, #tpu.memory_space<vmem>>
          %dma_start3A_99 = tpu.memref_squeeze %dma_start3A_98 : memref<1x128xi32, #tpu.memory_space<vmem>> -> memref<128xi32, #tpu.memory_space<vmem>>
          %dma_start3A_100 = arith.constant 0 : i32
          %dma_start3A_101 = arith.constant 0 : i32
          %dma_start3A_102 = tpu.memref_slice %arg2[%dma_start3A_100, %dma_start3A_101] : memref<10000x128xf32, #tpu.memory_space<hbm>> -> memref<10000x128xf32, #tpu.memory_space<hbm>>
          tpu.enqueue_indirect_dma source(%dma_start3A_102 : memref<10000x128xf32, #tpu.memory_space<hbm>>) target(%arg9 : memref<128x128xf32, #tpu.memory_space<vmem>>) offsets(%dma_start3A_99 : memref<128xi32, #tpu.memory_space<vmem>>) semaphore(%arg12 : memref<!tpu.dma_semaphore, #tpu.memory_space<semaphore_mem>>)
        } else {
        }
        %add3A_93 = arith.constant 1 : i32
        %add3A_94 = arith.addi %mul3A_65, %add3A_93 : i32
        "tpu.region"() ({
          %run_scoped3A = tpu.sem_alloc : memref<!tpu.dma_semaphore, #tpu.memory_space<semaphore_mem>>
          %dma_start3A_95 = arith.constant 0 : i32
          %dma_start3A_96 = tpu.memref_slice %arg8[%add3A_94, %dma_start3A_95] : memref<40x128xi32, #tpu.memory_space<vmem>> -> memref<1x128xi32, #tpu.memory_space<vmem>>
          %dma_start3A_97 = tpu.memref_squeeze %dma_start3A_96 : memref<1x128xi32, #tpu.memory_space<vmem>> -> memref<128xi32, #tpu.memory_space<vmem>>
          %dma_start3A_98 = arith.constant 0 : i32
          %dma_start3A_99 = arith.constant 0 : i32
          %dma_start3A_100 = tpu.memref_slice %arg11[%dma_start3A_98, %dma_start3A_99] : memref<10112x128xf32, #tpu.memory_space<vmem_shared>> -> memref<10112x128xf32, #tpu.memory_space<vmem_shared>>
          tpu.enqueue_indirect_dma source(%arg10 : memref<128x128xf32, #tpu.memory_space<vmem>>) target(%dma_start3A_100 : memref<10112x128xf32, #tpu.memory_space<vmem_shared>>) offsets(%dma_start3A_97 : memref<128xi32, #tpu.memory_space<vmem>>) semaphore(%run_scoped3A : memref<!tpu.dma_semaphore, #tpu.memory_space<semaphore_mem>>) {add = true}
          %dma_wait3A_101 = arith.constant 0 : i32
          %dma_wait3A_102 = tpu.memref_slice %arg8[%add3A_94, %dma_wait3A_101] : memref<40x128xi32, #tpu.memory_space<vmem>> -> memref<1x128xi32, #tpu.memory_space<vmem>>
          %dma_wait3A_103 = tpu.memref_squeeze %dma_wait3A_102 : memref<1x128xi32, #tpu.memory_space<vmem>> -> memref<128xi32, #tpu.memory_space<vmem>>
          %dma_wait3A_104 = arith.constant 0 : i32
          %dma_wait3A_105 = arith.constant 0 : i32
          %dma_wait3A_106 = tpu.memref_slice %arg11[%dma_wait3A_104, %dma_wait3A_105] : memref<10112x128xf32, #tpu.memory_space<vmem_shared>> -> memref<10112x128xf32, #tpu.memory_space<vmem_shared>>
          tpu.wait_indirect_dma semaphore(%run_scoped3A : memref<!tpu.dma_semaphore, #tpu.memory_space<semaphore_mem>>) src(%arg10 : memref<128x128xf32, #tpu.memory_space<vmem>>) dst(%dma_wait3A_106 : memref<10112x128xf32, #tpu.memory_space<vmem_shared>>)
          tpu.yield
        }) : () -> ()
      }
      %scan3A_45 = arith.constant 20 : i32
      %add3A_46 = arith.constant 2 : i32
      %add3A_47 = arith.addi %mul3A_13, %add3A_46 : i32
      "tpu.region"() ({
        %run_scoped3A = tpu.sem_alloc : memref<!tpu.dma_semaphore, #tpu.memory_space<semaphore_mem>>
        %dma_start3A_63 = arith.constant 0 : i32
        %dma_start3A_64 = arith.constant 0 : i32
        %dma_start3A_65 = tpu.memref_slice %arg3[%add3A_47, %dma_start3A_63, %dma_start3A_64] : memref<64x40x128xi32, #tpu.memory_space<hbm>> -> memref<1x40x128xi32, #tpu.memory_space<hbm>>
        %dma_start3A_66 = tpu.memref_squeeze %dma_start3A_65 : memref<1x40x128xi32, #tpu.memory_space<hbm>> -> memref<40x128xi32, #tpu.memory_space<hbm>>
        %dma_start3A_67 = arith.constant 0 : i32
        %dma_start3A_68 = arith.constant 0 : i32
        %dma_start3A_69 = tpu.memref_slice %arg3[%add3A_47, %dma_start3A_67, %dma_start3A_68] : memref<64x40x128xi32, #tpu.memory_space<hbm>> -> memref<1x40x128xi32, #tpu.memory_space<hbm>>
        %dma_start3A_70 = tpu.memref_squeeze %dma_start3A_69 : memref<1x40x128xi32, #tpu.memory_space<hbm>> -> memref<40x128xi32, #tpu.memory_space<hbm>>
        tpu.enqueue_dma source(%dma_start3A_70 : memref<40x128xi32, #tpu.memory_space<hbm>>) target(%arg7 : memref<40x128xi32, #tpu.memory_space<vmem>>) target_semaphore(%run_scoped3A : memref<!tpu.dma_semaphore, #tpu.memory_space<semaphore_mem>>)
        %dma_wait3A = arith.constant 0 : i32
        %dma_wait3A_71 = arith.constant 0 : i32
        %dma_wait3A_72 = tpu.memref_slice %arg3[%add3A_47, %dma_wait3A, %dma_wait3A_71] : memref<64x40x128xi32, #tpu.memory_space<hbm>> -> memref<1x40x128xi32, #tpu.memory_space<hbm>>
        %dma_wait3A_73 = tpu.memref_squeeze %dma_wait3A_72 : memref<1x40x128xi32, #tpu.memory_space<hbm>> -> memref<40x128xi32, #tpu.memory_space<hbm>>
        %dma_wait3A_74 = arith.constant 0 : i32
        %dma_wait3A_75 = arith.constant 0 : i32
        %dma_wait3A_76 = tpu.memref_slice %arg3[%add3A_47, %dma_wait3A_74, %dma_wait3A_75] : memref<64x40x128xi32, #tpu.memory_space<hbm>> -> memref<1x40x128xi32, #tpu.memory_space<hbm>>
        %dma_wait3A_77 = tpu.memref_squeeze %dma_wait3A_76 : memref<1x40x128xi32, #tpu.memory_space<hbm>> -> memref<40x128xi32, #tpu.memory_space<hbm>>
        tpu.wait_dma2 semaphore(%run_scoped3A : memref<!tpu.dma_semaphore, #tpu.memory_space<semaphore_mem>>) src(%dma_wait3A_77 : memref<40x128xi32, #tpu.memory_space<hbm>>) dst(%arg7 : memref<40x128xi32, #tpu.memory_space<vmem>>)
        tpu.yield
      }) : () -> ()
      %add3A_48 = arith.constant 2 : i32
      %add3A_49 = arith.addi %mul3A_13, %add3A_48 : i32
      "tpu.region"() ({
        %run_scoped3A = tpu.sem_alloc : memref<!tpu.dma_semaphore, #tpu.memory_space<semaphore_mem>>
        %dma_start3A_63 = arith.constant 0 : i32
        %dma_start3A_64 = arith.constant 0 : i32
        %dma_start3A_65 = tpu.memref_slice %arg4[%add3A_49, %dma_start3A_63, %dma_start3A_64] : memref<64x40x128xi32, #tpu.memory_space<hbm>> -> memref<1x40x128xi32, #tpu.memory_space<hbm>>
        %dma_start3A_66 = tpu.memref_squeeze %dma_start3A_65 : memref<1x40x128xi32, #tpu.memory_space<hbm>> -> memref<40x128xi32, #tpu.memory_space<hbm>>
        %dma_start3A_67 = arith.constant 0 : i32
        %dma_start3A_68 = arith.constant 0 : i32
        %dma_start3A_69 = tpu.memref_slice %arg4[%add3A_49, %dma_start3A_67, %dma_start3A_68] : memref<64x40x128xi32, #tpu.memory_space<hbm>> -> memref<1x40x128xi32, #tpu.memory_space<hbm>>
        %dma_start3A_70 = tpu.memref_squeeze %dma_start3A_69 : memref<1x40x128xi32, #tpu.memory_space<hbm>> -> memref<40x128xi32, #tpu.memory_space<hbm>>
        tpu.enqueue_dma source(%dma_start3A_70 : memref<40x128xi32, #tpu.memory_space<hbm>>) target(%arg8 : memref<40x128xi32, #tpu.memory_space<vmem>>) target_semaphore(%run_scoped3A : memref<!tpu.dma_semaphore, #tpu.memory_space<semaphore_mem>>)
        %dma_wait3A = arith.constant 0 : i32
        %dma_wait3A_71 = arith.constant 0 : i32
        %dma_wait3A_72 = tpu.memref_slice %arg4[%add3A_49, %dma_wait3A, %dma_wait3A_71] : memref<64x40x128xi32, #tpu.memory_space<hbm>> -> memref<1x40x128xi32, #tpu.memory_space<hbm>>
        %dma_wait3A_73 = tpu.memref_squeeze %dma_wait3A_72 : memref<1x40x128xi32, #tpu.memory_space<hbm>> -> memref<40x128xi32, #tpu.memory_space<hbm>>
        %dma_wait3A_74 = arith.constant 0 : i32
        %dma_wait3A_75 = arith.constant 0 : i32
        %dma_wait3A_76 = tpu.memref_slice %arg4[%add3A_49, %dma_wait3A_74, %dma_wait3A_75] : memref<64x40x128xi32, #tpu.memory_space<hbm>> -> memref<1x40x128xi32, #tpu.memory_space<hbm>>
        %dma_wait3A_77 = tpu.memref_squeeze %dma_wait3A_76 : memref<1x40x128xi32, #tpu.memory_space<hbm>> -> memref<40x128xi32, #tpu.memory_space<hbm>>
        tpu.wait_dma2 semaphore(%run_scoped3A : memref<!tpu.dma_semaphore, #tpu.memory_space<semaphore_mem>>) src(%dma_wait3A_77 : memref<40x128xi32, #tpu.memory_space<hbm>>) dst(%arg8 : memref<40x128xi32, #tpu.memory_space<vmem>>)
        tpu.yield
      }) : () -> ()
      %dma_start3A_50 = arith.constant 0 : i32
      %dma_start3A_51 = arith.constant 0 : i32
      %dma_start3A_52 = tpu.memref_slice %arg7[%dma_start3A_50, %dma_start3A_51] : memref<40x128xi32, #tpu.memory_space<vmem>> -> memref<1x128xi32, #tpu.memory_space<vmem>>
      %dma_start3A_53 = tpu.memref_squeeze %dma_start3A_52 : memref<1x128xi32, #tpu.memory_space<vmem>> -> memref<128xi32, #tpu.memory_space<vmem>>
      %dma_start3A_54 = arith.constant 0 : i32
      %dma_start3A_55 = arith.constant 0 : i32
      %dma_start3A_56 = tpu.memref_slice %arg2[%dma_start3A_54, %dma_start3A_55] : memref<10000x128xf32, #tpu.memory_space<hbm>> -> memref<10000x128xf32, #tpu.memory_space<hbm>>
      tpu.enqueue_indirect_dma source(%dma_start3A_56 : memref<10000x128xf32, #tpu.memory_space<hbm>>) target(%arg9 : memref<128x128xf32, #tpu.memory_space<vmem>>) offsets(%dma_start3A_53 : memref<128xi32, #tpu.memory_space<vmem>>) semaphore(%arg12 : memref<!tpu.dma_semaphore, #tpu.memory_space<semaphore_mem>>)
      %scan3A_57 = arith.constant 0 : i32
      %scan3A_58 = arith.constant 0 : i32
      %scan3A_59 = arith.constant 20 : i32
      %scan3A_60 = arith.addi %scan3A_58, %scan3A_59 : i32
      %scan3A_61 = arith.constant 1 : i32
      scf.for %scan3A_63 = %scan3A_58 to %scan3A_60 step %scan3A_61  : i32 {
        %mul3A_64 = arith.constant 2 : i32
        %mul3A_65 = arith.muli %mul3A_64, %scan3A_63 : i32
        %dma_wait3A = arith.constant 0 : i32
        %dma_wait3A_66 = tpu.memref_slice %arg7[%mul3A_65, %dma_wait3A] : memref<40x128xi32, #tpu.memory_space<vmem>> -> memref<1x128xi32, #tpu.memory_space<vmem>>
        %dma_wait3A_67 = tpu.memref_squeeze %dma_wait3A_66 : memref<1x128xi32, #tpu.memory_space<vmem>> -> memref<128xi32, #tpu.memory_space<vmem>>
        %dma_wait3A_68 = arith.constant 0 : i32
        %dma_wait3A_69 = arith.constant 0 : i32
        %dma_wait3A_70 = tpu.memref_slice %arg2[%dma_wait3A_68, %dma_wait3A_69] : memref<10000x128xf32, #tpu.memory_space<hbm>> -> memref<10000x128xf32, #tpu.memory_space<hbm>>
        tpu.wait_indirect_dma semaphore(%arg12 : memref<!tpu.dma_semaphore, #tpu.memory_space<semaphore_mem>>) src(%dma_wait3A_70 : memref<10000x128xf32, #tpu.memory_space<hbm>>) dst(%arg9 : memref<128x128xf32, #tpu.memory_space<vmem>>)
        %add3A_71 = arith.constant 1 : i32
        %add3A_72 = arith.addi %mul3A_65, %add3A_71 : i32
        %dma_start3A_73 = arith.constant 0 : i32
        %dma_start3A_74 = tpu.memref_slice %arg7[%add3A_72, %dma_start3A_73] : memref<40x128xi32, #tpu.memory_space<vmem>> -> memref<1x128xi32, #tpu.memory_space<vmem>>
        %dma_start3A_75 = tpu.memref_squeeze %dma_start3A_74 : memref<1x128xi32, #tpu.memory_space<vmem>> -> memref<128xi32, #tpu.memory_space<vmem>>
        %dma_start3A_76 = arith.constant 0 : i32
        %dma_start3A_77 = arith.constant 0 : i32
        %dma_start3A_78 = tpu.memref_slice %arg2[%dma_start3A_76, %dma_start3A_77] : memref<10000x128xf32, #tpu.memory_space<hbm>> -> memref<10000x128xf32, #tpu.memory_space<hbm>>
        tpu.enqueue_indirect_dma source(%dma_start3A_78 : memref<10000x128xf32, #tpu.memory_space<hbm>>) target(%arg10 : memref<128x128xf32, #tpu.memory_space<vmem>>) offsets(%dma_start3A_75 : memref<128xi32, #tpu.memory_space<vmem>>) semaphore(%arg13 : memref<!tpu.dma_semaphore, #tpu.memory_space<semaphore_mem>>)
        "tpu.region"() ({
          %run_scoped3A = tpu.sem_alloc : memref<!tpu.dma_semaphore, #tpu.memory_space<semaphore_mem>>
          %dma_start3A_95 = arith.constant 0 : i32
          %dma_start3A_96 = tpu.memref_slice %arg8[%mul3A_65, %dma_start3A_95] : memref<40x128xi32, #tpu.memory_space<vmem>> -> memref<1x128xi32, #tpu.memory_space<vmem>>
          %dma_start3A_97 = tpu.memref_squeeze %dma_start3A_96 : memref<1x128xi32, #tpu.memory_space<vmem>> -> memref<128xi32, #tpu.memory_space<vmem>>
          %dma_start3A_98 = arith.constant 0 : i32
          %dma_start3A_99 = arith.constant 0 : i32
          %dma_start3A_100 = tpu.memref_slice %arg11[%dma_start3A_98, %dma_start3A_99] : memref<10112x128xf32, #tpu.memory_space<vmem_shared>> -> memref<10112x128xf32, #tpu.memory_space<vmem_shared>>
          tpu.enqueue_indirect_dma source(%arg9 : memref<128x128xf32, #tpu.memory_space<vmem>>) target(%dma_start3A_100 : memref<10112x128xf32, #tpu.memory_space<vmem_shared>>) offsets(%dma_start3A_97 : memref<128xi32, #tpu.memory_space<vmem>>) semaphore(%run_scoped3A : memref<!tpu.dma_semaphore, #tpu.memory_space<semaphore_mem>>) {add = true}
          %dma_wait3A_101 = arith.constant 0 : i32
          %dma_wait3A_102 = tpu.memref_slice %arg8[%mul3A_65, %dma_wait3A_101] : memref<40x128xi32, #tpu.memory_space<vmem>> -> memref<1x128xi32, #tpu.memory_space<vmem>>
          %dma_wait3A_103 = tpu.memref_squeeze %dma_wait3A_102 : memref<1x128xi32, #tpu.memory_space<vmem>> -> memref<128xi32, #tpu.memory_space<vmem>>
          %dma_wait3A_104 = arith.constant 0 : i32
          %dma_wait3A_105 = arith.constant 0 : i32
          %dma_wait3A_106 = tpu.memref_slice %arg11[%dma_wait3A_104, %dma_wait3A_105] : memref<10112x128xf32, #tpu.memory_space<vmem_shared>> -> memref<10112x128xf32, #tpu.memory_space<vmem_shared>>
          tpu.wait_indirect_dma semaphore(%run_scoped3A : memref<!tpu.dma_semaphore, #tpu.memory_space<semaphore_mem>>) src(%arg9 : memref<128x128xf32, #tpu.memory_space<vmem>>) dst(%dma_wait3A_106 : memref<10112x128xf32, #tpu.memory_space<vmem_shared>>)
          tpu.yield
        }) : () -> ()
        %add3A_79 = arith.constant 1 : i32
        %add3A_80 = arith.addi %mul3A_65, %add3A_79 : i32
        %dma_wait3A_81 = arith.constant 0 : i32
        %dma_wait3A_82 = tpu.memref_slice %arg7[%add3A_80, %dma_wait3A_81] : memref<40x128xi32, #tpu.memory_space<vmem>> -> memref<1x128xi32, #tpu.memory_space<vmem>>
        %dma_wait3A_83 = tpu.memref_squeeze %dma_wait3A_82 : memref<1x128xi32, #tpu.memory_space<vmem>> -> memref<128xi32, #tpu.memory_space<vmem>>
        %dma_wait3A_84 = arith.constant 0 : i32
        %dma_wait3A_85 = arith.constant 0 : i32
        %dma_wait3A_86 = tpu.memref_slice %arg2[%dma_wait3A_84, %dma_wait3A_85] : memref<10000x128xf32, #tpu.memory_space<hbm>> -> memref<10000x128xf32, #tpu.memory_space<hbm>>
        tpu.wait_indirect_dma semaphore(%arg13 : memref<!tpu.dma_semaphore, #tpu.memory_space<semaphore_mem>>) src(%dma_wait3A_86 : memref<10000x128xf32, #tpu.memory_space<hbm>>) dst(%arg10 : memref<128x128xf32, #tpu.memory_space<vmem>>)
        %add3A_87 = arith.constant 2 : i32
        %add3A_88 = arith.addi %mul3A_65, %add3A_87 : i32
        %lt3A = arith.constant 40 : i32
        %lt3A_89 = arith.cmpi slt, %add3A_88, %lt3A : i32
        %convert_element_type3A_90 = arith.extui %lt3A_89 : i1 to i32
        %cond3A_91 = arith.constant 0 : i32
        %cond3A_92 = arith.cmpi ne, %convert_element_type3A_90, %cond3A_91 : i32
        scf.if %cond3A_92 {
          %add3A_95 = arith.constant 2 : i32
          %add3A_96 = arith.addi %mul3A_65, %add3A_95 : i32
          %dma_start3A_97 = arith.constant 0 : i32
          %dma_start3A_98 = tpu.memref_slice %arg7[%add3A_96, %dma_start3A_97] : memref<40x128xi32, #tpu.memory_space<vmem>> -> memref<1x128xi32, #tpu.memory_space<vmem>>
          %dma_start3A_99 = tpu.memref_squeeze %dma_start3A_98 : memref<1x128xi32, #tpu.memory_space<vmem>> -> memref<128xi32, #tpu.memory_space<vmem>>
          %dma_start3A_100 = arith.constant 0 : i32
          %dma_start3A_101 = arith.constant 0 : i32
          %dma_start3A_102 = tpu.memref_slice %arg2[%dma_start3A_100, %dma_start3A_101] : memref<10000x128xf32, #tpu.memory_space<hbm>> -> memref<10000x128xf32, #tpu.memory_space<hbm>>
          tpu.enqueue_indirect_dma source(%dma_start3A_102 : memref<10000x128xf32, #tpu.memory_space<hbm>>) target(%arg9 : memref<128x128xf32, #tpu.memory_space<vmem>>) offsets(%dma_start3A_99 : memref<128xi32, #tpu.memory_space<vmem>>) semaphore(%arg12 : memref<!tpu.dma_semaphore, #tpu.memory_space<semaphore_mem>>)
        } else {
        }
        %add3A_93 = arith.constant 1 : i32
        %add3A_94 = arith.addi %mul3A_65, %add3A_93 : i32
        "tpu.region"() ({
          %run_scoped3A = tpu.sem_alloc : memref<!tpu.dma_semaphore, #tpu.memory_space<semaphore_mem>>
          %dma_start3A_95 = arith.constant 0 : i32
          %dma_start3A_96 = tpu.memref_slice %arg8[%add3A_94, %dma_start3A_95] : memref<40x128xi32, #tpu.memory_space<vmem>> -> memref<1x128xi32, #tpu.memory_space<vmem>>
          %dma_start3A_97 = tpu.memref_squeeze %dma_start3A_96 : memref<1x128xi32, #tpu.memory_space<vmem>> -> memref<128xi32, #tpu.memory_space<vmem>>
          %dma_start3A_98 = arith.constant 0 : i32
          %dma_start3A_99 = arith.constant 0 : i32
          %dma_start3A_100 = tpu.memref_slice %arg11[%dma_start3A_98, %dma_start3A_99] : memref<10112x128xf32, #tpu.memory_space<vmem_shared>> -> memref<10112x128xf32, #tpu.memory_space<vmem_shared>>
          tpu.enqueue_indirect_dma source(%arg10 : memref<128x128xf32, #tpu.memory_space<vmem>>) target(%dma_start3A_100 : memref<10112x128xf32, #tpu.memory_space<vmem_shared>>) offsets(%dma_start3A_97 : memref<128xi32, #tpu.memory_space<vmem>>) semaphore(%run_scoped3A : memref<!tpu.dma_semaphore, #tpu.memory_space<semaphore_mem>>) {add = true}
          %dma_wait3A_101 = arith.constant 0 : i32
          %dma_wait3A_102 = tpu.memref_slice %arg8[%add3A_94, %dma_wait3A_101] : memref<40x128xi32, #tpu.memory_space<vmem>> -> memref<1x128xi32, #tpu.memory_space<vmem>>
          %dma_wait3A_103 = tpu.memref_squeeze %dma_wait3A_102 : memref<1x128xi32, #tpu.memory_space<vmem>> -> memref<128xi32, #tpu.memory_space<vmem>>
          %dma_wait3A_104 = arith.constant 0 : i32
          %dma_wait3A_105 = arith.constant 0 : i32
          %dma_wait3A_106 = tpu.memref_slice %arg11[%dma_wait3A_104, %dma_wait3A_105] : memref<10112x128xf32, #tpu.memory_space<vmem_shared>> -> memref<10112x128xf32, #tpu.memory_space<vmem_shared>>
          tpu.wait_indirect_dma semaphore(%run_scoped3A : memref<!tpu.dma_semaphore, #tpu.memory_space<semaphore_mem>>) src(%arg10 : memref<128x128xf32, #tpu.memory_space<vmem>>) dst(%dma_wait3A_106 : memref<10112x128xf32, #tpu.memory_space<vmem_shared>>)
          tpu.yield
        }) : () -> ()
      }
      %scan3A_62 = arith.constant 20 : i32
    } else {
    }
    %eq3A_5 = arith.constant 1 : i32
    %eq3A_6 = arith.cmpi eq, %arg0, %eq3A_5 : i32
    %convert_element_type3A_7 = arith.extui %eq3A_6 : i1 to i32
    %cond3A_8 = arith.constant 0 : i32
    %cond3A_9 = arith.cmpi ne, %convert_element_type3A_7, %cond3A_8 : i32
    scf.if %cond3A_9 {
      %add3A_12 = arith.constant 48 : i32
      %add3A_13 = arith.addi %add3A_12, %arg1 : i32
      %add3A_14 = arith.constant 0 : i32
      %add3A_15 = arith.addi %add3A_13, %add3A_14 : i32
      "tpu.region"() ({
        %run_scoped3A = tpu.sem_alloc : memref<!tpu.dma_semaphore, #tpu.memory_space<semaphore_mem>>
        %dma_start3A_29 = arith.constant 0 : i32
        %dma_start3A_30 = arith.constant 0 : i32
        %dma_start3A_31 = tpu.memref_slice %arg3[%add3A_15, %dma_start3A_29, %dma_start3A_30] : memref<64x40x128xi32, #tpu.memory_space<hbm>> -> memref<1x40x128xi32, #tpu.memory_space<hbm>>
        %dma_start3A_32 = tpu.memref_squeeze %dma_start3A_31 : memref<1x40x128xi32, #tpu.memory_space<hbm>> -> memref<40x128xi32, #tpu.memory_space<hbm>>
        %dma_start3A_33 = arith.constant 0 : i32
        %dma_start3A_34 = arith.constant 0 : i32
        %dma_start3A_35 = tpu.memref_slice %arg3[%add3A_15, %dma_start3A_33, %dma_start3A_34] : memref<64x40x128xi32, #tpu.memory_space<hbm>> -> memref<1x40x128xi32, #tpu.memory_space<hbm>>
        %dma_start3A_36 = tpu.memref_squeeze %dma_start3A_35 : memref<1x40x128xi32, #tpu.memory_space<hbm>> -> memref<40x128xi32, #tpu.memory_space<hbm>>
        tpu.enqueue_dma source(%dma_start3A_36 : memref<40x128xi32, #tpu.memory_space<hbm>>) target(%arg7 : memref<40x128xi32, #tpu.memory_space<vmem>>) target_semaphore(%run_scoped3A : memref<!tpu.dma_semaphore, #tpu.memory_space<semaphore_mem>>)
        %dma_wait3A = arith.constant 0 : i32
        %dma_wait3A_37 = arith.constant 0 : i32
        %dma_wait3A_38 = tpu.memref_slice %arg3[%add3A_15, %dma_wait3A, %dma_wait3A_37] : memref<64x40x128xi32, #tpu.memory_space<hbm>> -> memref<1x40x128xi32, #tpu.memory_space<hbm>>
        %dma_wait3A_39 = tpu.memref_squeeze %dma_wait3A_38 : memref<1x40x128xi32, #tpu.memory_space<hbm>> -> memref<40x128xi32, #tpu.memory_space<hbm>>
        %dma_wait3A_40 = arith.constant 0 : i32
        %dma_wait3A_41 = arith.constant 0 : i32
        %dma_wait3A_42 = tpu.memref_slice %arg3[%add3A_15, %dma_wait3A_40, %dma_wait3A_41] : memref<64x40x128xi32, #tpu.memory_space<hbm>> -> memref<1x40x128xi32, #tpu.memory_space<hbm>>
        %dma_wait3A_43 = tpu.memref_squeeze %dma_wait3A_42 : memref<1x40x128xi32, #tpu.memory_space<hbm>> -> memref<40x128xi32, #tpu.memory_space<hbm>>
        tpu.wait_dma2 semaphore(%run_scoped3A : memref<!tpu.dma_semaphore, #tpu.memory_space<semaphore_mem>>) src(%dma_wait3A_43 : memref<40x128xi32, #tpu.memory_space<hbm>>) dst(%arg7 : memref<40x128xi32, #tpu.memory_space<vmem>>)
        tpu.yield
      }) : () -> ()
      %add3A_16 = arith.constant 0 : i32
      %add3A_17 = arith.addi %add3A_13, %add3A_16 : i32
      "tpu.region"() ({
        %run_scoped3A = tpu.sem_alloc : memref<!tpu.dma_semaphore, #tpu.memory_space<semaphore_mem>>
        %dma_start3A_29 = arith.constant 0 : i32
        %dma_start3A_30 = arith.constant 0 : i32
        %dma_start3A_31 = tpu.memref_slice %arg4[%add3A_17, %dma_start3A_29, %dma_start3A_30] : memref<64x40x128xi32, #tpu.memory_space<hbm>> -> memref<1x40x128xi32, #tpu.memory_space<hbm>>
        %dma_start3A_32 = tpu.memref_squeeze %dma_start3A_31 : memref<1x40x128xi32, #tpu.memory_space<hbm>> -> memref<40x128xi32, #tpu.memory_space<hbm>>
        %dma_start3A_33 = arith.constant 0 : i32
        %dma_start3A_34 = arith.constant 0 : i32
        %dma_start3A_35 = tpu.memref_slice %arg4[%add3A_17, %dma_start3A_33, %dma_start3A_34] : memref<64x40x128xi32, #tpu.memory_space<hbm>> -> memref<1x40x128xi32, #tpu.memory_space<hbm>>
        %dma_start3A_36 = tpu.memref_squeeze %dma_start3A_35 : memref<1x40x128xi32, #tpu.memory_space<hbm>> -> memref<40x128xi32, #tpu.memory_space<hbm>>
        tpu.enqueue_dma source(%dma_start3A_36 : memref<40x128xi32, #tpu.memory_space<hbm>>) target(%arg8 : memref<40x128xi32, #tpu.memory_space<vmem>>) target_semaphore(%run_scoped3A : memref<!tpu.dma_semaphore, #tpu.memory_space<semaphore_mem>>)
        %dma_wait3A = arith.constant 0 : i32
        %dma_wait3A_37 = arith.constant 0 : i32
        %dma_wait3A_38 = tpu.memref_slice %arg4[%add3A_17, %dma_wait3A, %dma_wait3A_37] : memref<64x40x128xi32, #tpu.memory_space<hbm>> -> memref<1x40x128xi32, #tpu.memory_space<hbm>>
        %dma_wait3A_39 = tpu.memref_squeeze %dma_wait3A_38 : memref<1x40x128xi32, #tpu.memory_space<hbm>> -> memref<40x128xi32, #tpu.memory_space<hbm>>
        %dma_wait3A_40 = arith.constant 0 : i32
        %dma_wait3A_41 = arith.constant 0 : i32
        %dma_wait3A_42 = tpu.memref_slice %arg4[%add3A_17, %dma_wait3A_40, %dma_wait3A_41] : memref<64x40x128xi32, #tpu.memory_space<hbm>> -> memref<1x40x128xi32, #tpu.memory_space<hbm>>
        %dma_wait3A_43 = tpu.memref_squeeze %dma_wait3A_42 : memref<1x40x128xi32, #tpu.memory_space<hbm>> -> memref<40x128xi32, #tpu.memory_space<hbm>>
        tpu.wait_dma2 semaphore(%run_scoped3A : memref<!tpu.dma_semaphore, #tpu.memory_space<semaphore_mem>>) src(%dma_wait3A_43 : memref<40x128xi32, #tpu.memory_space<hbm>>) dst(%arg8 : memref<40x128xi32, #tpu.memory_space<vmem>>)
        tpu.yield
      }) : () -> ()
      %dma_start3A = arith.constant 0 : i32
      %dma_start3A_18 = arith.constant 0 : i32
      %dma_start3A_19 = tpu.memref_slice %arg7[%dma_start3A, %dma_start3A_18] : memref<40x128xi32, #tpu.memory_space<vmem>> -> memref<1x128xi32, #tpu.memory_space<vmem>>
      %dma_start3A_20 = tpu.memref_squeeze %dma_start3A_19 : memref<1x128xi32, #tpu.memory_space<vmem>> -> memref<128xi32, #tpu.memory_space<vmem>>
      %dma_start3A_21 = arith.constant 0 : i32
      %dma_start3A_22 = arith.constant 0 : i32
      %dma_start3A_23 = tpu.memref_slice %arg2[%dma_start3A_21, %dma_start3A_22] : memref<10000x128xf32, #tpu.memory_space<hbm>> -> memref<10000x128xf32, #tpu.memory_space<hbm>>
      tpu.enqueue_indirect_dma source(%dma_start3A_23 : memref<10000x128xf32, #tpu.memory_space<hbm>>) target(%arg9 : memref<128x128xf32, #tpu.memory_space<vmem>>) offsets(%dma_start3A_20 : memref<128xi32, #tpu.memory_space<vmem>>) semaphore(%arg12 : memref<!tpu.dma_semaphore, #tpu.memory_space<semaphore_mem>>)
      %scan3A = arith.constant 0 : i32
      %scan3A_24 = arith.constant 0 : i32
      %scan3A_25 = arith.constant 20 : i32
      %scan3A_26 = arith.addi %scan3A_24, %scan3A_25 : i32
      %scan3A_27 = arith.constant 1 : i32
      scf.for %scan3A_29 = %scan3A_24 to %scan3A_26 step %scan3A_27  : i32 {
        %mul3A_30 = arith.constant 2 : i32
        %mul3A_31 = arith.muli %mul3A_30, %scan3A_29 : i32
        %dma_wait3A = arith.constant 0 : i32
        %dma_wait3A_32 = tpu.memref_slice %arg7[%mul3A_31, %dma_wait3A] : memref<40x128xi32, #tpu.memory_space<vmem>> -> memref<1x128xi32, #tpu.memory_space<vmem>>
        %dma_wait3A_33 = tpu.memref_squeeze %dma_wait3A_32 : memref<1x128xi32, #tpu.memory_space<vmem>> -> memref<128xi32, #tpu.memory_space<vmem>>
        %dma_wait3A_34 = arith.constant 0 : i32
        %dma_wait3A_35 = arith.constant 0 : i32
        %dma_wait3A_36 = tpu.memref_slice %arg2[%dma_wait3A_34, %dma_wait3A_35] : memref<10000x128xf32, #tpu.memory_space<hbm>> -> memref<10000x128xf32, #tpu.memory_space<hbm>>
        tpu.wait_indirect_dma semaphore(%arg12 : memref<!tpu.dma_semaphore, #tpu.memory_space<semaphore_mem>>) src(%dma_wait3A_36 : memref<10000x128xf32, #tpu.memory_space<hbm>>) dst(%arg9 : memref<128x128xf32, #tpu.memory_space<vmem>>)
        %add3A_37 = arith.constant 1 : i32
        %add3A_38 = arith.addi %mul3A_31, %add3A_37 : i32
        %dma_start3A_39 = arith.constant 0 : i32
        %dma_start3A_40 = tpu.memref_slice %arg7[%add3A_38, %dma_start3A_39] : memref<40x128xi32, #tpu.memory_space<vmem>> -> memref<1x128xi32, #tpu.memory_space<vmem>>
        %dma_start3A_41 = tpu.memref_squeeze %dma_start3A_40 : memref<1x128xi32, #tpu.memory_space<vmem>> -> memref<128xi32, #tpu.memory_space<vmem>>
        %dma_start3A_42 = arith.constant 0 : i32
        %dma_start3A_43 = arith.constant 0 : i32
        %dma_start3A_44 = tpu.memref_slice %arg2[%dma_start3A_42, %dma_start3A_43] : memref<10000x128xf32, #tpu.memory_space<hbm>> -> memref<10000x128xf32, #tpu.memory_space<hbm>>
        tpu.enqueue_indirect_dma source(%dma_start3A_44 : memref<10000x128xf32, #tpu.memory_space<hbm>>) target(%arg10 : memref<128x128xf32, #tpu.memory_space<vmem>>) offsets(%dma_start3A_41 : memref<128xi32, #tpu.memory_space<vmem>>) semaphore(%arg13 : memref<!tpu.dma_semaphore, #tpu.memory_space<semaphore_mem>>)
        "tpu.region"() ({
          %run_scoped3A = tpu.sem_alloc : memref<!tpu.dma_semaphore, #tpu.memory_space<semaphore_mem>>
          %dma_start3A_61 = arith.constant 0 : i32
          %dma_start3A_62 = tpu.memref_slice %arg8[%mul3A_31, %dma_start3A_61] : memref<40x128xi32, #tpu.memory_space<vmem>> -> memref<1x128xi32, #tpu.memory_space<vmem>>
          %dma_start3A_63 = tpu.memref_squeeze %dma_start3A_62 : memref<1x128xi32, #tpu.memory_space<vmem>> -> memref<128xi32, #tpu.memory_space<vmem>>
          %dma_start3A_64 = arith.constant 0 : i32
          %dma_start3A_65 = arith.constant 0 : i32
          %dma_start3A_66 = tpu.memref_slice %arg11[%dma_start3A_64, %dma_start3A_65] : memref<10112x128xf32, #tpu.memory_space<vmem_shared>> -> memref<10112x128xf32, #tpu.memory_space<vmem_shared>>
          tpu.enqueue_indirect_dma source(%arg9 : memref<128x128xf32, #tpu.memory_space<vmem>>) target(%dma_start3A_66 : memref<10112x128xf32, #tpu.memory_space<vmem_shared>>) offsets(%dma_start3A_63 : memref<128xi32, #tpu.memory_space<vmem>>) semaphore(%run_scoped3A : memref<!tpu.dma_semaphore, #tpu.memory_space<semaphore_mem>>) {add = true}
          %dma_wait3A_67 = arith.constant 0 : i32
          %dma_wait3A_68 = tpu.memref_slice %arg8[%mul3A_31, %dma_wait3A_67] : memref<40x128xi32, #tpu.memory_space<vmem>> -> memref<1x128xi32, #tpu.memory_space<vmem>>
          %dma_wait3A_69 = tpu.memref_squeeze %dma_wait3A_68 : memref<1x128xi32, #tpu.memory_space<vmem>> -> memref<128xi32, #tpu.memory_space<vmem>>
          %dma_wait3A_70 = arith.constant 0 : i32
          %dma_wait3A_71 = arith.constant 0 : i32
          %dma_wait3A_72 = tpu.memref_slice %arg11[%dma_wait3A_70, %dma_wait3A_71] : memref<10112x128xf32, #tpu.memory_space<vmem_shared>> -> memref<10112x128xf32, #tpu.memory_space<vmem_shared>>
          tpu.wait_indirect_dma semaphore(%run_scoped3A : memref<!tpu.dma_semaphore, #tpu.memory_space<semaphore_mem>>) src(%arg9 : memref<128x128xf32, #tpu.memory_space<vmem>>) dst(%dma_wait3A_72 : memref<10112x128xf32, #tpu.memory_space<vmem_shared>>)
          tpu.yield
        }) : () -> ()
        %add3A_45 = arith.constant 1 : i32
        %add3A_46 = arith.addi %mul3A_31, %add3A_45 : i32
        %dma_wait3A_47 = arith.constant 0 : i32
        %dma_wait3A_48 = tpu.memref_slice %arg7[%add3A_46, %dma_wait3A_47] : memref<40x128xi32, #tpu.memory_space<vmem>> -> memref<1x128xi32, #tpu.memory_space<vmem>>
        %dma_wait3A_49 = tpu.memref_squeeze %dma_wait3A_48 : memref<1x128xi32, #tpu.memory_space<vmem>> -> memref<128xi32, #tpu.memory_space<vmem>>
        %dma_wait3A_50 = arith.constant 0 : i32
        %dma_wait3A_51 = arith.constant 0 : i32
        %dma_wait3A_52 = tpu.memref_slice %arg2[%dma_wait3A_50, %dma_wait3A_51] : memref<10000x128xf32, #tpu.memory_space<hbm>> -> memref<10000x128xf32, #tpu.memory_space<hbm>>
        tpu.wait_indirect_dma semaphore(%arg13 : memref<!tpu.dma_semaphore, #tpu.memory_space<semaphore_mem>>) src(%dma_wait3A_52 : memref<10000x128xf32, #tpu.memory_space<hbm>>) dst(%arg10 : memref<128x128xf32, #tpu.memory_space<vmem>>)
        %add3A_53 = arith.constant 2 : i32
        %add3A_54 = arith.addi %mul3A_31, %add3A_53 : i32
        %lt3A = arith.constant 40 : i32
        %lt3A_55 = arith.cmpi slt, %add3A_54, %lt3A : i32
        %convert_element_type3A_56 = arith.extui %lt3A_55 : i1 to i32
        %cond3A_57 = arith.constant 0 : i32
        %cond3A_58 = arith.cmpi ne, %convert_element_type3A_56, %cond3A_57 : i32
        scf.if %cond3A_58 {
          %add3A_61 = arith.constant 2 : i32
          %add3A_62 = arith.addi %mul3A_31, %add3A_61 : i32
          %dma_start3A_63 = arith.constant 0 : i32
          %dma_start3A_64 = tpu.memref_slice %arg7[%add3A_62, %dma_start3A_63] : memref<40x128xi32, #tpu.memory_space<vmem>> -> memref<1x128xi32, #tpu.memory_space<vmem>>
          %dma_start3A_65 = tpu.memref_squeeze %dma_start3A_64 : memref<1x128xi32, #tpu.memory_space<vmem>> -> memref<128xi32, #tpu.memory_space<vmem>>
          %dma_start3A_66 = arith.constant 0 : i32
          %dma_start3A_67 = arith.constant 0 : i32
          %dma_start3A_68 = tpu.memref_slice %arg2[%dma_start3A_66, %dma_start3A_67] : memref<10000x128xf32, #tpu.memory_space<hbm>> -> memref<10000x128xf32, #tpu.memory_space<hbm>>
          tpu.enqueue_indirect_dma source(%dma_start3A_68 : memref<10000x128xf32, #tpu.memory_space<hbm>>) target(%arg9 : memref<128x128xf32, #tpu.memory_space<vmem>>) offsets(%dma_start3A_65 : memref<128xi32, #tpu.memory_space<vmem>>) semaphore(%arg12 : memref<!tpu.dma_semaphore, #tpu.memory_space<semaphore_mem>>)
        } else {
        }
        %add3A_59 = arith.constant 1 : i32
        %add3A_60 = arith.addi %mul3A_31, %add3A_59 : i32
        "tpu.region"() ({
          %run_scoped3A = tpu.sem_alloc : memref<!tpu.dma_semaphore, #tpu.memory_space<semaphore_mem>>
          %dma_start3A_61 = arith.constant 0 : i32
          %dma_start3A_62 = tpu.memref_slice %arg8[%add3A_60, %dma_start3A_61] : memref<40x128xi32, #tpu.memory_space<vmem>> -> memref<1x128xi32, #tpu.memory_space<vmem>>
          %dma_start3A_63 = tpu.memref_squeeze %dma_start3A_62 : memref<1x128xi32, #tpu.memory_space<vmem>> -> memref<128xi32, #tpu.memory_space<vmem>>
          %dma_start3A_64 = arith.constant 0 : i32
          %dma_start3A_65 = arith.constant 0 : i32
          %dma_start3A_66 = tpu.memref_slice %arg11[%dma_start3A_64, %dma_start3A_65] : memref<10112x128xf32, #tpu.memory_space<vmem_shared>> -> memref<10112x128xf32, #tpu.memory_space<vmem_shared>>
          tpu.enqueue_indirect_dma source(%arg10 : memref<128x128xf32, #tpu.memory_space<vmem>>) target(%dma_start3A_66 : memref<10112x128xf32, #tpu.memory_space<vmem_shared>>) offsets(%dma_start3A_63 : memref<128xi32, #tpu.memory_space<vmem>>) semaphore(%run_scoped3A : memref<!tpu.dma_semaphore, #tpu.memory_space<semaphore_mem>>) {add = true}
          %dma_wait3A_67 = arith.constant 0 : i32
          %dma_wait3A_68 = tpu.memref_slice %arg8[%add3A_60, %dma_wait3A_67] : memref<40x128xi32, #tpu.memory_space<vmem>> -> memref<1x128xi32, #tpu.memory_space<vmem>>
          %dma_wait3A_69 = tpu.memref_squeeze %dma_wait3A_68 : memref<1x128xi32, #tpu.memory_space<vmem>> -> memref<128xi32, #tpu.memory_space<vmem>>
          %dma_wait3A_70 = arith.constant 0 : i32
          %dma_wait3A_71 = arith.constant 0 : i32
          %dma_wait3A_72 = tpu.memref_slice %arg11[%dma_wait3A_70, %dma_wait3A_71] : memref<10112x128xf32, #tpu.memory_space<vmem_shared>> -> memref<10112x128xf32, #tpu.memory_space<vmem_shared>>
          tpu.wait_indirect_dma semaphore(%run_scoped3A : memref<!tpu.dma_semaphore, #tpu.memory_space<semaphore_mem>>) src(%arg10 : memref<128x128xf32, #tpu.memory_space<vmem>>) dst(%dma_wait3A_72 : memref<10112x128xf32, #tpu.memory_space<vmem_shared>>)
          tpu.yield
        }) : () -> ()
      }
      %scan3A_28 = arith.constant 20 : i32
    } else {
    }
    %barrier3A_10 = arith.constant 0 : index
    tpu.barrier barrier_id(%barrier3A_10)
    %delay3A = arith.constant 4000 : i32
    tpu.delay %delay3A
    %barrier3A_11 = arith.constant 0 : index
    tpu.barrier barrier_id(%barrier3A_11)
    "tpu.region"() ({
      %run_scoped3A = tpu.sem_alloc : memref<!tpu.dma_semaphore, #tpu.memory_space<semaphore_mem>>
      %dma_start3A = arith.constant 0 : i32
      %dma_start3A_12 = arith.constant 0 : i32
      %dma_start3A_13 = tpu.memref_slice %arg6[%add3A, %dma_start3A, %dma_start3A_12] : memref<32x632x128xf32, #tpu.memory_space<hbm>> -> memref<1x632x128xf32, #tpu.memory_space<hbm>>
      %dma_start3A_14 = tpu.memref_squeeze %dma_start3A_13 : memref<1x632x128xf32, #tpu.memory_space<hbm>> -> memref<632x128xf32, #tpu.memory_space<hbm>>
      %dma_start3A_15 = arith.constant 0 : i32
      %dma_start3A_16 = tpu.memref_slice %arg11[%mul3A_2, %dma_start3A_15] : memref<10112x128xf32, #tpu.memory_space<vmem_shared>> -> memref<632x128xf32, #tpu.memory_space<vmem_shared>>
      tpu.enqueue_dma source(%dma_start3A_16 : memref<632x128xf32, #tpu.memory_space<vmem_shared>>) target(%dma_start3A_14 : memref<632x128xf32, #tpu.memory_space<hbm>>) target_semaphore(%run_scoped3A : memref<!tpu.dma_semaphore, #tpu.memory_space<semaphore_mem>>)
      %dma_wait3A = arith.constant 0 : i32
      %dma_wait3A_17 = arith.constant 0 : i32
      %dma_wait3A_18 = tpu.memref_slice %arg6[%add3A, %dma_wait3A, %dma_wait3A_17] : memref<32x632x128xf32, #tpu.memory_space<hbm>> -> memref<1x632x128xf32, #tpu.memory_space<hbm>>
      %dma_wait3A_19 = tpu.memref_squeeze %dma_wait3A_18 : memref<1x632x128xf32, #tpu.memory_space<hbm>> -> memref<632x128xf32, #tpu.memory_space<hbm>>
      %dma_wait3A_20 = arith.constant 0 : i32
      %dma_wait3A_21 = tpu.memref_slice %arg11[%mul3A_2, %dma_wait3A_20] : memref<10112x128xf32, #tpu.memory_space<vmem_shared>> -> memref<632x128xf32, #tpu.memory_space<vmem_shared>>
      tpu.wait_dma2 semaphore(%run_scoped3A : memref<!tpu.dma_semaphore, #tpu.memory_space<semaphore_mem>>) src(%dma_wait3A_21 : memref<632x128xf32, #tpu.memory_space<vmem_shared>>) dst(%dma_wait3A_19 : memref<632x128xf32, #tpu.memory_space<hbm>>)
      tpu.yield
    }) : () -> ()
    return
  }
}

#map = affine_map<(d0, d1) -> (0, 0)>
#map1 = affine_map<(d0, d1) -> (0, 0, 0)>
module attributes {stable_mosaic.version = 14 : i64} {
  func.func @_spmm_h(%arg0: i32, %arg1: i32, %arg2: memref<10000x128xf32, #tpu.memory_space<hbm>>, %arg3: memref<64x40x128xi32, #tpu.memory_space<hbm>>, %arg4: memref<64x40x128xi32, #tpu.memory_space<hbm>>, %arg5: memref<10112x128xf32, #tpu.memory_space<hbm>>, %arg6: memref<32x632x128xf32, #tpu.memory_space<hbm>>, %arg7: memref<40x128xi32, #tpu.memory_space<vmem>>, %arg8: memref<40x128xi32, #tpu.memory_space<vmem>>, %arg9: memref<128x128xf32, #tpu.memory_space<vmem>>, %arg10: memref<128x128xf32, #tpu.memory_space<vmem>>, %arg11: memref<10112x128xf32, #tpu.memory_space<vmem_shared>>, %arg12: memref<!tpu.dma_semaphore, #tpu.memory_space<semaphore_mem>>, %arg13: memref<!tpu.dma_semaphore, #tpu.memory_space<semaphore_mem>>) attributes {dimension_semantics = [#tpu.dimension_semantics<core_parallel>, #tpu.dimension_semantics<subcore_parallel>], iteration_bounds = array<i64: 2, 16>, scalar_prefetch = 0 : i64, scratch_operands = 7 : i64, tpu.core_type = #tpu.core_type<sc_vector_subcore>, window_params = [{transform_indices = #map}, {transform_indices = #map1}, {transform_indices = #map1}, {transform_indices = #map}, {transform_indices = #map1}]} {
    %mul3A = arith.constant 16 : i32
    %mul3A_0 = arith.muli %arg0, %mul3A : i32
    %add3A = arith.addi %mul3A_0, %arg1 : i32
    %mul3A_1 = arith.constant 632 : i32
    %mul3A_2 = arith.muli %arg1, %mul3A_1 : i32
    "tpu.region"() ({
      %run_scoped3A = tpu.sem_alloc : memref<!tpu.dma_semaphore, #tpu.memory_space<semaphore_mem>>
      %dma_start3A = arith.constant 0 : i32
      %dma_start3A_12 = tpu.memref_slice %arg11[%mul3A_2, %dma_start3A] : memref<10112x128xf32, #tpu.memory_space<vmem_shared>> -> memref<632x128xf32, #tpu.memory_space<vmem_shared>>
      %dma_start3A_13 = arith.constant 0 : i32
      %dma_start3A_14 = tpu.memref_slice %arg5[%mul3A_2, %dma_start3A_13] : memref<10112x128xf32, #tpu.memory_space<hbm>> -> memref<632x128xf32, #tpu.memory_space<hbm>>
      tpu.enqueue_dma source(%dma_start3A_14 : memref<632x128xf32, #tpu.memory_space<hbm>>) target(%dma_start3A_12 : memref<632x128xf32, #tpu.memory_space<vmem_shared>>) target_semaphore(%run_scoped3A : memref<!tpu.dma_semaphore, #tpu.memory_space<semaphore_mem>>)
      %dma_wait3A = arith.constant 0 : i32
      %dma_wait3A_15 = tpu.memref_slice %arg11[%mul3A_2, %dma_wait3A] : memref<10112x128xf32, #tpu.memory_space<vmem_shared>> -> memref<632x128xf32, #tpu.memory_space<vmem_shared>>
      %dma_wait3A_16 = arith.constant 0 : i32
      %dma_wait3A_17 = tpu.memref_slice %arg5[%mul3A_2, %dma_wait3A_16] : memref<10112x128xf32, #tpu.memory_space<hbm>> -> memref<632x128xf32, #tpu.memory_space<hbm>>
      tpu.wait_dma2 semaphore(%run_scoped3A : memref<!tpu.dma_semaphore, #tpu.memory_space<semaphore_mem>>) src(%dma_wait3A_17 : memref<632x128xf32, #tpu.memory_space<hbm>>) dst(%dma_wait3A_15 : memref<632x128xf32, #tpu.memory_space<vmem_shared>>)
      tpu.yield
    }) : () -> ()
    %barrier3A = arith.constant 0 : index
    tpu.barrier barrier_id(%barrier3A)
    %eq3A = arith.constant 0 : i32
    %eq3A_3 = arith.cmpi eq, %arg0, %eq3A : i32
    %convert_element_type3A = arith.extui %eq3A_3 : i1 to i32
    %cond3A = arith.constant 0 : i32
    %cond3A_4 = arith.cmpi ne, %convert_element_type3A, %cond3A : i32
    scf.if %cond3A_4 {
      %mul3A_12 = arith.constant 3 : i32
      %mul3A_13 = arith.muli %arg1, %mul3A_12 : i32
      %add3A_14 = arith.constant 0 : i32
      %add3A_15 = arith.addi %mul3A_13, %add3A_14 : i32
      "tpu.region"() ({
        %run_scoped3A = tpu.sem_alloc : memref<!tpu.dma_semaphore, #tpu.memory_space<semaphore_mem>>
        %dma_start3A_63 = arith.constant 0 : i32
        %dma_start3A_64 = arith.constant 0 : i32
        %dma_start3A_65 = tpu.memref_slice %arg3[%add3A_15, %dma_start3A_63, %dma_start3A_64] : memref<64x40x128xi32, #tpu.memory_space<hbm>> -> memref<1x40x128xi32, #tpu.memory_space<hbm>>
        %dma_start3A_66 = tpu.memref_squeeze %dma_start3A_65 : memref<1x40x128xi32, #tpu.memory_space<hbm>> -> memref<40x128xi32, #tpu.memory_space<hbm>>
        %dma_start3A_67 = arith.constant 0 : i32
        %dma_start3A_68 = arith.constant 0 : i32
        %dma_start3A_69 = tpu.memref_slice %arg3[%add3A_15, %dma_start3A_67, %dma_start3A_68] : memref<64x40x128xi32, #tpu.memory_space<hbm>> -> memref<1x40x128xi32, #tpu.memory_space<hbm>>
        %dma_start3A_70 = tpu.memref_squeeze %dma_start3A_69 : memref<1x40x128xi32, #tpu.memory_space<hbm>> -> memref<40x128xi32, #tpu.memory_space<hbm>>
        tpu.enqueue_dma source(%dma_start3A_70 : memref<40x128xi32, #tpu.memory_space<hbm>>) target(%arg7 : memref<40x128xi32, #tpu.memory_space<vmem>>) target_semaphore(%run_scoped3A : memref<!tpu.dma_semaphore, #tpu.memory_space<semaphore_mem>>)
        %dma_wait3A = arith.constant 0 : i32
        %dma_wait3A_71 = arith.constant 0 : i32
        %dma_wait3A_72 = tpu.memref_slice %arg3[%add3A_15, %dma_wait3A, %dma_wait3A_71] : memref<64x40x128xi32, #tpu.memory_space<hbm>> -> memref<1x40x128xi32, #tpu.memory_space<hbm>>
        %dma_wait3A_73 = tpu.memref_squeeze %dma_wait3A_72 : memref<1x40x128xi32, #tpu.memory_space<hbm>> -> memref<40x128xi32, #tpu.memory_space<hbm>>
        %dma_wait3A_74 = arith.constant 0 : i32
        %dma_wait3A_75 = arith.constant 0 : i32
        %dma_wait3A_76 = tpu.memref_slice %arg3[%add3A_15, %dma_wait3A_74, %dma_wait3A_75] : memref<64x40x128xi32, #tpu.memory_space<hbm>> -> memref<1x40x128xi32, #tpu.memory_space<hbm>>
        %dma_wait3A_77 = tpu.memref_squeeze %dma_wait3A_76 : memref<1x40x128xi32, #tpu.memory_space<hbm>> -> memref<40x128xi32, #tpu.memory_space<hbm>>
        tpu.wait_dma2 semaphore(%run_scoped3A : memref<!tpu.dma_semaphore, #tpu.memory_space<semaphore_mem>>) src(%dma_wait3A_77 : memref<40x128xi32, #tpu.memory_space<hbm>>) dst(%arg7 : memref<40x128xi32, #tpu.memory_space<vmem>>)
        tpu.yield
      }) : () -> ()
      %add3A_16 = arith.constant 0 : i32
      %add3A_17 = arith.addi %mul3A_13, %add3A_16 : i32
      "tpu.region"() ({
        %run_scoped3A = tpu.sem_alloc : memref<!tpu.dma_semaphore, #tpu.memory_space<semaphore_mem>>
        %dma_start3A_63 = arith.constant 0 : i32
        %dma_start3A_64 = arith.constant 0 : i32
        %dma_start3A_65 = tpu.memref_slice %arg4[%add3A_17, %dma_start3A_63, %dma_start3A_64] : memref<64x40x128xi32, #tpu.memory_space<hbm>> -> memref<1x40x128xi32, #tpu.memory_space<hbm>>
        %dma_start3A_66 = tpu.memref_squeeze %dma_start3A_65 : memref<1x40x128xi32, #tpu.memory_space<hbm>> -> memref<40x128xi32, #tpu.memory_space<hbm>>
        %dma_start3A_67 = arith.constant 0 : i32
        %dma_start3A_68 = arith.constant 0 : i32
        %dma_start3A_69 = tpu.memref_slice %arg4[%add3A_17, %dma_start3A_67, %dma_start3A_68] : memref<64x40x128xi32, #tpu.memory_space<hbm>> -> memref<1x40x128xi32, #tpu.memory_space<hbm>>
        %dma_start3A_70 = tpu.memref_squeeze %dma_start3A_69 : memref<1x40x128xi32, #tpu.memory_space<hbm>> -> memref<40x128xi32, #tpu.memory_space<hbm>>
        tpu.enqueue_dma source(%dma_start3A_70 : memref<40x128xi32, #tpu.memory_space<hbm>>) target(%arg8 : memref<40x128xi32, #tpu.memory_space<vmem>>) target_semaphore(%run_scoped3A : memref<!tpu.dma_semaphore, #tpu.memory_space<semaphore_mem>>)
        %dma_wait3A = arith.constant 0 : i32
        %dma_wait3A_71 = arith.constant 0 : i32
        %dma_wait3A_72 = tpu.memref_slice %arg4[%add3A_17, %dma_wait3A, %dma_wait3A_71] : memref<64x40x128xi32, #tpu.memory_space<hbm>> -> memref<1x40x128xi32, #tpu.memory_space<hbm>>
        %dma_wait3A_73 = tpu.memref_squeeze %dma_wait3A_72 : memref<1x40x128xi32, #tpu.memory_space<hbm>> -> memref<40x128xi32, #tpu.memory_space<hbm>>
        %dma_wait3A_74 = arith.constant 0 : i32
        %dma_wait3A_75 = arith.constant 0 : i32
        %dma_wait3A_76 = tpu.memref_slice %arg4[%add3A_17, %dma_wait3A_74, %dma_wait3A_75] : memref<64x40x128xi32, #tpu.memory_space<hbm>> -> memref<1x40x128xi32, #tpu.memory_space<hbm>>
        %dma_wait3A_77 = tpu.memref_squeeze %dma_wait3A_76 : memref<1x40x128xi32, #tpu.memory_space<hbm>> -> memref<40x128xi32, #tpu.memory_space<hbm>>
        tpu.wait_dma2 semaphore(%run_scoped3A : memref<!tpu.dma_semaphore, #tpu.memory_space<semaphore_mem>>) src(%dma_wait3A_77 : memref<40x128xi32, #tpu.memory_space<hbm>>) dst(%arg8 : memref<40x128xi32, #tpu.memory_space<vmem>>)
        tpu.yield
      }) : () -> ()
      %dma_start3A = arith.constant 0 : i32
      %dma_start3A_18 = arith.constant 0 : i32
      %dma_start3A_19 = tpu.memref_slice %arg7[%dma_start3A, %dma_start3A_18] : memref<40x128xi32, #tpu.memory_space<vmem>> -> memref<1x128xi32, #tpu.memory_space<vmem>>
      %dma_start3A_20 = tpu.memref_squeeze %dma_start3A_19 : memref<1x128xi32, #tpu.memory_space<vmem>> -> memref<128xi32, #tpu.memory_space<vmem>>
      %dma_start3A_21 = arith.constant 0 : i32
      %dma_start3A_22 = arith.constant 0 : i32
      %dma_start3A_23 = tpu.memref_slice %arg2[%dma_start3A_21, %dma_start3A_22] : memref<10000x128xf32, #tpu.memory_space<hbm>> -> memref<10000x128xf32, #tpu.memory_space<hbm>>
      tpu.enqueue_indirect_dma source(%dma_start3A_23 : memref<10000x128xf32, #tpu.memory_space<hbm>>) target(%arg9 : memref<128x128xf32, #tpu.memory_space<vmem>>) offsets(%dma_start3A_20 : memref<128xi32, #tpu.memory_space<vmem>>) semaphore(%arg12 : memref<!tpu.dma_semaphore, #tpu.memory_space<semaphore_mem>>)
      %scan3A = arith.constant 0 : i32
      %scan3A_24 = arith.constant 0 : i32
      %scan3A_25 = arith.constant 20 : i32
      %scan3A_26 = arith.addi %scan3A_24, %scan3A_25 : i32
      %scan3A_27 = arith.constant 1 : i32
      scf.for %scan3A_63 = %scan3A_24 to %scan3A_26 step %scan3A_27  : i32 {
        %mul3A_64 = arith.constant 2 : i32
        %mul3A_65 = arith.muli %mul3A_64, %scan3A_63 : i32
        %dma_wait3A = arith.constant 0 : i32
        %dma_wait3A_66 = tpu.memref_slice %arg7[%mul3A_65, %dma_wait3A] : memref<40x128xi32, #tpu.memory_space<vmem>> -> memref<1x128xi32, #tpu.memory_space<vmem>>
        %dma_wait3A_67 = tpu.memref_squeeze %dma_wait3A_66 : memref<1x128xi32, #tpu.memory_space<vmem>> -> memref<128xi32, #tpu.memory_space<vmem>>
        %dma_wait3A_68 = arith.constant 0 : i32
        %dma_wait3A_69 = arith.constant 0 : i32
        %dma_wait3A_70 = tpu.memref_slice %arg2[%dma_wait3A_68, %dma_wait3A_69] : memref<10000x128xf32, #tpu.memory_space<hbm>> -> memref<10000x128xf32, #tpu.memory_space<hbm>>
        tpu.wait_indirect_dma semaphore(%arg12 : memref<!tpu.dma_semaphore, #tpu.memory_space<semaphore_mem>>) src(%dma_wait3A_70 : memref<10000x128xf32, #tpu.memory_space<hbm>>) dst(%arg9 : memref<128x128xf32, #tpu.memory_space<vmem>>)
        %add3A_71 = arith.constant 1 : i32
        %add3A_72 = arith.addi %mul3A_65, %add3A_71 : i32
        %dma_start3A_73 = arith.constant 0 : i32
        %dma_start3A_74 = tpu.memref_slice %arg7[%add3A_72, %dma_start3A_73] : memref<40x128xi32, #tpu.memory_space<vmem>> -> memref<1x128xi32, #tpu.memory_space<vmem>>
        %dma_start3A_75 = tpu.memref_squeeze %dma_start3A_74 : memref<1x128xi32, #tpu.memory_space<vmem>> -> memref<128xi32, #tpu.memory_space<vmem>>
        %dma_start3A_76 = arith.constant 0 : i32
        %dma_start3A_77 = arith.constant 0 : i32
        %dma_start3A_78 = tpu.memref_slice %arg2[%dma_start3A_76, %dma_start3A_77] : memref<10000x128xf32, #tpu.memory_space<hbm>> -> memref<10000x128xf32, #tpu.memory_space<hbm>>
        tpu.enqueue_indirect_dma source(%dma_start3A_78 : memref<10000x128xf32, #tpu.memory_space<hbm>>) target(%arg10 : memref<128x128xf32, #tpu.memory_space<vmem>>) offsets(%dma_start3A_75 : memref<128xi32, #tpu.memory_space<vmem>>) semaphore(%arg13 : memref<!tpu.dma_semaphore, #tpu.memory_space<semaphore_mem>>)
        "tpu.region"() ({
          %run_scoped3A = tpu.sem_alloc : memref<!tpu.dma_semaphore, #tpu.memory_space<semaphore_mem>>
          %dma_start3A_95 = arith.constant 0 : i32
          %dma_start3A_96 = tpu.memref_slice %arg8[%mul3A_65, %dma_start3A_95] : memref<40x128xi32, #tpu.memory_space<vmem>> -> memref<1x128xi32, #tpu.memory_space<vmem>>
          %dma_start3A_97 = tpu.memref_squeeze %dma_start3A_96 : memref<1x128xi32, #tpu.memory_space<vmem>> -> memref<128xi32, #tpu.memory_space<vmem>>
          %dma_start3A_98 = arith.constant 0 : i32
          %dma_start3A_99 = arith.constant 0 : i32
          %dma_start3A_100 = tpu.memref_slice %arg11[%dma_start3A_98, %dma_start3A_99] : memref<10112x128xf32, #tpu.memory_space<vmem_shared>> -> memref<10112x128xf32, #tpu.memory_space<vmem_shared>>
          tpu.enqueue_indirect_dma source(%arg9 : memref<128x128xf32, #tpu.memory_space<vmem>>) target(%dma_start3A_100 : memref<10112x128xf32, #tpu.memory_space<vmem_shared>>) offsets(%dma_start3A_97 : memref<128xi32, #tpu.memory_space<vmem>>) semaphore(%run_scoped3A : memref<!tpu.dma_semaphore, #tpu.memory_space<semaphore_mem>>) {add = true}
          %dma_wait3A_101 = arith.constant 0 : i32
          %dma_wait3A_102 = tpu.memref_slice %arg8[%mul3A_65, %dma_wait3A_101] : memref<40x128xi32, #tpu.memory_space<vmem>> -> memref<1x128xi32, #tpu.memory_space<vmem>>
          %dma_wait3A_103 = tpu.memref_squeeze %dma_wait3A_102 : memref<1x128xi32, #tpu.memory_space<vmem>> -> memref<128xi32, #tpu.memory_space<vmem>>
          %dma_wait3A_104 = arith.constant 0 : i32
          %dma_wait3A_105 = arith.constant 0 : i32
          %dma_wait3A_106 = tpu.memref_slice %arg11[%dma_wait3A_104, %dma_wait3A_105] : memref<10112x128xf32, #tpu.memory_space<vmem_shared>> -> memref<10112x128xf32, #tpu.memory_space<vmem_shared>>
          tpu.wait_indirect_dma semaphore(%run_scoped3A : memref<!tpu.dma_semaphore, #tpu.memory_space<semaphore_mem>>) src(%arg9 : memref<128x128xf32, #tpu.memory_space<vmem>>) dst(%dma_wait3A_106 : memref<10112x128xf32, #tpu.memory_space<vmem_shared>>)
          tpu.yield
        }) : () -> ()
        %add3A_79 = arith.constant 1 : i32
        %add3A_80 = arith.addi %mul3A_65, %add3A_79 : i32
        %dma_wait3A_81 = arith.constant 0 : i32
        %dma_wait3A_82 = tpu.memref_slice %arg7[%add3A_80, %dma_wait3A_81] : memref<40x128xi32, #tpu.memory_space<vmem>> -> memref<1x128xi32, #tpu.memory_space<vmem>>
        %dma_wait3A_83 = tpu.memref_squeeze %dma_wait3A_82 : memref<1x128xi32, #tpu.memory_space<vmem>> -> memref<128xi32, #tpu.memory_space<vmem>>
        %dma_wait3A_84 = arith.constant 0 : i32
        %dma_wait3A_85 = arith.constant 0 : i32
        %dma_wait3A_86 = tpu.memref_slice %arg2[%dma_wait3A_84, %dma_wait3A_85] : memref<10000x128xf32, #tpu.memory_space<hbm>> -> memref<10000x128xf32, #tpu.memory_space<hbm>>
        tpu.wait_indirect_dma semaphore(%arg13 : memref<!tpu.dma_semaphore, #tpu.memory_space<semaphore_mem>>) src(%dma_wait3A_86 : memref<10000x128xf32, #tpu.memory_space<hbm>>) dst(%arg10 : memref<128x128xf32, #tpu.memory_space<vmem>>)
        %add3A_87 = arith.constant 2 : i32
        %add3A_88 = arith.addi %mul3A_65, %add3A_87 : i32
        %lt3A = arith.constant 40 : i32
        %lt3A_89 = arith.cmpi slt, %add3A_88, %lt3A : i32
        %convert_element_type3A_90 = arith.extui %lt3A_89 : i1 to i32
        %cond3A_91 = arith.constant 0 : i32
        %cond3A_92 = arith.cmpi ne, %convert_element_type3A_90, %cond3A_91 : i32
        scf.if %cond3A_92 {
          %add3A_95 = arith.constant 2 : i32
          %add3A_96 = arith.addi %mul3A_65, %add3A_95 : i32
          %dma_start3A_97 = arith.constant 0 : i32
          %dma_start3A_98 = tpu.memref_slice %arg7[%add3A_96, %dma_start3A_97] : memref<40x128xi32, #tpu.memory_space<vmem>> -> memref<1x128xi32, #tpu.memory_space<vmem>>
          %dma_start3A_99 = tpu.memref_squeeze %dma_start3A_98 : memref<1x128xi32, #tpu.memory_space<vmem>> -> memref<128xi32, #tpu.memory_space<vmem>>
          %dma_start3A_100 = arith.constant 0 : i32
          %dma_start3A_101 = arith.constant 0 : i32
          %dma_start3A_102 = tpu.memref_slice %arg2[%dma_start3A_100, %dma_start3A_101] : memref<10000x128xf32, #tpu.memory_space<hbm>> -> memref<10000x128xf32, #tpu.memory_space<hbm>>
          tpu.enqueue_indirect_dma source(%dma_start3A_102 : memref<10000x128xf32, #tpu.memory_space<hbm>>) target(%arg9 : memref<128x128xf32, #tpu.memory_space<vmem>>) offsets(%dma_start3A_99 : memref<128xi32, #tpu.memory_space<vmem>>) semaphore(%arg12 : memref<!tpu.dma_semaphore, #tpu.memory_space<semaphore_mem>>)
        } else {
        }
        %add3A_93 = arith.constant 1 : i32
        %add3A_94 = arith.addi %mul3A_65, %add3A_93 : i32
        "tpu.region"() ({
          %run_scoped3A = tpu.sem_alloc : memref<!tpu.dma_semaphore, #tpu.memory_space<semaphore_mem>>
          %dma_start3A_95 = arith.constant 0 : i32
          %dma_start3A_96 = tpu.memref_slice %arg8[%add3A_94, %dma_start3A_95] : memref<40x128xi32, #tpu.memory_space<vmem>> -> memref<1x128xi32, #tpu.memory_space<vmem>>
          %dma_start3A_97 = tpu.memref_squeeze %dma_start3A_96 : memref<1x128xi32, #tpu.memory_space<vmem>> -> memref<128xi32, #tpu.memory_space<vmem>>
          %dma_start3A_98 = arith.constant 0 : i32
          %dma_start3A_99 = arith.constant 0 : i32
          %dma_start3A_100 = tpu.memref_slice %arg11[%dma_start3A_98, %dma_start3A_99] : memref<10112x128xf32, #tpu.memory_space<vmem_shared>> -> memref<10112x128xf32, #tpu.memory_space<vmem_shared>>
          tpu.enqueue_indirect_dma source(%arg10 : memref<128x128xf32, #tpu.memory_space<vmem>>) target(%dma_start3A_100 : memref<10112x128xf32, #tpu.memory_space<vmem_shared>>) offsets(%dma_start3A_97 : memref<128xi32, #tpu.memory_space<vmem>>) semaphore(%run_scoped3A : memref<!tpu.dma_semaphore, #tpu.memory_space<semaphore_mem>>) {add = true}
          %dma_wait3A_101 = arith.constant 0 : i32
          %dma_wait3A_102 = tpu.memref_slice %arg8[%add3A_94, %dma_wait3A_101] : memref<40x128xi32, #tpu.memory_space<vmem>> -> memref<1x128xi32, #tpu.memory_space<vmem>>
          %dma_wait3A_103 = tpu.memref_squeeze %dma_wait3A_102 : memref<1x128xi32, #tpu.memory_space<vmem>> -> memref<128xi32, #tpu.memory_space<vmem>>
          %dma_wait3A_104 = arith.constant 0 : i32
          %dma_wait3A_105 = arith.constant 0 : i32
          %dma_wait3A_106 = tpu.memref_slice %arg11[%dma_wait3A_104, %dma_wait3A_105] : memref<10112x128xf32, #tpu.memory_space<vmem_shared>> -> memref<10112x128xf32, #tpu.memory_space<vmem_shared>>
          tpu.wait_indirect_dma semaphore(%run_scoped3A : memref<!tpu.dma_semaphore, #tpu.memory_space<semaphore_mem>>) src(%arg10 : memref<128x128xf32, #tpu.memory_space<vmem>>) dst(%dma_wait3A_106 : memref<10112x128xf32, #tpu.memory_space<vmem_shared>>)
          tpu.yield
        }) : () -> ()
      }
      %scan3A_28 = arith.constant 20 : i32
      %add3A_29 = arith.constant 1 : i32
      %add3A_30 = arith.addi %mul3A_13, %add3A_29 : i32
      "tpu.region"() ({
        %run_scoped3A = tpu.sem_alloc : memref<!tpu.dma_semaphore, #tpu.memory_space<semaphore_mem>>
        %dma_start3A_63 = arith.constant 0 : i32
        %dma_start3A_64 = arith.constant 0 : i32
        %dma_start3A_65 = tpu.memref_slice %arg3[%add3A_30, %dma_start3A_63, %dma_start3A_64] : memref<64x40x128xi32, #tpu.memory_space<hbm>> -> memref<1x40x128xi32, #tpu.memory_space<hbm>>
        %dma_start3A_66 = tpu.memref_squeeze %dma_start3A_65 : memref<1x40x128xi32, #tpu.memory_space<hbm>> -> memref<40x128xi32, #tpu.memory_space<hbm>>
        %dma_start3A_67 = arith.constant 0 : i32
        %dma_start3A_68 = arith.constant 0 : i32
        %dma_start3A_69 = tpu.memref_slice %arg3[%add3A_30, %dma_start3A_67, %dma_start3A_68] : memref<64x40x128xi32, #tpu.memory_space<hbm>> -> memref<1x40x128xi32, #tpu.memory_space<hbm>>
        %dma_start3A_70 = tpu.memref_squeeze %dma_start3A_69 : memref<1x40x128xi32, #tpu.memory_space<hbm>> -> memref<40x128xi32, #tpu.memory_space<hbm>>
        tpu.enqueue_dma source(%dma_start3A_70 : memref<40x128xi32, #tpu.memory_space<hbm>>) target(%arg7 : memref<40x128xi32, #tpu.memory_space<vmem>>) target_semaphore(%run_scoped3A : memref<!tpu.dma_semaphore, #tpu.memory_space<semaphore_mem>>)
        %dma_wait3A = arith.constant 0 : i32
        %dma_wait3A_71 = arith.constant 0 : i32
        %dma_wait3A_72 = tpu.memref_slice %arg3[%add3A_30, %dma_wait3A, %dma_wait3A_71] : memref<64x40x128xi32, #tpu.memory_space<hbm>> -> memref<1x40x128xi32, #tpu.memory_space<hbm>>
        %dma_wait3A_73 = tpu.memref_squeeze %dma_wait3A_72 : memref<1x40x128xi32, #tpu.memory_space<hbm>> -> memref<40x128xi32, #tpu.memory_space<hbm>>
        %dma_wait3A_74 = arith.constant 0 : i32
        %dma_wait3A_75 = arith.constant 0 : i32
        %dma_wait3A_76 = tpu.memref_slice %arg3[%add3A_30, %dma_wait3A_74, %dma_wait3A_75] : memref<64x40x128xi32, #tpu.memory_space<hbm>> -> memref<1x40x128xi32, #tpu.memory_space<hbm>>
        %dma_wait3A_77 = tpu.memref_squeeze %dma_wait3A_76 : memref<1x40x128xi32, #tpu.memory_space<hbm>> -> memref<40x128xi32, #tpu.memory_space<hbm>>
        tpu.wait_dma2 semaphore(%run_scoped3A : memref<!tpu.dma_semaphore, #tpu.memory_space<semaphore_mem>>) src(%dma_wait3A_77 : memref<40x128xi32, #tpu.memory_space<hbm>>) dst(%arg7 : memref<40x128xi32, #tpu.memory_space<vmem>>)
        tpu.yield
      }) : () -> ()
      %add3A_31 = arith.constant 1 : i32
      %add3A_32 = arith.addi %mul3A_13, %add3A_31 : i32
      "tpu.region"() ({
        %run_scoped3A = tpu.sem_alloc : memref<!tpu.dma_semaphore, #tpu.memory_space<semaphore_mem>>
        %dma_start3A_63 = arith.constant 0 : i32
        %dma_start3A_64 = arith.constant 0 : i32
        %dma_start3A_65 = tpu.memref_slice %arg4[%add3A_32, %dma_start3A_63, %dma_start3A_64] : memref<64x40x128xi32, #tpu.memory_space<hbm>> -> memref<1x40x128xi32, #tpu.memory_space<hbm>>
        %dma_start3A_66 = tpu.memref_squeeze %dma_start3A_65 : memref<1x40x128xi32, #tpu.memory_space<hbm>> -> memref<40x128xi32, #tpu.memory_space<hbm>>
        %dma_start3A_67 = arith.constant 0 : i32
        %dma_start3A_68 = arith.constant 0 : i32
        %dma_start3A_69 = tpu.memref_slice %arg4[%add3A_32, %dma_start3A_67, %dma_start3A_68] : memref<64x40x128xi32, #tpu.memory_space<hbm>> -> memref<1x40x128xi32, #tpu.memory_space<hbm>>
        %dma_start3A_70 = tpu.memref_squeeze %dma_start3A_69 : memref<1x40x128xi32, #tpu.memory_space<hbm>> -> memref<40x128xi32, #tpu.memory_space<hbm>>
        tpu.enqueue_dma source(%dma_start3A_70 : memref<40x128xi32, #tpu.memory_space<hbm>>) target(%arg8 : memref<40x128xi32, #tpu.memory_space<vmem>>) target_semaphore(%run_scoped3A : memref<!tpu.dma_semaphore, #tpu.memory_space<semaphore_mem>>)
        %dma_wait3A = arith.constant 0 : i32
        %dma_wait3A_71 = arith.constant 0 : i32
        %dma_wait3A_72 = tpu.memref_slice %arg4[%add3A_32, %dma_wait3A, %dma_wait3A_71] : memref<64x40x128xi32, #tpu.memory_space<hbm>> -> memref<1x40x128xi32, #tpu.memory_space<hbm>>
        %dma_wait3A_73 = tpu.memref_squeeze %dma_wait3A_72 : memref<1x40x128xi32, #tpu.memory_space<hbm>> -> memref<40x128xi32, #tpu.memory_space<hbm>>
        %dma_wait3A_74 = arith.constant 0 : i32
        %dma_wait3A_75 = arith.constant 0 : i32
        %dma_wait3A_76 = tpu.memref_slice %arg4[%add3A_32, %dma_wait3A_74, %dma_wait3A_75] : memref<64x40x128xi32, #tpu.memory_space<hbm>> -> memref<1x40x128xi32, #tpu.memory_space<hbm>>
        %dma_wait3A_77 = tpu.memref_squeeze %dma_wait3A_76 : memref<1x40x128xi32, #tpu.memory_space<hbm>> -> memref<40x128xi32, #tpu.memory_space<hbm>>
        tpu.wait_dma2 semaphore(%run_scoped3A : memref<!tpu.dma_semaphore, #tpu.memory_space<semaphore_mem>>) src(%dma_wait3A_77 : memref<40x128xi32, #tpu.memory_space<hbm>>) dst(%arg8 : memref<40x128xi32, #tpu.memory_space<vmem>>)
        tpu.yield
      }) : () -> ()
      %dma_start3A_33 = arith.constant 0 : i32
      %dma_start3A_34 = arith.constant 0 : i32
      %dma_start3A_35 = tpu.memref_slice %arg7[%dma_start3A_33, %dma_start3A_34] : memref<40x128xi32, #tpu.memory_space<vmem>> -> memref<1x128xi32, #tpu.memory_space<vmem>>
      %dma_start3A_36 = tpu.memref_squeeze %dma_start3A_35 : memref<1x128xi32, #tpu.memory_space<vmem>> -> memref<128xi32, #tpu.memory_space<vmem>>
      %dma_start3A_37 = arith.constant 0 : i32
      %dma_start3A_38 = arith.constant 0 : i32
      %dma_start3A_39 = tpu.memref_slice %arg2[%dma_start3A_37, %dma_start3A_38] : memref<10000x128xf32, #tpu.memory_space<hbm>> -> memref<10000x128xf32, #tpu.memory_space<hbm>>
      tpu.enqueue_indirect_dma source(%dma_start3A_39 : memref<10000x128xf32, #tpu.memory_space<hbm>>) target(%arg9 : memref<128x128xf32, #tpu.memory_space<vmem>>) offsets(%dma_start3A_36 : memref<128xi32, #tpu.memory_space<vmem>>) semaphore(%arg12 : memref<!tpu.dma_semaphore, #tpu.memory_space<semaphore_mem>>)
      %scan3A_40 = arith.constant 0 : i32
      %scan3A_41 = arith.constant 0 : i32
      %scan3A_42 = arith.constant 20 : i32
      %scan3A_43 = arith.addi %scan3A_41, %scan3A_42 : i32
      %scan3A_44 = arith.constant 1 : i32
      scf.for %scan3A_63 = %scan3A_41 to %scan3A_43 step %scan3A_44  : i32 {
        %mul3A_64 = arith.constant 2 : i32
        %mul3A_65 = arith.muli %mul3A_64, %scan3A_63 : i32
        %dma_wait3A = arith.constant 0 : i32
        %dma_wait3A_66 = tpu.memref_slice %arg7[%mul3A_65, %dma_wait3A] : memref<40x128xi32, #tpu.memory_space<vmem>> -> memref<1x128xi32, #tpu.memory_space<vmem>>
        %dma_wait3A_67 = tpu.memref_squeeze %dma_wait3A_66 : memref<1x128xi32, #tpu.memory_space<vmem>> -> memref<128xi32, #tpu.memory_space<vmem>>
        %dma_wait3A_68 = arith.constant 0 : i32
        %dma_wait3A_69 = arith.constant 0 : i32
        %dma_wait3A_70 = tpu.memref_slice %arg2[%dma_wait3A_68, %dma_wait3A_69] : memref<10000x128xf32, #tpu.memory_space<hbm>> -> memref<10000x128xf32, #tpu.memory_space<hbm>>
        tpu.wait_indirect_dma semaphore(%arg12 : memref<!tpu.dma_semaphore, #tpu.memory_space<semaphore_mem>>) src(%dma_wait3A_70 : memref<10000x128xf32, #tpu.memory_space<hbm>>) dst(%arg9 : memref<128x128xf32, #tpu.memory_space<vmem>>)
        %add3A_71 = arith.constant 1 : i32
        %add3A_72 = arith.addi %mul3A_65, %add3A_71 : i32
        %dma_start3A_73 = arith.constant 0 : i32
        %dma_start3A_74 = tpu.memref_slice %arg7[%add3A_72, %dma_start3A_73] : memref<40x128xi32, #tpu.memory_space<vmem>> -> memref<1x128xi32, #tpu.memory_space<vmem>>
        %dma_start3A_75 = tpu.memref_squeeze %dma_start3A_74 : memref<1x128xi32, #tpu.memory_space<vmem>> -> memref<128xi32, #tpu.memory_space<vmem>>
        %dma_start3A_76 = arith.constant 0 : i32
        %dma_start3A_77 = arith.constant 0 : i32
        %dma_start3A_78 = tpu.memref_slice %arg2[%dma_start3A_76, %dma_start3A_77] : memref<10000x128xf32, #tpu.memory_space<hbm>> -> memref<10000x128xf32, #tpu.memory_space<hbm>>
        tpu.enqueue_indirect_dma source(%dma_start3A_78 : memref<10000x128xf32, #tpu.memory_space<hbm>>) target(%arg10 : memref<128x128xf32, #tpu.memory_space<vmem>>) offsets(%dma_start3A_75 : memref<128xi32, #tpu.memory_space<vmem>>) semaphore(%arg13 : memref<!tpu.dma_semaphore, #tpu.memory_space<semaphore_mem>>)
        "tpu.region"() ({
          %run_scoped3A = tpu.sem_alloc : memref<!tpu.dma_semaphore, #tpu.memory_space<semaphore_mem>>
          %dma_start3A_95 = arith.constant 0 : i32
          %dma_start3A_96 = tpu.memref_slice %arg8[%mul3A_65, %dma_start3A_95] : memref<40x128xi32, #tpu.memory_space<vmem>> -> memref<1x128xi32, #tpu.memory_space<vmem>>
          %dma_start3A_97 = tpu.memref_squeeze %dma_start3A_96 : memref<1x128xi32, #tpu.memory_space<vmem>> -> memref<128xi32, #tpu.memory_space<vmem>>
          %dma_start3A_98 = arith.constant 0 : i32
          %dma_start3A_99 = arith.constant 0 : i32
          %dma_start3A_100 = tpu.memref_slice %arg11[%dma_start3A_98, %dma_start3A_99] : memref<10112x128xf32, #tpu.memory_space<vmem_shared>> -> memref<10112x128xf32, #tpu.memory_space<vmem_shared>>
          tpu.enqueue_indirect_dma source(%arg9 : memref<128x128xf32, #tpu.memory_space<vmem>>) target(%dma_start3A_100 : memref<10112x128xf32, #tpu.memory_space<vmem_shared>>) offsets(%dma_start3A_97 : memref<128xi32, #tpu.memory_space<vmem>>) semaphore(%run_scoped3A : memref<!tpu.dma_semaphore, #tpu.memory_space<semaphore_mem>>) {add = true}
          %dma_wait3A_101 = arith.constant 0 : i32
          %dma_wait3A_102 = tpu.memref_slice %arg8[%mul3A_65, %dma_wait3A_101] : memref<40x128xi32, #tpu.memory_space<vmem>> -> memref<1x128xi32, #tpu.memory_space<vmem>>
          %dma_wait3A_103 = tpu.memref_squeeze %dma_wait3A_102 : memref<1x128xi32, #tpu.memory_space<vmem>> -> memref<128xi32, #tpu.memory_space<vmem>>
          %dma_wait3A_104 = arith.constant 0 : i32
          %dma_wait3A_105 = arith.constant 0 : i32
          %dma_wait3A_106 = tpu.memref_slice %arg11[%dma_wait3A_104, %dma_wait3A_105] : memref<10112x128xf32, #tpu.memory_space<vmem_shared>> -> memref<10112x128xf32, #tpu.memory_space<vmem_shared>>
          tpu.wait_indirect_dma semaphore(%run_scoped3A : memref<!tpu.dma_semaphore, #tpu.memory_space<semaphore_mem>>) src(%arg9 : memref<128x128xf32, #tpu.memory_space<vmem>>) dst(%dma_wait3A_106 : memref<10112x128xf32, #tpu.memory_space<vmem_shared>>)
          tpu.yield
        }) : () -> ()
        %add3A_79 = arith.constant 1 : i32
        %add3A_80 = arith.addi %mul3A_65, %add3A_79 : i32
        %dma_wait3A_81 = arith.constant 0 : i32
        %dma_wait3A_82 = tpu.memref_slice %arg7[%add3A_80, %dma_wait3A_81] : memref<40x128xi32, #tpu.memory_space<vmem>> -> memref<1x128xi32, #tpu.memory_space<vmem>>
        %dma_wait3A_83 = tpu.memref_squeeze %dma_wait3A_82 : memref<1x128xi32, #tpu.memory_space<vmem>> -> memref<128xi32, #tpu.memory_space<vmem>>
        %dma_wait3A_84 = arith.constant 0 : i32
        %dma_wait3A_85 = arith.constant 0 : i32
        %dma_wait3A_86 = tpu.memref_slice %arg2[%dma_wait3A_84, %dma_wait3A_85] : memref<10000x128xf32, #tpu.memory_space<hbm>> -> memref<10000x128xf32, #tpu.memory_space<hbm>>
        tpu.wait_indirect_dma semaphore(%arg13 : memref<!tpu.dma_semaphore, #tpu.memory_space<semaphore_mem>>) src(%dma_wait3A_86 : memref<10000x128xf32, #tpu.memory_space<hbm>>) dst(%arg10 : memref<128x128xf32, #tpu.memory_space<vmem>>)
        %add3A_87 = arith.constant 2 : i32
        %add3A_88 = arith.addi %mul3A_65, %add3A_87 : i32
        %lt3A = arith.constant 40 : i32
        %lt3A_89 = arith.cmpi slt, %add3A_88, %lt3A : i32
        %convert_element_type3A_90 = arith.extui %lt3A_89 : i1 to i32
        %cond3A_91 = arith.constant 0 : i32
        %cond3A_92 = arith.cmpi ne, %convert_element_type3A_90, %cond3A_91 : i32
        scf.if %cond3A_92 {
          %add3A_95 = arith.constant 2 : i32
          %add3A_96 = arith.addi %mul3A_65, %add3A_95 : i32
          %dma_start3A_97 = arith.constant 0 : i32
          %dma_start3A_98 = tpu.memref_slice %arg7[%add3A_96, %dma_start3A_97] : memref<40x128xi32, #tpu.memory_space<vmem>> -> memref<1x128xi32, #tpu.memory_space<vmem>>
          %dma_start3A_99 = tpu.memref_squeeze %dma_start3A_98 : memref<1x128xi32, #tpu.memory_space<vmem>> -> memref<128xi32, #tpu.memory_space<vmem>>
          %dma_start3A_100 = arith.constant 0 : i32
          %dma_start3A_101 = arith.constant 0 : i32
          %dma_start3A_102 = tpu.memref_slice %arg2[%dma_start3A_100, %dma_start3A_101] : memref<10000x128xf32, #tpu.memory_space<hbm>> -> memref<10000x128xf32, #tpu.memory_space<hbm>>
          tpu.enqueue_indirect_dma source(%dma_start3A_102 : memref<10000x128xf32, #tpu.memory_space<hbm>>) target(%arg9 : memref<128x128xf32, #tpu.memory_space<vmem>>) offsets(%dma_start3A_99 : memref<128xi32, #tpu.memory_space<vmem>>) semaphore(%arg12 : memref<!tpu.dma_semaphore, #tpu.memory_space<semaphore_mem>>)
        } else {
        }
        %add3A_93 = arith.constant 1 : i32
        %add3A_94 = arith.addi %mul3A_65, %add3A_93 : i32
        "tpu.region"() ({
          %run_scoped3A = tpu.sem_alloc : memref<!tpu.dma_semaphore, #tpu.memory_space<semaphore_mem>>
          %dma_start3A_95 = arith.constant 0 : i32
          %dma_start3A_96 = tpu.memref_slice %arg8[%add3A_94, %dma_start3A_95] : memref<40x128xi32, #tpu.memory_space<vmem>> -> memref<1x128xi32, #tpu.memory_space<vmem>>
          %dma_start3A_97 = tpu.memref_squeeze %dma_start3A_96 : memref<1x128xi32, #tpu.memory_space<vmem>> -> memref<128xi32, #tpu.memory_space<vmem>>
          %dma_start3A_98 = arith.constant 0 : i32
          %dma_start3A_99 = arith.constant 0 : i32
          %dma_start3A_100 = tpu.memref_slice %arg11[%dma_start3A_98, %dma_start3A_99] : memref<10112x128xf32, #tpu.memory_space<vmem_shared>> -> memref<10112x128xf32, #tpu.memory_space<vmem_shared>>
          tpu.enqueue_indirect_dma source(%arg10 : memref<128x128xf32, #tpu.memory_space<vmem>>) target(%dma_start3A_100 : memref<10112x128xf32, #tpu.memory_space<vmem_shared>>) offsets(%dma_start3A_97 : memref<128xi32, #tpu.memory_space<vmem>>) semaphore(%run_scoped3A : memref<!tpu.dma_semaphore, #tpu.memory_space<semaphore_mem>>) {add = true}
          %dma_wait3A_101 = arith.constant 0 : i32
          %dma_wait3A_102 = tpu.memref_slice %arg8[%add3A_94, %dma_wait3A_101] : memref<40x128xi32, #tpu.memory_space<vmem>> -> memref<1x128xi32, #tpu.memory_space<vmem>>
          %dma_wait3A_103 = tpu.memref_squeeze %dma_wait3A_102 : memref<1x128xi32, #tpu.memory_space<vmem>> -> memref<128xi32, #tpu.memory_space<vmem>>
          %dma_wait3A_104 = arith.constant 0 : i32
          %dma_wait3A_105 = arith.constant 0 : i32
          %dma_wait3A_106 = tpu.memref_slice %arg11[%dma_wait3A_104, %dma_wait3A_105] : memref<10112x128xf32, #tpu.memory_space<vmem_shared>> -> memref<10112x128xf32, #tpu.memory_space<vmem_shared>>
          tpu.wait_indirect_dma semaphore(%run_scoped3A : memref<!tpu.dma_semaphore, #tpu.memory_space<semaphore_mem>>) src(%arg10 : memref<128x128xf32, #tpu.memory_space<vmem>>) dst(%dma_wait3A_106 : memref<10112x128xf32, #tpu.memory_space<vmem_shared>>)
          tpu.yield
        }) : () -> ()
      }
      %scan3A_45 = arith.constant 20 : i32
      %add3A_46 = arith.constant 2 : i32
      %add3A_47 = arith.addi %mul3A_13, %add3A_46 : i32
      "tpu.region"() ({
        %run_scoped3A = tpu.sem_alloc : memref<!tpu.dma_semaphore, #tpu.memory_space<semaphore_mem>>
        %dma_start3A_63 = arith.constant 0 : i32
        %dma_start3A_64 = arith.constant 0 : i32
        %dma_start3A_65 = tpu.memref_slice %arg3[%add3A_47, %dma_start3A_63, %dma_start3A_64] : memref<64x40x128xi32, #tpu.memory_space<hbm>> -> memref<1x40x128xi32, #tpu.memory_space<hbm>>
        %dma_start3A_66 = tpu.memref_squeeze %dma_start3A_65 : memref<1x40x128xi32, #tpu.memory_space<hbm>> -> memref<40x128xi32, #tpu.memory_space<hbm>>
        %dma_start3A_67 = arith.constant 0 : i32
        %dma_start3A_68 = arith.constant 0 : i32
        %dma_start3A_69 = tpu.memref_slice %arg3[%add3A_47, %dma_start3A_67, %dma_start3A_68] : memref<64x40x128xi32, #tpu.memory_space<hbm>> -> memref<1x40x128xi32, #tpu.memory_space<hbm>>
        %dma_start3A_70 = tpu.memref_squeeze %dma_start3A_69 : memref<1x40x128xi32, #tpu.memory_space<hbm>> -> memref<40x128xi32, #tpu.memory_space<hbm>>
        tpu.enqueue_dma source(%dma_start3A_70 : memref<40x128xi32, #tpu.memory_space<hbm>>) target(%arg7 : memref<40x128xi32, #tpu.memory_space<vmem>>) target_semaphore(%run_scoped3A : memref<!tpu.dma_semaphore, #tpu.memory_space<semaphore_mem>>)
        %dma_wait3A = arith.constant 0 : i32
        %dma_wait3A_71 = arith.constant 0 : i32
        %dma_wait3A_72 = tpu.memref_slice %arg3[%add3A_47, %dma_wait3A, %dma_wait3A_71] : memref<64x40x128xi32, #tpu.memory_space<hbm>> -> memref<1x40x128xi32, #tpu.memory_space<hbm>>
        %dma_wait3A_73 = tpu.memref_squeeze %dma_wait3A_72 : memref<1x40x128xi32, #tpu.memory_space<hbm>> -> memref<40x128xi32, #tpu.memory_space<hbm>>
        %dma_wait3A_74 = arith.constant 0 : i32
        %dma_wait3A_75 = arith.constant 0 : i32
        %dma_wait3A_76 = tpu.memref_slice %arg3[%add3A_47, %dma_wait3A_74, %dma_wait3A_75] : memref<64x40x128xi32, #tpu.memory_space<hbm>> -> memref<1x40x128xi32, #tpu.memory_space<hbm>>
        %dma_wait3A_77 = tpu.memref_squeeze %dma_wait3A_76 : memref<1x40x128xi32, #tpu.memory_space<hbm>> -> memref<40x128xi32, #tpu.memory_space<hbm>>
        tpu.wait_dma2 semaphore(%run_scoped3A : memref<!tpu.dma_semaphore, #tpu.memory_space<semaphore_mem>>) src(%dma_wait3A_77 : memref<40x128xi32, #tpu.memory_space<hbm>>) dst(%arg7 : memref<40x128xi32, #tpu.memory_space<vmem>>)
        tpu.yield
      }) : () -> ()
      %add3A_48 = arith.constant 2 : i32
      %add3A_49 = arith.addi %mul3A_13, %add3A_48 : i32
      "tpu.region"() ({
        %run_scoped3A = tpu.sem_alloc : memref<!tpu.dma_semaphore, #tpu.memory_space<semaphore_mem>>
        %dma_start3A_63 = arith.constant 0 : i32
        %dma_start3A_64 = arith.constant 0 : i32
        %dma_start3A_65 = tpu.memref_slice %arg4[%add3A_49, %dma_start3A_63, %dma_start3A_64] : memref<64x40x128xi32, #tpu.memory_space<hbm>> -> memref<1x40x128xi32, #tpu.memory_space<hbm>>
        %dma_start3A_66 = tpu.memref_squeeze %dma_start3A_65 : memref<1x40x128xi32, #tpu.memory_space<hbm>> -> memref<40x128xi32, #tpu.memory_space<hbm>>
        %dma_start3A_67 = arith.constant 0 : i32
        %dma_start3A_68 = arith.constant 0 : i32
        %dma_start3A_69 = tpu.memref_slice %arg4[%add3A_49, %dma_start3A_67, %dma_start3A_68] : memref<64x40x128xi32, #tpu.memory_space<hbm>> -> memref<1x40x128xi32, #tpu.memory_space<hbm>>
        %dma_start3A_70 = tpu.memref_squeeze %dma_start3A_69 : memref<1x40x128xi32, #tpu.memory_space<hbm>> -> memref<40x128xi32, #tpu.memory_space<hbm>>
        tpu.enqueue_dma source(%dma_start3A_70 : memref<40x128xi32, #tpu.memory_space<hbm>>) target(%arg8 : memref<40x128xi32, #tpu.memory_space<vmem>>) target_semaphore(%run_scoped3A : memref<!tpu.dma_semaphore, #tpu.memory_space<semaphore_mem>>)
        %dma_wait3A = arith.constant 0 : i32
        %dma_wait3A_71 = arith.constant 0 : i32
        %dma_wait3A_72 = tpu.memref_slice %arg4[%add3A_49, %dma_wait3A, %dma_wait3A_71] : memref<64x40x128xi32, #tpu.memory_space<hbm>> -> memref<1x40x128xi32, #tpu.memory_space<hbm>>
        %dma_wait3A_73 = tpu.memref_squeeze %dma_wait3A_72 : memref<1x40x128xi32, #tpu.memory_space<hbm>> -> memref<40x128xi32, #tpu.memory_space<hbm>>
        %dma_wait3A_74 = arith.constant 0 : i32
        %dma_wait3A_75 = arith.constant 0 : i32
        %dma_wait3A_76 = tpu.memref_slice %arg4[%add3A_49, %dma_wait3A_74, %dma_wait3A_75] : memref<64x40x128xi32, #tpu.memory_space<hbm>> -> memref<1x40x128xi32, #tpu.memory_space<hbm>>
        %dma_wait3A_77 = tpu.memref_squeeze %dma_wait3A_76 : memref<1x40x128xi32, #tpu.memory_space<hbm>> -> memref<40x128xi32, #tpu.memory_space<hbm>>
        tpu.wait_dma2 semaphore(%run_scoped3A : memref<!tpu.dma_semaphore, #tpu.memory_space<semaphore_mem>>) src(%dma_wait3A_77 : memref<40x128xi32, #tpu.memory_space<hbm>>) dst(%arg8 : memref<40x128xi32, #tpu.memory_space<vmem>>)
        tpu.yield
      }) : () -> ()
      %dma_start3A_50 = arith.constant 0 : i32
      %dma_start3A_51 = arith.constant 0 : i32
      %dma_start3A_52 = tpu.memref_slice %arg7[%dma_start3A_50, %dma_start3A_51] : memref<40x128xi32, #tpu.memory_space<vmem>> -> memref<1x128xi32, #tpu.memory_space<vmem>>
      %dma_start3A_53 = tpu.memref_squeeze %dma_start3A_52 : memref<1x128xi32, #tpu.memory_space<vmem>> -> memref<128xi32, #tpu.memory_space<vmem>>
      %dma_start3A_54 = arith.constant 0 : i32
      %dma_start3A_55 = arith.constant 0 : i32
      %dma_start3A_56 = tpu.memref_slice %arg2[%dma_start3A_54, %dma_start3A_55] : memref<10000x128xf32, #tpu.memory_space<hbm>> -> memref<10000x128xf32, #tpu.memory_space<hbm>>
      tpu.enqueue_indirect_dma source(%dma_start3A_56 : memref<10000x128xf32, #tpu.memory_space<hbm>>) target(%arg9 : memref<128x128xf32, #tpu.memory_space<vmem>>) offsets(%dma_start3A_53 : memref<128xi32, #tpu.memory_space<vmem>>) semaphore(%arg12 : memref<!tpu.dma_semaphore, #tpu.memory_space<semaphore_mem>>)
      %scan3A_57 = arith.constant 0 : i32
      %scan3A_58 = arith.constant 0 : i32
      %scan3A_59 = arith.constant 20 : i32
      %scan3A_60 = arith.addi %scan3A_58, %scan3A_59 : i32
      %scan3A_61 = arith.constant 1 : i32
      scf.for %scan3A_63 = %scan3A_58 to %scan3A_60 step %scan3A_61  : i32 {
        %mul3A_64 = arith.constant 2 : i32
        %mul3A_65 = arith.muli %mul3A_64, %scan3A_63 : i32
        %dma_wait3A = arith.constant 0 : i32
        %dma_wait3A_66 = tpu.memref_slice %arg7[%mul3A_65, %dma_wait3A] : memref<40x128xi32, #tpu.memory_space<vmem>> -> memref<1x128xi32, #tpu.memory_space<vmem>>
        %dma_wait3A_67 = tpu.memref_squeeze %dma_wait3A_66 : memref<1x128xi32, #tpu.memory_space<vmem>> -> memref<128xi32, #tpu.memory_space<vmem>>
        %dma_wait3A_68 = arith.constant 0 : i32
        %dma_wait3A_69 = arith.constant 0 : i32
        %dma_wait3A_70 = tpu.memref_slice %arg2[%dma_wait3A_68, %dma_wait3A_69] : memref<10000x128xf32, #tpu.memory_space<hbm>> -> memref<10000x128xf32, #tpu.memory_space<hbm>>
        tpu.wait_indirect_dma semaphore(%arg12 : memref<!tpu.dma_semaphore, #tpu.memory_space<semaphore_mem>>) src(%dma_wait3A_70 : memref<10000x128xf32, #tpu.memory_space<hbm>>) dst(%arg9 : memref<128x128xf32, #tpu.memory_space<vmem>>)
        %add3A_71 = arith.constant 1 : i32
        %add3A_72 = arith.addi %mul3A_65, %add3A_71 : i32
        %dma_start3A_73 = arith.constant 0 : i32
        %dma_start3A_74 = tpu.memref_slice %arg7[%add3A_72, %dma_start3A_73] : memref<40x128xi32, #tpu.memory_space<vmem>> -> memref<1x128xi32, #tpu.memory_space<vmem>>
        %dma_start3A_75 = tpu.memref_squeeze %dma_start3A_74 : memref<1x128xi32, #tpu.memory_space<vmem>> -> memref<128xi32, #tpu.memory_space<vmem>>
        %dma_start3A_76 = arith.constant 0 : i32
        %dma_start3A_77 = arith.constant 0 : i32
        %dma_start3A_78 = tpu.memref_slice %arg2[%dma_start3A_76, %dma_start3A_77] : memref<10000x128xf32, #tpu.memory_space<hbm>> -> memref<10000x128xf32, #tpu.memory_space<hbm>>
        tpu.enqueue_indirect_dma source(%dma_start3A_78 : memref<10000x128xf32, #tpu.memory_space<hbm>>) target(%arg10 : memref<128x128xf32, #tpu.memory_space<vmem>>) offsets(%dma_start3A_75 : memref<128xi32, #tpu.memory_space<vmem>>) semaphore(%arg13 : memref<!tpu.dma_semaphore, #tpu.memory_space<semaphore_mem>>)
        "tpu.region"() ({
          %run_scoped3A = tpu.sem_alloc : memref<!tpu.dma_semaphore, #tpu.memory_space<semaphore_mem>>
          %dma_start3A_95 = arith.constant 0 : i32
          %dma_start3A_96 = tpu.memref_slice %arg8[%mul3A_65, %dma_start3A_95] : memref<40x128xi32, #tpu.memory_space<vmem>> -> memref<1x128xi32, #tpu.memory_space<vmem>>
          %dma_start3A_97 = tpu.memref_squeeze %dma_start3A_96 : memref<1x128xi32, #tpu.memory_space<vmem>> -> memref<128xi32, #tpu.memory_space<vmem>>
          %dma_start3A_98 = arith.constant 0 : i32
          %dma_start3A_99 = arith.constant 0 : i32
          %dma_start3A_100 = tpu.memref_slice %arg11[%dma_start3A_98, %dma_start3A_99] : memref<10112x128xf32, #tpu.memory_space<vmem_shared>> -> memref<10112x128xf32, #tpu.memory_space<vmem_shared>>
          tpu.enqueue_indirect_dma source(%arg9 : memref<128x128xf32, #tpu.memory_space<vmem>>) target(%dma_start3A_100 : memref<10112x128xf32, #tpu.memory_space<vmem_shared>>) offsets(%dma_start3A_97 : memref<128xi32, #tpu.memory_space<vmem>>) semaphore(%run_scoped3A : memref<!tpu.dma_semaphore, #tpu.memory_space<semaphore_mem>>) {add = true}
          %dma_wait3A_101 = arith.constant 0 : i32
          %dma_wait3A_102 = tpu.memref_slice %arg8[%mul3A_65, %dma_wait3A_101] : memref<40x128xi32, #tpu.memory_space<vmem>> -> memref<1x128xi32, #tpu.memory_space<vmem>>
          %dma_wait3A_103 = tpu.memref_squeeze %dma_wait3A_102 : memref<1x128xi32, #tpu.memory_space<vmem>> -> memref<128xi32, #tpu.memory_space<vmem>>
          %dma_wait3A_104 = arith.constant 0 : i32
          %dma_wait3A_105 = arith.constant 0 : i32
          %dma_wait3A_106 = tpu.memref_slice %arg11[%dma_wait3A_104, %dma_wait3A_105] : memref<10112x128xf32, #tpu.memory_space<vmem_shared>> -> memref<10112x128xf32, #tpu.memory_space<vmem_shared>>
          tpu.wait_indirect_dma semaphore(%run_scoped3A : memref<!tpu.dma_semaphore, #tpu.memory_space<semaphore_mem>>) src(%arg9 : memref<128x128xf32, #tpu.memory_space<vmem>>) dst(%dma_wait3A_106 : memref<10112x128xf32, #tpu.memory_space<vmem_shared>>)
          tpu.yield
        }) : () -> ()
        %add3A_79 = arith.constant 1 : i32
        %add3A_80 = arith.addi %mul3A_65, %add3A_79 : i32
        %dma_wait3A_81 = arith.constant 0 : i32
        %dma_wait3A_82 = tpu.memref_slice %arg7[%add3A_80, %dma_wait3A_81] : memref<40x128xi32, #tpu.memory_space<vmem>> -> memref<1x128xi32, #tpu.memory_space<vmem>>
        %dma_wait3A_83 = tpu.memref_squeeze %dma_wait3A_82 : memref<1x128xi32, #tpu.memory_space<vmem>> -> memref<128xi32, #tpu.memory_space<vmem>>
        %dma_wait3A_84 = arith.constant 0 : i32
        %dma_wait3A_85 = arith.constant 0 : i32
        %dma_wait3A_86 = tpu.memref_slice %arg2[%dma_wait3A_84, %dma_wait3A_85] : memref<10000x128xf32, #tpu.memory_space<hbm>> -> memref<10000x128xf32, #tpu.memory_space<hbm>>
        tpu.wait_indirect_dma semaphore(%arg13 : memref<!tpu.dma_semaphore, #tpu.memory_space<semaphore_mem>>) src(%dma_wait3A_86 : memref<10000x128xf32, #tpu.memory_space<hbm>>) dst(%arg10 : memref<128x128xf32, #tpu.memory_space<vmem>>)
        %add3A_87 = arith.constant 2 : i32
        %add3A_88 = arith.addi %mul3A_65, %add3A_87 : i32
        %lt3A = arith.constant 40 : i32
        %lt3A_89 = arith.cmpi slt, %add3A_88, %lt3A : i32
        %convert_element_type3A_90 = arith.extui %lt3A_89 : i1 to i32
        %cond3A_91 = arith.constant 0 : i32
        %cond3A_92 = arith.cmpi ne, %convert_element_type3A_90, %cond3A_91 : i32
        scf.if %cond3A_92 {
          %add3A_95 = arith.constant 2 : i32
          %add3A_96 = arith.addi %mul3A_65, %add3A_95 : i32
          %dma_start3A_97 = arith.constant 0 : i32
          %dma_start3A_98 = tpu.memref_slice %arg7[%add3A_96, %dma_start3A_97] : memref<40x128xi32, #tpu.memory_space<vmem>> -> memref<1x128xi32, #tpu.memory_space<vmem>>
          %dma_start3A_99 = tpu.memref_squeeze %dma_start3A_98 : memref<1x128xi32, #tpu.memory_space<vmem>> -> memref<128xi32, #tpu.memory_space<vmem>>
          %dma_start3A_100 = arith.constant 0 : i32
          %dma_start3A_101 = arith.constant 0 : i32
          %dma_start3A_102 = tpu.memref_slice %arg2[%dma_start3A_100, %dma_start3A_101] : memref<10000x128xf32, #tpu.memory_space<hbm>> -> memref<10000x128xf32, #tpu.memory_space<hbm>>
          tpu.enqueue_indirect_dma source(%dma_start3A_102 : memref<10000x128xf32, #tpu.memory_space<hbm>>) target(%arg9 : memref<128x128xf32, #tpu.memory_space<vmem>>) offsets(%dma_start3A_99 : memref<128xi32, #tpu.memory_space<vmem>>) semaphore(%arg12 : memref<!tpu.dma_semaphore, #tpu.memory_space<semaphore_mem>>)
        } else {
        }
        %add3A_93 = arith.constant 1 : i32
        %add3A_94 = arith.addi %mul3A_65, %add3A_93 : i32
        "tpu.region"() ({
          %run_scoped3A = tpu.sem_alloc : memref<!tpu.dma_semaphore, #tpu.memory_space<semaphore_mem>>
          %dma_start3A_95 = arith.constant 0 : i32
          %dma_start3A_96 = tpu.memref_slice %arg8[%add3A_94, %dma_start3A_95] : memref<40x128xi32, #tpu.memory_space<vmem>> -> memref<1x128xi32, #tpu.memory_space<vmem>>
          %dma_start3A_97 = tpu.memref_squeeze %dma_start3A_96 : memref<1x128xi32, #tpu.memory_space<vmem>> -> memref<128xi32, #tpu.memory_space<vmem>>
          %dma_start3A_98 = arith.constant 0 : i32
          %dma_start3A_99 = arith.constant 0 : i32
          %dma_start3A_100 = tpu.memref_slice %arg11[%dma_start3A_98, %dma_start3A_99] : memref<10112x128xf32, #tpu.memory_space<vmem_shared>> -> memref<10112x128xf32, #tpu.memory_space<vmem_shared>>
          tpu.enqueue_indirect_dma source(%arg10 : memref<128x128xf32, #tpu.memory_space<vmem>>) target(%dma_start3A_100 : memref<10112x128xf32, #tpu.memory_space<vmem_shared>>) offsets(%dma_start3A_97 : memref<128xi32, #tpu.memory_space<vmem>>) semaphore(%run_scoped3A : memref<!tpu.dma_semaphore, #tpu.memory_space<semaphore_mem>>) {add = true}
          %dma_wait3A_101 = arith.constant 0 : i32
          %dma_wait3A_102 = tpu.memref_slice %arg8[%add3A_94, %dma_wait3A_101] : memref<40x128xi32, #tpu.memory_space<vmem>> -> memref<1x128xi32, #tpu.memory_space<vmem>>
          %dma_wait3A_103 = tpu.memref_squeeze %dma_wait3A_102 : memref<1x128xi32, #tpu.memory_space<vmem>> -> memref<128xi32, #tpu.memory_space<vmem>>
          %dma_wait3A_104 = arith.constant 0 : i32
          %dma_wait3A_105 = arith.constant 0 : i32
          %dma_wait3A_106 = tpu.memref_slice %arg11[%dma_wait3A_104, %dma_wait3A_105] : memref<10112x128xf32, #tpu.memory_space<vmem_shared>> -> memref<10112x128xf32, #tpu.memory_space<vmem_shared>>
          tpu.wait_indirect_dma semaphore(%run_scoped3A : memref<!tpu.dma_semaphore, #tpu.memory_space<semaphore_mem>>) src(%arg10 : memref<128x128xf32, #tpu.memory_space<vmem>>) dst(%dma_wait3A_106 : memref<10112x128xf32, #tpu.memory_space<vmem_shared>>)
          tpu.yield
        }) : () -> ()
      }
      %scan3A_62 = arith.constant 20 : i32
    } else {
    }
    %eq3A_5 = arith.constant 1 : i32
    %eq3A_6 = arith.cmpi eq, %arg0, %eq3A_5 : i32
    %convert_element_type3A_7 = arith.extui %eq3A_6 : i1 to i32
    %cond3A_8 = arith.constant 0 : i32
    %cond3A_9 = arith.cmpi ne, %convert_element_type3A_7, %cond3A_8 : i32
    scf.if %cond3A_9 {
      %add3A_12 = arith.constant 48 : i32
      %add3A_13 = arith.addi %add3A_12, %arg1 : i32
      %add3A_14 = arith.constant 0 : i32
      %add3A_15 = arith.addi %add3A_13, %add3A_14 : i32
      "tpu.region"() ({
        %run_scoped3A = tpu.sem_alloc : memref<!tpu.dma_semaphore, #tpu.memory_space<semaphore_mem>>
        %dma_start3A_29 = arith.constant 0 : i32
        %dma_start3A_30 = arith.constant 0 : i32
        %dma_start3A_31 = tpu.memref_slice %arg3[%add3A_15, %dma_start3A_29, %dma_start3A_30] : memref<64x40x128xi32, #tpu.memory_space<hbm>> -> memref<1x40x128xi32, #tpu.memory_space<hbm>>
        %dma_start3A_32 = tpu.memref_squeeze %dma_start3A_31 : memref<1x40x128xi32, #tpu.memory_space<hbm>> -> memref<40x128xi32, #tpu.memory_space<hbm>>
        %dma_start3A_33 = arith.constant 0 : i32
        %dma_start3A_34 = arith.constant 0 : i32
        %dma_start3A_35 = tpu.memref_slice %arg3[%add3A_15, %dma_start3A_33, %dma_start3A_34] : memref<64x40x128xi32, #tpu.memory_space<hbm>> -> memref<1x40x128xi32, #tpu.memory_space<hbm>>
        %dma_start3A_36 = tpu.memref_squeeze %dma_start3A_35 : memref<1x40x128xi32, #tpu.memory_space<hbm>> -> memref<40x128xi32, #tpu.memory_space<hbm>>
        tpu.enqueue_dma source(%dma_start3A_36 : memref<40x128xi32, #tpu.memory_space<hbm>>) target(%arg7 : memref<40x128xi32, #tpu.memory_space<vmem>>) target_semaphore(%run_scoped3A : memref<!tpu.dma_semaphore, #tpu.memory_space<semaphore_mem>>)
        %dma_wait3A = arith.constant 0 : i32
        %dma_wait3A_37 = arith.constant 0 : i32
        %dma_wait3A_38 = tpu.memref_slice %arg3[%add3A_15, %dma_wait3A, %dma_wait3A_37] : memref<64x40x128xi32, #tpu.memory_space<hbm>> -> memref<1x40x128xi32, #tpu.memory_space<hbm>>
        %dma_wait3A_39 = tpu.memref_squeeze %dma_wait3A_38 : memref<1x40x128xi32, #tpu.memory_space<hbm>> -> memref<40x128xi32, #tpu.memory_space<hbm>>
        %dma_wait3A_40 = arith.constant 0 : i32
        %dma_wait3A_41 = arith.constant 0 : i32
        %dma_wait3A_42 = tpu.memref_slice %arg3[%add3A_15, %dma_wait3A_40, %dma_wait3A_41] : memref<64x40x128xi32, #tpu.memory_space<hbm>> -> memref<1x40x128xi32, #tpu.memory_space<hbm>>
        %dma_wait3A_43 = tpu.memref_squeeze %dma_wait3A_42 : memref<1x40x128xi32, #tpu.memory_space<hbm>> -> memref<40x128xi32, #tpu.memory_space<hbm>>
        tpu.wait_dma2 semaphore(%run_scoped3A : memref<!tpu.dma_semaphore, #tpu.memory_space<semaphore_mem>>) src(%dma_wait3A_43 : memref<40x128xi32, #tpu.memory_space<hbm>>) dst(%arg7 : memref<40x128xi32, #tpu.memory_space<vmem>>)
        tpu.yield
      }) : () -> ()
      %add3A_16 = arith.constant 0 : i32
      %add3A_17 = arith.addi %add3A_13, %add3A_16 : i32
      "tpu.region"() ({
        %run_scoped3A = tpu.sem_alloc : memref<!tpu.dma_semaphore, #tpu.memory_space<semaphore_mem>>
        %dma_start3A_29 = arith.constant 0 : i32
        %dma_start3A_30 = arith.constant 0 : i32
        %dma_start3A_31 = tpu.memref_slice %arg4[%add3A_17, %dma_start3A_29, %dma_start3A_30] : memref<64x40x128xi32, #tpu.memory_space<hbm>> -> memref<1x40x128xi32, #tpu.memory_space<hbm>>
        %dma_start3A_32 = tpu.memref_squeeze %dma_start3A_31 : memref<1x40x128xi32, #tpu.memory_space<hbm>> -> memref<40x128xi32, #tpu.memory_space<hbm>>
        %dma_start3A_33 = arith.constant 0 : i32
        %dma_start3A_34 = arith.constant 0 : i32
        %dma_start3A_35 = tpu.memref_slice %arg4[%add3A_17, %dma_start3A_33, %dma_start3A_34] : memref<64x40x128xi32, #tpu.memory_space<hbm>> -> memref<1x40x128xi32, #tpu.memory_space<hbm>>
        %dma_start3A_36 = tpu.memref_squeeze %dma_start3A_35 : memref<1x40x128xi32, #tpu.memory_space<hbm>> -> memref<40x128xi32, #tpu.memory_space<hbm>>
        tpu.enqueue_dma source(%dma_start3A_36 : memref<40x128xi32, #tpu.memory_space<hbm>>) target(%arg8 : memref<40x128xi32, #tpu.memory_space<vmem>>) target_semaphore(%run_scoped3A : memref<!tpu.dma_semaphore, #tpu.memory_space<semaphore_mem>>)
        %dma_wait3A = arith.constant 0 : i32
        %dma_wait3A_37 = arith.constant 0 : i32
        %dma_wait3A_38 = tpu.memref_slice %arg4[%add3A_17, %dma_wait3A, %dma_wait3A_37] : memref<64x40x128xi32, #tpu.memory_space<hbm>> -> memref<1x40x128xi32, #tpu.memory_space<hbm>>
        %dma_wait3A_39 = tpu.memref_squeeze %dma_wait3A_38 : memref<1x40x128xi32, #tpu.memory_space<hbm>> -> memref<40x128xi32, #tpu.memory_space<hbm>>
        %dma_wait3A_40 = arith.constant 0 : i32
        %dma_wait3A_41 = arith.constant 0 : i32
        %dma_wait3A_42 = tpu.memref_slice %arg4[%add3A_17, %dma_wait3A_40, %dma_wait3A_41] : memref<64x40x128xi32, #tpu.memory_space<hbm>> -> memref<1x40x128xi32, #tpu.memory_space<hbm>>
        %dma_wait3A_43 = tpu.memref_squeeze %dma_wait3A_42 : memref<1x40x128xi32, #tpu.memory_space<hbm>> -> memref<40x128xi32, #tpu.memory_space<hbm>>
        tpu.wait_dma2 semaphore(%run_scoped3A : memref<!tpu.dma_semaphore, #tpu.memory_space<semaphore_mem>>) src(%dma_wait3A_43 : memref<40x128xi32, #tpu.memory_space<hbm>>) dst(%arg8 : memref<40x128xi32, #tpu.memory_space<vmem>>)
        tpu.yield
      }) : () -> ()
      %dma_start3A = arith.constant 0 : i32
      %dma_start3A_18 = arith.constant 0 : i32
      %dma_start3A_19 = tpu.memref_slice %arg7[%dma_start3A, %dma_start3A_18] : memref<40x128xi32, #tpu.memory_space<vmem>> -> memref<1x128xi32, #tpu.memory_space<vmem>>
      %dma_start3A_20 = tpu.memref_squeeze %dma_start3A_19 : memref<1x128xi32, #tpu.memory_space<vmem>> -> memref<128xi32, #tpu.memory_space<vmem>>
      %dma_start3A_21 = arith.constant 0 : i32
      %dma_start3A_22 = arith.constant 0 : i32
      %dma_start3A_23 = tpu.memref_slice %arg2[%dma_start3A_21, %dma_start3A_22] : memref<10000x128xf32, #tpu.memory_space<hbm>> -> memref<10000x128xf32, #tpu.memory_space<hbm>>
      tpu.enqueue_indirect_dma source(%dma_start3A_23 : memref<10000x128xf32, #tpu.memory_space<hbm>>) target(%arg9 : memref<128x128xf32, #tpu.memory_space<vmem>>) offsets(%dma_start3A_20 : memref<128xi32, #tpu.memory_space<vmem>>) semaphore(%arg12 : memref<!tpu.dma_semaphore, #tpu.memory_space<semaphore_mem>>)
      %scan3A = arith.constant 0 : i32
      %scan3A_24 = arith.constant 0 : i32
      %scan3A_25 = arith.constant 20 : i32
      %scan3A_26 = arith.addi %scan3A_24, %scan3A_25 : i32
      %scan3A_27 = arith.constant 1 : i32
      scf.for %scan3A_29 = %scan3A_24 to %scan3A_26 step %scan3A_27  : i32 {
        %mul3A_30 = arith.constant 2 : i32
        %mul3A_31 = arith.muli %mul3A_30, %scan3A_29 : i32
        %dma_wait3A = arith.constant 0 : i32
        %dma_wait3A_32 = tpu.memref_slice %arg7[%mul3A_31, %dma_wait3A] : memref<40x128xi32, #tpu.memory_space<vmem>> -> memref<1x128xi32, #tpu.memory_space<vmem>>
        %dma_wait3A_33 = tpu.memref_squeeze %dma_wait3A_32 : memref<1x128xi32, #tpu.memory_space<vmem>> -> memref<128xi32, #tpu.memory_space<vmem>>
        %dma_wait3A_34 = arith.constant 0 : i32
        %dma_wait3A_35 = arith.constant 0 : i32
        %dma_wait3A_36 = tpu.memref_slice %arg2[%dma_wait3A_34, %dma_wait3A_35] : memref<10000x128xf32, #tpu.memory_space<hbm>> -> memref<10000x128xf32, #tpu.memory_space<hbm>>
        tpu.wait_indirect_dma semaphore(%arg12 : memref<!tpu.dma_semaphore, #tpu.memory_space<semaphore_mem>>) src(%dma_wait3A_36 : memref<10000x128xf32, #tpu.memory_space<hbm>>) dst(%arg9 : memref<128x128xf32, #tpu.memory_space<vmem>>)
        %add3A_37 = arith.constant 1 : i32
        %add3A_38 = arith.addi %mul3A_31, %add3A_37 : i32
        %dma_start3A_39 = arith.constant 0 : i32
        %dma_start3A_40 = tpu.memref_slice %arg7[%add3A_38, %dma_start3A_39] : memref<40x128xi32, #tpu.memory_space<vmem>> -> memref<1x128xi32, #tpu.memory_space<vmem>>
        %dma_start3A_41 = tpu.memref_squeeze %dma_start3A_40 : memref<1x128xi32, #tpu.memory_space<vmem>> -> memref<128xi32, #tpu.memory_space<vmem>>
        %dma_start3A_42 = arith.constant 0 : i32
        %dma_start3A_43 = arith.constant 0 : i32
        %dma_start3A_44 = tpu.memref_slice %arg2[%dma_start3A_42, %dma_start3A_43] : memref<10000x128xf32, #tpu.memory_space<hbm>> -> memref<10000x128xf32, #tpu.memory_space<hbm>>
        tpu.enqueue_indirect_dma source(%dma_start3A_44 : memref<10000x128xf32, #tpu.memory_space<hbm>>) target(%arg10 : memref<128x128xf32, #tpu.memory_space<vmem>>) offsets(%dma_start3A_41 : memref<128xi32, #tpu.memory_space<vmem>>) semaphore(%arg13 : memref<!tpu.dma_semaphore, #tpu.memory_space<semaphore_mem>>)
        "tpu.region"() ({
          %run_scoped3A = tpu.sem_alloc : memref<!tpu.dma_semaphore, #tpu.memory_space<semaphore_mem>>
          %dma_start3A_61 = arith.constant 0 : i32
          %dma_start3A_62 = tpu.memref_slice %arg8[%mul3A_31, %dma_start3A_61] : memref<40x128xi32, #tpu.memory_space<vmem>> -> memref<1x128xi32, #tpu.memory_space<vmem>>
          %dma_start3A_63 = tpu.memref_squeeze %dma_start3A_62 : memref<1x128xi32, #tpu.memory_space<vmem>> -> memref<128xi32, #tpu.memory_space<vmem>>
          %dma_start3A_64 = arith.constant 0 : i32
          %dma_start3A_65 = arith.constant 0 : i32
          %dma_start3A_66 = tpu.memref_slice %arg11[%dma_start3A_64, %dma_start3A_65] : memref<10112x128xf32, #tpu.memory_space<vmem_shared>> -> memref<10112x128xf32, #tpu.memory_space<vmem_shared>>
          tpu.enqueue_indirect_dma source(%arg9 : memref<128x128xf32, #tpu.memory_space<vmem>>) target(%dma_start3A_66 : memref<10112x128xf32, #tpu.memory_space<vmem_shared>>) offsets(%dma_start3A_63 : memref<128xi32, #tpu.memory_space<vmem>>) semaphore(%run_scoped3A : memref<!tpu.dma_semaphore, #tpu.memory_space<semaphore_mem>>) {add = true}
          %dma_wait3A_67 = arith.constant 0 : i32
          %dma_wait3A_68 = tpu.memref_slice %arg8[%mul3A_31, %dma_wait3A_67] : memref<40x128xi32, #tpu.memory_space<vmem>> -> memref<1x128xi32, #tpu.memory_space<vmem>>
          %dma_wait3A_69 = tpu.memref_squeeze %dma_wait3A_68 : memref<1x128xi32, #tpu.memory_space<vmem>> -> memref<128xi32, #tpu.memory_space<vmem>>
          %dma_wait3A_70 = arith.constant 0 : i32
          %dma_wait3A_71 = arith.constant 0 : i32
          %dma_wait3A_72 = tpu.memref_slice %arg11[%dma_wait3A_70, %dma_wait3A_71] : memref<10112x128xf32, #tpu.memory_space<vmem_shared>> -> memref<10112x128xf32, #tpu.memory_space<vmem_shared>>
          tpu.wait_indirect_dma semaphore(%run_scoped3A : memref<!tpu.dma_semaphore, #tpu.memory_space<semaphore_mem>>) src(%arg9 : memref<128x128xf32, #tpu.memory_space<vmem>>) dst(%dma_wait3A_72 : memref<10112x128xf32, #tpu.memory_space<vmem_shared>>)
          tpu.yield
        }) : () -> ()
        %add3A_45 = arith.constant 1 : i32
        %add3A_46 = arith.addi %mul3A_31, %add3A_45 : i32
        %dma_wait3A_47 = arith.constant 0 : i32
        %dma_wait3A_48 = tpu.memref_slice %arg7[%add3A_46, %dma_wait3A_47] : memref<40x128xi32, #tpu.memory_space<vmem>> -> memref<1x128xi32, #tpu.memory_space<vmem>>
        %dma_wait3A_49 = tpu.memref_squeeze %dma_wait3A_48 : memref<1x128xi32, #tpu.memory_space<vmem>> -> memref<128xi32, #tpu.memory_space<vmem>>
        %dma_wait3A_50 = arith.constant 0 : i32
        %dma_wait3A_51 = arith.constant 0 : i32
        %dma_wait3A_52 = tpu.memref_slice %arg2[%dma_wait3A_50, %dma_wait3A_51] : memref<10000x128xf32, #tpu.memory_space<hbm>> -> memref<10000x128xf32, #tpu.memory_space<hbm>>
        tpu.wait_indirect_dma semaphore(%arg13 : memref<!tpu.dma_semaphore, #tpu.memory_space<semaphore_mem>>) src(%dma_wait3A_52 : memref<10000x128xf32, #tpu.memory_space<hbm>>) dst(%arg10 : memref<128x128xf32, #tpu.memory_space<vmem>>)
        %add3A_53 = arith.constant 2 : i32
        %add3A_54 = arith.addi %mul3A_31, %add3A_53 : i32
        %lt3A = arith.constant 40 : i32
        %lt3A_55 = arith.cmpi slt, %add3A_54, %lt3A : i32
        %convert_element_type3A_56 = arith.extui %lt3A_55 : i1 to i32
        %cond3A_57 = arith.constant 0 : i32
        %cond3A_58 = arith.cmpi ne, %convert_element_type3A_56, %cond3A_57 : i32
        scf.if %cond3A_58 {
          %add3A_61 = arith.constant 2 : i32
          %add3A_62 = arith.addi %mul3A_31, %add3A_61 : i32
          %dma_start3A_63 = arith.constant 0 : i32
          %dma_start3A_64 = tpu.memref_slice %arg7[%add3A_62, %dma_start3A_63] : memref<40x128xi32, #tpu.memory_space<vmem>> -> memref<1x128xi32, #tpu.memory_space<vmem>>
          %dma_start3A_65 = tpu.memref_squeeze %dma_start3A_64 : memref<1x128xi32, #tpu.memory_space<vmem>> -> memref<128xi32, #tpu.memory_space<vmem>>
          %dma_start3A_66 = arith.constant 0 : i32
          %dma_start3A_67 = arith.constant 0 : i32
          %dma_start3A_68 = tpu.memref_slice %arg2[%dma_start3A_66, %dma_start3A_67] : memref<10000x128xf32, #tpu.memory_space<hbm>> -> memref<10000x128xf32, #tpu.memory_space<hbm>>
          tpu.enqueue_indirect_dma source(%dma_start3A_68 : memref<10000x128xf32, #tpu.memory_space<hbm>>) target(%arg9 : memref<128x128xf32, #tpu.memory_space<vmem>>) offsets(%dma_start3A_65 : memref<128xi32, #tpu.memory_space<vmem>>) semaphore(%arg12 : memref<!tpu.dma_semaphore, #tpu.memory_space<semaphore_mem>>)
        } else {
        }
        %add3A_59 = arith.constant 1 : i32
        %add3A_60 = arith.addi %mul3A_31, %add3A_59 : i32
        "tpu.region"() ({
          %run_scoped3A = tpu.sem_alloc : memref<!tpu.dma_semaphore, #tpu.memory_space<semaphore_mem>>
          %dma_start3A_61 = arith.constant 0 : i32
          %dma_start3A_62 = tpu.memref_slice %arg8[%add3A_60, %dma_start3A_61] : memref<40x128xi32, #tpu.memory_space<vmem>> -> memref<1x128xi32, #tpu.memory_space<vmem>>
          %dma_start3A_63 = tpu.memref_squeeze %dma_start3A_62 : memref<1x128xi32, #tpu.memory_space<vmem>> -> memref<128xi32, #tpu.memory_space<vmem>>
          %dma_start3A_64 = arith.constant 0 : i32
          %dma_start3A_65 = arith.constant 0 : i32
          %dma_start3A_66 = tpu.memref_slice %arg11[%dma_start3A_64, %dma_start3A_65] : memref<10112x128xf32, #tpu.memory_space<vmem_shared>> -> memref<10112x128xf32, #tpu.memory_space<vmem_shared>>
          tpu.enqueue_indirect_dma source(%arg10 : memref<128x128xf32, #tpu.memory_space<vmem>>) target(%dma_start3A_66 : memref<10112x128xf32, #tpu.memory_space<vmem_shared>>) offsets(%dma_start3A_63 : memref<128xi32, #tpu.memory_space<vmem>>) semaphore(%run_scoped3A : memref<!tpu.dma_semaphore, #tpu.memory_space<semaphore_mem>>) {add = true}
          %dma_wait3A_67 = arith.constant 0 : i32
          %dma_wait3A_68 = tpu.memref_slice %arg8[%add3A_60, %dma_wait3A_67] : memref<40x128xi32, #tpu.memory_space<vmem>> -> memref<1x128xi32, #tpu.memory_space<vmem>>
          %dma_wait3A_69 = tpu.memref_squeeze %dma_wait3A_68 : memref<1x128xi32, #tpu.memory_space<vmem>> -> memref<128xi32, #tpu.memory_space<vmem>>
          %dma_wait3A_70 = arith.constant 0 : i32
          %dma_wait3A_71 = arith.constant 0 : i32
          %dma_wait3A_72 = tpu.memref_slice %arg11[%dma_wait3A_70, %dma_wait3A_71] : memref<10112x128xf32, #tpu.memory_space<vmem_shared>> -> memref<10112x128xf32, #tpu.memory_space<vmem_shared>>
          tpu.wait_indirect_dma semaphore(%run_scoped3A : memref<!tpu.dma_semaphore, #tpu.memory_space<semaphore_mem>>) src(%arg10 : memref<128x128xf32, #tpu.memory_space<vmem>>) dst(%dma_wait3A_72 : memref<10112x128xf32, #tpu.memory_space<vmem_shared>>)
          tpu.yield
        }) : () -> ()
      }
      %scan3A_28 = arith.constant 20 : i32
    } else {
    }
    %barrier3A_10 = arith.constant 0 : index
    tpu.barrier barrier_id(%barrier3A_10)
    %delay3A = arith.constant 4000 : i32
    tpu.delay %delay3A
    %barrier3A_11 = arith.constant 0 : index
    tpu.barrier barrier_id(%barrier3A_11)
    "tpu.region"() ({
      %run_scoped3A = tpu.sem_alloc : memref<!tpu.dma_semaphore, #tpu.memory_space<semaphore_mem>>
      %dma_start3A = arith.constant 0 : i32
      %dma_start3A_12 = arith.constant 0 : i32
      %dma_start3A_13 = tpu.memref_slice %arg6[%add3A, %dma_start3A, %dma_start3A_12] : memref<32x632x128xf32, #tpu.memory_space<hbm>> -> memref<1x632x128xf32, #tpu.memory_space<hbm>>
      %dma_start3A_14 = tpu.memref_squeeze %dma_start3A_13 : memref<1x632x128xf32, #tpu.memory_space<hbm>> -> memref<632x128xf32, #tpu.memory_space<hbm>>
      %dma_start3A_15 = arith.constant 0 : i32
      %dma_start3A_16 = tpu.memref_slice %arg11[%mul3A_2, %dma_start3A_15] : memref<10112x128xf32, #tpu.memory_space<vmem_shared>> -> memref<632x128xf32, #tpu.memory_space<vmem_shared>>
      tpu.enqueue_dma source(%dma_start3A_16 : memref<632x128xf32, #tpu.memory_space<vmem_shared>>) target(%dma_start3A_14 : memref<632x128xf32, #tpu.memory_space<hbm>>) target_semaphore(%run_scoped3A : memref<!tpu.dma_semaphore, #tpu.memory_space<semaphore_mem>>)
      %dma_wait3A = arith.constant 0 : i32
      %dma_wait3A_17 = arith.constant 0 : i32
      %dma_wait3A_18 = tpu.memref_slice %arg6[%add3A, %dma_wait3A, %dma_wait3A_17] : memref<32x632x128xf32, #tpu.memory_space<hbm>> -> memref<1x632x128xf32, #tpu.memory_space<hbm>>
      %dma_wait3A_19 = tpu.memref_squeeze %dma_wait3A_18 : memref<1x632x128xf32, #tpu.memory_space<hbm>> -> memref<632x128xf32, #tpu.memory_space<hbm>>
      %dma_wait3A_20 = arith.constant 0 : i32
      %dma_wait3A_21 = tpu.memref_slice %arg11[%mul3A_2, %dma_wait3A_20] : memref<10112x128xf32, #tpu.memory_space<vmem_shared>> -> memref<632x128xf32, #tpu.memory_space<vmem_shared>>
      tpu.wait_dma2 semaphore(%run_scoped3A : memref<!tpu.dma_semaphore, #tpu.memory_space<semaphore_mem>>) src(%dma_wait3A_21 : memref<632x128xf32, #tpu.memory_space<vmem_shared>>) dst(%dma_wait3A_19 : memref<632x128xf32, #tpu.memory_space<hbm>>)
      tpu.yield
    }) : () -> ()
    return
  }
}

#map = affine_map<(d0, d1) -> (0, 0)>
#map1 = affine_map<(d0, d1) -> (0, 0, 0)>
module attributes {stable_mosaic.version = 14 : i64} {
  func.func @_spmm_h(%arg0: i32, %arg1: i32, %arg2: memref<10000x128xf32, #tpu.memory_space<hbm>>, %arg3: memref<64x40x128xi32, #tpu.memory_space<hbm>>, %arg4: memref<64x40x128xi32, #tpu.memory_space<hbm>>, %arg5: memref<10112x128xf32, #tpu.memory_space<hbm>>, %arg6: memref<32x632x128xf32, #tpu.memory_space<hbm>>, %arg7: memref<40x128xi32, #tpu.memory_space<vmem>>, %arg8: memref<40x128xi32, #tpu.memory_space<vmem>>, %arg9: memref<128x128xf32, #tpu.memory_space<vmem>>, %arg10: memref<128x128xf32, #tpu.memory_space<vmem>>, %arg11: memref<10112x128xf32, #tpu.memory_space<vmem_shared>>, %arg12: memref<!tpu.dma_semaphore, #tpu.memory_space<semaphore_mem>>, %arg13: memref<!tpu.dma_semaphore, #tpu.memory_space<semaphore_mem>>) attributes {dimension_semantics = [#tpu.dimension_semantics<core_parallel>, #tpu.dimension_semantics<subcore_parallel>], iteration_bounds = array<i64: 2, 16>, scalar_prefetch = 0 : i64, scratch_operands = 7 : i64, tpu.core_type = #tpu.core_type<sc_vector_subcore>, window_params = [{transform_indices = #map}, {transform_indices = #map1}, {transform_indices = #map1}, {transform_indices = #map}, {transform_indices = #map1}]} {
    %mul3A = arith.constant 16 : i32
    %mul3A_0 = arith.muli %arg0, %mul3A : i32
    %add3A = arith.addi %mul3A_0, %arg1 : i32
    %mul3A_1 = arith.constant 632 : i32
    %mul3A_2 = arith.muli %arg1, %mul3A_1 : i32
    "tpu.region"() ({
      %run_scoped3A = tpu.sem_alloc : memref<!tpu.dma_semaphore, #tpu.memory_space<semaphore_mem>>
      %dma_start3A = arith.constant 0 : i32
      %dma_start3A_12 = tpu.memref_slice %arg11[%mul3A_2, %dma_start3A] : memref<10112x128xf32, #tpu.memory_space<vmem_shared>> -> memref<632x128xf32, #tpu.memory_space<vmem_shared>>
      %dma_start3A_13 = arith.constant 0 : i32
      %dma_start3A_14 = tpu.memref_slice %arg5[%mul3A_2, %dma_start3A_13] : memref<10112x128xf32, #tpu.memory_space<hbm>> -> memref<632x128xf32, #tpu.memory_space<hbm>>
      tpu.enqueue_dma source(%dma_start3A_14 : memref<632x128xf32, #tpu.memory_space<hbm>>) target(%dma_start3A_12 : memref<632x128xf32, #tpu.memory_space<vmem_shared>>) target_semaphore(%run_scoped3A : memref<!tpu.dma_semaphore, #tpu.memory_space<semaphore_mem>>)
      %dma_wait3A = arith.constant 0 : i32
      %dma_wait3A_15 = tpu.memref_slice %arg11[%mul3A_2, %dma_wait3A] : memref<10112x128xf32, #tpu.memory_space<vmem_shared>> -> memref<632x128xf32, #tpu.memory_space<vmem_shared>>
      %dma_wait3A_16 = arith.constant 0 : i32
      %dma_wait3A_17 = tpu.memref_slice %arg5[%mul3A_2, %dma_wait3A_16] : memref<10112x128xf32, #tpu.memory_space<hbm>> -> memref<632x128xf32, #tpu.memory_space<hbm>>
      tpu.wait_dma2 semaphore(%run_scoped3A : memref<!tpu.dma_semaphore, #tpu.memory_space<semaphore_mem>>) src(%dma_wait3A_17 : memref<632x128xf32, #tpu.memory_space<hbm>>) dst(%dma_wait3A_15 : memref<632x128xf32, #tpu.memory_space<vmem_shared>>)
      tpu.yield
    }) : () -> ()
    %barrier3A = arith.constant 0 : index
    tpu.barrier barrier_id(%barrier3A)
    %eq3A = arith.constant 0 : i32
    %eq3A_3 = arith.cmpi eq, %arg0, %eq3A : i32
    %convert_element_type3A = arith.extui %eq3A_3 : i1 to i32
    %cond3A = arith.constant 0 : i32
    %cond3A_4 = arith.cmpi ne, %convert_element_type3A, %cond3A : i32
    scf.if %cond3A_4 {
      %mul3A_12 = arith.constant 3 : i32
      %mul3A_13 = arith.muli %arg1, %mul3A_12 : i32
      %add3A_14 = arith.constant 0 : i32
      %add3A_15 = arith.addi %mul3A_13, %add3A_14 : i32
      "tpu.region"() ({
        %run_scoped3A = tpu.sem_alloc : memref<!tpu.dma_semaphore, #tpu.memory_space<semaphore_mem>>
        %dma_start3A_63 = arith.constant 0 : i32
        %dma_start3A_64 = arith.constant 0 : i32
        %dma_start3A_65 = tpu.memref_slice %arg3[%add3A_15, %dma_start3A_63, %dma_start3A_64] : memref<64x40x128xi32, #tpu.memory_space<hbm>> -> memref<1x40x128xi32, #tpu.memory_space<hbm>>
        %dma_start3A_66 = tpu.memref_squeeze %dma_start3A_65 : memref<1x40x128xi32, #tpu.memory_space<hbm>> -> memref<40x128xi32, #tpu.memory_space<hbm>>
        %dma_start3A_67 = arith.constant 0 : i32
        %dma_start3A_68 = arith.constant 0 : i32
        %dma_start3A_69 = tpu.memref_slice %arg3[%add3A_15, %dma_start3A_67, %dma_start3A_68] : memref<64x40x128xi32, #tpu.memory_space<hbm>> -> memref<1x40x128xi32, #tpu.memory_space<hbm>>
        %dma_start3A_70 = tpu.memref_squeeze %dma_start3A_69 : memref<1x40x128xi32, #tpu.memory_space<hbm>> -> memref<40x128xi32, #tpu.memory_space<hbm>>
        tpu.enqueue_dma source(%dma_start3A_70 : memref<40x128xi32, #tpu.memory_space<hbm>>) target(%arg7 : memref<40x128xi32, #tpu.memory_space<vmem>>) target_semaphore(%run_scoped3A : memref<!tpu.dma_semaphore, #tpu.memory_space<semaphore_mem>>)
        %dma_wait3A = arith.constant 0 : i32
        %dma_wait3A_71 = arith.constant 0 : i32
        %dma_wait3A_72 = tpu.memref_slice %arg3[%add3A_15, %dma_wait3A, %dma_wait3A_71] : memref<64x40x128xi32, #tpu.memory_space<hbm>> -> memref<1x40x128xi32, #tpu.memory_space<hbm>>
        %dma_wait3A_73 = tpu.memref_squeeze %dma_wait3A_72 : memref<1x40x128xi32, #tpu.memory_space<hbm>> -> memref<40x128xi32, #tpu.memory_space<hbm>>
        %dma_wait3A_74 = arith.constant 0 : i32
        %dma_wait3A_75 = arith.constant 0 : i32
        %dma_wait3A_76 = tpu.memref_slice %arg3[%add3A_15, %dma_wait3A_74, %dma_wait3A_75] : memref<64x40x128xi32, #tpu.memory_space<hbm>> -> memref<1x40x128xi32, #tpu.memory_space<hbm>>
        %dma_wait3A_77 = tpu.memref_squeeze %dma_wait3A_76 : memref<1x40x128xi32, #tpu.memory_space<hbm>> -> memref<40x128xi32, #tpu.memory_space<hbm>>
        tpu.wait_dma2 semaphore(%run_scoped3A : memref<!tpu.dma_semaphore, #tpu.memory_space<semaphore_mem>>) src(%dma_wait3A_77 : memref<40x128xi32, #tpu.memory_space<hbm>>) dst(%arg7 : memref<40x128xi32, #tpu.memory_space<vmem>>)
        tpu.yield
      }) : () -> ()
      %add3A_16 = arith.constant 0 : i32
      %add3A_17 = arith.addi %mul3A_13, %add3A_16 : i32
      "tpu.region"() ({
        %run_scoped3A = tpu.sem_alloc : memref<!tpu.dma_semaphore, #tpu.memory_space<semaphore_mem>>
        %dma_start3A_63 = arith.constant 0 : i32
        %dma_start3A_64 = arith.constant 0 : i32
        %dma_start3A_65 = tpu.memref_slice %arg4[%add3A_17, %dma_start3A_63, %dma_start3A_64] : memref<64x40x128xi32, #tpu.memory_space<hbm>> -> memref<1x40x128xi32, #tpu.memory_space<hbm>>
        %dma_start3A_66 = tpu.memref_squeeze %dma_start3A_65 : memref<1x40x128xi32, #tpu.memory_space<hbm>> -> memref<40x128xi32, #tpu.memory_space<hbm>>
        %dma_start3A_67 = arith.constant 0 : i32
        %dma_start3A_68 = arith.constant 0 : i32
        %dma_start3A_69 = tpu.memref_slice %arg4[%add3A_17, %dma_start3A_67, %dma_start3A_68] : memref<64x40x128xi32, #tpu.memory_space<hbm>> -> memref<1x40x128xi32, #tpu.memory_space<hbm>>
        %dma_start3A_70 = tpu.memref_squeeze %dma_start3A_69 : memref<1x40x128xi32, #tpu.memory_space<hbm>> -> memref<40x128xi32, #tpu.memory_space<hbm>>
        tpu.enqueue_dma source(%dma_start3A_70 : memref<40x128xi32, #tpu.memory_space<hbm>>) target(%arg8 : memref<40x128xi32, #tpu.memory_space<vmem>>) target_semaphore(%run_scoped3A : memref<!tpu.dma_semaphore, #tpu.memory_space<semaphore_mem>>)
        %dma_wait3A = arith.constant 0 : i32
        %dma_wait3A_71 = arith.constant 0 : i32
        %dma_wait3A_72 = tpu.memref_slice %arg4[%add3A_17, %dma_wait3A, %dma_wait3A_71] : memref<64x40x128xi32, #tpu.memory_space<hbm>> -> memref<1x40x128xi32, #tpu.memory_space<hbm>>
        %dma_wait3A_73 = tpu.memref_squeeze %dma_wait3A_72 : memref<1x40x128xi32, #tpu.memory_space<hbm>> -> memref<40x128xi32, #tpu.memory_space<hbm>>
        %dma_wait3A_74 = arith.constant 0 : i32
        %dma_wait3A_75 = arith.constant 0 : i32
        %dma_wait3A_76 = tpu.memref_slice %arg4[%add3A_17, %dma_wait3A_74, %dma_wait3A_75] : memref<64x40x128xi32, #tpu.memory_space<hbm>> -> memref<1x40x128xi32, #tpu.memory_space<hbm>>
        %dma_wait3A_77 = tpu.memref_squeeze %dma_wait3A_76 : memref<1x40x128xi32, #tpu.memory_space<hbm>> -> memref<40x128xi32, #tpu.memory_space<hbm>>
        tpu.wait_dma2 semaphore(%run_scoped3A : memref<!tpu.dma_semaphore, #tpu.memory_space<semaphore_mem>>) src(%dma_wait3A_77 : memref<40x128xi32, #tpu.memory_space<hbm>>) dst(%arg8 : memref<40x128xi32, #tpu.memory_space<vmem>>)
        tpu.yield
      }) : () -> ()
      %dma_start3A = arith.constant 0 : i32
      %dma_start3A_18 = arith.constant 0 : i32
      %dma_start3A_19 = tpu.memref_slice %arg7[%dma_start3A, %dma_start3A_18] : memref<40x128xi32, #tpu.memory_space<vmem>> -> memref<1x128xi32, #tpu.memory_space<vmem>>
      %dma_start3A_20 = tpu.memref_squeeze %dma_start3A_19 : memref<1x128xi32, #tpu.memory_space<vmem>> -> memref<128xi32, #tpu.memory_space<vmem>>
      %dma_start3A_21 = arith.constant 0 : i32
      %dma_start3A_22 = arith.constant 0 : i32
      %dma_start3A_23 = tpu.memref_slice %arg2[%dma_start3A_21, %dma_start3A_22] : memref<10000x128xf32, #tpu.memory_space<hbm>> -> memref<10000x128xf32, #tpu.memory_space<hbm>>
      tpu.enqueue_indirect_dma source(%dma_start3A_23 : memref<10000x128xf32, #tpu.memory_space<hbm>>) target(%arg9 : memref<128x128xf32, #tpu.memory_space<vmem>>) offsets(%dma_start3A_20 : memref<128xi32, #tpu.memory_space<vmem>>) semaphore(%arg12 : memref<!tpu.dma_semaphore, #tpu.memory_space<semaphore_mem>>)
      %scan3A = arith.constant 0 : i32
      %scan3A_24 = arith.constant 0 : i32
      %scan3A_25 = arith.constant 20 : i32
      %scan3A_26 = arith.addi %scan3A_24, %scan3A_25 : i32
      %scan3A_27 = arith.constant 1 : i32
      scf.for %scan3A_63 = %scan3A_24 to %scan3A_26 step %scan3A_27  : i32 {
        %mul3A_64 = arith.constant 2 : i32
        %mul3A_65 = arith.muli %mul3A_64, %scan3A_63 : i32
        %dma_wait3A = arith.constant 0 : i32
        %dma_wait3A_66 = tpu.memref_slice %arg7[%mul3A_65, %dma_wait3A] : memref<40x128xi32, #tpu.memory_space<vmem>> -> memref<1x128xi32, #tpu.memory_space<vmem>>
        %dma_wait3A_67 = tpu.memref_squeeze %dma_wait3A_66 : memref<1x128xi32, #tpu.memory_space<vmem>> -> memref<128xi32, #tpu.memory_space<vmem>>
        %dma_wait3A_68 = arith.constant 0 : i32
        %dma_wait3A_69 = arith.constant 0 : i32
        %dma_wait3A_70 = tpu.memref_slice %arg2[%dma_wait3A_68, %dma_wait3A_69] : memref<10000x128xf32, #tpu.memory_space<hbm>> -> memref<10000x128xf32, #tpu.memory_space<hbm>>
        tpu.wait_indirect_dma semaphore(%arg12 : memref<!tpu.dma_semaphore, #tpu.memory_space<semaphore_mem>>) src(%dma_wait3A_70 : memref<10000x128xf32, #tpu.memory_space<hbm>>) dst(%arg9 : memref<128x128xf32, #tpu.memory_space<vmem>>)
        %add3A_71 = arith.constant 1 : i32
        %add3A_72 = arith.addi %mul3A_65, %add3A_71 : i32
        %dma_start3A_73 = arith.constant 0 : i32
        %dma_start3A_74 = tpu.memref_slice %arg7[%add3A_72, %dma_start3A_73] : memref<40x128xi32, #tpu.memory_space<vmem>> -> memref<1x128xi32, #tpu.memory_space<vmem>>
        %dma_start3A_75 = tpu.memref_squeeze %dma_start3A_74 : memref<1x128xi32, #tpu.memory_space<vmem>> -> memref<128xi32, #tpu.memory_space<vmem>>
        %dma_start3A_76 = arith.constant 0 : i32
        %dma_start3A_77 = arith.constant 0 : i32
        %dma_start3A_78 = tpu.memref_slice %arg2[%dma_start3A_76, %dma_start3A_77] : memref<10000x128xf32, #tpu.memory_space<hbm>> -> memref<10000x128xf32, #tpu.memory_space<hbm>>
        tpu.enqueue_indirect_dma source(%dma_start3A_78 : memref<10000x128xf32, #tpu.memory_space<hbm>>) target(%arg10 : memref<128x128xf32, #tpu.memory_space<vmem>>) offsets(%dma_start3A_75 : memref<128xi32, #tpu.memory_space<vmem>>) semaphore(%arg13 : memref<!tpu.dma_semaphore, #tpu.memory_space<semaphore_mem>>)
        "tpu.region"() ({
          %run_scoped3A = tpu.sem_alloc : memref<!tpu.dma_semaphore, #tpu.memory_space<semaphore_mem>>
          %dma_start3A_95 = arith.constant 0 : i32
          %dma_start3A_96 = tpu.memref_slice %arg8[%mul3A_65, %dma_start3A_95] : memref<40x128xi32, #tpu.memory_space<vmem>> -> memref<1x128xi32, #tpu.memory_space<vmem>>
          %dma_start3A_97 = tpu.memref_squeeze %dma_start3A_96 : memref<1x128xi32, #tpu.memory_space<vmem>> -> memref<128xi32, #tpu.memory_space<vmem>>
          %dma_start3A_98 = arith.constant 0 : i32
          %dma_start3A_99 = arith.constant 0 : i32
          %dma_start3A_100 = tpu.memref_slice %arg11[%dma_start3A_98, %dma_start3A_99] : memref<10112x128xf32, #tpu.memory_space<vmem_shared>> -> memref<10112x128xf32, #tpu.memory_space<vmem_shared>>
          tpu.enqueue_indirect_dma source(%arg9 : memref<128x128xf32, #tpu.memory_space<vmem>>) target(%dma_start3A_100 : memref<10112x128xf32, #tpu.memory_space<vmem_shared>>) offsets(%dma_start3A_97 : memref<128xi32, #tpu.memory_space<vmem>>) semaphore(%run_scoped3A : memref<!tpu.dma_semaphore, #tpu.memory_space<semaphore_mem>>) {add = true}
          %dma_wait3A_101 = arith.constant 0 : i32
          %dma_wait3A_102 = tpu.memref_slice %arg8[%mul3A_65, %dma_wait3A_101] : memref<40x128xi32, #tpu.memory_space<vmem>> -> memref<1x128xi32, #tpu.memory_space<vmem>>
          %dma_wait3A_103 = tpu.memref_squeeze %dma_wait3A_102 : memref<1x128xi32, #tpu.memory_space<vmem>> -> memref<128xi32, #tpu.memory_space<vmem>>
          %dma_wait3A_104 = arith.constant 0 : i32
          %dma_wait3A_105 = arith.constant 0 : i32
          %dma_wait3A_106 = tpu.memref_slice %arg11[%dma_wait3A_104, %dma_wait3A_105] : memref<10112x128xf32, #tpu.memory_space<vmem_shared>> -> memref<10112x128xf32, #tpu.memory_space<vmem_shared>>
          tpu.wait_indirect_dma semaphore(%run_scoped3A : memref<!tpu.dma_semaphore, #tpu.memory_space<semaphore_mem>>) src(%arg9 : memref<128x128xf32, #tpu.memory_space<vmem>>) dst(%dma_wait3A_106 : memref<10112x128xf32, #tpu.memory_space<vmem_shared>>)
          tpu.yield
        }) : () -> ()
        %add3A_79 = arith.constant 1 : i32
        %add3A_80 = arith.addi %mul3A_65, %add3A_79 : i32
        %dma_wait3A_81 = arith.constant 0 : i32
        %dma_wait3A_82 = tpu.memref_slice %arg7[%add3A_80, %dma_wait3A_81] : memref<40x128xi32, #tpu.memory_space<vmem>> -> memref<1x128xi32, #tpu.memory_space<vmem>>
        %dma_wait3A_83 = tpu.memref_squeeze %dma_wait3A_82 : memref<1x128xi32, #tpu.memory_space<vmem>> -> memref<128xi32, #tpu.memory_space<vmem>>
        %dma_wait3A_84 = arith.constant 0 : i32
        %dma_wait3A_85 = arith.constant 0 : i32
        %dma_wait3A_86 = tpu.memref_slice %arg2[%dma_wait3A_84, %dma_wait3A_85] : memref<10000x128xf32, #tpu.memory_space<hbm>> -> memref<10000x128xf32, #tpu.memory_space<hbm>>
        tpu.wait_indirect_dma semaphore(%arg13 : memref<!tpu.dma_semaphore, #tpu.memory_space<semaphore_mem>>) src(%dma_wait3A_86 : memref<10000x128xf32, #tpu.memory_space<hbm>>) dst(%arg10 : memref<128x128xf32, #tpu.memory_space<vmem>>)
        %add3A_87 = arith.constant 2 : i32
        %add3A_88 = arith.addi %mul3A_65, %add3A_87 : i32
        %lt3A = arith.constant 40 : i32
        %lt3A_89 = arith.cmpi slt, %add3A_88, %lt3A : i32
        %convert_element_type3A_90 = arith.extui %lt3A_89 : i1 to i32
        %cond3A_91 = arith.constant 0 : i32
        %cond3A_92 = arith.cmpi ne, %convert_element_type3A_90, %cond3A_91 : i32
        scf.if %cond3A_92 {
          %add3A_95 = arith.constant 2 : i32
          %add3A_96 = arith.addi %mul3A_65, %add3A_95 : i32
          %dma_start3A_97 = arith.constant 0 : i32
          %dma_start3A_98 = tpu.memref_slice %arg7[%add3A_96, %dma_start3A_97] : memref<40x128xi32, #tpu.memory_space<vmem>> -> memref<1x128xi32, #tpu.memory_space<vmem>>
          %dma_start3A_99 = tpu.memref_squeeze %dma_start3A_98 : memref<1x128xi32, #tpu.memory_space<vmem>> -> memref<128xi32, #tpu.memory_space<vmem>>
          %dma_start3A_100 = arith.constant 0 : i32
          %dma_start3A_101 = arith.constant 0 : i32
          %dma_start3A_102 = tpu.memref_slice %arg2[%dma_start3A_100, %dma_start3A_101] : memref<10000x128xf32, #tpu.memory_space<hbm>> -> memref<10000x128xf32, #tpu.memory_space<hbm>>
          tpu.enqueue_indirect_dma source(%dma_start3A_102 : memref<10000x128xf32, #tpu.memory_space<hbm>>) target(%arg9 : memref<128x128xf32, #tpu.memory_space<vmem>>) offsets(%dma_start3A_99 : memref<128xi32, #tpu.memory_space<vmem>>) semaphore(%arg12 : memref<!tpu.dma_semaphore, #tpu.memory_space<semaphore_mem>>)
        } else {
        }
        %add3A_93 = arith.constant 1 : i32
        %add3A_94 = arith.addi %mul3A_65, %add3A_93 : i32
        "tpu.region"() ({
          %run_scoped3A = tpu.sem_alloc : memref<!tpu.dma_semaphore, #tpu.memory_space<semaphore_mem>>
          %dma_start3A_95 = arith.constant 0 : i32
          %dma_start3A_96 = tpu.memref_slice %arg8[%add3A_94, %dma_start3A_95] : memref<40x128xi32, #tpu.memory_space<vmem>> -> memref<1x128xi32, #tpu.memory_space<vmem>>
          %dma_start3A_97 = tpu.memref_squeeze %dma_start3A_96 : memref<1x128xi32, #tpu.memory_space<vmem>> -> memref<128xi32, #tpu.memory_space<vmem>>
          %dma_start3A_98 = arith.constant 0 : i32
          %dma_start3A_99 = arith.constant 0 : i32
          %dma_start3A_100 = tpu.memref_slice %arg11[%dma_start3A_98, %dma_start3A_99] : memref<10112x128xf32, #tpu.memory_space<vmem_shared>> -> memref<10112x128xf32, #tpu.memory_space<vmem_shared>>
          tpu.enqueue_indirect_dma source(%arg10 : memref<128x128xf32, #tpu.memory_space<vmem>>) target(%dma_start3A_100 : memref<10112x128xf32, #tpu.memory_space<vmem_shared>>) offsets(%dma_start3A_97 : memref<128xi32, #tpu.memory_space<vmem>>) semaphore(%run_scoped3A : memref<!tpu.dma_semaphore, #tpu.memory_space<semaphore_mem>>) {add = true}
          %dma_wait3A_101 = arith.constant 0 : i32
          %dma_wait3A_102 = tpu.memref_slice %arg8[%add3A_94, %dma_wait3A_101] : memref<40x128xi32, #tpu.memory_space<vmem>> -> memref<1x128xi32, #tpu.memory_space<vmem>>
          %dma_wait3A_103 = tpu.memref_squeeze %dma_wait3A_102 : memref<1x128xi32, #tpu.memory_space<vmem>> -> memref<128xi32, #tpu.memory_space<vmem>>
          %dma_wait3A_104 = arith.constant 0 : i32
          %dma_wait3A_105 = arith.constant 0 : i32
          %dma_wait3A_106 = tpu.memref_slice %arg11[%dma_wait3A_104, %dma_wait3A_105] : memref<10112x128xf32, #tpu.memory_space<vmem_shared>> -> memref<10112x128xf32, #tpu.memory_space<vmem_shared>>
          tpu.wait_indirect_dma semaphore(%run_scoped3A : memref<!tpu.dma_semaphore, #tpu.memory_space<semaphore_mem>>) src(%arg10 : memref<128x128xf32, #tpu.memory_space<vmem>>) dst(%dma_wait3A_106 : memref<10112x128xf32, #tpu.memory_space<vmem_shared>>)
          tpu.yield
        }) : () -> ()
      }
      %scan3A_28 = arith.constant 20 : i32
      %add3A_29 = arith.constant 1 : i32
      %add3A_30 = arith.addi %mul3A_13, %add3A_29 : i32
      "tpu.region"() ({
        %run_scoped3A = tpu.sem_alloc : memref<!tpu.dma_semaphore, #tpu.memory_space<semaphore_mem>>
        %dma_start3A_63 = arith.constant 0 : i32
        %dma_start3A_64 = arith.constant 0 : i32
        %dma_start3A_65 = tpu.memref_slice %arg3[%add3A_30, %dma_start3A_63, %dma_start3A_64] : memref<64x40x128xi32, #tpu.memory_space<hbm>> -> memref<1x40x128xi32, #tpu.memory_space<hbm>>
        %dma_start3A_66 = tpu.memref_squeeze %dma_start3A_65 : memref<1x40x128xi32, #tpu.memory_space<hbm>> -> memref<40x128xi32, #tpu.memory_space<hbm>>
        %dma_start3A_67 = arith.constant 0 : i32
        %dma_start3A_68 = arith.constant 0 : i32
        %dma_start3A_69 = tpu.memref_slice %arg3[%add3A_30, %dma_start3A_67, %dma_start3A_68] : memref<64x40x128xi32, #tpu.memory_space<hbm>> -> memref<1x40x128xi32, #tpu.memory_space<hbm>>
        %dma_start3A_70 = tpu.memref_squeeze %dma_start3A_69 : memref<1x40x128xi32, #tpu.memory_space<hbm>> -> memref<40x128xi32, #tpu.memory_space<hbm>>
        tpu.enqueue_dma source(%dma_start3A_70 : memref<40x128xi32, #tpu.memory_space<hbm>>) target(%arg7 : memref<40x128xi32, #tpu.memory_space<vmem>>) target_semaphore(%run_scoped3A : memref<!tpu.dma_semaphore, #tpu.memory_space<semaphore_mem>>)
        %dma_wait3A = arith.constant 0 : i32
        %dma_wait3A_71 = arith.constant 0 : i32
        %dma_wait3A_72 = tpu.memref_slice %arg3[%add3A_30, %dma_wait3A, %dma_wait3A_71] : memref<64x40x128xi32, #tpu.memory_space<hbm>> -> memref<1x40x128xi32, #tpu.memory_space<hbm>>
        %dma_wait3A_73 = tpu.memref_squeeze %dma_wait3A_72 : memref<1x40x128xi32, #tpu.memory_space<hbm>> -> memref<40x128xi32, #tpu.memory_space<hbm>>
        %dma_wait3A_74 = arith.constant 0 : i32
        %dma_wait3A_75 = arith.constant 0 : i32
        %dma_wait3A_76 = tpu.memref_slice %arg3[%add3A_30, %dma_wait3A_74, %dma_wait3A_75] : memref<64x40x128xi32, #tpu.memory_space<hbm>> -> memref<1x40x128xi32, #tpu.memory_space<hbm>>
        %dma_wait3A_77 = tpu.memref_squeeze %dma_wait3A_76 : memref<1x40x128xi32, #tpu.memory_space<hbm>> -> memref<40x128xi32, #tpu.memory_space<hbm>>
        tpu.wait_dma2 semaphore(%run_scoped3A : memref<!tpu.dma_semaphore, #tpu.memory_space<semaphore_mem>>) src(%dma_wait3A_77 : memref<40x128xi32, #tpu.memory_space<hbm>>) dst(%arg7 : memref<40x128xi32, #tpu.memory_space<vmem>>)
        tpu.yield
      }) : () -> ()
      %add3A_31 = arith.constant 1 : i32
      %add3A_32 = arith.addi %mul3A_13, %add3A_31 : i32
      "tpu.region"() ({
        %run_scoped3A = tpu.sem_alloc : memref<!tpu.dma_semaphore, #tpu.memory_space<semaphore_mem>>
        %dma_start3A_63 = arith.constant 0 : i32
        %dma_start3A_64 = arith.constant 0 : i32
        %dma_start3A_65 = tpu.memref_slice %arg4[%add3A_32, %dma_start3A_63, %dma_start3A_64] : memref<64x40x128xi32, #tpu.memory_space<hbm>> -> memref<1x40x128xi32, #tpu.memory_space<hbm>>
        %dma_start3A_66 = tpu.memref_squeeze %dma_start3A_65 : memref<1x40x128xi32, #tpu.memory_space<hbm>> -> memref<40x128xi32, #tpu.memory_space<hbm>>
        %dma_start3A_67 = arith.constant 0 : i32
        %dma_start3A_68 = arith.constant 0 : i32
        %dma_start3A_69 = tpu.memref_slice %arg4[%add3A_32, %dma_start3A_67, %dma_start3A_68] : memref<64x40x128xi32, #tpu.memory_space<hbm>> -> memref<1x40x128xi32, #tpu.memory_space<hbm>>
        %dma_start3A_70 = tpu.memref_squeeze %dma_start3A_69 : memref<1x40x128xi32, #tpu.memory_space<hbm>> -> memref<40x128xi32, #tpu.memory_space<hbm>>
        tpu.enqueue_dma source(%dma_start3A_70 : memref<40x128xi32, #tpu.memory_space<hbm>>) target(%arg8 : memref<40x128xi32, #tpu.memory_space<vmem>>) target_semaphore(%run_scoped3A : memref<!tpu.dma_semaphore, #tpu.memory_space<semaphore_mem>>)
        %dma_wait3A = arith.constant 0 : i32
        %dma_wait3A_71 = arith.constant 0 : i32
        %dma_wait3A_72 = tpu.memref_slice %arg4[%add3A_32, %dma_wait3A, %dma_wait3A_71] : memref<64x40x128xi32, #tpu.memory_space<hbm>> -> memref<1x40x128xi32, #tpu.memory_space<hbm>>
        %dma_wait3A_73 = tpu.memref_squeeze %dma_wait3A_72 : memref<1x40x128xi32, #tpu.memory_space<hbm>> -> memref<40x128xi32, #tpu.memory_space<hbm>>
        %dma_wait3A_74 = arith.constant 0 : i32
        %dma_wait3A_75 = arith.constant 0 : i32
        %dma_wait3A_76 = tpu.memref_slice %arg4[%add3A_32, %dma_wait3A_74, %dma_wait3A_75] : memref<64x40x128xi32, #tpu.memory_space<hbm>> -> memref<1x40x128xi32, #tpu.memory_space<hbm>>
        %dma_wait3A_77 = tpu.memref_squeeze %dma_wait3A_76 : memref<1x40x128xi32, #tpu.memory_space<hbm>> -> memref<40x128xi32, #tpu.memory_space<hbm>>
        tpu.wait_dma2 semaphore(%run_scoped3A : memref<!tpu.dma_semaphore, #tpu.memory_space<semaphore_mem>>) src(%dma_wait3A_77 : memref<40x128xi32, #tpu.memory_space<hbm>>) dst(%arg8 : memref<40x128xi32, #tpu.memory_space<vmem>>)
        tpu.yield
      }) : () -> ()
      %dma_start3A_33 = arith.constant 0 : i32
      %dma_start3A_34 = arith.constant 0 : i32
      %dma_start3A_35 = tpu.memref_slice %arg7[%dma_start3A_33, %dma_start3A_34] : memref<40x128xi32, #tpu.memory_space<vmem>> -> memref<1x128xi32, #tpu.memory_space<vmem>>
      %dma_start3A_36 = tpu.memref_squeeze %dma_start3A_35 : memref<1x128xi32, #tpu.memory_space<vmem>> -> memref<128xi32, #tpu.memory_space<vmem>>
      %dma_start3A_37 = arith.constant 0 : i32
      %dma_start3A_38 = arith.constant 0 : i32
      %dma_start3A_39 = tpu.memref_slice %arg2[%dma_start3A_37, %dma_start3A_38] : memref<10000x128xf32, #tpu.memory_space<hbm>> -> memref<10000x128xf32, #tpu.memory_space<hbm>>
      tpu.enqueue_indirect_dma source(%dma_start3A_39 : memref<10000x128xf32, #tpu.memory_space<hbm>>) target(%arg9 : memref<128x128xf32, #tpu.memory_space<vmem>>) offsets(%dma_start3A_36 : memref<128xi32, #tpu.memory_space<vmem>>) semaphore(%arg12 : memref<!tpu.dma_semaphore, #tpu.memory_space<semaphore_mem>>)
      %scan3A_40 = arith.constant 0 : i32
      %scan3A_41 = arith.constant 0 : i32
      %scan3A_42 = arith.constant 20 : i32
      %scan3A_43 = arith.addi %scan3A_41, %scan3A_42 : i32
      %scan3A_44 = arith.constant 1 : i32
      scf.for %scan3A_63 = %scan3A_41 to %scan3A_43 step %scan3A_44  : i32 {
        %mul3A_64 = arith.constant 2 : i32
        %mul3A_65 = arith.muli %mul3A_64, %scan3A_63 : i32
        %dma_wait3A = arith.constant 0 : i32
        %dma_wait3A_66 = tpu.memref_slice %arg7[%mul3A_65, %dma_wait3A] : memref<40x128xi32, #tpu.memory_space<vmem>> -> memref<1x128xi32, #tpu.memory_space<vmem>>
        %dma_wait3A_67 = tpu.memref_squeeze %dma_wait3A_66 : memref<1x128xi32, #tpu.memory_space<vmem>> -> memref<128xi32, #tpu.memory_space<vmem>>
        %dma_wait3A_68 = arith.constant 0 : i32
        %dma_wait3A_69 = arith.constant 0 : i32
        %dma_wait3A_70 = tpu.memref_slice %arg2[%dma_wait3A_68, %dma_wait3A_69] : memref<10000x128xf32, #tpu.memory_space<hbm>> -> memref<10000x128xf32, #tpu.memory_space<hbm>>
        tpu.wait_indirect_dma semaphore(%arg12 : memref<!tpu.dma_semaphore, #tpu.memory_space<semaphore_mem>>) src(%dma_wait3A_70 : memref<10000x128xf32, #tpu.memory_space<hbm>>) dst(%arg9 : memref<128x128xf32, #tpu.memory_space<vmem>>)
        %add3A_71 = arith.constant 1 : i32
        %add3A_72 = arith.addi %mul3A_65, %add3A_71 : i32
        %dma_start3A_73 = arith.constant 0 : i32
        %dma_start3A_74 = tpu.memref_slice %arg7[%add3A_72, %dma_start3A_73] : memref<40x128xi32, #tpu.memory_space<vmem>> -> memref<1x128xi32, #tpu.memory_space<vmem>>
        %dma_start3A_75 = tpu.memref_squeeze %dma_start3A_74 : memref<1x128xi32, #tpu.memory_space<vmem>> -> memref<128xi32, #tpu.memory_space<vmem>>
        %dma_start3A_76 = arith.constant 0 : i32
        %dma_start3A_77 = arith.constant 0 : i32
        %dma_start3A_78 = tpu.memref_slice %arg2[%dma_start3A_76, %dma_start3A_77] : memref<10000x128xf32, #tpu.memory_space<hbm>> -> memref<10000x128xf32, #tpu.memory_space<hbm>>
        tpu.enqueue_indirect_dma source(%dma_start3A_78 : memref<10000x128xf32, #tpu.memory_space<hbm>>) target(%arg10 : memref<128x128xf32, #tpu.memory_space<vmem>>) offsets(%dma_start3A_75 : memref<128xi32, #tpu.memory_space<vmem>>) semaphore(%arg13 : memref<!tpu.dma_semaphore, #tpu.memory_space<semaphore_mem>>)
        "tpu.region"() ({
          %run_scoped3A = tpu.sem_alloc : memref<!tpu.dma_semaphore, #tpu.memory_space<semaphore_mem>>
          %dma_start3A_95 = arith.constant 0 : i32
          %dma_start3A_96 = tpu.memref_slice %arg8[%mul3A_65, %dma_start3A_95] : memref<40x128xi32, #tpu.memory_space<vmem>> -> memref<1x128xi32, #tpu.memory_space<vmem>>
          %dma_start3A_97 = tpu.memref_squeeze %dma_start3A_96 : memref<1x128xi32, #tpu.memory_space<vmem>> -> memref<128xi32, #tpu.memory_space<vmem>>
          %dma_start3A_98 = arith.constant 0 : i32
          %dma_start3A_99 = arith.constant 0 : i32
          %dma_start3A_100 = tpu.memref_slice %arg11[%dma_start3A_98, %dma_start3A_99] : memref<10112x128xf32, #tpu.memory_space<vmem_shared>> -> memref<10112x128xf32, #tpu.memory_space<vmem_shared>>
          tpu.enqueue_indirect_dma source(%arg9 : memref<128x128xf32, #tpu.memory_space<vmem>>) target(%dma_start3A_100 : memref<10112x128xf32, #tpu.memory_space<vmem_shared>>) offsets(%dma_start3A_97 : memref<128xi32, #tpu.memory_space<vmem>>) semaphore(%run_scoped3A : memref<!tpu.dma_semaphore, #tpu.memory_space<semaphore_mem>>) {add = true}
          %dma_wait3A_101 = arith.constant 0 : i32
          %dma_wait3A_102 = tpu.memref_slice %arg8[%mul3A_65, %dma_wait3A_101] : memref<40x128xi32, #tpu.memory_space<vmem>> -> memref<1x128xi32, #tpu.memory_space<vmem>>
          %dma_wait3A_103 = tpu.memref_squeeze %dma_wait3A_102 : memref<1x128xi32, #tpu.memory_space<vmem>> -> memref<128xi32, #tpu.memory_space<vmem>>
          %dma_wait3A_104 = arith.constant 0 : i32
          %dma_wait3A_105 = arith.constant 0 : i32
          %dma_wait3A_106 = tpu.memref_slice %arg11[%dma_wait3A_104, %dma_wait3A_105] : memref<10112x128xf32, #tpu.memory_space<vmem_shared>> -> memref<10112x128xf32, #tpu.memory_space<vmem_shared>>
          tpu.wait_indirect_dma semaphore(%run_scoped3A : memref<!tpu.dma_semaphore, #tpu.memory_space<semaphore_mem>>) src(%arg9 : memref<128x128xf32, #tpu.memory_space<vmem>>) dst(%dma_wait3A_106 : memref<10112x128xf32, #tpu.memory_space<vmem_shared>>)
          tpu.yield
        }) : () -> ()
        %add3A_79 = arith.constant 1 : i32
        %add3A_80 = arith.addi %mul3A_65, %add3A_79 : i32
        %dma_wait3A_81 = arith.constant 0 : i32
        %dma_wait3A_82 = tpu.memref_slice %arg7[%add3A_80, %dma_wait3A_81] : memref<40x128xi32, #tpu.memory_space<vmem>> -> memref<1x128xi32, #tpu.memory_space<vmem>>
        %dma_wait3A_83 = tpu.memref_squeeze %dma_wait3A_82 : memref<1x128xi32, #tpu.memory_space<vmem>> -> memref<128xi32, #tpu.memory_space<vmem>>
        %dma_wait3A_84 = arith.constant 0 : i32
        %dma_wait3A_85 = arith.constant 0 : i32
        %dma_wait3A_86 = tpu.memref_slice %arg2[%dma_wait3A_84, %dma_wait3A_85] : memref<10000x128xf32, #tpu.memory_space<hbm>> -> memref<10000x128xf32, #tpu.memory_space<hbm>>
        tpu.wait_indirect_dma semaphore(%arg13 : memref<!tpu.dma_semaphore, #tpu.memory_space<semaphore_mem>>) src(%dma_wait3A_86 : memref<10000x128xf32, #tpu.memory_space<hbm>>) dst(%arg10 : memref<128x128xf32, #tpu.memory_space<vmem>>)
        %add3A_87 = arith.constant 2 : i32
        %add3A_88 = arith.addi %mul3A_65, %add3A_87 : i32
        %lt3A = arith.constant 40 : i32
        %lt3A_89 = arith.cmpi slt, %add3A_88, %lt3A : i32
        %convert_element_type3A_90 = arith.extui %lt3A_89 : i1 to i32
        %cond3A_91 = arith.constant 0 : i32
        %cond3A_92 = arith.cmpi ne, %convert_element_type3A_90, %cond3A_91 : i32
        scf.if %cond3A_92 {
          %add3A_95 = arith.constant 2 : i32
          %add3A_96 = arith.addi %mul3A_65, %add3A_95 : i32
          %dma_start3A_97 = arith.constant 0 : i32
          %dma_start3A_98 = tpu.memref_slice %arg7[%add3A_96, %dma_start3A_97] : memref<40x128xi32, #tpu.memory_space<vmem>> -> memref<1x128xi32, #tpu.memory_space<vmem>>
          %dma_start3A_99 = tpu.memref_squeeze %dma_start3A_98 : memref<1x128xi32, #tpu.memory_space<vmem>> -> memref<128xi32, #tpu.memory_space<vmem>>
          %dma_start3A_100 = arith.constant 0 : i32
          %dma_start3A_101 = arith.constant 0 : i32
          %dma_start3A_102 = tpu.memref_slice %arg2[%dma_start3A_100, %dma_start3A_101] : memref<10000x128xf32, #tpu.memory_space<hbm>> -> memref<10000x128xf32, #tpu.memory_space<hbm>>
          tpu.enqueue_indirect_dma source(%dma_start3A_102 : memref<10000x128xf32, #tpu.memory_space<hbm>>) target(%arg9 : memref<128x128xf32, #tpu.memory_space<vmem>>) offsets(%dma_start3A_99 : memref<128xi32, #tpu.memory_space<vmem>>) semaphore(%arg12 : memref<!tpu.dma_semaphore, #tpu.memory_space<semaphore_mem>>)
        } else {
        }
        %add3A_93 = arith.constant 1 : i32
        %add3A_94 = arith.addi %mul3A_65, %add3A_93 : i32
        "tpu.region"() ({
          %run_scoped3A = tpu.sem_alloc : memref<!tpu.dma_semaphore, #tpu.memory_space<semaphore_mem>>
          %dma_start3A_95 = arith.constant 0 : i32
          %dma_start3A_96 = tpu.memref_slice %arg8[%add3A_94, %dma_start3A_95] : memref<40x128xi32, #tpu.memory_space<vmem>> -> memref<1x128xi32, #tpu.memory_space<vmem>>
          %dma_start3A_97 = tpu.memref_squeeze %dma_start3A_96 : memref<1x128xi32, #tpu.memory_space<vmem>> -> memref<128xi32, #tpu.memory_space<vmem>>
          %dma_start3A_98 = arith.constant 0 : i32
          %dma_start3A_99 = arith.constant 0 : i32
          %dma_start3A_100 = tpu.memref_slice %arg11[%dma_start3A_98, %dma_start3A_99] : memref<10112x128xf32, #tpu.memory_space<vmem_shared>> -> memref<10112x128xf32, #tpu.memory_space<vmem_shared>>
          tpu.enqueue_indirect_dma source(%arg10 : memref<128x128xf32, #tpu.memory_space<vmem>>) target(%dma_start3A_100 : memref<10112x128xf32, #tpu.memory_space<vmem_shared>>) offsets(%dma_start3A_97 : memref<128xi32, #tpu.memory_space<vmem>>) semaphore(%run_scoped3A : memref<!tpu.dma_semaphore, #tpu.memory_space<semaphore_mem>>) {add = true}
          %dma_wait3A_101 = arith.constant 0 : i32
          %dma_wait3A_102 = tpu.memref_slice %arg8[%add3A_94, %dma_wait3A_101] : memref<40x128xi32, #tpu.memory_space<vmem>> -> memref<1x128xi32, #tpu.memory_space<vmem>>
          %dma_wait3A_103 = tpu.memref_squeeze %dma_wait3A_102 : memref<1x128xi32, #tpu.memory_space<vmem>> -> memref<128xi32, #tpu.memory_space<vmem>>
          %dma_wait3A_104 = arith.constant 0 : i32
          %dma_wait3A_105 = arith.constant 0 : i32
          %dma_wait3A_106 = tpu.memref_slice %arg11[%dma_wait3A_104, %dma_wait3A_105] : memref<10112x128xf32, #tpu.memory_space<vmem_shared>> -> memref<10112x128xf32, #tpu.memory_space<vmem_shared>>
          tpu.wait_indirect_dma semaphore(%run_scoped3A : memref<!tpu.dma_semaphore, #tpu.memory_space<semaphore_mem>>) src(%arg10 : memref<128x128xf32, #tpu.memory_space<vmem>>) dst(%dma_wait3A_106 : memref<10112x128xf32, #tpu.memory_space<vmem_shared>>)
          tpu.yield
        }) : () -> ()
      }
      %scan3A_45 = arith.constant 20 : i32
      %add3A_46 = arith.constant 2 : i32
      %add3A_47 = arith.addi %mul3A_13, %add3A_46 : i32
      "tpu.region"() ({
        %run_scoped3A = tpu.sem_alloc : memref<!tpu.dma_semaphore, #tpu.memory_space<semaphore_mem>>
        %dma_start3A_63 = arith.constant 0 : i32
        %dma_start3A_64 = arith.constant 0 : i32
        %dma_start3A_65 = tpu.memref_slice %arg3[%add3A_47, %dma_start3A_63, %dma_start3A_64] : memref<64x40x128xi32, #tpu.memory_space<hbm>> -> memref<1x40x128xi32, #tpu.memory_space<hbm>>
        %dma_start3A_66 = tpu.memref_squeeze %dma_start3A_65 : memref<1x40x128xi32, #tpu.memory_space<hbm>> -> memref<40x128xi32, #tpu.memory_space<hbm>>
        %dma_start3A_67 = arith.constant 0 : i32
        %dma_start3A_68 = arith.constant 0 : i32
        %dma_start3A_69 = tpu.memref_slice %arg3[%add3A_47, %dma_start3A_67, %dma_start3A_68] : memref<64x40x128xi32, #tpu.memory_space<hbm>> -> memref<1x40x128xi32, #tpu.memory_space<hbm>>
        %dma_start3A_70 = tpu.memref_squeeze %dma_start3A_69 : memref<1x40x128xi32, #tpu.memory_space<hbm>> -> memref<40x128xi32, #tpu.memory_space<hbm>>
        tpu.enqueue_dma source(%dma_start3A_70 : memref<40x128xi32, #tpu.memory_space<hbm>>) target(%arg7 : memref<40x128xi32, #tpu.memory_space<vmem>>) target_semaphore(%run_scoped3A : memref<!tpu.dma_semaphore, #tpu.memory_space<semaphore_mem>>)
        %dma_wait3A = arith.constant 0 : i32
        %dma_wait3A_71 = arith.constant 0 : i32
        %dma_wait3A_72 = tpu.memref_slice %arg3[%add3A_47, %dma_wait3A, %dma_wait3A_71] : memref<64x40x128xi32, #tpu.memory_space<hbm>> -> memref<1x40x128xi32, #tpu.memory_space<hbm>>
        %dma_wait3A_73 = tpu.memref_squeeze %dma_wait3A_72 : memref<1x40x128xi32, #tpu.memory_space<hbm>> -> memref<40x128xi32, #tpu.memory_space<hbm>>
        %dma_wait3A_74 = arith.constant 0 : i32
        %dma_wait3A_75 = arith.constant 0 : i32
        %dma_wait3A_76 = tpu.memref_slice %arg3[%add3A_47, %dma_wait3A_74, %dma_wait3A_75] : memref<64x40x128xi32, #tpu.memory_space<hbm>> -> memref<1x40x128xi32, #tpu.memory_space<hbm>>
        %dma_wait3A_77 = tpu.memref_squeeze %dma_wait3A_76 : memref<1x40x128xi32, #tpu.memory_space<hbm>> -> memref<40x128xi32, #tpu.memory_space<hbm>>
        tpu.wait_dma2 semaphore(%run_scoped3A : memref<!tpu.dma_semaphore, #tpu.memory_space<semaphore_mem>>) src(%dma_wait3A_77 : memref<40x128xi32, #tpu.memory_space<hbm>>) dst(%arg7 : memref<40x128xi32, #tpu.memory_space<vmem>>)
        tpu.yield
      }) : () -> ()
      %add3A_48 = arith.constant 2 : i32
      %add3A_49 = arith.addi %mul3A_13, %add3A_48 : i32
      "tpu.region"() ({
        %run_scoped3A = tpu.sem_alloc : memref<!tpu.dma_semaphore, #tpu.memory_space<semaphore_mem>>
        %dma_start3A_63 = arith.constant 0 : i32
        %dma_start3A_64 = arith.constant 0 : i32
        %dma_start3A_65 = tpu.memref_slice %arg4[%add3A_49, %dma_start3A_63, %dma_start3A_64] : memref<64x40x128xi32, #tpu.memory_space<hbm>> -> memref<1x40x128xi32, #tpu.memory_space<hbm>>
        %dma_start3A_66 = tpu.memref_squeeze %dma_start3A_65 : memref<1x40x128xi32, #tpu.memory_space<hbm>> -> memref<40x128xi32, #tpu.memory_space<hbm>>
        %dma_start3A_67 = arith.constant 0 : i32
        %dma_start3A_68 = arith.constant 0 : i32
        %dma_start3A_69 = tpu.memref_slice %arg4[%add3A_49, %dma_start3A_67, %dma_start3A_68] : memref<64x40x128xi32, #tpu.memory_space<hbm>> -> memref<1x40x128xi32, #tpu.memory_space<hbm>>
        %dma_start3A_70 = tpu.memref_squeeze %dma_start3A_69 : memref<1x40x128xi32, #tpu.memory_space<hbm>> -> memref<40x128xi32, #tpu.memory_space<hbm>>
        tpu.enqueue_dma source(%dma_start3A_70 : memref<40x128xi32, #tpu.memory_space<hbm>>) target(%arg8 : memref<40x128xi32, #tpu.memory_space<vmem>>) target_semaphore(%run_scoped3A : memref<!tpu.dma_semaphore, #tpu.memory_space<semaphore_mem>>)
        %dma_wait3A = arith.constant 0 : i32
        %dma_wait3A_71 = arith.constant 0 : i32
        %dma_wait3A_72 = tpu.memref_slice %arg4[%add3A_49, %dma_wait3A, %dma_wait3A_71] : memref<64x40x128xi32, #tpu.memory_space<hbm>> -> memref<1x40x128xi32, #tpu.memory_space<hbm>>
        %dma_wait3A_73 = tpu.memref_squeeze %dma_wait3A_72 : memref<1x40x128xi32, #tpu.memory_space<hbm>> -> memref<40x128xi32, #tpu.memory_space<hbm>>
        %dma_wait3A_74 = arith.constant 0 : i32
        %dma_wait3A_75 = arith.constant 0 : i32
        %dma_wait3A_76 = tpu.memref_slice %arg4[%add3A_49, %dma_wait3A_74, %dma_wait3A_75] : memref<64x40x128xi32, #tpu.memory_space<hbm>> -> memref<1x40x128xi32, #tpu.memory_space<hbm>>
        %dma_wait3A_77 = tpu.memref_squeeze %dma_wait3A_76 : memref<1x40x128xi32, #tpu.memory_space<hbm>> -> memref<40x128xi32, #tpu.memory_space<hbm>>
        tpu.wait_dma2 semaphore(%run_scoped3A : memref<!tpu.dma_semaphore, #tpu.memory_space<semaphore_mem>>) src(%dma_wait3A_77 : memref<40x128xi32, #tpu.memory_space<hbm>>) dst(%arg8 : memref<40x128xi32, #tpu.memory_space<vmem>>)
        tpu.yield
      }) : () -> ()
      %dma_start3A_50 = arith.constant 0 : i32
      %dma_start3A_51 = arith.constant 0 : i32
      %dma_start3A_52 = tpu.memref_slice %arg7[%dma_start3A_50, %dma_start3A_51] : memref<40x128xi32, #tpu.memory_space<vmem>> -> memref<1x128xi32, #tpu.memory_space<vmem>>
      %dma_start3A_53 = tpu.memref_squeeze %dma_start3A_52 : memref<1x128xi32, #tpu.memory_space<vmem>> -> memref<128xi32, #tpu.memory_space<vmem>>
      %dma_start3A_54 = arith.constant 0 : i32
      %dma_start3A_55 = arith.constant 0 : i32
      %dma_start3A_56 = tpu.memref_slice %arg2[%dma_start3A_54, %dma_start3A_55] : memref<10000x128xf32, #tpu.memory_space<hbm>> -> memref<10000x128xf32, #tpu.memory_space<hbm>>
      tpu.enqueue_indirect_dma source(%dma_start3A_56 : memref<10000x128xf32, #tpu.memory_space<hbm>>) target(%arg9 : memref<128x128xf32, #tpu.memory_space<vmem>>) offsets(%dma_start3A_53 : memref<128xi32, #tpu.memory_space<vmem>>) semaphore(%arg12 : memref<!tpu.dma_semaphore, #tpu.memory_space<semaphore_mem>>)
      %scan3A_57 = arith.constant 0 : i32
      %scan3A_58 = arith.constant 0 : i32
      %scan3A_59 = arith.constant 20 : i32
      %scan3A_60 = arith.addi %scan3A_58, %scan3A_59 : i32
      %scan3A_61 = arith.constant 1 : i32
      scf.for %scan3A_63 = %scan3A_58 to %scan3A_60 step %scan3A_61  : i32 {
        %mul3A_64 = arith.constant 2 : i32
        %mul3A_65 = arith.muli %mul3A_64, %scan3A_63 : i32
        %dma_wait3A = arith.constant 0 : i32
        %dma_wait3A_66 = tpu.memref_slice %arg7[%mul3A_65, %dma_wait3A] : memref<40x128xi32, #tpu.memory_space<vmem>> -> memref<1x128xi32, #tpu.memory_space<vmem>>
        %dma_wait3A_67 = tpu.memref_squeeze %dma_wait3A_66 : memref<1x128xi32, #tpu.memory_space<vmem>> -> memref<128xi32, #tpu.memory_space<vmem>>
        %dma_wait3A_68 = arith.constant 0 : i32
        %dma_wait3A_69 = arith.constant 0 : i32
        %dma_wait3A_70 = tpu.memref_slice %arg2[%dma_wait3A_68, %dma_wait3A_69] : memref<10000x128xf32, #tpu.memory_space<hbm>> -> memref<10000x128xf32, #tpu.memory_space<hbm>>
        tpu.wait_indirect_dma semaphore(%arg12 : memref<!tpu.dma_semaphore, #tpu.memory_space<semaphore_mem>>) src(%dma_wait3A_70 : memref<10000x128xf32, #tpu.memory_space<hbm>>) dst(%arg9 : memref<128x128xf32, #tpu.memory_space<vmem>>)
        %add3A_71 = arith.constant 1 : i32
        %add3A_72 = arith.addi %mul3A_65, %add3A_71 : i32
        %dma_start3A_73 = arith.constant 0 : i32
        %dma_start3A_74 = tpu.memref_slice %arg7[%add3A_72, %dma_start3A_73] : memref<40x128xi32, #tpu.memory_space<vmem>> -> memref<1x128xi32, #tpu.memory_space<vmem>>
        %dma_start3A_75 = tpu.memref_squeeze %dma_start3A_74 : memref<1x128xi32, #tpu.memory_space<vmem>> -> memref<128xi32, #tpu.memory_space<vmem>>
        %dma_start3A_76 = arith.constant 0 : i32
        %dma_start3A_77 = arith.constant 0 : i32
        %dma_start3A_78 = tpu.memref_slice %arg2[%dma_start3A_76, %dma_start3A_77] : memref<10000x128xf32, #tpu.memory_space<hbm>> -> memref<10000x128xf32, #tpu.memory_space<hbm>>
        tpu.enqueue_indirect_dma source(%dma_start3A_78 : memref<10000x128xf32, #tpu.memory_space<hbm>>) target(%arg10 : memref<128x128xf32, #tpu.memory_space<vmem>>) offsets(%dma_start3A_75 : memref<128xi32, #tpu.memory_space<vmem>>) semaphore(%arg13 : memref<!tpu.dma_semaphore, #tpu.memory_space<semaphore_mem>>)
        "tpu.region"() ({
          %run_scoped3A = tpu.sem_alloc : memref<!tpu.dma_semaphore, #tpu.memory_space<semaphore_mem>>
          %dma_start3A_95 = arith.constant 0 : i32
          %dma_start3A_96 = tpu.memref_slice %arg8[%mul3A_65, %dma_start3A_95] : memref<40x128xi32, #tpu.memory_space<vmem>> -> memref<1x128xi32, #tpu.memory_space<vmem>>
          %dma_start3A_97 = tpu.memref_squeeze %dma_start3A_96 : memref<1x128xi32, #tpu.memory_space<vmem>> -> memref<128xi32, #tpu.memory_space<vmem>>
          %dma_start3A_98 = arith.constant 0 : i32
          %dma_start3A_99 = arith.constant 0 : i32
          %dma_start3A_100 = tpu.memref_slice %arg11[%dma_start3A_98, %dma_start3A_99] : memref<10112x128xf32, #tpu.memory_space<vmem_shared>> -> memref<10112x128xf32, #tpu.memory_space<vmem_shared>>
          tpu.enqueue_indirect_dma source(%arg9 : memref<128x128xf32, #tpu.memory_space<vmem>>) target(%dma_start3A_100 : memref<10112x128xf32, #tpu.memory_space<vmem_shared>>) offsets(%dma_start3A_97 : memref<128xi32, #tpu.memory_space<vmem>>) semaphore(%run_scoped3A : memref<!tpu.dma_semaphore, #tpu.memory_space<semaphore_mem>>) {add = true}
          %dma_wait3A_101 = arith.constant 0 : i32
          %dma_wait3A_102 = tpu.memref_slice %arg8[%mul3A_65, %dma_wait3A_101] : memref<40x128xi32, #tpu.memory_space<vmem>> -> memref<1x128xi32, #tpu.memory_space<vmem>>
          %dma_wait3A_103 = tpu.memref_squeeze %dma_wait3A_102 : memref<1x128xi32, #tpu.memory_space<vmem>> -> memref<128xi32, #tpu.memory_space<vmem>>
          %dma_wait3A_104 = arith.constant 0 : i32
          %dma_wait3A_105 = arith.constant 0 : i32
          %dma_wait3A_106 = tpu.memref_slice %arg11[%dma_wait3A_104, %dma_wait3A_105] : memref<10112x128xf32, #tpu.memory_space<vmem_shared>> -> memref<10112x128xf32, #tpu.memory_space<vmem_shared>>
          tpu.wait_indirect_dma semaphore(%run_scoped3A : memref<!tpu.dma_semaphore, #tpu.memory_space<semaphore_mem>>) src(%arg9 : memref<128x128xf32, #tpu.memory_space<vmem>>) dst(%dma_wait3A_106 : memref<10112x128xf32, #tpu.memory_space<vmem_shared>>)
          tpu.yield
        }) : () -> ()
        %add3A_79 = arith.constant 1 : i32
        %add3A_80 = arith.addi %mul3A_65, %add3A_79 : i32
        %dma_wait3A_81 = arith.constant 0 : i32
        %dma_wait3A_82 = tpu.memref_slice %arg7[%add3A_80, %dma_wait3A_81] : memref<40x128xi32, #tpu.memory_space<vmem>> -> memref<1x128xi32, #tpu.memory_space<vmem>>
        %dma_wait3A_83 = tpu.memref_squeeze %dma_wait3A_82 : memref<1x128xi32, #tpu.memory_space<vmem>> -> memref<128xi32, #tpu.memory_space<vmem>>
        %dma_wait3A_84 = arith.constant 0 : i32
        %dma_wait3A_85 = arith.constant 0 : i32
        %dma_wait3A_86 = tpu.memref_slice %arg2[%dma_wait3A_84, %dma_wait3A_85] : memref<10000x128xf32, #tpu.memory_space<hbm>> -> memref<10000x128xf32, #tpu.memory_space<hbm>>
        tpu.wait_indirect_dma semaphore(%arg13 : memref<!tpu.dma_semaphore, #tpu.memory_space<semaphore_mem>>) src(%dma_wait3A_86 : memref<10000x128xf32, #tpu.memory_space<hbm>>) dst(%arg10 : memref<128x128xf32, #tpu.memory_space<vmem>>)
        %add3A_87 = arith.constant 2 : i32
        %add3A_88 = arith.addi %mul3A_65, %add3A_87 : i32
        %lt3A = arith.constant 40 : i32
        %lt3A_89 = arith.cmpi slt, %add3A_88, %lt3A : i32
        %convert_element_type3A_90 = arith.extui %lt3A_89 : i1 to i32
        %cond3A_91 = arith.constant 0 : i32
        %cond3A_92 = arith.cmpi ne, %convert_element_type3A_90, %cond3A_91 : i32
        scf.if %cond3A_92 {
          %add3A_95 = arith.constant 2 : i32
          %add3A_96 = arith.addi %mul3A_65, %add3A_95 : i32
          %dma_start3A_97 = arith.constant 0 : i32
          %dma_start3A_98 = tpu.memref_slice %arg7[%add3A_96, %dma_start3A_97] : memref<40x128xi32, #tpu.memory_space<vmem>> -> memref<1x128xi32, #tpu.memory_space<vmem>>
          %dma_start3A_99 = tpu.memref_squeeze %dma_start3A_98 : memref<1x128xi32, #tpu.memory_space<vmem>> -> memref<128xi32, #tpu.memory_space<vmem>>
          %dma_start3A_100 = arith.constant 0 : i32
          %dma_start3A_101 = arith.constant 0 : i32
          %dma_start3A_102 = tpu.memref_slice %arg2[%dma_start3A_100, %dma_start3A_101] : memref<10000x128xf32, #tpu.memory_space<hbm>> -> memref<10000x128xf32, #tpu.memory_space<hbm>>
          tpu.enqueue_indirect_dma source(%dma_start3A_102 : memref<10000x128xf32, #tpu.memory_space<hbm>>) target(%arg9 : memref<128x128xf32, #tpu.memory_space<vmem>>) offsets(%dma_start3A_99 : memref<128xi32, #tpu.memory_space<vmem>>) semaphore(%arg12 : memref<!tpu.dma_semaphore, #tpu.memory_space<semaphore_mem>>)
        } else {
        }
        %add3A_93 = arith.constant 1 : i32
        %add3A_94 = arith.addi %mul3A_65, %add3A_93 : i32
        "tpu.region"() ({
          %run_scoped3A = tpu.sem_alloc : memref<!tpu.dma_semaphore, #tpu.memory_space<semaphore_mem>>
          %dma_start3A_95 = arith.constant 0 : i32
          %dma_start3A_96 = tpu.memref_slice %arg8[%add3A_94, %dma_start3A_95] : memref<40x128xi32, #tpu.memory_space<vmem>> -> memref<1x128xi32, #tpu.memory_space<vmem>>
          %dma_start3A_97 = tpu.memref_squeeze %dma_start3A_96 : memref<1x128xi32, #tpu.memory_space<vmem>> -> memref<128xi32, #tpu.memory_space<vmem>>
          %dma_start3A_98 = arith.constant 0 : i32
          %dma_start3A_99 = arith.constant 0 : i32
          %dma_start3A_100 = tpu.memref_slice %arg11[%dma_start3A_98, %dma_start3A_99] : memref<10112x128xf32, #tpu.memory_space<vmem_shared>> -> memref<10112x128xf32, #tpu.memory_space<vmem_shared>>
          tpu.enqueue_indirect_dma source(%arg10 : memref<128x128xf32, #tpu.memory_space<vmem>>) target(%dma_start3A_100 : memref<10112x128xf32, #tpu.memory_space<vmem_shared>>) offsets(%dma_start3A_97 : memref<128xi32, #tpu.memory_space<vmem>>) semaphore(%run_scoped3A : memref<!tpu.dma_semaphore, #tpu.memory_space<semaphore_mem>>) {add = true}
          %dma_wait3A_101 = arith.constant 0 : i32
          %dma_wait3A_102 = tpu.memref_slice %arg8[%add3A_94, %dma_wait3A_101] : memref<40x128xi32, #tpu.memory_space<vmem>> -> memref<1x128xi32, #tpu.memory_space<vmem>>
          %dma_wait3A_103 = tpu.memref_squeeze %dma_wait3A_102 : memref<1x128xi32, #tpu.memory_space<vmem>> -> memref<128xi32, #tpu.memory_space<vmem>>
          %dma_wait3A_104 = arith.constant 0 : i32
          %dma_wait3A_105 = arith.constant 0 : i32
          %dma_wait3A_106 = tpu.memref_slice %arg11[%dma_wait3A_104, %dma_wait3A_105] : memref<10112x128xf32, #tpu.memory_space<vmem_shared>> -> memref<10112x128xf32, #tpu.memory_space<vmem_shared>>
          tpu.wait_indirect_dma semaphore(%run_scoped3A : memref<!tpu.dma_semaphore, #tpu.memory_space<semaphore_mem>>) src(%arg10 : memref<128x128xf32, #tpu.memory_space<vmem>>) dst(%dma_wait3A_106 : memref<10112x128xf32, #tpu.memory_space<vmem_shared>>)
          tpu.yield
        }) : () -> ()
      }
      %scan3A_62 = arith.constant 20 : i32
    } else {
    }
    %eq3A_5 = arith.constant 1 : i32
    %eq3A_6 = arith.cmpi eq, %arg0, %eq3A_5 : i32
    %convert_element_type3A_7 = arith.extui %eq3A_6 : i1 to i32
    %cond3A_8 = arith.constant 0 : i32
    %cond3A_9 = arith.cmpi ne, %convert_element_type3A_7, %cond3A_8 : i32
    scf.if %cond3A_9 {
      %add3A_12 = arith.constant 48 : i32
      %add3A_13 = arith.addi %add3A_12, %arg1 : i32
      %add3A_14 = arith.constant 0 : i32
      %add3A_15 = arith.addi %add3A_13, %add3A_14 : i32
      "tpu.region"() ({
        %run_scoped3A = tpu.sem_alloc : memref<!tpu.dma_semaphore, #tpu.memory_space<semaphore_mem>>
        %dma_start3A_29 = arith.constant 0 : i32
        %dma_start3A_30 = arith.constant 0 : i32
        %dma_start3A_31 = tpu.memref_slice %arg3[%add3A_15, %dma_start3A_29, %dma_start3A_30] : memref<64x40x128xi32, #tpu.memory_space<hbm>> -> memref<1x40x128xi32, #tpu.memory_space<hbm>>
        %dma_start3A_32 = tpu.memref_squeeze %dma_start3A_31 : memref<1x40x128xi32, #tpu.memory_space<hbm>> -> memref<40x128xi32, #tpu.memory_space<hbm>>
        %dma_start3A_33 = arith.constant 0 : i32
        %dma_start3A_34 = arith.constant 0 : i32
        %dma_start3A_35 = tpu.memref_slice %arg3[%add3A_15, %dma_start3A_33, %dma_start3A_34] : memref<64x40x128xi32, #tpu.memory_space<hbm>> -> memref<1x40x128xi32, #tpu.memory_space<hbm>>
        %dma_start3A_36 = tpu.memref_squeeze %dma_start3A_35 : memref<1x40x128xi32, #tpu.memory_space<hbm>> -> memref<40x128xi32, #tpu.memory_space<hbm>>
        tpu.enqueue_dma source(%dma_start3A_36 : memref<40x128xi32, #tpu.memory_space<hbm>>) target(%arg7 : memref<40x128xi32, #tpu.memory_space<vmem>>) target_semaphore(%run_scoped3A : memref<!tpu.dma_semaphore, #tpu.memory_space<semaphore_mem>>)
        %dma_wait3A = arith.constant 0 : i32
        %dma_wait3A_37 = arith.constant 0 : i32
        %dma_wait3A_38 = tpu.memref_slice %arg3[%add3A_15, %dma_wait3A, %dma_wait3A_37] : memref<64x40x128xi32, #tpu.memory_space<hbm>> -> memref<1x40x128xi32, #tpu.memory_space<hbm>>
        %dma_wait3A_39 = tpu.memref_squeeze %dma_wait3A_38 : memref<1x40x128xi32, #tpu.memory_space<hbm>> -> memref<40x128xi32, #tpu.memory_space<hbm>>
        %dma_wait3A_40 = arith.constant 0 : i32
        %dma_wait3A_41 = arith.constant 0 : i32
        %dma_wait3A_42 = tpu.memref_slice %arg3[%add3A_15, %dma_wait3A_40, %dma_wait3A_41] : memref<64x40x128xi32, #tpu.memory_space<hbm>> -> memref<1x40x128xi32, #tpu.memory_space<hbm>>
        %dma_wait3A_43 = tpu.memref_squeeze %dma_wait3A_42 : memref<1x40x128xi32, #tpu.memory_space<hbm>> -> memref<40x128xi32, #tpu.memory_space<hbm>>
        tpu.wait_dma2 semaphore(%run_scoped3A : memref<!tpu.dma_semaphore, #tpu.memory_space<semaphore_mem>>) src(%dma_wait3A_43 : memref<40x128xi32, #tpu.memory_space<hbm>>) dst(%arg7 : memref<40x128xi32, #tpu.memory_space<vmem>>)
        tpu.yield
      }) : () -> ()
      %add3A_16 = arith.constant 0 : i32
      %add3A_17 = arith.addi %add3A_13, %add3A_16 : i32
      "tpu.region"() ({
        %run_scoped3A = tpu.sem_alloc : memref<!tpu.dma_semaphore, #tpu.memory_space<semaphore_mem>>
        %dma_start3A_29 = arith.constant 0 : i32
        %dma_start3A_30 = arith.constant 0 : i32
        %dma_start3A_31 = tpu.memref_slice %arg4[%add3A_17, %dma_start3A_29, %dma_start3A_30] : memref<64x40x128xi32, #tpu.memory_space<hbm>> -> memref<1x40x128xi32, #tpu.memory_space<hbm>>
        %dma_start3A_32 = tpu.memref_squeeze %dma_start3A_31 : memref<1x40x128xi32, #tpu.memory_space<hbm>> -> memref<40x128xi32, #tpu.memory_space<hbm>>
        %dma_start3A_33 = arith.constant 0 : i32
        %dma_start3A_34 = arith.constant 0 : i32
        %dma_start3A_35 = tpu.memref_slice %arg4[%add3A_17, %dma_start3A_33, %dma_start3A_34] : memref<64x40x128xi32, #tpu.memory_space<hbm>> -> memref<1x40x128xi32, #tpu.memory_space<hbm>>
        %dma_start3A_36 = tpu.memref_squeeze %dma_start3A_35 : memref<1x40x128xi32, #tpu.memory_space<hbm>> -> memref<40x128xi32, #tpu.memory_space<hbm>>
        tpu.enqueue_dma source(%dma_start3A_36 : memref<40x128xi32, #tpu.memory_space<hbm>>) target(%arg8 : memref<40x128xi32, #tpu.memory_space<vmem>>) target_semaphore(%run_scoped3A : memref<!tpu.dma_semaphore, #tpu.memory_space<semaphore_mem>>)
        %dma_wait3A = arith.constant 0 : i32
        %dma_wait3A_37 = arith.constant 0 : i32
        %dma_wait3A_38 = tpu.memref_slice %arg4[%add3A_17, %dma_wait3A, %dma_wait3A_37] : memref<64x40x128xi32, #tpu.memory_space<hbm>> -> memref<1x40x128xi32, #tpu.memory_space<hbm>>
        %dma_wait3A_39 = tpu.memref_squeeze %dma_wait3A_38 : memref<1x40x128xi32, #tpu.memory_space<hbm>> -> memref<40x128xi32, #tpu.memory_space<hbm>>
        %dma_wait3A_40 = arith.constant 0 : i32
        %dma_wait3A_41 = arith.constant 0 : i32
        %dma_wait3A_42 = tpu.memref_slice %arg4[%add3A_17, %dma_wait3A_40, %dma_wait3A_41] : memref<64x40x128xi32, #tpu.memory_space<hbm>> -> memref<1x40x128xi32, #tpu.memory_space<hbm>>
        %dma_wait3A_43 = tpu.memref_squeeze %dma_wait3A_42 : memref<1x40x128xi32, #tpu.memory_space<hbm>> -> memref<40x128xi32, #tpu.memory_space<hbm>>
        tpu.wait_dma2 semaphore(%run_scoped3A : memref<!tpu.dma_semaphore, #tpu.memory_space<semaphore_mem>>) src(%dma_wait3A_43 : memref<40x128xi32, #tpu.memory_space<hbm>>) dst(%arg8 : memref<40x128xi32, #tpu.memory_space<vmem>>)
        tpu.yield
      }) : () -> ()
      %dma_start3A = arith.constant 0 : i32
      %dma_start3A_18 = arith.constant 0 : i32
      %dma_start3A_19 = tpu.memref_slice %arg7[%dma_start3A, %dma_start3A_18] : memref<40x128xi32, #tpu.memory_space<vmem>> -> memref<1x128xi32, #tpu.memory_space<vmem>>
      %dma_start3A_20 = tpu.memref_squeeze %dma_start3A_19 : memref<1x128xi32, #tpu.memory_space<vmem>> -> memref<128xi32, #tpu.memory_space<vmem>>
      %dma_start3A_21 = arith.constant 0 : i32
      %dma_start3A_22 = arith.constant 0 : i32
      %dma_start3A_23 = tpu.memref_slice %arg2[%dma_start3A_21, %dma_start3A_22] : memref<10000x128xf32, #tpu.memory_space<hbm>> -> memref<10000x128xf32, #tpu.memory_space<hbm>>
      tpu.enqueue_indirect_dma source(%dma_start3A_23 : memref<10000x128xf32, #tpu.memory_space<hbm>>) target(%arg9 : memref<128x128xf32, #tpu.memory_space<vmem>>) offsets(%dma_start3A_20 : memref<128xi32, #tpu.memory_space<vmem>>) semaphore(%arg12 : memref<!tpu.dma_semaphore, #tpu.memory_space<semaphore_mem>>)
      %scan3A = arith.constant 0 : i32
      %scan3A_24 = arith.constant 0 : i32
      %scan3A_25 = arith.constant 20 : i32
      %scan3A_26 = arith.addi %scan3A_24, %scan3A_25 : i32
      %scan3A_27 = arith.constant 1 : i32
      scf.for %scan3A_29 = %scan3A_24 to %scan3A_26 step %scan3A_27  : i32 {
        %mul3A_30 = arith.constant 2 : i32
        %mul3A_31 = arith.muli %mul3A_30, %scan3A_29 : i32
        %dma_wait3A = arith.constant 0 : i32
        %dma_wait3A_32 = tpu.memref_slice %arg7[%mul3A_31, %dma_wait3A] : memref<40x128xi32, #tpu.memory_space<vmem>> -> memref<1x128xi32, #tpu.memory_space<vmem>>
        %dma_wait3A_33 = tpu.memref_squeeze %dma_wait3A_32 : memref<1x128xi32, #tpu.memory_space<vmem>> -> memref<128xi32, #tpu.memory_space<vmem>>
        %dma_wait3A_34 = arith.constant 0 : i32
        %dma_wait3A_35 = arith.constant 0 : i32
        %dma_wait3A_36 = tpu.memref_slice %arg2[%dma_wait3A_34, %dma_wait3A_35] : memref<10000x128xf32, #tpu.memory_space<hbm>> -> memref<10000x128xf32, #tpu.memory_space<hbm>>
        tpu.wait_indirect_dma semaphore(%arg12 : memref<!tpu.dma_semaphore, #tpu.memory_space<semaphore_mem>>) src(%dma_wait3A_36 : memref<10000x128xf32, #tpu.memory_space<hbm>>) dst(%arg9 : memref<128x128xf32, #tpu.memory_space<vmem>>)
        %add3A_37 = arith.constant 1 : i32
        %add3A_38 = arith.addi %mul3A_31, %add3A_37 : i32
        %dma_start3A_39 = arith.constant 0 : i32
        %dma_start3A_40 = tpu.memref_slice %arg7[%add3A_38, %dma_start3A_39] : memref<40x128xi32, #tpu.memory_space<vmem>> -> memref<1x128xi32, #tpu.memory_space<vmem>>
        %dma_start3A_41 = tpu.memref_squeeze %dma_start3A_40 : memref<1x128xi32, #tpu.memory_space<vmem>> -> memref<128xi32, #tpu.memory_space<vmem>>
        %dma_start3A_42 = arith.constant 0 : i32
        %dma_start3A_43 = arith.constant 0 : i32
        %dma_start3A_44 = tpu.memref_slice %arg2[%dma_start3A_42, %dma_start3A_43] : memref<10000x128xf32, #tpu.memory_space<hbm>> -> memref<10000x128xf32, #tpu.memory_space<hbm>>
        tpu.enqueue_indirect_dma source(%dma_start3A_44 : memref<10000x128xf32, #tpu.memory_space<hbm>>) target(%arg10 : memref<128x128xf32, #tpu.memory_space<vmem>>) offsets(%dma_start3A_41 : memref<128xi32, #tpu.memory_space<vmem>>) semaphore(%arg13 : memref<!tpu.dma_semaphore, #tpu.memory_space<semaphore_mem>>)
        "tpu.region"() ({
          %run_scoped3A = tpu.sem_alloc : memref<!tpu.dma_semaphore, #tpu.memory_space<semaphore_mem>>
          %dma_start3A_61 = arith.constant 0 : i32
          %dma_start3A_62 = tpu.memref_slice %arg8[%mul3A_31, %dma_start3A_61] : memref<40x128xi32, #tpu.memory_space<vmem>> -> memref<1x128xi32, #tpu.memory_space<vmem>>
          %dma_start3A_63 = tpu.memref_squeeze %dma_start3A_62 : memref<1x128xi32, #tpu.memory_space<vmem>> -> memref<128xi32, #tpu.memory_space<vmem>>
          %dma_start3A_64 = arith.constant 0 : i32
          %dma_start3A_65 = arith.constant 0 : i32
          %dma_start3A_66 = tpu.memref_slice %arg11[%dma_start3A_64, %dma_start3A_65] : memref<10112x128xf32, #tpu.memory_space<vmem_shared>> -> memref<10112x128xf32, #tpu.memory_space<vmem_shared>>
          tpu.enqueue_indirect_dma source(%arg9 : memref<128x128xf32, #tpu.memory_space<vmem>>) target(%dma_start3A_66 : memref<10112x128xf32, #tpu.memory_space<vmem_shared>>) offsets(%dma_start3A_63 : memref<128xi32, #tpu.memory_space<vmem>>) semaphore(%run_scoped3A : memref<!tpu.dma_semaphore, #tpu.memory_space<semaphore_mem>>) {add = true}
          %dma_wait3A_67 = arith.constant 0 : i32
          %dma_wait3A_68 = tpu.memref_slice %arg8[%mul3A_31, %dma_wait3A_67] : memref<40x128xi32, #tpu.memory_space<vmem>> -> memref<1x128xi32, #tpu.memory_space<vmem>>
          %dma_wait3A_69 = tpu.memref_squeeze %dma_wait3A_68 : memref<1x128xi32, #tpu.memory_space<vmem>> -> memref<128xi32, #tpu.memory_space<vmem>>
          %dma_wait3A_70 = arith.constant 0 : i32
          %dma_wait3A_71 = arith.constant 0 : i32
          %dma_wait3A_72 = tpu.memref_slice %arg11[%dma_wait3A_70, %dma_wait3A_71] : memref<10112x128xf32, #tpu.memory_space<vmem_shared>> -> memref<10112x128xf32, #tpu.memory_space<vmem_shared>>
          tpu.wait_indirect_dma semaphore(%run_scoped3A : memref<!tpu.dma_semaphore, #tpu.memory_space<semaphore_mem>>) src(%arg9 : memref<128x128xf32, #tpu.memory_space<vmem>>) dst(%dma_wait3A_72 : memref<10112x128xf32, #tpu.memory_space<vmem_shared>>)
          tpu.yield
        }) : () -> ()
        %add3A_45 = arith.constant 1 : i32
        %add3A_46 = arith.addi %mul3A_31, %add3A_45 : i32
        %dma_wait3A_47 = arith.constant 0 : i32
        %dma_wait3A_48 = tpu.memref_slice %arg7[%add3A_46, %dma_wait3A_47] : memref<40x128xi32, #tpu.memory_space<vmem>> -> memref<1x128xi32, #tpu.memory_space<vmem>>
        %dma_wait3A_49 = tpu.memref_squeeze %dma_wait3A_48 : memref<1x128xi32, #tpu.memory_space<vmem>> -> memref<128xi32, #tpu.memory_space<vmem>>
        %dma_wait3A_50 = arith.constant 0 : i32
        %dma_wait3A_51 = arith.constant 0 : i32
        %dma_wait3A_52 = tpu.memref_slice %arg2[%dma_wait3A_50, %dma_wait3A_51] : memref<10000x128xf32, #tpu.memory_space<hbm>> -> memref<10000x128xf32, #tpu.memory_space<hbm>>
        tpu.wait_indirect_dma semaphore(%arg13 : memref<!tpu.dma_semaphore, #tpu.memory_space<semaphore_mem>>) src(%dma_wait3A_52 : memref<10000x128xf32, #tpu.memory_space<hbm>>) dst(%arg10 : memref<128x128xf32, #tpu.memory_space<vmem>>)
        %add3A_53 = arith.constant 2 : i32
        %add3A_54 = arith.addi %mul3A_31, %add3A_53 : i32
        %lt3A = arith.constant 40 : i32
        %lt3A_55 = arith.cmpi slt, %add3A_54, %lt3A : i32
        %convert_element_type3A_56 = arith.extui %lt3A_55 : i1 to i32
        %cond3A_57 = arith.constant 0 : i32
        %cond3A_58 = arith.cmpi ne, %convert_element_type3A_56, %cond3A_57 : i32
        scf.if %cond3A_58 {
          %add3A_61 = arith.constant 2 : i32
          %add3A_62 = arith.addi %mul3A_31, %add3A_61 : i32
          %dma_start3A_63 = arith.constant 0 : i32
          %dma_start3A_64 = tpu.memref_slice %arg7[%add3A_62, %dma_start3A_63] : memref<40x128xi32, #tpu.memory_space<vmem>> -> memref<1x128xi32, #tpu.memory_space<vmem>>
          %dma_start3A_65 = tpu.memref_squeeze %dma_start3A_64 : memref<1x128xi32, #tpu.memory_space<vmem>> -> memref<128xi32, #tpu.memory_space<vmem>>
          %dma_start3A_66 = arith.constant 0 : i32
          %dma_start3A_67 = arith.constant 0 : i32
          %dma_start3A_68 = tpu.memref_slice %arg2[%dma_start3A_66, %dma_start3A_67] : memref<10000x128xf32, #tpu.memory_space<hbm>> -> memref<10000x128xf32, #tpu.memory_space<hbm>>
          tpu.enqueue_indirect_dma source(%dma_start3A_68 : memref<10000x128xf32, #tpu.memory_space<hbm>>) target(%arg9 : memref<128x128xf32, #tpu.memory_space<vmem>>) offsets(%dma_start3A_65 : memref<128xi32, #tpu.memory_space<vmem>>) semaphore(%arg12 : memref<!tpu.dma_semaphore, #tpu.memory_space<semaphore_mem>>)
        } else {
        }
        %add3A_59 = arith.constant 1 : i32
        %add3A_60 = arith.addi %mul3A_31, %add3A_59 : i32
        "tpu.region"() ({
          %run_scoped3A = tpu.sem_alloc : memref<!tpu.dma_semaphore, #tpu.memory_space<semaphore_mem>>
          %dma_start3A_61 = arith.constant 0 : i32
          %dma_start3A_62 = tpu.memref_slice %arg8[%add3A_60, %dma_start3A_61] : memref<40x128xi32, #tpu.memory_space<vmem>> -> memref<1x128xi32, #tpu.memory_space<vmem>>
          %dma_start3A_63 = tpu.memref_squeeze %dma_start3A_62 : memref<1x128xi32, #tpu.memory_space<vmem>> -> memref<128xi32, #tpu.memory_space<vmem>>
          %dma_start3A_64 = arith.constant 0 : i32
          %dma_start3A_65 = arith.constant 0 : i32
          %dma_start3A_66 = tpu.memref_slice %arg11[%dma_start3A_64, %dma_start3A_65] : memref<10112x128xf32, #tpu.memory_space<vmem_shared>> -> memref<10112x128xf32, #tpu.memory_space<vmem_shared>>
          tpu.enqueue_indirect_dma source(%arg10 : memref<128x128xf32, #tpu.memory_space<vmem>>) target(%dma_start3A_66 : memref<10112x128xf32, #tpu.memory_space<vmem_shared>>) offsets(%dma_start3A_63 : memref<128xi32, #tpu.memory_space<vmem>>) semaphore(%run_scoped3A : memref<!tpu.dma_semaphore, #tpu.memory_space<semaphore_mem>>) {add = true}
          %dma_wait3A_67 = arith.constant 0 : i32
          %dma_wait3A_68 = tpu.memref_slice %arg8[%add3A_60, %dma_wait3A_67] : memref<40x128xi32, #tpu.memory_space<vmem>> -> memref<1x128xi32, #tpu.memory_space<vmem>>
          %dma_wait3A_69 = tpu.memref_squeeze %dma_wait3A_68 : memref<1x128xi32, #tpu.memory_space<vmem>> -> memref<128xi32, #tpu.memory_space<vmem>>
          %dma_wait3A_70 = arith.constant 0 : i32
          %dma_wait3A_71 = arith.constant 0 : i32
          %dma_wait3A_72 = tpu.memref_slice %arg11[%dma_wait3A_70, %dma_wait3A_71] : memref<10112x128xf32, #tpu.memory_space<vmem_shared>> -> memref<10112x128xf32, #tpu.memory_space<vmem_shared>>
          tpu.wait_indirect_dma semaphore(%run_scoped3A : memref<!tpu.dma_semaphore, #tpu.memory_space<semaphore_mem>>) src(%arg10 : memref<128x128xf32, #tpu.memory_space<vmem>>) dst(%dma_wait3A_72 : memref<10112x128xf32, #tpu.memory_space<vmem_shared>>)
          tpu.yield
        }) : () -> ()
      }
      %scan3A_28 = arith.constant 20 : i32
    } else {
    }
    %barrier3A_10 = arith.constant 0 : index
    tpu.barrier barrier_id(%barrier3A_10)
    %delay3A = arith.constant 4000 : i32
    tpu.delay %delay3A
    %barrier3A_11 = arith.constant 0 : index
    tpu.barrier barrier_id(%barrier3A_11)
    "tpu.region"() ({
      %run_scoped3A = tpu.sem_alloc : memref<!tpu.dma_semaphore, #tpu.memory_space<semaphore_mem>>
      %dma_start3A = arith.constant 0 : i32
      %dma_start3A_12 = arith.constant 0 : i32
      %dma_start3A_13 = tpu.memref_slice %arg6[%add3A, %dma_start3A, %dma_start3A_12] : memref<32x632x128xf32, #tpu.memory_space<hbm>> -> memref<1x632x128xf32, #tpu.memory_space<hbm>>
      %dma_start3A_14 = tpu.memref_squeeze %dma_start3A_13 : memref<1x632x128xf32, #tpu.memory_space<hbm>> -> memref<632x128xf32, #tpu.memory_space<hbm>>
      %dma_start3A_15 = arith.constant 0 : i32
      %dma_start3A_16 = tpu.memref_slice %arg11[%mul3A_2, %dma_start3A_15] : memref<10112x128xf32, #tpu.memory_space<vmem_shared>> -> memref<632x128xf32, #tpu.memory_space<vmem_shared>>
      tpu.enqueue_dma source(%dma_start3A_16 : memref<632x128xf32, #tpu.memory_space<vmem_shared>>) target(%dma_start3A_14 : memref<632x128xf32, #tpu.memory_space<hbm>>) target_semaphore(%run_scoped3A : memref<!tpu.dma_semaphore, #tpu.memory_space<semaphore_mem>>)
      %dma_wait3A = arith.constant 0 : i32
      %dma_wait3A_17 = arith.constant 0 : i32
      %dma_wait3A_18 = tpu.memref_slice %arg6[%add3A, %dma_wait3A, %dma_wait3A_17] : memref<32x632x128xf32, #tpu.memory_space<hbm>> -> memref<1x632x128xf32, #tpu.memory_space<hbm>>
      %dma_wait3A_19 = tpu.memref_squeeze %dma_wait3A_18 : memref<1x632x128xf32, #tpu.memory_space<hbm>> -> memref<632x128xf32, #tpu.memory_space<hbm>>
      %dma_wait3A_20 = arith.constant 0 : i32
      %dma_wait3A_21 = tpu.memref_slice %arg11[%mul3A_2, %dma_wait3A_20] : memref<10112x128xf32, #tpu.memory_space<vmem_shared>> -> memref<632x128xf32, #tpu.memory_space<vmem_shared>>
      tpu.wait_dma2 semaphore(%run_scoped3A : memref<!tpu.dma_semaphore, #tpu.memory_space<semaphore_mem>>) src(%dma_wait3A_21 : memref<632x128xf32, #tpu.memory_space<vmem_shared>>) dst(%dma_wait3A_19 : memref<632x128xf32, #tpu.memory_space<hbm>>)
      tpu.yield
    }) : () -> ()
    return
  }
}

module attributes {stable_mosaic.version = 14 : i64} {
  func.func @_encoder_body(%arg0: memref<10000x16xf32, #tpu.memory_space<vmem>>, %arg1: memref<16x128xf32, #tpu.memory_space<vmem>>, %arg2: memref<128xf32, #tpu.memory_space<vmem>>, %arg3: memref<128xf32, #tpu.memory_space<vmem>>, %arg4: memref<128xf32, #tpu.memory_space<vmem>>, %arg5: memref<128x128xf32, #tpu.memory_space<vmem>>, %arg6: memref<128xf32, #tpu.memory_space<vmem>>, %arg7: memref<128xf32, #tpu.memory_space<vmem>>, %arg8: memref<128xf32, #tpu.memory_space<vmem>>, %arg9: memref<10000x128xf32, #tpu.memory_space<vmem>>) attributes {dimension_semantics = [], scalar_prefetch = 0 : i64, scratch_operands = 0 : i64, tpu.core_type = #tpu.core_type<tc>} {
    %get3A = arith.constant 0 : index
    %get3A_0 = arith.constant 0 : index
    %get3A_1 = vector.load %arg0[%get3A, %get3A_0] : memref<10000x16xf32, #tpu.memory_space<vmem>>, vector<10000x16xf32>
    %get3A_2 = arith.constant 0 : index
    %get3A_3 = arith.constant 0 : index
    %get3A_4 = vector.load %arg1[%get3A_2, %get3A_3] : memref<16x128xf32, #tpu.memory_space<vmem>>, vector<16x128xf32>
    %dot_general3A = arith.constant dense<0.000000e+00> : vector<10000x128xf32>
    %dot_general3A_5 = tpu.matmul %get3A_1, %get3A_4, %dot_general3A {dimension_numbers = #tpu.dot_dimension_numbers<[1], [0], [0], [1], [0, 0, 1, 1], [], []>, transpose_lhs_hint = false} : vector<10000x16xf32>, vector<16x128xf32>, vector<10000x128xf32> -> vector<10000x128xf32>
    %get3A_6 = arith.constant 0 : index
    %get3A_7 = vector.load %arg2[%get3A_6] : memref<128xf32, #tpu.memory_space<vmem>>, vector<128xf32>
    %broadcast_in_dim3A = vector.shape_cast %get3A_7 : vector<128xf32> to vector<1x128xf32>
    %add3A = vector.broadcast %broadcast_in_dim3A : vector<1x128xf32> to vector<10000x128xf32>
    %add3A_8 = arith.addf %dot_general3A_5, %add3A : vector<10000x128xf32>
    %get3A_9 = arith.constant 0 : index
    %get3A_10 = vector.load %arg3[%get3A_9] : memref<128xf32, #tpu.memory_space<vmem>>, vector<128xf32>
    %get3A_11 = arith.constant 0 : index
    %get3A_12 = vector.load %arg4[%get3A_11] : memref<128xf32, #tpu.memory_space<vmem>>, vector<128xf32>
    %reduce_sum3A = arith.constant dense<0.000000e+00> : vector<10000xf32>
    %reduce_sum3A_13 = vector.multi_reduction <add>, %add3A_8, %reduce_sum3A [1] : vector<10000x128xf32> to vector<10000xf32>
    %broadcast_in_dim3A_14 = vector.shape_cast %reduce_sum3A_13 : vector<10000xf32> to vector<10000x1xf32>
    %div3A = arith.constant 1.280000e+02 : f32
    %div3A_15 = vector.broadcast %div3A : f32 to vector<10000x1xf32>
    %div3A_16 = arith.divf %broadcast_in_dim3A_14, %div3A_15 : vector<10000x1xf32>
    %jit3A = arith.constant 0 : i32
    %reduce_sum3A_17 = arith.constant dense<0.000000e+00> : vector<10000xf32>
    %reduce_sum3A_18 = vector.multi_reduction <add>, %add3A_8, %reduce_sum3A_17 [1] : vector<10000x128xf32> to vector<10000xf32>
    %broadcast_in_dim3A_19 = vector.shape_cast %reduce_sum3A_18 : vector<10000xf32> to vector<10000x1xf32>
    %div3A_20 = arith.constant 1.280000e+02 : f32
    %div3A_21 = vector.broadcast %div3A_20 : f32 to vector<10000x1xf32>
    %div3A_22 = arith.divf %broadcast_in_dim3A_19, %div3A_21 : vector<10000x1xf32>
    %sub3A = vector.broadcast %div3A_22 : vector<10000x1xf32> to vector<10000x128xf32>
    %sub3A_23 = arith.subf %add3A_8, %sub3A : vector<10000x128xf32>
    %square3A = arith.mulf %sub3A_23, %sub3A_23 : vector<10000x128xf32>
    %convert_element_type3A = arith.sitofp %jit3A : i32 to f32
    %sub3A_24 = arith.constant 1.280000e+02 : f32
    %sub3A_25 = arith.subf %sub3A_24, %convert_element_type3A : f32
    %reduce_sum3A_26 = arith.constant dense<0.000000e+00> : vector<10000xf32>
    %reduce_sum3A_27 = vector.multi_reduction <add>, %square3A, %reduce_sum3A_26 [1] : vector<10000x128xf32> to vector<10000xf32>
    %broadcast_in_dim3A_28 = vector.shape_cast %reduce_sum3A_27 : vector<10000xf32> to vector<10000x1xf32>
    %div3A_29 = vector.broadcast %sub3A_25 : f32 to vector<10000x1xf32>
    %div3A_30 = arith.divf %broadcast_in_dim3A_28, %div3A_29 : vector<10000x1xf32>
    %gt3A = arith.constant 0.000000e+00 : f32
    %gt3A_31 = arith.cmpf ogt, %sub3A_25, %gt3A : f32
    %jit3A_32 = arith.constant 0x7FC00000 : f32
    %broadcast_in_dim3A_33 = vector.broadcast %jit3A_32 : f32 to vector<10000x1xf32>
    %select_n3A = arith.select %gt3A_31, %div3A_30, %broadcast_in_dim3A_33 : vector<10000x1xf32>
    %sub3A_34 = vector.broadcast %div3A_16 : vector<10000x1xf32> to vector<10000x128xf32>
    %sub3A_35 = arith.subf %add3A_8, %sub3A_34 : vector<10000x128xf32>
    %add3A_36 = arith.constant 9.99999974E-6 : f32
    %add3A_37 = vector.broadcast %add3A_36 : f32 to vector<10000x1xf32>
    %add3A_38 = arith.addf %select_n3A, %add3A_37 : vector<10000x1xf32>
    %sqrt3A = math.sqrt %add3A_38 : vector<10000x1xf32>
    %div3A_39 = vector.broadcast %sqrt3A : vector<10000x1xf32> to vector<10000x128xf32>
    %div3A_40 = arith.divf %sub3A_35, %div3A_39 : vector<10000x128xf32>
    %broadcast_in_dim3A_41 = vector.shape_cast %get3A_10 : vector<128xf32> to vector<1x128xf32>
    %mul3A = vector.broadcast %broadcast_in_dim3A_41 : vector<1x128xf32> to vector<10000x128xf32>
    %mul3A_42 = arith.mulf %div3A_40, %mul3A : vector<10000x128xf32>
    %broadcast_in_dim3A_43 = vector.shape_cast %get3A_12 : vector<128xf32> to vector<1x128xf32>
    %add3A_44 = vector.broadcast %broadcast_in_dim3A_43 : vector<1x128xf32> to vector<10000x128xf32>
    %add3A_45 = arith.addf %mul3A_42, %add3A_44 : vector<10000x128xf32>
    %gt3A_46 = arith.constant 0.000000e+00 : f32
    %gt3A_47 = vector.broadcast %gt3A_46 : f32 to vector<10000x128xf32>
    %gt3A_48 = arith.cmpf ogt, %add3A_45, %gt3A_47 : vector<10000x128xf32>
    %mul3A_49 = arith.constant 1.000000e-01 : f32
    %mul3A_50 = vector.broadcast %mul3A_49 : f32 to vector<10000x128xf32>
    %mul3A_51 = arith.mulf %mul3A_50, %add3A_45 : vector<10000x128xf32>
    %select_n3A_52 = arith.select %gt3A_48, %add3A_45, %mul3A_51 : vector<10000x128xi1>, vector<10000x128xf32>
    %get3A_53 = arith.constant 0 : index
    %get3A_54 = arith.constant 0 : index
    %get3A_55 = vector.load %arg5[%get3A_53, %get3A_54] : memref<128x128xf32, #tpu.memory_space<vmem>>, vector<128x128xf32>
    %dot_general3A_56 = arith.constant dense<0.000000e+00> : vector<10000x128xf32>
    %dot_general3A_57 = tpu.matmul %select_n3A_52, %get3A_55, %dot_general3A_56 {dimension_numbers = #tpu.dot_dimension_numbers<[1], [0], [0], [1], [0, 0, 1, 1], [], []>, transpose_lhs_hint = false} : vector<10000x128xf32>, vector<128x128xf32>, vector<10000x128xf32> -> vector<10000x128xf32>
    %get3A_58 = arith.constant 0 : index
    %get3A_59 = vector.load %arg6[%get3A_58] : memref<128xf32, #tpu.memory_space<vmem>>, vector<128xf32>
    %broadcast_in_dim3A_60 = vector.shape_cast %get3A_59 : vector<128xf32> to vector<1x128xf32>
    %add3A_61 = vector.broadcast %broadcast_in_dim3A_60 : vector<1x128xf32> to vector<10000x128xf32>
    %add3A_62 = arith.addf %dot_general3A_57, %add3A_61 : vector<10000x128xf32>
    %get3A_63 = arith.constant 0 : index
    %get3A_64 = vector.load %arg7[%get3A_63] : memref<128xf32, #tpu.memory_space<vmem>>, vector<128xf32>
    %get3A_65 = arith.constant 0 : index
    %get3A_66 = vector.load %arg8[%get3A_65] : memref<128xf32, #tpu.memory_space<vmem>>, vector<128xf32>
    %reduce_sum3A_67 = arith.constant dense<0.000000e+00> : vector<10000xf32>
    %reduce_sum3A_68 = vector.multi_reduction <add>, %add3A_62, %reduce_sum3A_67 [1] : vector<10000x128xf32> to vector<10000xf32>
    %broadcast_in_dim3A_69 = vector.shape_cast %reduce_sum3A_68 : vector<10000xf32> to vector<10000x1xf32>
    %div3A_70 = arith.constant 1.280000e+02 : f32
    %div3A_71 = vector.broadcast %div3A_70 : f32 to vector<10000x1xf32>
    %div3A_72 = arith.divf %broadcast_in_dim3A_69, %div3A_71 : vector<10000x1xf32>
    %jit3A_73 = arith.constant 0 : i32
    %reduce_sum3A_74 = arith.constant dense<0.000000e+00> : vector<10000xf32>
    %reduce_sum3A_75 = vector.multi_reduction <add>, %add3A_62, %reduce_sum3A_74 [1] : vector<10000x128xf32> to vector<10000xf32>
    %broadcast_in_dim3A_76 = vector.shape_cast %reduce_sum3A_75 : vector<10000xf32> to vector<10000x1xf32>
    %div3A_77 = arith.constant 1.280000e+02 : f32
    %div3A_78 = vector.broadcast %div3A_77 : f32 to vector<10000x1xf32>
    %div3A_79 = arith.divf %broadcast_in_dim3A_76, %div3A_78 : vector<10000x1xf32>
    %sub3A_80 = vector.broadcast %div3A_79 : vector<10000x1xf32> to vector<10000x128xf32>
    %sub3A_81 = arith.subf %add3A_62, %sub3A_80 : vector<10000x128xf32>
    %square3A_82 = arith.mulf %sub3A_81, %sub3A_81 : vector<10000x128xf32>
    %convert_element_type3A_83 = arith.sitofp %jit3A_73 : i32 to f32
    %sub3A_84 = arith.constant 1.280000e+02 : f32
    %sub3A_85 = arith.subf %sub3A_84, %convert_element_type3A_83 : f32
    %reduce_sum3A_86 = arith.constant dense<0.000000e+00> : vector<10000xf32>
    %reduce_sum3A_87 = vector.multi_reduction <add>, %square3A_82, %reduce_sum3A_86 [1] : vector<10000x128xf32> to vector<10000xf32>
    %broadcast_in_dim3A_88 = vector.shape_cast %reduce_sum3A_87 : vector<10000xf32> to vector<10000x1xf32>
    %div3A_89 = vector.broadcast %sub3A_85 : f32 to vector<10000x1xf32>
    %div3A_90 = arith.divf %broadcast_in_dim3A_88, %div3A_89 : vector<10000x1xf32>
    %gt3A_91 = arith.constant 0.000000e+00 : f32
    %gt3A_92 = arith.cmpf ogt, %sub3A_85, %gt3A_91 : f32
    %jit3A_93 = arith.constant 0x7FC00000 : f32
    %broadcast_in_dim3A_94 = vector.broadcast %jit3A_93 : f32 to vector<10000x1xf32>
    %select_n3A_95 = arith.select %gt3A_92, %div3A_90, %broadcast_in_dim3A_94 : vector<10000x1xf32>
    %sub3A_96 = vector.broadcast %div3A_72 : vector<10000x1xf32> to vector<10000x128xf32>
    %sub3A_97 = arith.subf %add3A_62, %sub3A_96 : vector<10000x128xf32>
    %add3A_98 = arith.constant 9.99999974E-6 : f32
    %add3A_99 = vector.broadcast %add3A_98 : f32 to vector<10000x1xf32>
    %add3A_100 = arith.addf %select_n3A_95, %add3A_99 : vector<10000x1xf32>
    %sqrt3A_101 = math.sqrt %add3A_100 : vector<10000x1xf32>
    %div3A_102 = vector.broadcast %sqrt3A_101 : vector<10000x1xf32> to vector<10000x128xf32>
    %div3A_103 = arith.divf %sub3A_97, %div3A_102 : vector<10000x128xf32>
    %broadcast_in_dim3A_104 = vector.shape_cast %get3A_64 : vector<128xf32> to vector<1x128xf32>
    %mul3A_105 = vector.broadcast %broadcast_in_dim3A_104 : vector<1x128xf32> to vector<10000x128xf32>
    %mul3A_106 = arith.mulf %div3A_103, %mul3A_105 : vector<10000x128xf32>
    %broadcast_in_dim3A_107 = vector.shape_cast %get3A_66 : vector<128xf32> to vector<1x128xf32>
    %add3A_108 = vector.broadcast %broadcast_in_dim3A_107 : vector<1x128xf32> to vector<10000x128xf32>
    %add3A_109 = arith.addf %mul3A_106, %add3A_108 : vector<10000x128xf32>
    %swap3A = arith.constant 0 : index
    %swap3A_110 = arith.constant 0 : index
    %swap3A_111 = vector.load %arg9[%swap3A, %swap3A_110] : memref<10000x128xf32, #tpu.memory_space<vmem>>, vector<10000x128xf32>
    tpu.vector_store %arg9[%swap3A, %swap3A_110], %add3A_109 {strides = array<i32>} : memref<10000x128xf32, #tpu.memory_space<vmem>>, vector<10000x128xf32>,
    return
  }
}

module attributes {stable_mosaic.version = 14 : i64} {
  func.func @_layer_body(%arg0: memref<2x10112x128xf32, #tpu.memory_space<vmem>>, %arg1: memref<2x10112x128xf32, #tpu.memory_space<vmem>>, %arg2: memref<10000x128xf32, #tpu.memory_space<vmem>>, %arg3: memref<128x128xf32, #tpu.memory_space<vmem>>, %arg4: memref<128xf32, #tpu.memory_space<vmem>>, %arg5: memref<128x128xf32, #tpu.memory_space<vmem>>, %arg6: memref<128xf32, #tpu.memory_space<vmem>>, %arg7: memref<128x128xf32, #tpu.memory_space<vmem>>, %arg8: memref<128xf32, #tpu.memory_space<vmem>>, %arg9: memref<128xf32, #tpu.memory_space<vmem>>, %arg10: memref<10000x128xf32, #tpu.memory_space<vmem>>) attributes {dimension_semantics = [], scalar_prefetch = 0 : i64, scratch_operands = 0 : i64, tpu.core_type = #tpu.core_type<tc>} {
    %get3A = arith.constant 0 : index
    %get3A_0 = arith.constant 0 : index
    %get3A_1 = vector.load %arg2[%get3A, %get3A_0] : memref<10000x128xf32, #tpu.memory_space<vmem>>, vector<10000x128xf32>
    %get3A_2 = arith.constant 0 : index
    %get3A_3 = arith.constant 0 : index
    %get3A_4 = arith.constant 0 : index
    %get3A_5 = vector.load %arg1[%get3A_2, %get3A_3, %get3A_4] : memref<2x10112x128xf32, #tpu.memory_space<vmem>>, vector<1x10112x128xf32>
    %get3A_6 = vector.shape_cast %get3A_5 : vector<1x10112x128xf32> to vector<10112x128xf32>
    %get3A_7 = arith.constant 1 : index
    %get3A_8 = arith.constant 0 : index
    %get3A_9 = arith.constant 0 : index
    %get3A_10 = vector.load %arg1[%get3A_7, %get3A_8, %get3A_9] : memref<2x10112x128xf32, #tpu.memory_space<vmem>>, vector<1x10112x128xf32>
    %get3A_11 = vector.shape_cast %get3A_10 : vector<1x10112x128xf32> to vector<10112x128xf32>
    %add3A = arith.addf %get3A_6, %get3A_11 : vector<10112x128xf32>
    %slice3A = vector.extract_strided_slice %add3A {offsets = [0, 0], sizes = [10000, 1], strides = [1, 1]} : vector<10112x128xf32> to vector<10000x1xf32>
    %max3A = arith.constant 1.000000e+00 : f32
    %max3A_12 = vector.broadcast %max3A : f32 to vector<10000x1xf32>
    %max3A_13 = arith.maximumf %slice3A, %max3A_12 : vector<10000x1xf32>
    %get3A_14 = arith.constant 0 : index
    %get3A_15 = arith.constant 0 : index
    %get3A_16 = arith.constant 0 : index
    %get3A_17 = vector.load %arg0[%get3A_14, %get3A_15, %get3A_16] : memref<2x10112x128xf32, #tpu.memory_space<vmem>>, vector<1x10112x128xf32>
    %get3A_18 = vector.shape_cast %get3A_17 : vector<1x10112x128xf32> to vector<10112x128xf32>
    %get3A_19 = arith.constant 1 : index
    %get3A_20 = arith.constant 0 : index
    %get3A_21 = arith.constant 0 : index
    %get3A_22 = vector.load %arg0[%get3A_19, %get3A_20, %get3A_21] : memref<2x10112x128xf32, #tpu.memory_space<vmem>>, vector<1x10112x128xf32>
    %get3A_23 = vector.shape_cast %get3A_22 : vector<1x10112x128xf32> to vector<10112x128xf32>
    %add3A_24 = arith.addf %get3A_18, %get3A_23 : vector<10112x128xf32>
    %slice3A_25 = vector.extract_strided_slice %add3A_24 {offsets = [0, 0], sizes = [10000, 128], strides = [1, 1]} : vector<10112x128xf32> to vector<10000x128xf32>
    %div3A = vector.broadcast %max3A_13 : vector<10000x1xf32> to vector<10000x128xf32>
    %div3A_26 = arith.divf %slice3A_25, %div3A : vector<10000x128xf32>
    %get3A_27 = arith.constant 0 : index
    %get3A_28 = arith.constant 0 : index
    %get3A_29 = vector.load %arg5[%get3A_27, %get3A_28] : memref<128x128xf32, #tpu.memory_space<vmem>>, vector<128x128xf32>
    %dot_general3A = arith.constant dense<0.000000e+00> : vector<10000x128xf32>
    %dot_general3A_30 = tpu.matmul %div3A_26, %get3A_29, %dot_general3A {dimension_numbers = #tpu.dot_dimension_numbers<[1], [0], [0], [1], [0, 0, 1, 1], [], []>, transpose_lhs_hint = false} : vector<10000x128xf32>, vector<128x128xf32>, vector<10000x128xf32> -> vector<10000x128xf32>
    %get3A_31 = arith.constant 0 : index
    %get3A_32 = vector.load %arg6[%get3A_31] : memref<128xf32, #tpu.memory_space<vmem>>, vector<128xf32>
    %broadcast_in_dim3A = vector.shape_cast %get3A_32 : vector<128xf32> to vector<1x128xf32>
    %add3A_33 = vector.broadcast %broadcast_in_dim3A : vector<1x128xf32> to vector<10000x128xf32>
    %add3A_34 = arith.addf %dot_general3A_30, %add3A_33 : vector<10000x128xf32>
    %get3A_35 = arith.constant 0 : index
    %get3A_36 = arith.constant 0 : index
    %get3A_37 = vector.load %arg7[%get3A_35, %get3A_36] : memref<128x128xf32, #tpu.memory_space<vmem>>, vector<128x128xf32>
    %dot_general3A_38 = arith.constant dense<0.000000e+00> : vector<10000x128xf32>
    %dot_general3A_39 = tpu.matmul %get3A_1, %get3A_37, %dot_general3A_38 {dimension_numbers = #tpu.dot_dimension_numbers<[1], [0], [0], [1], [0, 0, 1, 1], [], []>, transpose_lhs_hint = false} : vector<10000x128xf32>, vector<128x128xf32>, vector<10000x128xf32> -> vector<10000x128xf32>
    %add3A_40 = arith.addf %add3A_34, %dot_general3A_39 : vector<10000x128xf32>
    %mul3A = arith.mulf %add3A_40, %add3A_40 : vector<10000x128xf32>
    %reduce_sum3A = arith.constant dense<0.000000e+00> : vector<10000xf32>
    %reduce_sum3A_41 = vector.multi_reduction <add>, %mul3A, %reduce_sum3A [1] : vector<10000x128xf32> to vector<10000xf32>
    %broadcast_in_dim3A_42 = vector.shape_cast %reduce_sum3A_41 : vector<10000xf32> to vector<10000x1xf32>
    %sqrt3A = math.sqrt %broadcast_in_dim3A_42 : vector<10000x1xf32>
    %max3A_43 = arith.constant 9.99999996E-13 : f32
    %max3A_44 = vector.broadcast %max3A_43 : f32 to vector<10000x1xf32>
    %max3A_45 = arith.maximumf %sqrt3A, %max3A_44 : vector<10000x1xf32>
    %div3A_46 = vector.broadcast %max3A_45 : vector<10000x1xf32> to vector<10000x128xf32>
    %div3A_47 = arith.divf %add3A_40, %div3A_46 : vector<10000x128xf32>
    %reduce_sum3A_48 = arith.constant dense<0.000000e+00> : vector<128xf32>
    %reduce_sum3A_49 = vector.multi_reduction <add>, %div3A_47, %reduce_sum3A_48 [0] : vector<10000x128xf32> to vector<128xf32>
    %broadcast_in_dim3A_50 = vector.shape_cast %reduce_sum3A_49 : vector<128xf32> to vector<1x128xf32>
    %div3A_51 = arith.constant 1.000000e+04 : f32
    %div3A_52 = vector.broadcast %div3A_51 : f32 to vector<1x128xf32>
    %div3A_53 = arith.divf %broadcast_in_dim3A_50, %div3A_52 : vector<1x128xf32>
    %jit3A = arith.constant 0 : i32
    %reduce_sum3A_54 = arith.constant dense<0.000000e+00> : vector<128xf32>
    %reduce_sum3A_55 = vector.multi_reduction <add>, %div3A_47, %reduce_sum3A_54 [0] : vector<10000x128xf32> to vector<128xf32>
    %broadcast_in_dim3A_56 = vector.shape_cast %reduce_sum3A_55 : vector<128xf32> to vector<1x128xf32>
    %div3A_57 = arith.constant 1.000000e+04 : f32
    %div3A_58 = vector.broadcast %div3A_57 : f32 to vector<1x128xf32>
    %div3A_59 = arith.divf %broadcast_in_dim3A_56, %div3A_58 : vector<1x128xf32>
    %sub3A = vector.broadcast %div3A_59 : vector<1x128xf32> to vector<10000x128xf32>
    %sub3A_60 = arith.subf %div3A_47, %sub3A : vector<10000x128xf32>
    %square3A = arith.mulf %sub3A_60, %sub3A_60 : vector<10000x128xf32>
    %convert_element_type3A = arith.sitofp %jit3A : i32 to f32
    %sub3A_61 = arith.constant 1.000000e+04 : f32
    %sub3A_62 = arith.subf %sub3A_61, %convert_element_type3A : f32
    %reduce_sum3A_63 = arith.constant dense<0.000000e+00> : vector<128xf32>
    %reduce_sum3A_64 = vector.multi_reduction <add>, %square3A, %reduce_sum3A_63 [0] : vector<10000x128xf32> to vector<128xf32>
    %broadcast_in_dim3A_65 = vector.shape_cast %reduce_sum3A_64 : vector<128xf32> to vector<1x128xf32>
    %div3A_66 = vector.broadcast %sub3A_62 : f32 to vector<1x128xf32>
    %div3A_67 = arith.divf %broadcast_in_dim3A_65, %div3A_66 : vector<1x128xf32>
    %gt3A = arith.constant 0.000000e+00 : f32
    %gt3A_68 = arith.cmpf ogt, %sub3A_62, %gt3A : f32
    %jit3A_69 = arith.constant 0x7FC00000 : f32
    %broadcast_in_dim3A_70 = vector.broadcast %jit3A_69 : f32 to vector<1x128xf32>
    %select_n3A = arith.select %gt3A_68, %div3A_67, %broadcast_in_dim3A_70 : vector<1x128xf32>
    %sub3A_71 = vector.broadcast %div3A_53 : vector<1x128xf32> to vector<10000x128xf32>
    %sub3A_72 = arith.subf %div3A_47, %sub3A_71 : vector<10000x128xf32>
    %add3A_73 = arith.constant 9.99999974E-6 : f32
    %add3A_74 = vector.broadcast %add3A_73 : f32 to vector<1x128xf32>
    %add3A_75 = arith.addf %select_n3A, %add3A_74 : vector<1x128xf32>
    %sqrt3A_76 = math.sqrt %add3A_75 : vector<1x128xf32>
    %div3A_77 = vector.broadcast %sqrt3A_76 : vector<1x128xf32> to vector<10000x128xf32>
    %div3A_78 = arith.divf %sub3A_72, %div3A_77 : vector<10000x128xf32>
    %get3A_79 = arith.constant 0 : index
    %get3A_80 = vector.load %arg8[%get3A_79] : memref<128xf32, #tpu.memory_space<vmem>>, vector<128xf32>
    %broadcast_in_dim3A_81 = vector.shape_cast %get3A_80 : vector<128xf32> to vector<1x128xf32>
    %mul3A_82 = vector.broadcast %broadcast_in_dim3A_81 : vector<1x128xf32> to vector<10000x128xf32>
    %mul3A_83 = arith.mulf %div3A_78, %mul3A_82 : vector<10000x128xf32>
    %get3A_84 = arith.constant 0 : index
    %get3A_85 = vector.load %arg9[%get3A_84] : memref<128xf32, #tpu.memory_space<vmem>>, vector<128xf32>
    %broadcast_in_dim3A_86 = vector.shape_cast %get3A_85 : vector<128xf32> to vector<1x128xf32>
    %add3A_87 = vector.broadcast %broadcast_in_dim3A_86 : vector<1x128xf32> to vector<10000x128xf32>
    %add3A_88 = arith.addf %mul3A_83, %add3A_87 : vector<10000x128xf32>
    %get3A_89 = arith.constant 0 : index
    %get3A_90 = arith.constant 0 : index
    %get3A_91 = vector.load %arg3[%get3A_89, %get3A_90] : memref<128x128xf32, #tpu.memory_space<vmem>>, vector<128x128xf32>
    %dot_general3A_92 = arith.constant dense<0.000000e+00> : vector<10000x128xf32>
    %dot_general3A_93 = tpu.matmul %get3A_1, %get3A_91, %dot_general3A_92 {dimension_numbers = #tpu.dot_dimension_numbers<[1], [0], [0], [1], [0, 0, 1, 1], [], []>, transpose_lhs_hint = false} : vector<10000x128xf32>, vector<128x128xf32>, vector<10000x128xf32> -> vector<10000x128xf32>
    %get3A_94 = arith.constant 0 : index
    %get3A_95 = vector.load %arg4[%get3A_94] : memref<128xf32, #tpu.memory_space<vmem>>, vector<128xf32>
    %broadcast_in_dim3A_96 = vector.shape_cast %get3A_95 : vector<128xf32> to vector<1x128xf32>
    %add3A_97 = vector.broadcast %broadcast_in_dim3A_96 : vector<1x128xf32> to vector<10000x128xf32>
    %add3A_98 = arith.addf %dot_general3A_93, %add3A_97 : vector<10000x128xf32>
    %gt3A_99 = arith.constant 0.000000e+00 : f32
    %gt3A_100 = vector.broadcast %gt3A_99 : f32 to vector<10000x128xf32>
    %gt3A_101 = arith.cmpf ogt, %add3A_88, %gt3A_100 : vector<10000x128xf32>
    %mul3A_102 = arith.constant 1.000000e-01 : f32
    %mul3A_103 = vector.broadcast %mul3A_102 : f32 to vector<10000x128xf32>
    %mul3A_104 = arith.mulf %mul3A_103, %add3A_88 : vector<10000x128xf32>
    %select_n3A_105 = arith.select %gt3A_101, %add3A_88, %mul3A_104 : vector<10000x128xi1>, vector<10000x128xf32>
    %add3A_106 = arith.addf %select_n3A_105, %add3A_98 : vector<10000x128xf32>
    %swap3A = arith.constant 0 : index
    %swap3A_107 = arith.constant 0 : index
    %swap3A_108 = vector.load %arg10[%swap3A, %swap3A_107] : memref<10000x128xf32, #tpu.memory_space<vmem>>, vector<10000x128xf32>
    tpu.vector_store %arg10[%swap3A, %swap3A_107], %add3A_106 {strides = array<i32>} : memref<10000x128xf32, #tpu.memory_space<vmem>>, vector<10000x128xf32>,
    return
  }
}

module attributes {stable_mosaic.version = 14 : i64} {
  func.func @_head_body(%arg0: memref<10000x128xf32, #tpu.memory_space<vmem>>, %arg1: memref<128x256xf32, #tpu.memory_space<vmem>>, %arg2: memref<256xf32, #tpu.memory_space<vmem>>, %arg3: memref<256xf32, #tpu.memory_space<vmem>>, %arg4: memref<256xf32, #tpu.memory_space<vmem>>, %arg5: memref<256x128xf32, #tpu.memory_space<vmem>>, %arg6: memref<128xf32, #tpu.memory_space<vmem>>, %arg7: memref<128x45xf32, #tpu.memory_space<vmem>>, %arg8: memref<45xf32, #tpu.memory_space<vmem>>, %arg9: memref<10000x45xf32, #tpu.memory_space<vmem>>) attributes {dimension_semantics = [], scalar_prefetch = 0 : i64, scratch_operands = 0 : i64, tpu.core_type = #tpu.core_type<tc>} {
    %get3A = arith.constant 0 : index
    %get3A_0 = arith.constant 0 : index
    %get3A_1 = vector.load %arg0[%get3A, %get3A_0] : memref<10000x128xf32, #tpu.memory_space<vmem>>, vector<10000x128xf32>
    %get3A_2 = arith.constant 0 : index
    %get3A_3 = arith.constant 0 : index
    %get3A_4 = vector.load %arg1[%get3A_2, %get3A_3] : memref<128x256xf32, #tpu.memory_space<vmem>>, vector<128x256xf32>
    %dot_general3A = arith.constant dense<0.000000e+00> : vector<10000x256xf32>
    %dot_general3A_5 = tpu.matmul %get3A_1, %get3A_4, %dot_general3A {dimension_numbers = #tpu.dot_dimension_numbers<[1], [0], [0], [1], [0, 0, 1, 1], [], []>, transpose_lhs_hint = false} : vector<10000x128xf32>, vector<128x256xf32>, vector<10000x256xf32> -> vector<10000x256xf32>
    %get3A_6 = arith.constant 0 : index
    %get3A_7 = vector.load %arg2[%get3A_6] : memref<256xf32, #tpu.memory_space<vmem>>, vector<256xf32>
    %broadcast_in_dim3A = vector.shape_cast %get3A_7 : vector<256xf32> to vector<1x256xf32>
    %add3A = vector.broadcast %broadcast_in_dim3A : vector<1x256xf32> to vector<10000x256xf32>
    %add3A_8 = arith.addf %dot_general3A_5, %add3A : vector<10000x256xf32>
    %get3A_9 = arith.constant 0 : index
    %get3A_10 = vector.load %arg3[%get3A_9] : memref<256xf32, #tpu.memory_space<vmem>>, vector<256xf32>
    %get3A_11 = arith.constant 0 : index
    %get3A_12 = vector.load %arg4[%get3A_11] : memref<256xf32, #tpu.memory_space<vmem>>, vector<256xf32>
    %reduce_sum3A = arith.constant dense<0.000000e+00> : vector<10000xf32>
    %reduce_sum3A_13 = vector.multi_reduction <add>, %add3A_8, %reduce_sum3A [1] : vector<10000x256xf32> to vector<10000xf32>
    %broadcast_in_dim3A_14 = vector.shape_cast %reduce_sum3A_13 : vector<10000xf32> to vector<10000x1xf32>
    %div3A = arith.constant 2.560000e+02 : f32
    %div3A_15 = vector.broadcast %div3A : f32 to vector<10000x1xf32>
    %div3A_16 = arith.divf %broadcast_in_dim3A_14, %div3A_15 : vector<10000x1xf32>
    %jit3A = arith.constant 0 : i32
    %reduce_sum3A_17 = arith.constant dense<0.000000e+00> : vector<10000xf32>
    %reduce_sum3A_18 = vector.multi_reduction <add>, %add3A_8, %reduce_sum3A_17 [1] : vector<10000x256xf32> to vector<10000xf32>
    %broadcast_in_dim3A_19 = vector.shape_cast %reduce_sum3A_18 : vector<10000xf32> to vector<10000x1xf32>
    %div3A_20 = arith.constant 2.560000e+02 : f32
    %div3A_21 = vector.broadcast %div3A_20 : f32 to vector<10000x1xf32>
    %div3A_22 = arith.divf %broadcast_in_dim3A_19, %div3A_21 : vector<10000x1xf32>
    %sub3A = vector.broadcast %div3A_22 : vector<10000x1xf32> to vector<10000x256xf32>
    %sub3A_23 = arith.subf %add3A_8, %sub3A : vector<10000x256xf32>
    %square3A = arith.mulf %sub3A_23, %sub3A_23 : vector<10000x256xf32>
    %convert_element_type3A = arith.sitofp %jit3A : i32 to f32
    %sub3A_24 = arith.constant 2.560000e+02 : f32
    %sub3A_25 = arith.subf %sub3A_24, %convert_element_type3A : f32
    %reduce_sum3A_26 = arith.constant dense<0.000000e+00> : vector<10000xf32>
    %reduce_sum3A_27 = vector.multi_reduction <add>, %square3A, %reduce_sum3A_26 [1] : vector<10000x256xf32> to vector<10000xf32>
    %broadcast_in_dim3A_28 = vector.shape_cast %reduce_sum3A_27 : vector<10000xf32> to vector<10000x1xf32>
    %div3A_29 = vector.broadcast %sub3A_25 : f32 to vector<10000x1xf32>
    %div3A_30 = arith.divf %broadcast_in_dim3A_28, %div3A_29 : vector<10000x1xf32>
    %gt3A = arith.constant 0.000000e+00 : f32
    %gt3A_31 = arith.cmpf ogt, %sub3A_25, %gt3A : f32
    %jit3A_32 = arith.constant 0x7FC00000 : f32
    %broadcast_in_dim3A_33 = vector.broadcast %jit3A_32 : f32 to vector<10000x1xf32>
    %select_n3A = arith.select %gt3A_31, %div3A_30, %broadcast_in_dim3A_33 : vector<10000x1xf32>
    %sub3A_34 = vector.broadcast %div3A_16 : vector<10000x1xf32> to vector<10000x256xf32>
    %sub3A_35 = arith.subf %add3A_8, %sub3A_34 : vector<10000x256xf32>
    %add3A_36 = arith.constant 9.99999974E-6 : f32
    %add3A_37 = vector.broadcast %add3A_36 : f32 to vector<10000x1xf32>
    %add3A_38 = arith.addf %select_n3A, %add3A_37 : vector<10000x1xf32>
    %sqrt3A = math.sqrt %add3A_38 : vector<10000x1xf32>
    %div3A_39 = vector.broadcast %sqrt3A : vector<10000x1xf32> to vector<10000x256xf32>
    %div3A_40 = arith.divf %sub3A_35, %div3A_39 : vector<10000x256xf32>
    %broadcast_in_dim3A_41 = vector.shape_cast %get3A_10 : vector<256xf32> to vector<1x256xf32>
    %mul3A = vector.broadcast %broadcast_in_dim3A_41 : vector<1x256xf32> to vector<10000x256xf32>
    %mul3A_42 = arith.mulf %div3A_40, %mul3A : vector<10000x256xf32>
    %broadcast_in_dim3A_43 = vector.shape_cast %get3A_12 : vector<256xf32> to vector<1x256xf32>
    %add3A_44 = vector.broadcast %broadcast_in_dim3A_43 : vector<1x256xf32> to vector<10000x256xf32>
    %add3A_45 = arith.addf %mul3A_42, %add3A_44 : vector<10000x256xf32>
    %mul3A_46 = arith.constant 5.000000e-01 : f32
    %mul3A_47 = vector.broadcast %mul3A_46 : f32 to vector<10000x256xf32>
    %mul3A_48 = arith.mulf %mul3A_47, %add3A_45 : vector<10000x256xf32>
    %mul3A_49 = arith.constant 0.707106769 : f32
    %mul3A_50 = vector.broadcast %mul3A_49 : f32 to vector<10000x256xf32>
    %mul3A_51 = arith.mulf %add3A_45, %mul3A_50 : vector<10000x256xf32>
    %erf3A = math.erf %mul3A_51 : vector<10000x256xf32>
    %add3A_52 = arith.constant 1.000000e+00 : f32
    %add3A_53 = vector.broadcast %add3A_52 : f32 to vector<10000x256xf32>
    %add3A_54 = arith.addf %add3A_53, %erf3A : vector<10000x256xf32>
    %mul3A_55 = arith.mulf %mul3A_48, %add3A_54 : vector<10000x256xf32>
    %get3A_56 = arith.constant 0 : index
    %get3A_57 = arith.constant 0 : index
    %get3A_58 = vector.load %arg5[%get3A_56, %get3A_57] : memref<256x128xf32, #tpu.memory_space<vmem>>, vector<256x128xf32>
    %dot_general3A_59 = arith.constant dense<0.000000e+00> : vector<10000x128xf32>
    %dot_general3A_60 = tpu.matmul %mul3A_55, %get3A_58, %dot_general3A_59 {dimension_numbers = #tpu.dot_dimension_numbers<[1], [0], [0], [1], [0, 0, 1, 1], [], []>, transpose_lhs_hint = false} : vector<10000x256xf32>, vector<256x128xf32>, vector<10000x128xf32> -> vector<10000x128xf32>
    %get3A_61 = arith.constant 0 : index
    %get3A_62 = vector.load %arg6[%get3A_61] : memref<128xf32, #tpu.memory_space<vmem>>, vector<128xf32>
    %broadcast_in_dim3A_63 = vector.shape_cast %get3A_62 : vector<128xf32> to vector<1x128xf32>
    %add3A_64 = vector.broadcast %broadcast_in_dim3A_63 : vector<1x128xf32> to vector<10000x128xf32>
    %add3A_65 = arith.addf %dot_general3A_60, %add3A_64 : vector<10000x128xf32>
    %mul3A_66 = arith.constant 5.000000e-01 : f32
    %mul3A_67 = vector.broadcast %mul3A_66 : f32 to vector<10000x128xf32>
    %mul3A_68 = arith.mulf %mul3A_67, %add3A_65 : vector<10000x128xf32>
    %mul3A_69 = arith.constant 0.707106769 : f32
    %mul3A_70 = vector.broadcast %mul3A_69 : f32 to vector<10000x128xf32>
    %mul3A_71 = arith.mulf %add3A_65, %mul3A_70 : vector<10000x128xf32>
    %erf3A_72 = math.erf %mul3A_71 : vector<10000x128xf32>
    %add3A_73 = arith.constant 1.000000e+00 : f32
    %add3A_74 = vector.broadcast %add3A_73 : f32 to vector<10000x128xf32>
    %add3A_75 = arith.addf %add3A_74, %erf3A_72 : vector<10000x128xf32>
    %mul3A_76 = arith.mulf %mul3A_68, %add3A_75 : vector<10000x128xf32>
    %get3A_77 = arith.constant 0 : index
    %get3A_78 = arith.constant 0 : index
    %get3A_79 = vector.load %arg7[%get3A_77, %get3A_78] : memref<128x45xf32, #tpu.memory_space<vmem>>, vector<128x45xf32>
    %dot_general3A_80 = arith.constant dense<0.000000e+00> : vector<10000x45xf32>
    %dot_general3A_81 = tpu.matmul %mul3A_76, %get3A_79, %dot_general3A_80 {dimension_numbers = #tpu.dot_dimension_numbers<[1], [0], [0], [1], [0, 0, 1, 1], [], []>, transpose_lhs_hint = false} : vector<10000x128xf32>, vector<128x45xf32>, vector<10000x45xf32> -> vector<10000x45xf32>
    %get3A_82 = arith.constant 0 : index
    %get3A_83 = vector.load %arg8[%get3A_82] : memref<45xf32, #tpu.memory_space<vmem>>, vector<45xf32>
    %broadcast_in_dim3A_84 = vector.shape_cast %get3A_83 : vector<45xf32> to vector<1x45xf32>
    %add3A_85 = vector.broadcast %broadcast_in_dim3A_84 : vector<1x45xf32> to vector<10000x45xf32>
    %add3A_86 = arith.addf %dot_general3A_81, %add3A_85 : vector<10000x45xf32>
    %logistic3A = arith.negf %add3A_86 : vector<10000x45xf32>
    %logistic3A_87 = math.exp %logistic3A : vector<10000x45xf32>
    %logistic3A_88 = arith.constant 1.000000e+00 : f32
    %logistic3A_89 = vector.broadcast %logistic3A_88 : f32 to vector<10000x45xf32>
    %logistic3A_90 = arith.addf %logistic3A_89, %logistic3A_87 : vector<10000x45xf32>
    %logistic3A_91 = arith.divf %logistic3A_89, %logistic3A_90 : vector<10000x45xf32>
    %swap3A = arith.constant 0 : index
    %swap3A_92 = arith.constant 0 : index
    %swap3A_93 = vector.load %arg9[%swap3A, %swap3A_92] : memref<10000x45xf32, #tpu.memory_space<vmem>>, vector<10000x45xf32>
    tpu.vector_store %arg9[%swap3A, %swap3A_92], %logistic3A_91 {strides = array<i32>} : memref<10000x45xf32, #tpu.memory_space<vmem>>, vector<10000x45xf32>,
    return
  }
}

</mosaic_0001>

<sc_bundles>
// kernel: kernel.11.cloned.1.call-start
scs
__scs_entry_jumppad:
0x0: {  	(pc) =	sbr.rel $0x88, $3  }
0x1: {  	(tag) =	ssettag $0x0;
	lr =	simm.s32 $0x1  }
0x2: {  	[smem:$0x3F7E] =	sst lr;
	_ =	strace $0xD0000000  }
0x3: {  	_ = 	snop  }
0x4: {  	_ = 	snop  }
0x5: {  	_ = 	snop  }
0x6: {  	_ = 	snop  }
0x7: {  	_ = 	snop  }
__scs_overlays_trampoline_lowered:
0x8: {  	[smem:$0x3F8D] =	sst s0  }
0x9: {  	[smem:$0x3F8E] =	sst s1  }
0xa: {  	[smem:$0x3F8F] =	sst s2  }
0xb: {  	[smem:$0x3F90] =	sst s3  }
0xc: {  	[smem:$0x3F91] =	sst s4  }
0xd: {  	[smem:$0x3F92] =	sst s5  }
0xe: {  	[smem:$0x3F93] =	sst s6  }
0xf: {  	[smem:$0x3F94] =	sst s7  }
0x10: {  	[smem:$0x3F95] =	sst s8  }
0x11: {  	[smem:$0x3F96] =	sst s9;
	s0 =	simm.s32 @!p0 $0x0  }
0x12: {  	s1 =	sld [smem:$0x3F7C];
	s0 =	simm.s32 @p0 $0x1  }
0x13: {  	[smem:$0x3F97] =	sst s0;
	s0 =	simm.s32 @!p1 $0x0  }
0x14: {  	s2 =	sld [smem:$0x3F7B];
	s0 =	simm.s32 @p1 $0x1  }
0x15: {  	[smem:$0x3F98] =	sst s0;
	s0 =	simm.s32 @!p2 $0x0  }
0x16: {  	s3 =	sld [smem:$0x3FDB];
	s0 =	simm.s32 @p2 $0x1  }
0x17: {  	s4 =	simm.s32 $0x1BF5;
	[smem:$0x3F9A] =	sst s0  }
0x18: {  	s0 =	sld [smem:$0x3F7D];
	_ =	swait.ge [sflag:s4], $0x0  }
0x19: {  	s7 =	sld [smem:$0x3F7E]  }
0x1a: {  	s8 =	sadd.s32 $0xFFFFE003, lr  }
0x1b: {  	s9 =	sadd.s32 $0xFFFFFEF7, lr;
	s5 =	simm.s32 $0xFFFFFFFF;
	p2 =	slt.u32 s8, $0xFFFFF086  }
0x1c: {  	p1 =	slt.u32 s9, $0xF7A;
	s5 =	simm.s32 @!p2 $0x0  }
0x1d: {  	s5 =	simm.s32 @p1 $0x1;
	p0 =	seq.s32 s7, s2  }
0x1e: {  	s7 =	smul.u32 @!p0 $0xF7A, s2;
	p2 =	seq.s32 @!p0 s5, $0x0  }
0x1f: {  	s9 =	smul.u32 $0xF7A, s1;
	s8 =	simm.s32 @!p0 $0x1BF5;
	p2 =	por !p2, p0  }
0x20: {  	[sflag:s8] =	ssyncset.s32 @!p0 $0xFFFFF086;
	s6 =	sadd.s32 @!p0 s3, s7;
	s7 =	simm.s32 @!p0 $0x108  }
0x21: {  	s3 =	sadd.s32 s3, s9;
	s6 =	sadd.s32 @!p0 $0x88, s6;
	s7 =	simm.s32 @p2 $0x1082  }
0x22: {  	[simem:s7], [sflag:s8] =	dma.local @!p0 [hbm:s6], $0xF7A  }
0x23: {  	s9 =	sor.u32 $0xD0000000, s2;
	s6 =	simm.s32 $0x108;
	_ =	swait.ge @!p0 [sflag:s8], $0x0  }
0x24: {  	s3 =	sadd.s32 $0x88, s3;
	s6 =	simm.s32 @!p1 $0x1082;
	[sflag:s4] =	ssyncset.s32 $0xFFFFF086  }
0x25: {  	[simem:s6], [sflag:s4] =	dma.local [hbm:s3], $0xF7A  }
0x26: {  	[smem:$0x3F7E] =	sst s1;
	(tag) =	ssettag s2;
	_ =	strace s9  }
0x27: {  	s1 =	sld [smem:$0x3F8E]  }
0x28: {  	s2 =	sld [smem:$0x3F8F]  }
0x29: {  	s4 =	sld [smem:$0x3F91]  }
0x2a: {  	p0 =	seq.s32 s5, $0x0;
	s5 =	sld [smem:$0x3F92]  }
0x2b: {  	s6 =	sld [smem:$0x3F93]  }
0x2c: {  	s7 =	sld [smem:$0x3F94]  }
0x2d: {  	s3 =	simm.s32 $0x108;
	s8 =	sld [smem:$0x3F95]  }
0x2e: {  	s3 =	simm.s32 @!p0 $0x1082;
	s9 =	sld [smem:$0x3F96]  }
0x2f: {  	lr =	sadd.s32 s0, s3;
	s0 =	sld [smem:$0x3F8D]  }
0x30: {  	s3 =	sld [smem:$0x3F90]  }
0x31: {  	[smem:$0x3F99] =	sst s10  }
0x32: {  	s10 =	sld [smem:$0x3F97];
	_ =	sdelay $0x3  }
0x33: {  	p0 =	seq.s32 s10, $0x1;
	s10 =	sld [smem:$0x3F99];
	_ =	sdelay $0x3  }
0x34: {  	[smem:$0x3F99] =	sst s10  }
0x35: {  	s10 =	sld [smem:$0x3F98];
	_ =	sdelay $0x3  }
0x36: {  	p1 =	seq.s32 s10, $0x1;
	s10 =	sld [smem:$0x3F99];
	_ =	sdelay $0x3  }
0x37: {  	[smem:$0x3F99] =	sst s10  }
0x38: {  	s10 =	sld [smem:$0x3F9A]  }
0x39: {  	_ = 	snop;
	(pc) =	sbr.ind lr, $3  }
0x3a: {  	_ = 	snop  }
0x3b: {  	_ = 	snop  }
0x3c: {  	p2 =	seq.s32 s10, $0x1;
	s10 =	sld [smem:$0x3F99]  }
0x3d: {  	_ =	shalt  }
0x3e: {  	_ =	shalt  }
0x3f: {  	_ =	shalt  }
0x40: {  	_ =	shalt  }
0x41: {  	_ =	shalt  }
0x42: {  	_ =	shalt  }
0x43: {  	_ =	shalt  }
0x44: {  	_ =	shalt  }
0x45: {  	_ =	shalt  }
0x46: {  	_ =	shalt  }
0x47: {  	_ =	shalt  }
0x48: {  	_ =	shalt  }
0x49: {  	_ =	shalt  }
0x4a: {  	_ =	shalt  }
0x4b: {  	_ =	shalt  }
0x4c: {  	_ =	shalt  }
0x4d: {  	_ =	shalt  }
0x4e: {  	_ =	shalt  }
0x4f: {  	_ =	shalt  }
0x50: {  	_ =	shalt  }
0x51: {  	_ =	shalt  }
0x52: {  	_ =	shalt  }
0x53: {  	_ =	shalt  }
0x54: {  	_ =	shalt  }
0x55: {  	_ =	shalt  }
0x56: {  	_ =	shalt  }
0x57: {  	_ =	shalt  }
0x58: {  	_ =	shalt  }
0x59: {  	_ =	shalt  }
0x5a: {  	_ =	shalt  }
0x5b: {  	_ =	shalt  }
0x5c: {  	_ =	shalt  }
0x5d: {  	_ =	shalt  }
0x5e: {  	_ =	shalt  }
0x5f: {  	_ =	shalt  }
0x60: {  	_ =	shalt  }
0x61: {  	_ =	shalt  }
0x62: {  	_ =	shalt  }
0x63: {  	_ =	shalt  }
0x64: {  	_ =	shalt  }
0x65: {  	_ =	shalt  }
0x66: {  	_ =	shalt  }
0x67: {  	_ =	shalt  }
0x68: {  	_ =	shalt  }
0x69: {  	_ =	shalt  }
0x6a: {  	_ =	shalt  }
0x6b: {  	_ =	shalt  }
0x6c: {  	_ =	shalt  }
0x6d: {  	_ =	shalt  }
0x6e: {  	_ =	shalt  }
0x6f: {  	_ =	shalt  }
0x70: {  	_ =	shalt  }
0x71: {  	_ =	shalt  }
0x72: {  	_ =	shalt  }
0x73: {  	_ =	shalt  }
0x74: {  	_ =	shalt  }
0x75: {  	_ =	shalt  }
0x76: {  	_ =	shalt  }
0x77: {  	_ =	shalt  }
0x78: {  	_ =	shalt  }
0x79: {  	_ =	shalt  }
0x7a: {  	_ =	shalt  }
0x7b: {  	_ =	shalt  }
0x7c: {  	_ =	shalt  }
0x7d: {  	_ =	shalt  }
0x7e: {  	_ =	shalt  }
0x7f: {  	_ =	shalt  }
0x80: {  	_ =	shalt  }
0x81: {  	_ =	shalt  }
0x82: {  	_ =	shalt  }
0x83: {  	_ =	shalt  }
0x84: {  	_ =	shalt  }
0x85: {  	_ =	shalt  }
0x86: {  	_ =	shalt  }
0x87: {  	_ =	shalt  }
.Lfunc_end0:
.L_simem_size_0:
called_computation_lowered:
.L_overlay_start_0:
0x88: {  	s2 =	sld [smem:$0x3FD9]  }
0x89: {  	s3 =	sld [smem:$0x3FFE];
	_ =	sdelay $0x1  }
0x8a: {  	s1 =	srdreg.scid  }
0x8b: {  	s0 =	sand.u32 $0x1, s1  }
0x8c: {  	s17 =	sshll.u32 s0, $0xA;
	s2 =	sadd.s32 s3, s2  }
0x8d: {  	s2 =	sadd.s32 s2, s17  }
0x8e: {  	[smem:$0x3FA5] =	sst s2  }
0x8f: {  	_ = 	snop  }
0x90: {  	(tm) =	ssettm $0x1  }
0x91: {  	s18 =	sld [smem:$0x3FFB];
	_ =	sdelay $0x3  }
0x92: {  	_ =	strace s18  }
0x93: {  	s2 =	sld [smem:$0x3FFC];
	_ =	sdelay $0x3  }
0x94: {  	_ =	strace s2  }
0x95: {  	s2 =	sld [smem:$0x3FFD];
	_ =	sdelay $0x3  }
0x96: {  	_ =	strace s2  }
0x97: {  	_ =	strace $0x8FFFFFFF  }
0x98: {  	s19 =	sld [smem:$0x3FDB];
	_ =	sdelay $0x1  }
0x99: {  	s20 =	simm.s32 $_scs_section_size  }
0x9a: {  	s4 =	simm.s32 $_size__tile_overlayer_lowered;
	s5 =	simm.s32 $_tile_overlayer_lowered  }
0x9b: {  	s6 =	simm.s32 $0x1BFF;
	s21 =	sshll.u32 s5, $0x1;
	s3 =	sadd.s32 s20, s19  }
0x9c: {  	s22 =	simm.s32 $0x0;
	s4 =	sshll.u32 s4, $0x1;
	s5 =	sadd.s32 s21, s3  }
0x9d: {  	[timem:s22], [sflag:s6] =	dma.local [hbm:s5], s4  }
0x9e: {  	_ =	swait.ge [sflag:s6], s4  }
0x9f: {  	s4 =	ssub.s32 $0x0, s4;
	[sflag:s6] =	ssyncset.done $0x0  }
0xa0: {  	[sflag:s6] =	ssyncadd.s32 s4;
	_ =	sdelay $0x1  }
0xa1: {  	s23 =	simm.s32 $0x1B8B  }
0xa2: {  	_ =	swait.ge [sflag:s23], $0x1  }
0xa3: {  	[sflag:s23] =	ssyncset.done $0x0  }
0xa4: {  	[sflag:s23] =	ssyncadd.s32 $0xFFFFFFFF  }
0xa5: {  	s4 =	sld [smem:$0x0]  }
0xa6: {  	s5 =	sand.u32 $0xFFFFFFFE, s1  }
0xa7: {  	p0 =	sne.s32 s1, s5  }
0xa8: {  	s5 =	sshll.u32 @p0 s5, $0xE  }
0xa9: {  	s5 =	sadd.s32 @p0 $0x11B8D, s5;
	s6 =	sshll.u32 @p0 s4, $0x11  }
0xaa: {  	s5 =	sor.u32 @p0 s6, s5  }
0xab: {  	[sflag:s5] =	ssyncadd.remote.s32 @p0 $0x1;
	_ =	sdelay $0x1  }
0xac: {  	s5 =	simm.s32 @p0 $0x1B8D  }
0xad: {  	_ =	swait.eq @p0 [sflag:s5], $0x1  }
0xae: {  	[sflag:s5] =	ssyncadd.s32 @p0 $0xFFFFFFFF  }
0xaf: {  	s6 =	sshll.u32 @!p0 s1, $0xE  }
0xb0: {  	s6 =	sor.u32 @!p0 $0x4000, s6;
	s5 =	simm.s32 @!p0 $0x1B8D  }
0xb1: {  	s4 =	sshll.u32 @!p0 s4, $0x11;
	s6 =	sadd.s32 @!p0 $0x11B8D, s6;
	_ =	swait.eq @!p0 [sflag:s5], $0x1  }
0xb2: {  	s4 =	sor.u32 @!p0 s4, s6;
	[sflag:s5] =	ssyncadd.s32 @!p0 $0xFFFFFFFF  }
0xb3: {  	s25 =	simm.s32 $0x1B8E;
	s24 =	sld [smem:$0x3FFE];
	[sflag:s4] =	ssyncadd.remote.s32 @!p0 $0x1  }
0xb4: {  	s26 =	simm.s32 $execute0_lowered;
	[smem:$0x3FD2] =	sst s25  }
0xb5: {  	s5 =	sshll.u32 s26, $0x1;
	_ =	strace $0x80000049;
	[dreg:$0x1] =	wrdreg $0xFFFFFFFF  }
0xb6: {  	s28 =	simm.s32 $_size_execute0_lowered;
	s3 =	sadd.s32 s3, s5;
	[dreg:$0x0] =	wrdreg $0x0  }
0xb7: {  	s5 =	sshll.u32 s28, $0x1;
	[dreg:$0x2] =	wrdreg s3  }
0xb8: {  	[dreg:$0x3] =	wrdreg s5  }
0xb9: {  	[dreg:$0x4] =	wrdreg $0xC0  }
0xba: {  	_ =	task [dreg:s22], $0x5FFFF  }
0xbb: {  	[dreg:$0x1] =	wrdreg $0xFFFFFFFF  }
0xbc: {  	[dreg:$0x0] =	wrdreg $0x60  }
0xbd: {  	[dreg:$0x2] =	wrdreg s24  }
0xbe: {  	[dreg:$0x3] =	wrdreg $0x54000  }
0xbf: {  	[dreg:$0x4] =	wrdreg $0x9  }
0xc0: {  	_ =	task.clear_ibuf [dreg:s22], $0x5FFFF;
	_ =	strace $0x90000049  }
0xc1: {  	s29 =	simm.s32 $0x9;
	_ =	strace $0x8000004B  }
0xc2: {  	_ =	swait.ge [sflag:s29], $0x1  }
0xc3: {  	[sflag:s29] =	ssyncadd.s32 $0xFFFFFFFF  }
0xc4: {  	_ =	strace $0x9000004B  }
0xc5: {  	_ =	sfence  }
0xc6: {  	s30 =	sld [smem:$0x0];
	_ =	sdelay $0x2  }
0xc7: {  	s31 =	sshll.u32 s1, $0xD;
	s1 =	sshrl.u32 s1, $0x2  }
0xc8: {  	s4 =	sand.u32 $0x4000, s31;
	s1 =	sadd.s32 s1, s30  }
0xc9: {  	s0 =	sor.u32 s4, s0;
	s1 =	sshll.u32 s1, $0x11  }
0xca: {  	s0 =	sor.u32 s1, s0  }
0xcb: {  	s0 =	sadd.s32 $0x8F2B, s0  }
0xcc: {  	[sflag:s0] =	ssyncadd.remote.s32 $0x1  }
0xcd: {  	_ =	sfence.sel $0xFFFF  }
0xce: {  	[dreg:$0x0] =	wrdreg $0xFFFFFFFF;
	(pc) =	sbr.abs _section_cstart, $3  }
0xcf: {  	[dreg:$0x1] =	wrdreg $0xFFFFFFFF  }
0xd0: {  	_ =	task.clear_ibuf [dreg:s22], $0x2FFFF;
	_ =	strace $0x9FFFFFFF  }
0xd1: {  	(tm) =	ssettm $0x7FFFFFFF  }
tec
execute0_lowered:
.L_overlay_start_1:
0x0: {  	(tag) =	ssettag $0x1  }
0x1: {  	s5 =	rddreg [dreg:$0x0]  }
0x2: {  	s0 =	srdreg.scid;
	s2 =	rddreg [dreg:$0x1]  }
0x3: {  	s1 =	stileid.u32;
	s3 =	simm.s32 $0x0;
	s15 =	simm.s32 $0x0  }
0x4: {  	s6 =	sand.u32 $0x1, s0;
	s0 =	rddreg [dreg:$0x2];
	s7 =	smul.u32 $0x2780, s1  }
0x5: {  	[smem:$0x7FF] =	sst s3;
	s10 =	smul.u32 $0x4F000, s1;
	s4 =	sshll.u32 s6, $0x4  }
0x6: {  	s11 =	sadd.s32 $0x5E00, s5;
	s31 =	sshll.u32 s1, $0x6;
	s8 =	sor.u32 s1, s4  }
0x7: {  	_ =	strace $0x8000004A;
	s6 =	ssub.s32 $0x2, s6;
	s9 =	smul.u32 $0x2780, s8  }
0x8: {  	s4 =	sadd.s32 $0xAD800, s5;
	s7 =	sadd.s32 s7, s5;
	s12 =	smul.u32 $0x2800, s8  }
0x9: {  	s29 =	sshrl.u32 s6, $0x1;
	s10 =	sshrl.u32 s10, $0x2;
	s8 =	smul.u32 $0x500, s8  }
0xa: {  	s13 =	ssub.s32 s6, s29;
	s14 =	sadd.s32 s10, s2;
	s10 =	simm.s32 $0x1400  }
0xb: {  	s9 =	sadd.s32 s9, s5;
	s12 =	sshrl.u32 s12, $0x3;
	s5 =	sadd.s32 $0x37000, s7  }
0xc: {  	s6 =	sadd.s32 s11, s8;
	s30 =	sadd.s32 s11, s12;
	s8 =	sadd.s32 $0xAE000, s9  }
0xd: {  	s9 =	smax.u32 s13, $0x1;
	s11 =	simm.s32 $0x1;
	s12 =	sor.u32 $0x1C01, s31  }
0xe: {  	s13 =	sshrl.u32 s14, $0x3;
	s14 =	simm.s32 $0x80;
	s7 =	sadd.s32 $0x280, s30  }
.LBB2_1:
0xf: {  	[tilespmem:s10], [sflag:$0x1] =	stream.linear.gather [hbm4b:s4+s3], $0x4000, $0x38;
	[tilespmem:$0x19000] =	vst v63  }
0x10: {  	_ =	swait.ge [sflag:s11], $0x4000  }
0x11: {  	[sflag:s11] =	ssyncset.done $0x0  }
0x12: {  	[sflag:s11] =	ssyncadd.s32 $0xFFFFC000  }
0x13: {  	[spmem:s13], [sflag:s12] =	dma.local [hbm:s5], $0x2780  }
0x14: {  	_ =	swait.ge [sflag:s11], $0x2780  }
0x15: {  	[sflag:s11] =	ssyncset.done $0x0  }
0x16: {  	[sflag:s11] =	ssyncadd.s32 $0xFFFFD880  }
0x17: {  	[bflag:$0x0] =	sbarrier.arrive $0xFFFF  }
0x18: {  	[tilespmem:s3], [sflag:$0x1] =	stream.linear.gather [hbm4b:s6+s3], $0x1400, $0x38;
	[tilespmem:$0x19000] =	vst v63  }
0x19: {  	_ =	swait.ge [sflag:s11], $0x1400  }
0x1a: {  	[sflag:s11] =	ssyncset.done $0x0  }
0x1b: {  	s16 =	simm.s32 $0x0;
	[sflag:s11] =	ssyncadd.s32 $0xFFFFEC00  }
0x1c: {  	[spmem:s2] =	stream.indirect.scatter.add.f32 [tilespmem:s10], [sflag:$0x1], $0x80, s16, s14, $0xb8;
	[tilespmem:$0x19000] =	vst v63  }
0x1d: {  	_ =	swait.ge [sflag:s11], $0x4000  }
0x1e: {  	s16 =	simm.s32 $0x200;
	[sflag:s11] =	ssyncset.done $0x0  }
.LBB2_2:
0x1f: {  	s17 =	sshra.s32 s16, $0x2;
	[sflag:s11] =	ssyncadd.s32 $0xFFFFC000;
	p0 =	sne.s32 s16, $0x4E00  }
0x20: {  	[spmem:s2] =	stream.indirect.scatter.add.f32 [tilespmem:s10], [sflag:$0x1], $0x80, s17, s14, $0xb8;
	[tilespmem:$0x19000] =	vst v63  }
.Ltmp0:
0x21: {  	_ = 	snop;
	(pc) =	sbr.rel @p0 .LBB2_2-.Ltmp0, $4  }
0x22: {  	_ = 	snop  }
0x23: {  	s16 =	sadd.s32 $0x200, s16  }
0x24: {  	_ =	swait.ge [sflag:s11], $0x4000  }
0x25: {  	[sflag:s11] =	ssyncset.done $0x0  }
0x26: {  	[sflag:s11] =	ssyncadd.s32 $0xFFFFC000;
	s16 =	simm.s32 $0x0  }
0x27: {  	[tilespmem:s16], [sflag:$0x1] =	stream.linear.gather [hbm4b:s7+s16], $0x1400, $0x38;
	[tilespmem:$0x19000] =	vst v63  }
0x28: {  	_ =	swait.ge [sflag:s11], $0x1400  }
0x29: {  	[sflag:s11] =	ssyncset.done $0x0  }
0x2a: {  	s31 =	simm.s32 $0x0;
	[sflag:s11] =	ssyncadd.s32 $0xFFFFEC00  }
0x2b: {  	[spmem:s2] =	stream.indirect.scatter.add.f32 [tilespmem:s10], [sflag:$0x1], $0x80, s31, s14, $0xb8;
	[tilespmem:$0x19000] =	vst v63  }
0x2c: {  	_ =	swait.ge [sflag:s11], $0x4000  }
0x2d: {  	s16 =	simm.s32 $0x200;
	[sflag:s11] =	ssyncset.done $0x0  }
.LBB2_4:
0x2e: {  	s17 =	sshra.s32 s16, $0x2;
	[sflag:s11] =	ssyncadd.s32 $0xFFFFC000;
	p0 =	sne.s32 s16, $0x4E00  }
0x2f: {  	[spmem:s2] =	stream.indirect.scatter.add.f32 [tilespmem:s10], [sflag:$0x1], $0x80, s17, s14, $0xb8;
	[tilespmem:$0x19000] =	vst v63  }
.Ltmp1:
0x30: {  	_ = 	snop;
	(pc) =	sbr.rel @p0 .LBB2_4-.Ltmp1, $4  }
0x31: {  	_ = 	snop  }
0x32: {  	s16 =	sadd.s32 $0x200, s16  }
0x33: {  	_ =	swait.ge [sflag:s11], $0x4000  }
0x34: {  	[sflag:s11] =	ssyncset.done $0x0  }
0x35: {  	[sflag:s11] =	ssyncadd.s32 $0xFFFFC000  }
0x36: {  	[bflag:$0x0] =	sbarrier.arrive $0xFFFF  }
0x37: {  	_ =	sdelay $0x7ff  }
0x38: {  	_ =	sdelay $0x7ff  }
0x39: {  	_ =	sdelay $0x7ff  }
0x3a: {  	s15 =	sadd.s32 $0x1, s15;
	_ =	sdelay $0x7ff  }
0x3b: {  	p0 =	sne.s32 s15, s9;
	_ =	sdelay $0x35b  }
.Ltmp2:
0x3c: {  	[bflag:$0x0] =	sbarrier.arrive $0xFFFF;
	(pc) =	sbr.rel @p0 .LBB2_1-.Ltmp2, $4  }
0x3d: {  	[hbm:s8], [sflag:s12] =	dma.local [spmem:s13], $0x2780  }
0x3e: {  	_ =	swait.ge [sflag:s11], $0x2780  }
0x3f: {  	[sflag:s11] =	ssyncset.done $0x0  }
0x40: {  	[sflag:s11] =	ssyncadd.s32 $0xFFFFD880  }
0x41: {  	_ =	sfence.sel $0x180000  }
0x42: {  	[bflag:$0x0] =	sbarrier.arrive $0xFFFF  }
0x43: {  	p0 =	sne.s32 s1, $0x0;
	_ =	strace $0x9000004A  }
0x44: {  	s0 =	sadd.s32 @!p0 $0x100000, s0;
	[bflag:$0x2] =	sbarrier.arrive $0xFFFF  }
0x45: {  	[sflag:s0] =	ssyncadd.tile.s32 @!p0 $0x1;
	_ =	shalt  }
.Lfunc_end2:
_tile_overlayer_lowered:
.L_overlay_start_2:
0x46: {  	(tag) =	ssettag $0x2  }
0x47: {  	s0 =	rddreg [dreg:$0x0];
	s2 =	stileid.u32  }
0x48: {  	s1 =	rddreg [dreg:$0x1];
	p0 =	sne.s32 s2, $0x0  }
0x49: {  	s3 =	rddreg [dreg:$0x2];
	[bflag:$0x3] =	sbarrier.arrive $0xFFFF;
	s2 =	simm.s32 @!p0 $0x1C01  }
0x4a: {  	[timem:s3], [sflag:s2] =	dma.local @!p0 [hbm:s0], s1  }
0x4b: {  	s0 =	simm.s32 @!p0 $0x1  }
0x4c: {  	_ =	swait.ge @!p0 [sflag:s0], s1  }
0x4d: {  	s1 =	ssub.s32 @!p0 $0x0, s1;
	[sflag:s0] =	ssyncset.done @!p0 $0x0  }
0x4e: {  	[sflag:s0] =	ssyncadd.s32 @!p0 s1  }
0x4f: {  	[bflag:$0x3] =	sbarrier.arrive $0xFFFF  }
0x50: {  	_ =	shalt  }

// kernel: kernel.14.cloned.1.call-start
scs
__scs_entry_jumppad:
0x0: {  	(pc) =	sbr.rel $0x88, $3  }
0x1: {  	(tag) =	ssettag $0x0;
	lr =	simm.s32 $0x1  }
0x2: {  	[smem:$0x3F7E] =	sst lr;
	_ =	strace $0xD0000000  }
0x3: {  	_ = 	snop  }
0x4: {  	_ = 	snop  }
0x5: {  	_ = 	snop  }
0x6: {  	_ = 	snop  }
0x7: {  	_ = 	snop  }
__scs_overlays_trampoline_lowered:
0x8: {  	[smem:$0x3F8D] =	sst s0  }
0x9: {  	[smem:$0x3F8E] =	sst s1  }
0xa: {  	[smem:$0x3F8F] =	sst s2  }
0xb: {  	[smem:$0x3F90] =	sst s3  }
0xc: {  	[smem:$0x3F91] =	sst s4  }
0xd: {  	[smem:$0x3F92] =	sst s5  }
0xe: {  	[smem:$0x3F93] =	sst s6  }
0xf: {  	[smem:$0x3F94] =	sst s7  }
0x10: {  	[smem:$0x3F95] =	sst s8  }
0x11: {  	[smem:$0x3F96] =	sst s9;
	s0 =	simm.s32 @!p0 $0x0  }
0x12: {  	s1 =	sld [smem:$0x3F7C];
	s0 =	simm.s32 @p0 $0x1  }
0x13: {  	[smem:$0x3F97] =	sst s0;
	s0 =	simm.s32 @!p1 $0x0  }
0x14: {  	s2 =	sld [smem:$0x3F7B];
	s0 =	simm.s32 @p1 $0x1  }
0x15: {  	[smem:$0x3F98] =	sst s0;
	s0 =	simm.s32 @!p2 $0x0  }
0x16: {  	s3 =	sld [smem:$0x3FDB];
	s0 =	simm.s32 @p2 $0x1  }
0x17: {  	s4 =	simm.s32 $0x1BF5;
	[smem:$0x3F9A] =	sst s0  }
0x18: {  	s0 =	sld [smem:$0x3F7D];
	_ =	swait.ge [sflag:s4], $0x0  }
0x19: {  	s7 =	sld [smem:$0x3F7E]  }
0x1a: {  	s8 =	sadd.s32 $0xFFFFE003, lr  }
0x1b: {  	s9 =	sadd.s32 $0xFFFFFEF7, lr;
	s5 =	simm.s32 $0xFFFFFFFF;
	p2 =	slt.u32 s8, $0xFFFFF086  }
0x1c: {  	p1 =	slt.u32 s9, $0xF7A;
	s5 =	simm.s32 @!p2 $0x0  }
0x1d: {  	s5 =	simm.s32 @p1 $0x1;
	p0 =	seq.s32 s7, s2  }
0x1e: {  	s7 =	smul.u32 @!p0 $0xF7A, s2;
	p2 =	seq.s32 @!p0 s5, $0x0  }
0x1f: {  	s9 =	smul.u32 $0xF7A, s1;
	s8 =	simm.s32 @!p0 $0x1BF5;
	p2 =	por !p2, p0  }
0x20: {  	[sflag:s8] =	ssyncset.s32 @!p0 $0xFFFFF086;
	s6 =	sadd.s32 @!p0 s3, s7;
	s7 =	simm.s32 @!p0 $0x108  }
0x21: {  	s3 =	sadd.s32 s3, s9;
	s6 =	sadd.s32 @!p0 $0x88, s6;
	s7 =	simm.s32 @p2 $0x1082  }
0x22: {  	[simem:s7], [sflag:s8] =	dma.local @!p0 [hbm:s6], $0xF7A  }
0x23: {  	s9 =	sor.u32 $0xD0000000, s2;
	s6 =	simm.s32 $0x108;
	_ =	swait.ge @!p0 [sflag:s8], $0x0  }
0x24: {  	s3 =	sadd.s32 $0x88, s3;
	s6 =	simm.s32 @!p1 $0x1082;
	[sflag:s4] =	ssyncset.s32 $0xFFFFF086  }
0x25: {  	[simem:s6], [sflag:s4] =	dma.local [hbm:s3], $0xF7A  }
0x26: {  	[smem:$0x3F7E] =	sst s1;
	(tag) =	ssettag s2;
	_ =	strace s9  }
0x27: {  	s1 =	sld [smem:$0x3F8E]  }
0x28: {  	s2 =	sld [smem:$0x3F8F]  }
0x29: {  	s4 =	sld [smem:$0x3F91]  }
0x2a: {  	p0 =	seq.s32 s5, $0x0;
	s5 =	sld [smem:$0x3F92]  }
0x2b: {  	s6 =	sld [smem:$0x3F93]  }
0x2c: {  	s7 =	sld [smem:$0x3F94]  }
0x2d: {  	s3 =	simm.s32 $0x108;
	s8 =	sld [smem:$0x3F95]  }
0x2e: {  	s3 =	simm.s32 @!p0 $0x1082;
	s9 =	sld [smem:$0x3F96]  }
0x2f: {  	lr =	sadd.s32 s0, s3;
	s0 =	sld [smem:$0x3F8D]  }
0x30: {  	s3 =	sld [smem:$0x3F90]  }
0x31: {  	[smem:$0x3F99] =	sst s10  }
0x32: {  	s10 =	sld [smem:$0x3F97];
	_ =	sdelay $0x3  }
0x33: {  	p0 =	seq.s32 s10, $0x1;
	s10 =	sld [smem:$0x3F99];
	_ =	sdelay $0x3  }
0x34: {  	[smem:$0x3F99] =	sst s10  }
0x35: {  	s10 =	sld [smem:$0x3F98];
	_ =	sdelay $0x3  }
0x36: {  	p1 =	seq.s32 s10, $0x1;
	s10 =	sld [smem:$0x3F99];
	_ =	sdelay $0x3  }
0x37: {  	[smem:$0x3F99] =	sst s10  }
0x38: {  	s10 =	sld [smem:$0x3F9A]  }
0x39: {  	_ = 	snop;
	(pc) =	sbr.ind lr, $3  }
0x3a: {  	_ = 	snop  }
0x3b: {  	_ = 	snop  }
0x3c: {  	p2 =	seq.s32 s10, $0x1;
	s10 =	sld [smem:$0x3F99]  }
0x3d: {  	_ =	shalt  }
0x3e: {  	_ =	shalt  }
0x3f: {  	_ =	shalt  }
0x40: {  	_ =	shalt  }
0x41: {  	_ =	shalt  }
0x42: {  	_ =	shalt  }
0x43: {  	_ =	shalt  }
0x44: {  	_ =	shalt  }
0x45: {  	_ =	shalt  }
0x46: {  	_ =	shalt  }
0x47: {  	_ =	shalt  }
0x48: {  	_ =	shalt  }
0x49: {  	_ =	shalt  }
0x4a: {  	_ =	shalt  }
0x4b: {  	_ =	shalt  }
0x4c: {  	_ =	shalt  }
0x4d: {  	_ =	shalt  }
0x4e: {  	_ =	shalt  }
0x4f: {  	_ =	shalt  }
0x50: {  	_ =	shalt  }
0x51: {  	_ =	shalt  }
0x52: {  	_ =	shalt  }
0x53: {  	_ =	shalt  }
0x54: {  	_ =	shalt  }
0x55: {  	_ =	shalt  }
0x56: {  	_ =	shalt  }
0x57: {  	_ =	shalt  }
0x58: {  	_ =	shalt  }
0x59: {  	_ =	shalt  }
0x5a: {  	_ =	shalt  }
0x5b: {  	_ =	shalt  }
0x5c: {  	_ =	shalt  }
0x5d: {  	_ =	shalt  }
0x5e: {  	_ =	shalt  }
0x5f: {  	_ =	shalt  }
0x60: {  	_ =	shalt  }
0x61: {  	_ =	shalt  }
0x62: {  	_ =	shalt  }
0x63: {  	_ =	shalt  }
0x64: {  	_ =	shalt  }
0x65: {  	_ =	shalt  }
0x66: {  	_ =	shalt  }
0x67: {  	_ =	shalt  }
0x68: {  	_ =	shalt  }
0x69: {  	_ =	shalt  }
0x6a: {  	_ =	shalt  }
0x6b: {  	_ =	shalt  }
0x6c: {  	_ =	shalt  }
0x6d: {  	_ =	shalt  }
0x6e: {  	_ =	shalt  }
0x6f: {  	_ =	shalt  }
0x70: {  	_ =	shalt  }
0x71: {  	_ =	shalt  }
0x72: {  	_ =	shalt  }
0x73: {  	_ =	shalt  }
0x74: {  	_ =	shalt  }
0x75: {  	_ =	shalt  }
0x76: {  	_ =	shalt  }
0x77: {  	_ =	shalt  }
0x78: {  	_ =	shalt  }
0x79: {  	_ =	shalt  }
0x7a: {  	_ =	shalt  }
0x7b: {  	_ =	shalt  }
0x7c: {  	_ =	shalt  }
0x7d: {  	_ =	shalt  }
0x7e: {  	_ =	shalt  }
0x7f: {  	_ =	shalt  }
0x80: {  	_ =	shalt  }
0x81: {  	_ =	shalt  }
0x82: {  	_ =	shalt  }
0x83: {  	_ =	shalt  }
0x84: {  	_ =	shalt  }
0x85: {  	_ =	shalt  }
0x86: {  	_ =	shalt  }
0x87: {  	_ =	shalt  }
.Lfunc_end0:
.L_simem_size_0:
called_computation.1_lowered:
.L_overlay_start_0:
0x88: {  	s2 =	sld [smem:$0x3FD9]  }
0x89: {  	s3 =	sld [smem:$0x3FFE];
	_ =	sdelay $0x1  }
0x8a: {  	s1 =	srdreg.scid  }
0x8b: {  	s0 =	sand.u32 $0x1, s1  }
0x8c: {  	s17 =	sshll.u32 s0, $0xA;
	s2 =	sadd.s32 s3, s2  }
0x8d: {  	s2 =	sadd.s32 s2, s17  }
0x8e: {  	[smem:$0x3FA5] =	sst s2  }
0x8f: {  	_ = 	snop  }
0x90: {  	s2 =	sld [smem:$0x3FD0];
	(tm) =	ssettm $0x1  }
0x91: {  	s18 =	sld [smem:$0x3FFB];
	_ =	sdelay $0x3  }
0x92: {  	_ =	strace s18  }
0x93: {  	s3 =	sld [smem:$0x3FFC];
	_ =	sdelay $0x3  }
0x94: {  	_ =	strace s3  }
0x95: {  	s3 =	sld [smem:$0x3FFD];
	_ =	sdelay $0x3  }
0x96: {  	_ =	strace s3  }
0x97: {  	_ =	strace $0x8FFFFFFF  }
0x98: {  	s19 =	sld [smem:$0x3FDB];
	_ =	sdelay $0x1  }
0x99: {  	s4 =	simm.s32 $_scs_section_size  }
0x9a: {  	s5 =	simm.s32 $_size__tile_overlayer_lowered;
	s6 =	simm.s32 $_tile_overlayer_lowered  }
0x9b: {  	s22 =	simm.s32 $0x1BFF;
	s21 =	sshll.u32 s6, $0x1;
	s3 =	sadd.s32 s4, s19  }
0x9c: {  	s7 =	simm.s32 $0x0;
	s20 =	sshll.u32 s5, $0x1;
	s5 =	sadd.s32 s21, s3  }
0x9d: {  	[timem:s7], [sflag:s22] =	dma.local [hbm:s5], s20  }
0x9e: {  	_ =	swait.ge [sflag:s22], s20  }
0x9f: {  	s4 =	ssub.s32 $0x0, s20;
	[sflag:s22] =	ssyncset.done $0x0  }
0xa0: {  	[sflag:s22] =	ssyncadd.s32 s4;
	_ =	sdelay $0x1  }
0xa1: {  	s23 =	simm.s32 $0x1B8B  }
0xa2: {  	_ =	swait.ge [sflag:s23], $0x1  }
0xa3: {  	[sflag:s23] =	ssyncset.done $0x0  }
0xa4: {  	s25 =	simm.s32 $0x1B8E;
	s24 =	sld [smem:$0x3FFE];
	[sflag:s23] =	ssyncadd.s32 $0xFFFFFFFF  }
0xa5: {  	s26 =	simm.s32 $execute0_lowered;
	[smem:$0x3FD2] =	sst s25  }
0xa6: {  	s5 =	sshll.u32 s26, $0x1;
	_ =	strace $0x80000046;
	[dreg:$0x1] =	wrdreg $0xFFFFFFFF  }
0xa7: {  	s28 =	simm.s32 $_size_execute0_lowered;
	s3 =	sadd.s32 s3, s5;
	[dreg:$0x0] =	wrdreg $0x0  }
0xa8: {  	s5 =	sshll.u32 s28, $0x1;
	[dreg:$0x2] =	wrdreg s3  }
0xa9: {  	[dreg:$0x3] =	wrdreg s5  }
0xaa: {  	[dreg:$0x4] =	wrdreg $0xC0  }
0xab: {  	_ =	task [dreg:s7], $0x5FFFF  }
0xac: {  	[dreg:$0x1] =	wrdreg $0xFFFFFFFF  }
0xad: {  	[dreg:$0x0] =	wrdreg $0x60  }
0xae: {  	[dreg:$0x2] =	wrdreg s24  }
0xaf: {  	[dreg:$0x3] =	wrdreg s2  }
0xb0: {  	[dreg:$0x4] =	wrdreg $0xA8000  }
0xb1: {  	[dreg:$0x5] =	wrdreg $0xA  }
0xb2: {  	_ =	task.clear_ibuf [dreg:s7], $0x6FFFF;
	_ =	strace $0x90000046  }
0xb3: {  	s29 =	simm.s32 $0xA;
	_ =	strace $0x80000048  }
0xb4: {  	_ =	swait.ge [sflag:s29], $0x1  }
0xb5: {  	[sflag:s29] =	ssyncadd.s32 $0xFFFFFFFF  }
0xb6: {  	_ =	strace $0x90000048  }
0xb7: {  	_ =	sfence  }
0xb8: {  	s30 =	sld [smem:$0x0];
	_ =	sdelay $0x2  }
0xb9: {  	s31 =	sshll.u32 s1, $0xD;
	s1 =	sshrl.u32 s1, $0x2  }
0xba: {  	s3 =	sand.u32 $0x4000, s31;
	s1 =	sadd.s32 s1, s30  }
0xbb: {  	s0 =	sor.u32 s3, s0;
	s1 =	sshll.u32 s1, $0x11  }
0xbc: {  	s0 =	sor.u32 s1, s0  }
0xbd: {  	s0 =	sadd.s32 $0x8F2B, s0  }
0xbe: {  	[sflag:s0] =	ssyncadd.remote.s32 $0x1  }
0xbf: {  	_ =	sfence.sel $0xFFFF  }
0xc0: {  	[dreg:$0x0] =	wrdreg $0xFFFFFFFF;
	(pc) =	sbr.abs _section_cstart, $3  }
0xc1: {  	[dreg:$0x1] =	wrdreg $0xFFFFFFFF  }
0xc2: {  	_ =	task.clear_ibuf [dreg:s7], $0x2FFFF;
	_ =	strace $0x9FFFFFFF  }
0xc3: {  	(tm) =	ssettm $0x7FFFFFFF  }
tec
execute0_lowered:
.L_overlay_start_1:
0x0: {  	(tag) =	ssettag $0x1  }
0x1: {  	s5 =	rddreg [dreg:$0x0]  }
0x2: {  	s13 =	rddreg [dreg:$0x1]  }
0x3: {  	s1 =	rddreg [dreg:$0x2];
	s2 =	srdreg.scid  }
0x4: {  	s0 =	rddreg [dreg:$0x3];
	s3 =	simm.s32 $0x0;
	s20 =	simm.s32 $0x80  }
0x5: {  	s21 =	simm.s32 $0x2800;
	s7 =	sand.u32 $0x1, s2;
	s2 =	stileid.u32  }
0x6: {  	s22 =	simm.s32 $0x1;
	s28 =	simm.s32 $0x2780;
	s6 =	smul.u32 $0x2780, s2  }
0x7: {  	[smem:$0x7FF] =	sst s3;
	s14 =	sadd.s32 $0x5E00, s5;
	s10 =	smul.u32 $0x4F000, s2  }
0x8: {  	s4 =	sshll.u32 s7, $0x4;
	_ =	strace $0x80000047;
	s25 =	smul.u32 $0x3C00, s2  }
0x9: {  	s9 =	ssub.s32 $0x2, s7;
	s26 =	sshll.u32 s2, $0x6;
	s29 =	smul.u32 $0x780, s2  }
0xa: {  	p0 =	seq.s32 s7, $0x1;
	s12 =	smul.u32 $0x1400, s2;
	s8 =	sor.u32 s2, s4  }
0xb: {  	s4 =	sadd.s32 $0xFE00, s5;
	s23 =	sshrl.u32 s9, $0x1;
	s8 =	smul.u32 $0x2780, s8  }
0xc: {  	s6 =	sadd.s32 s6, s5;
	s16 =	ssub.s32 s9, s23;
	s24 =	sshrl.u32 s10, $0x2  }
0xd: {  	s11 =	sshrl.u32 s25, $0x3;
	s7 =	sadd.s32 s13, s29;
	s19 =	sshrl.u32 s12, $0x3  }
0xe: {  	s23 =	simm.s32 $0x6800;
	s25 =	simm.s32 $0x1380;
	s17 =	sadd.s32 s24, s1  }
0xf: {  	s30 =	sadd.s32 $0x280, s11;
	s18 =	sadd.s32 $0x500, s11;
	s31 =	sadd.s32 $0x7800, s19  }
0x10: {  	s16 =	smax.u32 s16, $0x1;
	s19 =	simm.s32 $0x1400;
	s24 =	simm.s32 $0x2  }
.Ltmp0:
0x11: {  	s15 =	sadd.s32 s8, s5;
	s5 =	sadd.s32 $0x37000, s6;
	(pc) =	sbr.rel .LBB2_1-.Ltmp0, $4  }
0x12: {  	s6 =	sor.u32 $0x1C03, s26;
	s8 =	sadd.s32 s14, s29;
	s9 =	sadd.s32 s13, s30  }
0x13: {  	s10 =	sadd.s32 s14, s30;
	s11 =	sadd.s32 s13, s18;
	s12 =	sadd.s32 s14, s18  }
0x14: {  	s13 =	sadd.s32 s13, s31;
	s14 =	sadd.s32 s14, s31;
	s17 =	sshrl.u32 s17, $0x3  }
0x15: {  	s18 =	simm.s32 $0x3;
	s26 =	simm.s32 $0x2700;
	s15 =	sadd.s32 $0x5E800, s15  }
.LBB2_11:
0x16: {  	[sflag:s18] =	ssyncadd.s32 $0xFFFFC000  }
.LBB2_12:
0x17: {  	_ =	swait.ge [sflag:s22], $0x4000  }
0x18: {  	[sflag:s22] =	ssyncset.done $0x0  }
0x19: {  	[sflag:s22] =	ssyncadd.s32 $0xFFFFC000  }
0x1a: {  	[tilespmem:s23], [sflag:$0x2] =	stream.indirect.gather [hbm4b:s4+s20], $0x80, s25, s20, $0xb8;
	[tilespmem:$0x1E400] =	vst v63  }
0x1b: {  	_ = 	snop  }
0x1c: {  	[spmem:s1] =	stream.indirect.scatter.add.f32 [tilespmem:s21], [sflag:$0x3], $0x80, s26, s20, $0xb8;
	[tilespmem:$0x1E400] =	vst v63  }
0x1d: {  	_ =	swait.ge [sflag:s18], $0x4000  }
0x1e: {  	[sflag:s18] =	ssyncset.done $0x0  }
0x1f: {  	[sflag:s18] =	ssyncadd.s32 $0xFFFFC000  }
0x20: {  	_ =	swait.ge [sflag:s24], $0x4000  }
0x21: {  	[sflag:s24] =	ssyncset.done $0x0  }
0x22: {  	[sflag:s24] =	ssyncadd.s32 $0xFFFFC000  }
0x23: {  	[spmem:s1] =	stream.indirect.scatter.add.f32 [tilespmem:s23], [sflag:$0x3], $0x80, s28, s20, $0xb8;
	[tilespmem:$0x1E400] =	vst v63  }
0x24: {  	_ =	swait.ge [sflag:s18], $0x4000  }
0x25: {  	[sflag:s18] =	ssyncset.done $0x0  }
0x26: {  	[sflag:s18] =	ssyncadd.s32 $0xFFFFC000  }
0x27: {  	[bflag:$0x0] =	sbarrier.arrive $0xFFFF  }
0x28: {  	_ =	sdelay $0x7ff  }
0x29: {  	_ =	sdelay $0x7ff  }
0x2a: {  	_ =	sdelay $0x7ff  }
0x2b: {  	s3 =	sadd.s32 $0x1, s3;
	_ =	sdelay $0x7ff  }
0x2c: {  	p1 =	sne.s32 s3, s16;
	_ =	sdelay $0x35b  }
.Ltmp1:
0x2d: {  	[bflag:$0x0] =	sbarrier.arrive $0xFFFF;
	(pc) =	sbr.rel @!p1 .LBB2_13-.Ltmp1, $4  }
0x2e: {  	[hbm:s15], [sflag:s6] =	dma.local [spmem:s17], $0x2780  }
0x2f: {  	_ =	swait.ge [sflag:s18], $0x2780  }
0x30: {  	[sflag:s18] =	ssyncset.done $0x0  }
0x31: {  	[sflag:s18] =	ssyncadd.s32 $0xFFFFD880  }
.LBB2_1:
0x32: {  	[spmem:s17], [sflag:s6] =	dma.local [hbm:s5], $0x2780  }
.Ltmp2:
0x33: {  	_ =	swait.ge [sflag:s18], $0x2780;
	(pc) =	sbr.rel @!p0 .LBB2_2-.Ltmp2, $4  }
0x34: {  	[sflag:s18] =	ssyncset.done $0x0  }
0x35: {  	[sflag:s18] =	ssyncadd.s32 $0xFFFFD880  }
0x36: {  	[bflag:$0x0] =	sbarrier.arrive $0xFFFF  }
0x37: {  	s29 =	simm.s32 $0x0  }
0x38: {  	[tilespmem:s29], [sflag:$0x3] =	stream.linear.gather [hbm4b:s13+s29], $0x1400, $0x38;
	[tilespmem:$0x1E400] =	vst v63  }
0x39: {  	_ =	swait.ge [sflag:s18], $0x1400  }
0x3a: {  	[sflag:s18] =	ssyncset.done $0x0  }
0x3b: {  	[sflag:s18] =	ssyncadd.s32 $0xFFFFEC00  }
0x3c: {  	[tilespmem:s19], [sflag:$0x3] =	stream.linear.gather [hbm4b:s14+s29], $0x1400, $0x38;
	[tilespmem:$0x1E400] =	vst v63  }
0x3d: {  	_ =	swait.ge [sflag:s18], $0x1400  }
0x3e: {  	[sflag:s18] =	ssyncset.done $0x0  }
0x3f: {  	[sflag:s18] =	ssyncadd.s32 $0xFFFFEC00  }
0x40: {  	[tilespmem:s21], [sflag:$0x1] =	stream.indirect.gather [hbm4b:s4+s20], $0x80, s29, s20, $0xb8;
	[tilespmem:$0x1E400] =	vst v63  }
0x41: {  	_ =	swait.ge [sflag:s22], $0x4000  }
0x42: {  	[sflag:s22] =	ssyncset.done $0x0  }
0x43: {  	s29 =	simm.s32 $0x80;
	[sflag:s22] =	ssyncadd.s32 $0xFFFFC000  }
0x44: {  	[tilespmem:s23], [sflag:$0x2] =	stream.indirect.gather [hbm4b:s4+s20], $0x80, s29, s20, $0xb8;
	[tilespmem:$0x1E400] =	vst v63  }
0x45: {  	s29 =	simm.s32 $0x1400  }
0x46: {  	[spmem:s1] =	stream.indirect.scatter.add.f32 [tilespmem:s21], [sflag:$0x3], $0x80, s29, s20, $0xb8;
	[tilespmem:$0x1E400] =	vst v63  }
0x47: {  	_ =	swait.ge [sflag:s18], $0x4000  }
0x48: {  	[sflag:s18] =	ssyncset.done $0x0  }
0x49: {  	[sflag:s18] =	ssyncadd.s32 $0xFFFFC000  }
0x4a: {  	_ =	swait.ge [sflag:s24], $0x4000  }
0x4b: {  	[sflag:s24] =	ssyncset.done $0x0  }
0x4c: {  	s29 =	simm.s32 $0x100;
	[sflag:s24] =	ssyncadd.s32 $0xFFFFC000  }
0x4d: {  	[tilespmem:s21], [sflag:$0x1] =	stream.indirect.gather [hbm4b:s4+s20], $0x80, s29, s20, $0xb8;
	[tilespmem:$0x1E400] =	vst v63  }
0x4e: {  	s29 =	simm.s32 $0x1480  }
0x4f: {  	[spmem:s1] =	stream.indirect.scatter.add.f32 [tilespmem:s23], [sflag:$0x3], $0x80, s29, s20, $0xb8;
	[tilespmem:$0x1E400] =	vst v63  }
0x50: {  	_ =	swait.ge [sflag:s18], $0x4000  }
0x51: {  	s29 =	simm.s32 $0x400;
	[sflag:s18] =	ssyncset.done $0x0  }
.LBB2_10:
0x52: {  	p1 =	sne.s32 s29, $0x4800  }
0x53: {  	[sflag:s18] =	ssyncadd.s32 $0xFFFFC000;
	s30 =	smov.u32 s29;
	s29 =	sadd.s32 $0x400, s29  }
0x54: {  	_ = 	snop  }
0x55: {  	_ =	swait.ge [sflag:s22], $0x4000  }
0x56: {  	s30 =	sshra.s32 s30, $0x2;
	[sflag:s22] =	ssyncset.done $0x0  }
0x57: {  	s31 =	sadd.s32 $0x80, s30;
	[sflag:s22] =	ssyncadd.s32 $0xFFFFC000  }
0x58: {  	[tilespmem:s23], [sflag:$0x2] =	stream.indirect.gather [hbm4b:s4+s20], $0x80, s31, s20, $0xb8;
	[tilespmem:$0x1E400] =	vst v63  }
0x59: {  	s31 =	sadd.s32 $0x1400, s30  }
0x5a: {  	[spmem:s1] =	stream.indirect.scatter.add.f32 [tilespmem:s21], [sflag:$0x3], $0x80, s31, s20, $0xb8;
	[tilespmem:$0x1E400] =	vst v63  }
0x5b: {  	_ =	swait.ge [sflag:s18], $0x4000  }
0x5c: {  	[sflag:s18] =	ssyncset.done $0x0  }
0x5d: {  	[sflag:s18] =	ssyncadd.s32 $0xFFFFC000  }
0x5e: {  	_ =	swait.ge [sflag:s24], $0x4000  }
0x5f: {  	[sflag:s24] =	ssyncset.done $0x0  }
0x60: {  	s31 =	sadd.s32 $0x100, s30;
	[sflag:s24] =	ssyncadd.s32 $0xFFFFC000  }
0x61: {  	[tilespmem:s21], [sflag:$0x1] =	stream.indirect.gather [hbm4b:s4+s20], $0x80, s31, s20, $0xb8;
	[tilespmem:$0x1E400] =	vst v63  }
.Ltmp3:
0x62: {  	_ = 	snop;
	(pc) =	sbr.rel @p1 .LBB2_10-.Ltmp3, $4  }
0x63: {  	s30 =	sadd.s32 $0x1480, s30  }
0x64: {  	[spmem:s1] =	stream.indirect.scatter.add.f32 [tilespmem:s23], [sflag:$0x3], $0x80, s30, s20, $0xb8;
	[tilespmem:$0x1E400] =	vst v63  }
0x65: {  	_ =	swait.ge [sflag:s18], $0x4000  }
0x66: {  	[sflag:s18] =	ssyncset.done $0x0  }
.Ltmp4:
0x67: {  	_ = 	snop;
	(pc) =	sbr.rel .LBB2_11-.Ltmp4, $1  }
0x68: {  	_ =	sdelay $0x3  }
.LBB2_2:
0x69: {  	[tilespmem:s29], [sflag:$0x3] =	stream.linear.gather [hbm4b:s7+s29], $0x1400, $0x38;
	[tilespmem:$0x1E400] =	vst v63  }
0x6a: {  	_ =	swait.ge [sflag:s18], $0x1400  }
0x6b: {  	[sflag:s18] =	ssyncset.done $0x0  }
0x6c: {  	[sflag:s18] =	ssyncadd.s32 $0xFFFFEC00  }
0x6d: {  	[tilespmem:s19], [sflag:$0x3] =	stream.linear.gather [hbm4b:s8+s29], $0x1400, $0x38;
	[tilespmem:$0x1E400] =	vst v63  }
0x6e: {  	_ =	swait.ge [sflag:s18], $0x1400  }
0x6f: {  	[sflag:s18] =	ssyncset.done $0x0  }
0x70: {  	[sflag:s18] =	ssyncadd.s32 $0xFFFFEC00  }
0x71: {  	[tilespmem:s21], [sflag:$0x1] =	stream.indirect.gather [hbm4b:s4+s20], $0x80, s29, s20, $0xb8;
	[tilespmem:$0x1E400] =	vst v63  }
0x72: {  	_ =	swait.ge [sflag:s22], $0x4000  }
0x73: {  	[sflag:s22] =	ssyncset.done $0x0  }
0x74: {  	s29 =	simm.s32 $0x80;
	[sflag:s22] =	ssyncadd.s32 $0xFFFFC000  }
0x75: {  	[tilespmem:s23], [sflag:$0x2] =	stream.indirect.gather [hbm4b:s4+s20], $0x80, s29, s20, $0xb8;
	[tilespmem:$0x1E400] =	vst v63  }
0x76: {  	s29 =	simm.s32 $0x1400  }
0x77: {  	[spmem:s1] =	stream.indirect.scatter.add.f32 [tilespmem:s21], [sflag:$0x3], $0x80, s29, s20, $0xb8;
	[tilespmem:$0x1E400] =	vst v63  }
0x78: {  	_ =	swait.ge [sflag:s18], $0x4000  }
0x79: {  	[sflag:s18] =	ssyncset.done $0x0  }
0x7a: {  	[sflag:s18] =	ssyncadd.s32 $0xFFFFC000  }
0x7b: {  	_ =	swait.ge [sflag:s24], $0x4000  }
0x7c: {  	[sflag:s24] =	ssyncset.done $0x0  }
0x7d: {  	s29 =	simm.s32 $0x100;
	[sflag:s24] =	ssyncadd.s32 $0xFFFFC000  }
0x7e: {  	[tilespmem:s21], [sflag:$0x1] =	stream.indirect.gather [hbm4b:s4+s20], $0x80, s29, s20, $0xb8;
	[tilespmem:$0x1E400] =	vst v63  }
0x7f: {  	s29 =	simm.s32 $0x1480  }
0x80: {  	[spmem:s1] =	stream.indirect.scatter.add.f32 [tilespmem:s23], [sflag:$0x3], $0x80, s29, s20, $0xb8;
	[tilespmem:$0x1E400] =	vst v63  }
0x81: {  	_ =	swait.ge [sflag:s18], $0x4000  }
0x82: {  	s29 =	simm.s32 $0x400;
	[sflag:s18] =	ssyncset.done $0x0  }
.LBB2_3:
0x83: {  	p1 =	sne.s32 s29, $0x4800  }
0x84: {  	[sflag:s18] =	ssyncadd.s32 $0xFFFFC000;
	s30 =	smov.u32 s29;
	s29 =	sadd.s32 $0x400, s29  }
0x85: {  	_ = 	snop  }
0x86: {  	_ =	swait.ge [sflag:s22], $0x4000  }
0x87: {  	s30 =	sshra.s32 s30, $0x2;
	[sflag:s22] =	ssyncset.done $0x0  }
0x88: {  	s31 =	sadd.s32 $0x80, s30;
	[sflag:s22] =	ssyncadd.s32 $0xFFFFC000  }
0x89: {  	[tilespmem:s23], [sflag:$0x2] =	stream.indirect.gather [hbm4b:s4+s20], $0x80, s31, s20, $0xb8;
	[tilespmem:$0x1E400] =	vst v63  }
0x8a: {  	s31 =	sadd.s32 $0x1400, s30  }
0x8b: {  	[spmem:s1] =	stream.indirect.scatter.add.f32 [tilespmem:s21], [sflag:$0x3], $0x80, s31, s20, $0xb8;
	[tilespmem:$0x1E400] =	vst v63  }
0x8c: {  	_ =	swait.ge [sflag:s18], $0x4000  }
0x8d: {  	[sflag:s18] =	ssyncset.done $0x0  }
0x8e: {  	[sflag:s18] =	ssyncadd.s32 $0xFFFFC000  }
0x8f: {  	_ =	swait.ge [sflag:s24], $0x4000  }
0x90: {  	[sflag:s24] =	ssyncset.done $0x0  }
0x91: {  	s31 =	sadd.s32 $0x100, s30;
	[sflag:s24] =	ssyncadd.s32 $0xFFFFC000  }
0x92: {  	[tilespmem:s21], [sflag:$0x1] =	stream.indirect.gather [hbm4b:s4+s20], $0x80, s31, s20, $0xb8;
	[tilespmem:$0x1E400] =	vst v63  }
.Ltmp5:
0x93: {  	_ = 	snop;
	(pc) =	sbr.rel @p1 .LBB2_3-.Ltmp5, $4  }
0x94: {  	s30 =	sadd.s32 $0x1480, s30  }
0x95: {  	[spmem:s1] =	stream.indirect.scatter.add.f32 [tilespmem:s23], [sflag:$0x3], $0x80, s30, s20, $0xb8;
	[tilespmem:$0x1E400] =	vst v63  }
0x96: {  	_ =	swait.ge [sflag:s18], $0x4000  }
0x97: {  	[sflag:s18] =	ssyncset.done $0x0  }
0x98: {  	[sflag:s18] =	ssyncadd.s32 $0xFFFFC000  }
0x99: {  	_ =	swait.ge [sflag:s22], $0x4000  }
0x9a: {  	[sflag:s22] =	ssyncset.done $0x0  }
0x9b: {  	[sflag:s22] =	ssyncadd.s32 $0xFFFFC000  }
0x9c: {  	[tilespmem:s23], [sflag:$0x2] =	stream.indirect.gather [hbm4b:s4+s20], $0x80, s25, s20, $0xb8;
	[tilespmem:$0x1E400] =	vst v63  }
0x9d: {  	_ = 	snop  }
0x9e: {  	[spmem:s1] =	stream.indirect.scatter.add.f32 [tilespmem:s21], [sflag:$0x3], $0x80, s26, s20, $0xb8;
	[tilespmem:$0x1E400] =	vst v63  }
0x9f: {  	_ =	swait.ge [sflag:s18], $0x4000  }
0xa0: {  	[sflag:s18] =	ssyncset.done $0x0  }
0xa1: {  	[sflag:s18] =	ssyncadd.s32 $0xFFFFC000  }
0xa2: {  	_ =	swait.ge [sflag:s24], $0x4000  }
0xa3: {  	[sflag:s24] =	ssyncset.done $0x0  }
0xa4: {  	[sflag:s24] =	ssyncadd.s32 $0xFFFFC000  }
0xa5: {  	[spmem:s1] =	stream.indirect.scatter.add.f32 [tilespmem:s23], [sflag:$0x3], $0x80, s28, s20, $0xb8;
	[tilespmem:$0x1E400] =	vst v63  }
0xa6: {  	_ =	swait.ge [sflag:s18], $0x4000  }
0xa7: {  	[sflag:s18] =	ssyncset.done $0x0  }
0xa8: {  	s29 =	simm.s32 $0x0;
	[sflag:s18] =	ssyncadd.s32 $0xFFFFC000  }
0xa9: {  	[tilespmem:s29], [sflag:$0x3] =	stream.linear.gather [hbm4b:s9+s29], $0x1400, $0x38;
	[tilespmem:$0x1E400] =	vst v63  }
0xaa: {  	_ =	swait.ge [sflag:s18], $0x1400  }
0xab: {  	[sflag:s18] =	ssyncset.done $0x0  }
0xac: {  	[sflag:s18] =	ssyncadd.s32 $0xFFFFEC00  }
0xad: {  	[tilespmem:s19], [sflag:$0x3] =	stream.linear.gather [hbm4b:s10+s29], $0x1400, $0x38;
	[tilespmem:$0x1E400] =	vst v63  }
0xae: {  	_ =	swait.ge [sflag:s18], $0x1400  }
0xaf: {  	[sflag:s18] =	ssyncset.done $0x0  }
0xb0: {  	[sflag:s18] =	ssyncadd.s32 $0xFFFFEC00  }
0xb1: {  	[tilespmem:s21], [sflag:$0x1] =	stream.indirect.gather [hbm4b:s4+s20], $0x80, s29, s20, $0xb8;
	[tilespmem:$0x1E400] =	vst v63  }
0xb2: {  	_ =	swait.ge [sflag:s22], $0x4000  }
0xb3: {  	[sflag:s22] =	ssyncset.done $0x0  }
0xb4: {  	s29 =	simm.s32 $0x80;
	[sflag:s22] =	ssyncadd.s32 $0xFFFFC000  }
0xb5: {  	[tilespmem:s23], [sflag:$0x2] =	stream.indirect.gather [hbm4b:s4+s20], $0x80, s29, s20, $0xb8;
	[tilespmem:$0x1E400] =	vst v63  }
0xb6: {  	s29 =	simm.s32 $0x1400  }
0xb7: {  	[spmem:s1] =	stream.indirect.scatter.add.f32 [tilespmem:s21], [sflag:$0x3], $0x80, s29, s20, $0xb8;
	[tilespmem:$0x1E400] =	vst v63  }
0xb8: {  	_ =	swait.ge [sflag:s18], $0x4000  }
0xb9: {  	[sflag:s18] =	ssyncset.done $0x0  }
0xba: {  	[sflag:s18] =	ssyncadd.s32 $0xFFFFC000  }
0xbb: {  	_ =	swait.ge [sflag:s24], $0x4000  }
0xbc: {  	[sflag:s24] =	ssyncset.done $0x0  }
0xbd: {  	s29 =	simm.s32 $0x100;
	[sflag:s24] =	ssyncadd.s32 $0xFFFFC000  }
0xbe: {  	[tilespmem:s21], [sflag:$0x1] =	stream.indirect.gather [hbm4b:s4+s20], $0x80, s29, s20, $0xb8;
	[tilespmem:$0x1E400] =	vst v63  }
0xbf: {  	s29 =	simm.s32 $0x1480  }
0xc0: {  	[spmem:s1] =	stream.indirect.scatter.add.f32 [tilespmem:s23], [sflag:$0x3], $0x80, s29, s20, $0xb8;
	[tilespmem:$0x1E400] =	vst v63  }
0xc1: {  	_ =	swait.ge [sflag:s18], $0x4000  }
0xc2: {  	s29 =	simm.s32 $0x400;
	[sflag:s18] =	ssyncset.done $0x0  }
.LBB2_5:
0xc3: {  	p1 =	sne.s32 s29, $0x4800  }
0xc4: {  	[sflag:s18] =	ssyncadd.s32 $0xFFFFC000;
	s30 =	smov.u32 s29;
	s29 =	sadd.s32 $0x400, s29  }
0xc5: {  	_ = 	snop  }
0xc6: {  	_ =	swait.ge [sflag:s22], $0x4000  }
0xc7: {  	s30 =	sshra.s32 s30, $0x2;
	[sflag:s22] =	ssyncset.done $0x0  }
0xc8: {  	s31 =	sadd.s32 $0x80, s30;
	[sflag:s22] =	ssyncadd.s32 $0xFFFFC000  }
0xc9: {  	[tilespmem:s23], [sflag:$0x2] =	stream.indirect.gather [hbm4b:s4+s20], $0x80, s31, s20, $0xb8;
	[tilespmem:$0x1E400] =	vst v63  }
0xca: {  	s31 =	sadd.s32 $0x1400, s30  }
0xcb: {  	[spmem:s1] =	stream.indirect.scatter.add.f32 [tilespmem:s21], [sflag:$0x3], $0x80, s31, s20, $0xb8;
	[tilespmem:$0x1E400] =	vst v63  }
0xcc: {  	_ =	swait.ge [sflag:s18], $0x4000  }
0xcd: {  	[sflag:s18] =	ssyncset.done $0x0  }
0xce: {  	[sflag:s18] =	ssyncadd.s32 $0xFFFFC000  }
0xcf: {  	_ =	swait.ge [sflag:s24], $0x4000  }
0xd0: {  	[sflag:s24] =	ssyncset.done $0x0  }
0xd1: {  	s31 =	sadd.s32 $0x100, s30;
	[sflag:s24] =	ssyncadd.s32 $0xFFFFC000  }
0xd2: {  	[tilespmem:s21], [sflag:$0x1] =	stream.indirect.gather [hbm4b:s4+s20], $0x80, s31, s20, $0xb8;
	[tilespmem:$0x1E400] =	vst v63  }
.Ltmp6:
0xd3: {  	_ = 	snop;
	(pc) =	sbr.rel @p1 .LBB2_5-.Ltmp6, $4  }
0xd4: {  	s30 =	sadd.s32 $0x1480, s30  }
0xd5: {  	[spmem:s1] =	stream.indirect.scatter.add.f32 [tilespmem:s23], [sflag:$0x3], $0x80, s30, s20, $0xb8;
	[tilespmem:$0x1E400] =	vst v63  }
0xd6: {  	_ =	swait.ge [sflag:s18], $0x4000  }
0xd7: {  	[sflag:s18] =	ssyncset.done $0x0  }
0xd8: {  	[sflag:s18] =	ssyncadd.s32 $0xFFFFC000  }
0xd9: {  	_ =	swait.ge [sflag:s22], $0x4000  }
0xda: {  	[sflag:s22] =	ssyncset.done $0x0  }
0xdb: {  	[sflag:s22] =	ssyncadd.s32 $0xFFFFC000  }
0xdc: {  	[tilespmem:s23], [sflag:$0x2] =	stream.indirect.gather [hbm4b:s4+s20], $0x80, s25, s20, $0xb8;
	[tilespmem:$0x1E400] =	vst v63  }
0xdd: {  	_ = 	snop  }
0xde: {  	[spmem:s1] =	stream.indirect.scatter.add.f32 [tilespmem:s21], [sflag:$0x3], $0x80, s26, s20, $0xb8;
	[tilespmem:$0x1E400] =	vst v63  }
0xdf: {  	_ =	swait.ge [sflag:s18], $0x4000  }
0xe0: {  	[sflag:s18] =	ssyncset.done $0x0  }
0xe1: {  	[sflag:s18] =	ssyncadd.s32 $0xFFFFC000  }
0xe2: {  	_ =	swait.ge [sflag:s24], $0x4000  }
0xe3: {  	[sflag:s24] =	ssyncset.done $0x0  }
0xe4: {  	[sflag:s24] =	ssyncadd.s32 $0xFFFFC000  }
0xe5: {  	[spmem:s1] =	stream.indirect.scatter.add.f32 [tilespmem:s23], [sflag:$0x3], $0x80, s28, s20, $0xb8;
	[tilespmem:$0x1E400] =	vst v63  }
0xe6: {  	_ =	swait.ge [sflag:s18], $0x4000  }
0xe7: {  	[sflag:s18] =	ssyncset.done $0x0  }
0xe8: {  	s29 =	simm.s32 $0x0;
	[sflag:s18] =	ssyncadd.s32 $0xFFFFC000  }
0xe9: {  	[tilespmem:s29], [sflag:$0x3] =	stream.linear.gather [hbm4b:s11+s29], $0x1400, $0x38;
	[tilespmem:$0x1E400] =	vst v63  }
0xea: {  	_ =	swait.ge [sflag:s18], $0x1400  }
0xeb: {  	[sflag:s18] =	ssyncset.done $0x0  }
0xec: {  	[sflag:s18] =	ssyncadd.s32 $0xFFFFEC00  }
0xed: {  	[tilespmem:s19], [sflag:$0x3] =	stream.linear.gather [hbm4b:s12+s29], $0x1400, $0x38;
	[tilespmem:$0x1E400] =	vst v63  }
0xee: {  	_ =	swait.ge [sflag:s18], $0x1400  }
0xef: {  	[sflag:s18] =	ssyncset.done $0x0  }
0xf0: {  	[sflag:s18] =	ssyncadd.s32 $0xFFFFEC00  }
0xf1: {  	[tilespmem:s21], [sflag:$0x1] =	stream.indirect.gather [hbm4b:s4+s20], $0x80, s29, s20, $0xb8;
	[tilespmem:$0x1E400] =	vst v63  }
0xf2: {  	_ =	swait.ge [sflag:s22], $0x4000  }
0xf3: {  	[sflag:s22] =	ssyncset.done $0x0  }
0xf4: {  	s29 =	simm.s32 $0x80;
	[sflag:s22] =	ssyncadd.s32 $0xFFFFC000  }
0xf5: {  	[tilespmem:s23], [sflag:$0x2] =	stream.indirect.gather [hbm4b:s4+s20], $0x80, s29, s20, $0xb8;
	[tilespmem:$0x1E400] =	vst v63  }
0xf6: {  	s29 =	simm.s32 $0x1400  }
0xf7: {  	[spmem:s1] =	stream.indirect.scatter.add.f32 [tilespmem:s21], [sflag:$0x3], $0x80, s29, s20, $0xb8;
	[tilespmem:$0x1E400] =	vst v63  }
0xf8: {  	_ =	swait.ge [sflag:s18], $0x4000  }
0xf9: {  	[sflag:s18] =	ssyncset.done $0x0  }
0xfa: {  	[sflag:s18] =	ssyncadd.s32 $0xFFFFC000  }
0xfb: {  	_ =	swait.ge [sflag:s24], $0x4000  }
0xfc: {  	[sflag:s24] =	ssyncset.done $0x0  }
0xfd: {  	s29 =	simm.s32 $0x100;
	[sflag:s24] =	ssyncadd.s32 $0xFFFFC000  }
0xfe: {  	[tilespmem:s21], [sflag:$0x1] =	stream.indirect.gather [hbm4b:s4+s20], $0x80, s29, s20, $0xb8;
	[tilespmem:$0x1E400] =	vst v63  }
0xff: {  	s29 =	simm.s32 $0x1480  }
0x100: {  	[spmem:s1] =	stream.indirect.scatter.add.f32 [tilespmem:s23], [sflag:$0x3], $0x80, s29, s20, $0xb8;
	[tilespmem:$0x1E400] =	vst v63  }
0x101: {  	_ =	swait.ge [sflag:s18], $0x4000  }
0x102: {  	s29 =	simm.s32 $0x400;
	[sflag:s18] =	ssyncset.done $0x0  }
.LBB2_7:
0x103: {  	p1 =	seq.s32 s29, $0x4800  }
0x104: {  	[sflag:s18] =	ssyncadd.s32 $0xFFFFC000;
	s30 =	smov.u32 s29;
	s29 =	sadd.s32 $0x400, s29  }
0x105: {  	_ = 	snop  }
0x106: {  	_ =	swait.ge [sflag:s22], $0x4000  }
0x107: {  	s30 =	sshra.s32 s30, $0x2;
	[sflag:s22] =	ssyncset.done $0x0  }
0x108: {  	s31 =	sadd.s32 $0x80, s30;
	[sflag:s22] =	ssyncadd.s32 $0xFFFFC000  }
0x109: {  	[tilespmem:s23], [sflag:$0x2] =	stream.indirect.gather [hbm4b:s4+s20], $0x80, s31, s20, $0xb8;
	[tilespmem:$0x1E400] =	vst v63  }
0x10a: {  	s31 =	sadd.s32 $0x1400, s30  }
0x10b: {  	[spmem:s1] =	stream.indirect.scatter.add.f32 [tilespmem:s21], [sflag:$0x3], $0x80, s31, s20, $0xb8;
	[tilespmem:$0x1E400] =	vst v63  }
0x10c: {  	_ =	swait.ge [sflag:s18], $0x4000  }
0x10d: {  	[sflag:s18] =	ssyncset.done $0x0  }
0x10e: {  	[sflag:s18] =	ssyncadd.s32 $0xFFFFC000  }
0x10f: {  	_ =	swait.ge [sflag:s24], $0x4000  }
0x110: {  	[sflag:s24] =	ssyncset.done $0x0  }
0x111: {  	s31 =	sadd.s32 $0x100, s30;
	[sflag:s24] =	ssyncadd.s32 $0xFFFFC000  }
0x112: {  	[tilespmem:s21], [sflag:$0x1] =	stream.indirect.gather [hbm4b:s4+s20], $0x80, s31, s20, $0xb8;
	[tilespmem:$0x1E400] =	vst v63  }
.Ltmp7:
0x113: {  	_ = 	snop;
	(pc) =	sbr.rel @!p1 .LBB2_7-.Ltmp7, $4  }
0x114: {  	s30 =	sadd.s32 $0x1480, s30  }
0x115: {  	[spmem:s1] =	stream.indirect.scatter.add.f32 [tilespmem:s23], [sflag:$0x3], $0x80, s30, s20, $0xb8;
	[tilespmem:$0x1E400] =	vst v63  }
0x116: {  	_ =	swait.ge [sflag:s18], $0x4000  }
0x117: {  	[sflag:s18] =	ssyncset.done $0x0  }
.Ltmp8:
0x118: {  	(pc) =	sbr.rel .LBB2_12-.Ltmp8, $2  }
0x119: {  	_ =	sdelay $0x2  }
0x11a: {  	[sflag:s18] =	ssyncadd.s32 $0xFFFFC000  }
.LBB2_13:
0x11b: {  	_ =	sfence.sel $0x180000  }
0x11c: {  	[bflag:$0x0] =	sbarrier.arrive $0xFFFF  }
0x11d: {  	p0 =	sne.s32 s2, $0x0;
	_ =	strace $0x90000047  }
0x11e: {  	s0 =	sadd.s32 @!p0 $0x100000, s0;
	[bflag:$0x2] =	sbarrier.arrive $0xFFFF  }
0x11f: {  	[sflag:s0] =	ssyncadd.tile.s32 @!p0 $0x1;
	_ =	shalt  }
.Lfunc_end2:
_tile_overlayer_lowered:
.L_overlay_start_2:
0x120: {  	(tag) =	ssettag $0x2  }
0x121: {  	s0 =	rddreg [dreg:$0x0];
	s2 =	stileid.u32  }
0x122: {  	s1 =	rddreg [dreg:$0x1];
	p0 =	sne.s32 s2, $0x0  }
0x123: {  	s3 =	rddreg [dreg:$0x2];
	[bflag:$0x3] =	sbarrier.arrive $0xFFFF;
	s2 =	simm.s32 @!p0 $0x1C03  }
0x124: {  	[timem:s3], [sflag:s2] =	dma.local @!p0 [hbm:s0], s1  }
0x125: {  	s0 =	simm.s32 @!p0 $0x3  }
0x126: {  	_ =	swait.ge @!p0 [sflag:s0], s1  }
0x127: {  	s1 =	ssub.s32 @!p0 $0x0, s1;
	[sflag:s0] =	ssyncset.done @!p0 $0x0  }
0x128: {  	[sflag:s0] =	ssyncadd.s32 @!p0 s1  }
0x129: {  	[bflag:$0x3] =	sbarrier.arrive $0xFFFF  }
0x12a: {  	_ =	shalt  }

// kernel: kernel.17.cloned.1.call-start
scs
__scs_entry_jumppad:
0x0: {  	(pc) =	sbr.rel $0x88, $3  }
0x1: {  	(tag) =	ssettag $0x0;
	lr =	simm.s32 $0x1  }
0x2: {  	[smem:$0x3F7E] =	sst lr;
	_ =	strace $0xD0000000  }
0x3: {  	_ = 	snop  }
0x4: {  	_ = 	snop  }
0x5: {  	_ = 	snop  }
0x6: {  	_ = 	snop  }
0x7: {  	_ = 	snop  }
__scs_overlays_trampoline_lowered:
0x8: {  	[smem:$0x3F8D] =	sst s0  }
0x9: {  	[smem:$0x3F8E] =	sst s1  }
0xa: {  	[smem:$0x3F8F] =	sst s2  }
0xb: {  	[smem:$0x3F90] =	sst s3  }
0xc: {  	[smem:$0x3F91] =	sst s4  }
0xd: {  	[smem:$0x3F92] =	sst s5  }
0xe: {  	[smem:$0x3F93] =	sst s6  }
0xf: {  	[smem:$0x3F94] =	sst s7  }
0x10: {  	[smem:$0x3F95] =	sst s8  }
0x11: {  	[smem:$0x3F96] =	sst s9;
	s0 =	simm.s32 @!p0 $0x0  }
0x12: {  	s1 =	sld [smem:$0x3F7C];
	s0 =	simm.s32 @p0 $0x1  }
0x13: {  	[smem:$0x3F97] =	sst s0;
	s0 =	simm.s32 @!p1 $0x0  }
0x14: {  	s2 =	sld [smem:$0x3F7B];
	s0 =	simm.s32 @p1 $0x1  }
0x15: {  	[smem:$0x3F98] =	sst s0;
	s0 =	simm.s32 @!p2 $0x0  }
0x16: {  	s3 =	sld [smem:$0x3FDB];
	s0 =	simm.s32 @p2 $0x1  }
0x17: {  	s4 =	simm.s32 $0x1BF5;
	[smem:$0x3F9A] =	sst s0  }
0x18: {  	s0 =	sld [smem:$0x3F7D];
	_ =	swait.ge [sflag:s4], $0x0  }
0x19: {  	s7 =	sld [smem:$0x3F7E]  }
0x1a: {  	s8 =	sadd.s32 $0xFFFFE003, lr  }
0x1b: {  	s9 =	sadd.s32 $0xFFFFFEF7, lr;
	s5 =	simm.s32 $0xFFFFFFFF;
	p2 =	slt.u32 s8, $0xFFFFF086  }
0x1c: {  	p1 =	slt.u32 s9, $0xF7A;
	s5 =	simm.s32 @!p2 $0x0  }
0x1d: {  	s5 =	simm.s32 @p1 $0x1;
	p0 =	seq.s32 s7, s2  }
0x1e: {  	s7 =	smul.u32 @!p0 $0xF7A, s2;
	p2 =	seq.s32 @!p0 s5, $0x0  }
0x1f: {  	s9 =	smul.u32 $0xF7A, s1;
	s8 =	simm.s32 @!p0 $0x1BF5;
	p2 =	por !p2, p0  }
0x20: {  	[sflag:s8] =	ssyncset.s32 @!p0 $0xFFFFF086;
	s6 =	sadd.s32 @!p0 s3, s7;
	s7 =	simm.s32 @!p0 $0x108  }
0x21: {  	s3 =	sadd.s32 s3, s9;
	s6 =	sadd.s32 @!p0 $0x88, s6;
	s7 =	simm.s32 @p2 $0x1082  }
0x22: {  	[simem:s7], [sflag:s8] =	dma.local @!p0 [hbm:s6], $0xF7A  }
0x23: {  	s9 =	sor.u32 $0xD0000000, s2;
	s6 =	simm.s32 $0x108;
	_ =	swait.ge @!p0 [sflag:s8], $0x0  }
0x24: {  	s3 =	sadd.s32 $0x88, s3;
	s6 =	simm.s32 @!p1 $0x1082;
	[sflag:s4] =	ssyncset.s32 $0xFFFFF086  }
0x25: {  	[simem:s6], [sflag:s4] =	dma.local [hbm:s3], $0xF7A  }
0x26: {  	[smem:$0x3F7E] =	sst s1;
	(tag) =	ssettag s2;
	_ =	strace s9  }
0x27: {  	s1 =	sld [smem:$0x3F8E]  }
0x28: {  	s2 =	sld [smem:$0x3F8F]  }
0x29: {  	s4 =	sld [smem:$0x3F91]  }
0x2a: {  	p0 =	seq.s32 s5, $0x0;
	s5 =	sld [smem:$0x3F92]  }
0x2b: {  	s6 =	sld [smem:$0x3F93]  }
0x2c: {  	s7 =	sld [smem:$0x3F94]  }
0x2d: {  	s3 =	simm.s32 $0x108;
	s8 =	sld [smem:$0x3F95]  }
0x2e: {  	s3 =	simm.s32 @!p0 $0x1082;
	s9 =	sld [smem:$0x3F96]  }
0x2f: {  	lr =	sadd.s32 s0, s3;
	s0 =	sld [smem:$0x3F8D]  }
0x30: {  	s3 =	sld [smem:$0x3F90]  }
0x31: {  	[smem:$0x3F99] =	sst s10  }
0x32: {  	s10 =	sld [smem:$0x3F97];
	_ =	sdelay $0x3  }
0x33: {  	p0 =	seq.s32 s10, $0x1;
	s10 =	sld [smem:$0x3F99];
	_ =	sdelay $0x3  }
0x34: {  	[smem:$0x3F99] =	sst s10  }
0x35: {  	s10 =	sld [smem:$0x3F98];
	_ =	sdelay $0x3  }
0x36: {  	p1 =	seq.s32 s10, $0x1;
	s10 =	sld [smem:$0x3F99];
	_ =	sdelay $0x3  }
0x37: {  	[smem:$0x3F99] =	sst s10  }
0x38: {  	s10 =	sld [smem:$0x3F9A]  }
0x39: {  	_ = 	snop;
	(pc) =	sbr.ind lr, $3  }
0x3a: {  	_ = 	snop  }
0x3b: {  	_ = 	snop  }
0x3c: {  	p2 =	seq.s32 s10, $0x1;
	s10 =	sld [smem:$0x3F99]  }
0x3d: {  	_ =	shalt  }
0x3e: {  	_ =	shalt  }
0x3f: {  	_ =	shalt  }
0x40: {  	_ =	shalt  }
0x41: {  	_ =	shalt  }
0x42: {  	_ =	shalt  }
0x43: {  	_ =	shalt  }
0x44: {  	_ =	shalt  }
0x45: {  	_ =	shalt  }
0x46: {  	_ =	shalt  }
0x47: {  	_ =	shalt  }
0x48: {  	_ =	shalt  }
0x49: {  	_ =	shalt  }
0x4a: {  	_ =	shalt  }
0x4b: {  	_ =	shalt  }
0x4c: {  	_ =	shalt  }
0x4d: {  	_ =	shalt  }
0x4e: {  	_ =	shalt  }
0x4f: {  	_ =	shalt  }
0x50: {  	_ =	shalt  }
0x51: {  	_ =	shalt  }
0x52: {  	_ =	shalt  }
0x53: {  	_ =	shalt  }
0x54: {  	_ =	shalt  }
0x55: {  	_ =	shalt  }
0x56: {  	_ =	shalt  }
0x57: {  	_ =	shalt  }
0x58: {  	_ =	shalt  }
0x59: {  	_ =	shalt  }
0x5a: {  	_ =	shalt  }
0x5b: {  	_ =	shalt  }
0x5c: {  	_ =	shalt  }
0x5d: {  	_ =	shalt  }
0x5e: {  	_ =	shalt  }
0x5f: {  	_ =	shalt  }
0x60: {  	_ =	shalt  }
0x61: {  	_ =	shalt  }
0x62: {  	_ =	shalt  }
0x63: {  	_ =	shalt  }
0x64: {  	_ =	shalt  }
0x65: {  	_ =	shalt  }
0x66: {  	_ =	shalt  }
0x67: {  	_ =	shalt  }
0x68: {  	_ =	shalt  }
0x69: {  	_ =	shalt  }
0x6a: {  	_ =	shalt  }
0x6b: {  	_ =	shalt  }
0x6c: {  	_ =	shalt  }
0x6d: {  	_ =	shalt  }
0x6e: {  	_ =	shalt  }
0x6f: {  	_ =	shalt  }
0x70: {  	_ =	shalt  }
0x71: {  	_ =	shalt  }
0x72: {  	_ =	shalt  }
0x73: {  	_ =	shalt  }
0x74: {  	_ =	shalt  }
0x75: {  	_ =	shalt  }
0x76: {  	_ =	shalt  }
0x77: {  	_ =	shalt  }
0x78: {  	_ =	shalt  }
0x79: {  	_ =	shalt  }
0x7a: {  	_ =	shalt  }
0x7b: {  	_ =	shalt  }
0x7c: {  	_ =	shalt  }
0x7d: {  	_ =	shalt  }
0x7e: {  	_ =	shalt  }
0x7f: {  	_ =	shalt  }
0x80: {  	_ =	shalt  }
0x81: {  	_ =	shalt  }
0x82: {  	_ =	shalt  }
0x83: {  	_ =	shalt  }
0x84: {  	_ =	shalt  }
0x85: {  	_ =	shalt  }
0x86: {  	_ =	shalt  }
0x87: {  	_ =	shalt  }
.Lfunc_end0:
.L_simem_size_0:
called_computation.2_lowered:
.L_overlay_start_0:
0x88: {  	s2 =	sld [smem:$0x3FD9]  }
0x89: {  	s3 =	sld [smem:$0x3FFE];
	_ =	sdelay $0x1  }
0x8a: {  	s1 =	srdreg.scid  }
0x8b: {  	s0 =	sand.u32 $0x1, s1  }
0x8c: {  	s17 =	sshll.u32 s0, $0xA;
	s2 =	sadd.s32 s3, s2  }
0x8d: {  	s2 =	sadd.s32 s2, s17  }
0x8e: {  	[smem:$0x3FA5] =	sst s2  }
0x8f: {  	_ = 	snop  }
0x90: {  	s2 =	sld [smem:$0x3FD0];
	(tm) =	ssettm $0x1  }
0x91: {  	s18 =	sld [smem:$0x3FFB];
	_ =	sdelay $0x3  }
0x92: {  	_ =	strace s18  }
0x93: {  	s3 =	sld [smem:$0x3FFC];
	_ =	sdelay $0x3  }
0x94: {  	_ =	strace s3  }
0x95: {  	s3 =	sld [smem:$0x3FFD];
	_ =	sdelay $0x3  }
0x96: {  	_ =	strace s3  }
0x97: {  	_ =	strace $0x8FFFFFFF  }
0x98: {  	s19 =	sld [smem:$0x3FDB];
	_ =	sdelay $0x1  }
0x99: {  	s4 =	simm.s32 $_scs_section_size  }
0x9a: {  	s5 =	simm.s32 $_size__tile_overlayer_lowered;
	s6 =	simm.s32 $_tile_overlayer_lowered  }
0x9b: {  	s22 =	simm.s32 $0x1BFF;
	s21 =	sshll.u32 s6, $0x1;
	s3 =	sadd.s32 s4, s19  }
0x9c: {  	s7 =	simm.s32 $0x0;
	s20 =	sshll.u32 s5, $0x1;
	s5 =	sadd.s32 s21, s3  }
0x9d: {  	[timem:s7], [sflag:s22] =	dma.local [hbm:s5], s20  }
0x9e: {  	_ =	swait.ge [sflag:s22], s20  }
0x9f: {  	s4 =	ssub.s32 $0x0, s20;
	[sflag:s22] =	ssyncset.done $0x0  }
0xa0: {  	[sflag:s22] =	ssyncadd.s32 s4;
	_ =	sdelay $0x1  }
0xa1: {  	s23 =	simm.s32 $0x1B8B  }
0xa2: {  	_ =	swait.ge [sflag:s23], $0x1  }
0xa3: {  	[sflag:s23] =	ssyncset.done $0x0  }
0xa4: {  	s25 =	simm.s32 $0x1B8E;
	s24 =	sld [smem:$0x3FFE];
	[sflag:s23] =	ssyncadd.s32 $0xFFFFFFFF  }
0xa5: {  	s26 =	simm.s32 $execute0_lowered;
	[smem:$0x3FD2] =	sst s25  }
0xa6: {  	s5 =	sshll.u32 s26, $0x1;
	_ =	strace $0x8000004C;
	[dreg:$0x1] =	wrdreg $0xFFFFFFFF  }
0xa7: {  	s28 =	simm.s32 $_size_execute0_lowered;
	s3 =	sadd.s32 s3, s5;
	[dreg:$0x0] =	wrdreg $0x0  }
0xa8: {  	s5 =	sshll.u32 s28, $0x1;
	[dreg:$0x2] =	wrdreg s3  }
0xa9: {  	[dreg:$0x3] =	wrdreg s5  }
0xaa: {  	[dreg:$0x4] =	wrdreg $0xC0  }
0xab: {  	_ =	task [dreg:s7], $0x5FFFF  }
0xac: {  	[dreg:$0x1] =	wrdreg $0xFFFFFFFF  }
0xad: {  	[dreg:$0x0] =	wrdreg $0x60  }
0xae: {  	[dreg:$0x2] =	wrdreg s24  }
0xaf: {  	[dreg:$0x3] =	wrdreg s2  }
0xb0: {  	[dreg:$0x4] =	wrdreg $0xA8000  }
0xb1: {  	[dreg:$0x5] =	wrdreg $0x9  }
0xb2: {  	_ =	task.clear_ibuf [dreg:s7], $0x6FFFF;
	_ =	strace $0x9000004C  }
0xb3: {  	s29 =	simm.s32 $0x9;
	_ =	strace $0x8000004E  }
0xb4: {  	_ =	swait.ge [sflag:s29], $0x1  }
0xb5: {  	[sflag:s29] =	ssyncadd.s32 $0xFFFFFFFF  }
0xb6: {  	_ =	strace $0x9000004E  }
0xb7: {  	_ =	sfence  }
0xb8: {  	s30 =	sld [smem:$0x0];
	_ =	sdelay $0x2  }
0xb9: {  	s31 =	sshll.u32 s1, $0xD;
	s1 =	sshrl.u32 s1, $0x2  }
0xba: {  	s3 =	sand.u32 $0x4000, s31;
	s1 =	sadd.s32 s1, s30  }
0xbb: {  	s0 =	sor.u32 s3, s0;
	s1 =	sshll.u32 s1, $0x11  }
0xbc: {  	s0 =	sor.u32 s1, s0  }
0xbd: {  	s0 =	sadd.s32 $0x8F2B, s0  }
0xbe: {  	[sflag:s0] =	ssyncadd.remote.s32 $0x1  }
0xbf: {  	_ =	sfence.sel $0xFFFF  }
0xc0: {  	[dreg:$0x0] =	wrdreg $0xFFFFFFFF;
	(pc) =	sbr.abs _section_cstart, $3  }
0xc1: {  	[dreg:$0x1] =	wrdreg $0xFFFFFFFF  }
0xc2: {  	_ =	task.clear_ibuf [dreg:s7], $0x2FFFF;
	_ =	strace $0x9FFFFFFF  }
0xc3: {  	(tm) =	ssettm $0x7FFFFFFF  }
tec
execute0_lowered:
.L_overlay_start_1:
0x0: {  	(tag) =	ssettag $0x1  }
0x1: {  	s5 =	rddreg [dreg:$0x0]  }
0x2: {  	s13 =	rddreg [dreg:$0x1]  }
0x3: {  	s1 =	rddreg [dreg:$0x2];
	s2 =	srdreg.scid  }
0x4: {  	s0 =	rddreg [dreg:$0x3];
	s3 =	simm.s32 $0x0;
	s20 =	simm.s32 $0x80  }
0x5: {  	s21 =	simm.s32 $0x2800;
	s7 =	sand.u32 $0x1, s2;
	s2 =	stileid.u32  }
0x6: {  	s22 =	simm.s32 $0x1;
	s28 =	simm.s32 $0x2780;
	s6 =	smul.u32 $0x2780, s2  }
0x7: {  	[smem:$0x7FF] =	sst s3;
	s14 =	sadd.s32 $0x5E00, s5;
	s10 =	smul.u32 $0x4F000, s2  }
0x8: {  	s4 =	sshll.u32 s7, $0x4;
	_ =	strace $0x8000004D;
	s25 =	smul.u32 $0x3C00, s2  }
0x9: {  	s9 =	ssub.s32 $0x2, s7;
	s26 =	sshll.u32 s2, $0x6;
	s29 =	smul.u32 $0x780, s2  }
0xa: {  	p0 =	seq.s32 s7, $0x1;
	s12 =	smul.u32 $0x1400, s2;
	s8 =	sor.u32 s2, s4  }
0xb: {  	s4 =	sadd.s32 $0xFE00, s5;
	s23 =	sshrl.u32 s9, $0x1;
	s8 =	smul.u32 $0x2780, s8  }
0xc: {  	s6 =	sadd.s32 s6, s5;
	s16 =	ssub.s32 s9, s23;
	s24 =	sshrl.u32 s10, $0x2  }
0xd: {  	s11 =	sshrl.u32 s25, $0x3;
	s7 =	sadd.s32 s13, s29;
	s19 =	sshrl.u32 s12, $0x3  }
0xe: {  	s23 =	simm.s32 $0x6800;
	s25 =	simm.s32 $0x1380;
	s17 =	sadd.s32 s24, s1  }
0xf: {  	s30 =	sadd.s32 $0x280, s11;
	s18 =	sadd.s32 $0x500, s11;
	s31 =	sadd.s32 $0x7800, s19  }
0x10: {  	s16 =	smax.u32 s16, $0x1;
	s19 =	simm.s32 $0x1400;
	s24 =	simm.s32 $0x2  }
.Ltmp0:
0x11: {  	s15 =	sadd.s32 s8, s5;
	s5 =	sadd.s32 $0x37000, s6;
	(pc) =	sbr.rel .LBB2_1-.Ltmp0, $4  }
0x12: {  	s6 =	sor.u32 $0x1C03, s26;
	s8 =	sadd.s32 s14, s29;
	s9 =	sadd.s32 s13, s30  }
0x13: {  	s10 =	sadd.s32 s14, s30;
	s11 =	sadd.s32 s13, s18;
	s12 =	sadd.s32 s14, s18  }
0x14: {  	s13 =	sadd.s32 s13, s31;
	s14 =	sadd.s32 s14, s31;
	s17 =	sshrl.u32 s17, $0x3  }
0x15: {  	s18 =	simm.s32 $0x3;
	s26 =	simm.s32 $0x2700;
	s15 =	sadd.s32 $0x5E800, s15  }
.LBB2_11:
0x16: {  	[sflag:s18] =	ssyncadd.s32 $0xFFFFC000  }
.LBB2_12:
0x17: {  	_ =	swait.ge [sflag:s22], $0x4000  }
0x18: {  	[sflag:s22] =	ssyncset.done $0x0  }
0x19: {  	[sflag:s22] =	ssyncadd.s32 $0xFFFFC000  }
0x1a: {  	[tilespmem:s23], [sflag:$0x2] =	stream.indirect.gather [hbm4b:s4+s20], $0x80, s25, s20, $0xb8;
	[tilespmem:$0x1E400] =	vst v63  }
0x1b: {  	_ = 	snop  }
0x1c: {  	[spmem:s1] =	stream.indirect.scatter.add.f32 [tilespmem:s21], [sflag:$0x3], $0x80, s26, s20, $0xb8;
	[tilespmem:$0x1E400] =	vst v63  }
0x1d: {  	_ =	swait.ge [sflag:s18], $0x4000  }
0x1e: {  	[sflag:s18] =	ssyncset.done $0x0  }
0x1f: {  	[sflag:s18] =	ssyncadd.s32 $0xFFFFC000  }
0x20: {  	_ =	swait.ge [sflag:s24], $0x4000  }
0x21: {  	[sflag:s24] =	ssyncset.done $0x0  }
0x22: {  	[sflag:s24] =	ssyncadd.s32 $0xFFFFC000  }
0x23: {  	[spmem:s1] =	stream.indirect.scatter.add.f32 [tilespmem:s23], [sflag:$0x3], $0x80, s28, s20, $0xb8;
	[tilespmem:$0x1E400] =	vst v63  }
0x24: {  	_ =	swait.ge [sflag:s18], $0x4000  }
0x25: {  	[sflag:s18] =	ssyncset.done $0x0  }
0x26: {  	[sflag:s18] =	ssyncadd.s32 $0xFFFFC000  }
0x27: {  	[bflag:$0x0] =	sbarrier.arrive $0xFFFF  }
0x28: {  	_ =	sdelay $0x7ff  }
0x29: {  	_ =	sdelay $0x7ff  }
0x2a: {  	_ =	sdelay $0x7ff  }
0x2b: {  	s3 =	sadd.s32 $0x1, s3;
	_ =	sdelay $0x7ff  }
0x2c: {  	p1 =	sne.s32 s3, s16;
	_ =	sdelay $0x35b  }
.Ltmp1:
0x2d: {  	[bflag:$0x0] =	sbarrier.arrive $0xFFFF;
	(pc) =	sbr.rel @!p1 .LBB2_13-.Ltmp1, $4  }
0x2e: {  	[hbm:s15], [sflag:s6] =	dma.local [spmem:s17], $0x2780  }
0x2f: {  	_ =	swait.ge [sflag:s18], $0x2780  }
0x30: {  	[sflag:s18] =	ssyncset.done $0x0  }
0x31: {  	[sflag:s18] =	ssyncadd.s32 $0xFFFFD880  }
.LBB2_1:
0x32: {  	[spmem:s17], [sflag:s6] =	dma.local [hbm:s5], $0x2780  }
.Ltmp2:
0x33: {  	_ =	swait.ge [sflag:s18], $0x2780;
	(pc) =	sbr.rel @!p0 .LBB2_2-.Ltmp2, $4  }
0x34: {  	[sflag:s18] =	ssyncset.done $0x0  }
0x35: {  	[sflag:s18] =	ssyncadd.s32 $0xFFFFD880  }
0x36: {  	[bflag:$0x0] =	sbarrier.arrive $0xFFFF  }
0x37: {  	s29 =	simm.s32 $0x0  }
0x38: {  	[tilespmem:s29], [sflag:$0x3] =	stream.linear.gather [hbm4b:s13+s29], $0x1400, $0x38;
	[tilespmem:$0x1E400] =	vst v63  }
0x39: {  	_ =	swait.ge [sflag:s18], $0x1400  }
0x3a: {  	[sflag:s18] =	ssyncset.done $0x0  }
0x3b: {  	[sflag:s18] =	ssyncadd.s32 $0xFFFFEC00  }
0x3c: {  	[tilespmem:s19], [sflag:$0x3] =	stream.linear.gather [hbm4b:s14+s29], $0x1400, $0x38;
	[tilespmem:$0x1E400] =	vst v63  }
0x3d: {  	_ =	swait.ge [sflag:s18], $0x1400  }
0x3e: {  	[sflag:s18] =	ssyncset.done $0x0  }
0x3f: {  	[sflag:s18] =	ssyncadd.s32 $0xFFFFEC00  }
0x40: {  	[tilespmem:s21], [sflag:$0x1] =	stream.indirect.gather [hbm4b:s4+s20], $0x80, s29, s20, $0xb8;
	[tilespmem:$0x1E400] =	vst v63  }
0x41: {  	_ =	swait.ge [sflag:s22], $0x4000  }
0x42: {  	[sflag:s22] =	ssyncset.done $0x0  }
0x43: {  	s29 =	simm.s32 $0x80;
	[sflag:s22] =	ssyncadd.s32 $0xFFFFC000  }
0x44: {  	[tilespmem:s23], [sflag:$0x2] =	stream.indirect.gather [hbm4b:s4+s20], $0x80, s29, s20, $0xb8;
	[tilespmem:$0x1E400] =	vst v63  }
0x45: {  	s29 =	simm.s32 $0x1400  }
0x46: {  	[spmem:s1] =	stream.indirect.scatter.add.f32 [tilespmem:s21], [sflag:$0x3], $0x80, s29, s20, $0xb8;
	[tilespmem:$0x1E400] =	vst v63  }
0x47: {  	_ =	swait.ge [sflag:s18], $0x4000  }
0x48: {  	[sflag:s18] =	ssyncset.done $0x0  }
0x49: {  	[sflag:s18] =	ssyncadd.s32 $0xFFFFC000  }
0x4a: {  	_ =	swait.ge [sflag:s24], $0x4000  }
0x4b: {  	[sflag:s24] =	ssyncset.done $0x0  }
0x4c: {  	s29 =	simm.s32 $0x100;
	[sflag:s24] =	ssyncadd.s32 $0xFFFFC000  }
0x4d: {  	[tilespmem:s21], [sflag:$0x1] =	stream.indirect.gather [hbm4b:s4+s20], $0x80, s29, s20, $0xb8;
	[tilespmem:$0x1E400] =	vst v63  }
0x4e: {  	s29 =	simm.s32 $0x1480  }
0x4f: {  	[spmem:s1] =	stream.indirect.scatter.add.f32 [tilespmem:s23], [sflag:$0x3], $0x80, s29, s20, $0xb8;
	[tilespmem:$0x1E400] =	vst v63  }
0x50: {  	_ =	swait.ge [sflag:s18], $0x4000  }
0x51: {  	s29 =	simm.s32 $0x400;
	[sflag:s18] =	ssyncset.done $0x0  }
.LBB2_10:
0x52: {  	p1 =	sne.s32 s29, $0x4800  }
0x53: {  	[sflag:s18] =	ssyncadd.s32 $0xFFFFC000;
	s30 =	smov.u32 s29;
	s29 =	sadd.s32 $0x400, s29  }
0x54: {  	_ = 	snop  }
0x55: {  	_ =	swait.ge [sflag:s22], $0x4000  }
0x56: {  	s30 =	sshra.s32 s30, $0x2;
	[sflag:s22] =	ssyncset.done $0x0  }
0x57: {  	s31 =	sadd.s32 $0x80, s30;
	[sflag:s22] =	ssyncadd.s32 $0xFFFFC000  }
0x58: {  	[tilespmem:s23], [sflag:$0x2] =	stream.indirect.gather [hbm4b:s4+s20], $0x80, s31, s20, $0xb8;
	[tilespmem:$0x1E400] =	vst v63  }
0x59: {  	s31 =	sadd.s32 $0x1400, s30  }
0x5a: {  	[spmem:s1] =	stream.indirect.scatter.add.f32 [tilespmem:s21], [sflag:$0x3], $0x80, s31, s20, $0xb8;
	[tilespmem:$0x1E400] =	vst v63  }
0x5b: {  	_ =	swait.ge [sflag:s18], $0x4000  }
0x5c: {  	[sflag:s18] =	ssyncset.done $0x0  }
0x5d: {  	[sflag:s18] =	ssyncadd.s32 $0xFFFFC000  }
0x5e: {  	_ =	swait.ge [sflag:s24], $0x4000  }
0x5f: {  	[sflag:s24] =	ssyncset.done $0x0  }
0x60: {  	s31 =	sadd.s32 $0x100, s30;
	[sflag:s24] =	ssyncadd.s32 $0xFFFFC000  }
0x61: {  	[tilespmem:s21], [sflag:$0x1] =	stream.indirect.gather [hbm4b:s4+s20], $0x80, s31, s20, $0xb8;
	[tilespmem:$0x1E400] =	vst v63  }
.Ltmp3:
0x62: {  	_ = 	snop;
	(pc) =	sbr.rel @p1 .LBB2_10-.Ltmp3, $4  }
0x63: {  	s30 =	sadd.s32 $0x1480, s30  }
0x64: {  	[spmem:s1] =	stream.indirect.scatter.add.f32 [tilespmem:s23], [sflag:$0x3], $0x80, s30, s20, $0xb8;
	[tilespmem:$0x1E400] =	vst v63  }
0x65: {  	_ =	swait.ge [sflag:s18], $0x4000  }
0x66: {  	[sflag:s18] =	ssyncset.done $0x0  }
.Ltmp4:
0x67: {  	_ = 	snop;
	(pc) =	sbr.rel .LBB2_11-.Ltmp4, $1  }
0x68: {  	_ =	sdelay $0x3  }
.LBB2_2:
0x69: {  	[tilespmem:s29], [sflag:$0x3] =	stream.linear.gather [hbm4b:s7+s29], $0x1400, $0x38;
	[tilespmem:$0x1E400] =	vst v63  }
0x6a: {  	_ =	swait.ge [sflag:s18], $0x1400  }
0x6b: {  	[sflag:s18] =	ssyncset.done $0x0  }
0x6c: {  	[sflag:s18] =	ssyncadd.s32 $0xFFFFEC00  }
0x6d: {  	[tilespmem:s19], [sflag:$0x3] =	stream.linear.gather [hbm4b:s8+s29], $0x1400, $0x38;
	[tilespmem:$0x1E400] =	vst v63  }
0x6e: {  	_ =	swait.ge [sflag:s18], $0x1400  }
0x6f: {  	[sflag:s18] =	ssyncset.done $0x0  }
0x70: {  	[sflag:s18] =	ssyncadd.s32 $0xFFFFEC00  }
0x71: {  	[tilespmem:s21], [sflag:$0x1] =	stream.indirect.gather [hbm4b:s4+s20], $0x80, s29, s20, $0xb8;
	[tilespmem:$0x1E400] =	vst v63  }
0x72: {  	_ =	swait.ge [sflag:s22], $0x4000  }
0x73: {  	[sflag:s22] =	ssyncset.done $0x0  }
0x74: {  	s29 =	simm.s32 $0x80;
	[sflag:s22] =	ssyncadd.s32 $0xFFFFC000  }
0x75: {  	[tilespmem:s23], [sflag:$0x2] =	stream.indirect.gather [hbm4b:s4+s20], $0x80, s29, s20, $0xb8;
	[tilespmem:$0x1E400] =	vst v63  }
0x76: {  	s29 =	simm.s32 $0x1400  }
0x77: {  	[spmem:s1] =	stream.indirect.scatter.add.f32 [tilespmem:s21], [sflag:$0x3], $0x80, s29, s20, $0xb8;
	[tilespmem:$0x1E400] =	vst v63  }
0x78: {  	_ =	swait.ge [sflag:s18], $0x4000  }
0x79: {  	[sflag:s18] =	ssyncset.done $0x0  }
0x7a: {  	[sflag:s18] =	ssyncadd.s32 $0xFFFFC000  }
0x7b: {  	_ =	swait.ge [sflag:s24], $0x4000  }
0x7c: {  	[sflag:s24] =	ssyncset.done $0x0  }
0x7d: {  	s29 =	simm.s32 $0x100;
	[sflag:s24] =	ssyncadd.s32 $0xFFFFC000  }
0x7e: {  	[tilespmem:s21], [sflag:$0x1] =	stream.indirect.gather [hbm4b:s4+s20], $0x80, s29, s20, $0xb8;
	[tilespmem:$0x1E400] =	vst v63  }
0x7f: {  	s29 =	simm.s32 $0x1480  }
0x80: {  	[spmem:s1] =	stream.indirect.scatter.add.f32 [tilespmem:s23], [sflag:$0x3], $0x80, s29, s20, $0xb8;
	[tilespmem:$0x1E400] =	vst v63  }
0x81: {  	_ =	swait.ge [sflag:s18], $0x4000  }
0x82: {  	s29 =	simm.s32 $0x400;
	[sflag:s18] =	ssyncset.done $0x0  }
.LBB2_3:
0x83: {  	p1 =	sne.s32 s29, $0x4800  }
0x84: {  	[sflag:s18] =	ssyncadd.s32 $0xFFFFC000;
	s30 =	smov.u32 s29;
	s29 =	sadd.s32 $0x400, s29  }
0x85: {  	_ = 	snop  }
0x86: {  	_ =	swait.ge [sflag:s22], $0x4000  }
0x87: {  	s30 =	sshra.s32 s30, $0x2;
	[sflag:s22] =	ssyncset.done $0x0  }
0x88: {  	s31 =	sadd.s32 $0x80, s30;
	[sflag:s22] =	ssyncadd.s32 $0xFFFFC000  }
0x89: {  	[tilespmem:s23], [sflag:$0x2] =	stream.indirect.gather [hbm4b:s4+s20], $0x80, s31, s20, $0xb8;
	[tilespmem:$0x1E400] =	vst v63  }
0x8a: {  	s31 =	sadd.s32 $0x1400, s30  }
0x8b: {  	[spmem:s1] =	stream.indirect.scatter.add.f32 [tilespmem:s21], [sflag:$0x3], $0x80, s31, s20, $0xb8;
	[tilespmem:$0x1E400] =	vst v63  }
0x8c: {  	_ =	swait.ge [sflag:s18], $0x4000  }
0x8d: {  	[sflag:s18] =	ssyncset.done $0x0  }
0x8e: {  	[sflag:s18] =	ssyncadd.s32 $0xFFFFC000  }
0x8f: {  	_ =	swait.ge [sflag:s24], $0x4000  }
0x90: {  	[sflag:s24] =	ssyncset.done $0x0  }
0x91: {  	s31 =	sadd.s32 $0x100, s30;
	[sflag:s24] =	ssyncadd.s32 $0xFFFFC000  }
0x92: {  	[tilespmem:s21], [sflag:$0x1] =	stream.indirect.gather [hbm4b:s4+s20], $0x80, s31, s20, $0xb8;
	[tilespmem:$0x1E400] =	vst v63  }
.Ltmp5:
0x93: {  	_ = 	snop;
	(pc) =	sbr.rel @p1 .LBB2_3-.Ltmp5, $4  }
0x94: {  	s30 =	sadd.s32 $0x1480, s30  }
0x95: {  	[spmem:s1] =	stream.indirect.scatter.add.f32 [tilespmem:s23], [sflag:$0x3], $0x80, s30, s20, $0xb8;
	[tilespmem:$0x1E400] =	vst v63  }
0x96: {  	_ =	swait.ge [sflag:s18], $0x4000  }
0x97: {  	[sflag:s18] =	ssyncset.done $0x0  }
0x98: {  	[sflag:s18] =	ssyncadd.s32 $0xFFFFC000  }
0x99: {  	_ =	swait.ge [sflag:s22], $0x4000  }
0x9a: {  	[sflag:s22] =	ssyncset.done $0x0  }
0x9b: {  	[sflag:s22] =	ssyncadd.s32 $0xFFFFC000  }
0x9c: {  	[tilespmem:s23], [sflag:$0x2] =	stream.indirect.gather [hbm4b:s4+s20], $0x80, s25, s20, $0xb8;
	[tilespmem:$0x1E400] =	vst v63  }
0x9d: {  	_ = 	snop  }
0x9e: {  	[spmem:s1] =	stream.indirect.scatter.add.f32 [tilespmem:s21], [sflag:$0x3], $0x80, s26, s20, $0xb8;
	[tilespmem:$0x1E400] =	vst v63  }
0x9f: {  	_ =	swait.ge [sflag:s18], $0x4000  }
0xa0: {  	[sflag:s18] =	ssyncset.done $0x0  }
0xa1: {  	[sflag:s18] =	ssyncadd.s32 $0xFFFFC000  }
0xa2: {  	_ =	swait.ge [sflag:s24], $0x4000  }
0xa3: {  	[sflag:s24] =	ssyncset.done $0x0  }
0xa4: {  	[sflag:s24] =	ssyncadd.s32 $0xFFFFC000  }
0xa5: {  	[spmem:s1] =	stream.indirect.scatter.add.f32 [tilespmem:s23], [sflag:$0x3], $0x80, s28, s20, $0xb8;
	[tilespmem:$0x1E400] =	vst v63  }
0xa6: {  	_ =	swait.ge [sflag:s18], $0x4000  }
0xa7: {  	[sflag:s18] =	ssyncset.done $0x0  }
0xa8: {  	s29 =	simm.s32 $0x0;
	[sflag:s18] =	ssyncadd.s32 $0xFFFFC000  }
0xa9: {  	[tilespmem:s29], [sflag:$0x3] =	stream.linear.gather [hbm4b:s9+s29], $0x1400, $0x38;
	[tilespmem:$0x1E400] =	vst v63  }
0xaa: {  	_ =	swait.ge [sflag:s18], $0x1400  }
0xab: {  	[sflag:s18] =	ssyncset.done $0x0  }
0xac: {  	[sflag:s18] =	ssyncadd.s32 $0xFFFFEC00  }
0xad: {  	[tilespmem:s19], [sflag:$0x3] =	stream.linear.gather [hbm4b:s10+s29], $0x1400, $0x38;
	[tilespmem:$0x1E400] =	vst v63  }
0xae: {  	_ =	swait.ge [sflag:s18], $0x1400  }
0xaf: {  	[sflag:s18] =	ssyncset.done $0x0  }
0xb0: {  	[sflag:s18] =	ssyncadd.s32 $0xFFFFEC00  }
0xb1: {  	[tilespmem:s21], [sflag:$0x1] =	stream.indirect.gather [hbm4b:s4+s20], $0x80, s29, s20, $0xb8;
	[tilespmem:$0x1E400] =	vst v63  }
0xb2: {  	_ =	swait.ge [sflag:s22], $0x4000  }
0xb3: {  	[sflag:s22] =	ssyncset.done $0x0  }
0xb4: {  	s29 =	simm.s32 $0x80;
	[sflag:s22] =	ssyncadd.s32 $0xFFFFC000  }
0xb5: {  	[tilespmem:s23], [sflag:$0x2] =	stream.indirect.gather [hbm4b:s4+s20], $0x80, s29, s20, $0xb8;
	[tilespmem:$0x1E400] =	vst v63  }
0xb6: {  	s29 =	simm.s32 $0x1400  }
0xb7: {  	[spmem:s1] =	stream.indirect.scatter.add.f32 [tilespmem:s21], [sflag:$0x3], $0x80, s29, s20, $0xb8;
	[tilespmem:$0x1E400] =	vst v63  }
0xb8: {  	_ =	swait.ge [sflag:s18], $0x4000  }
0xb9: {  	[sflag:s18] =	ssyncset.done $0x0  }
0xba: {  	[sflag:s18] =	ssyncadd.s32 $0xFFFFC000  }
0xbb: {  	_ =	swait.ge [sflag:s24], $0x4000  }
0xbc: {  	[sflag:s24] =	ssyncset.done $0x0  }
0xbd: {  	s29 =	simm.s32 $0x100;
	[sflag:s24] =	ssyncadd.s32 $0xFFFFC000  }
0xbe: {  	[tilespmem:s21], [sflag:$0x1] =	stream.indirect.gather [hbm4b:s4+s20], $0x80, s29, s20, $0xb8;
	[tilespmem:$0x1E400] =	vst v63  }
0xbf: {  	s29 =	simm.s32 $0x1480  }
0xc0: {  	[spmem:s1] =	stream.indirect.scatter.add.f32 [tilespmem:s23], [sflag:$0x3], $0x80, s29, s20, $0xb8;
	[tilespmem:$0x1E400] =	vst v63  }
0xc1: {  	_ =	swait.ge [sflag:s18], $0x4000  }
0xc2: {  	s29 =	simm.s32 $0x400;
	[sflag:s18] =	ssyncset.done $0x0  }
.LBB2_5:
0xc3: {  	p1 =	sne.s32 s29, $0x4800  }
0xc4: {  	[sflag:s18] =	ssyncadd.s32 $0xFFFFC000;
	s30 =	smov.u32 s29;
	s29 =	sadd.s32 $0x400, s29  }
0xc5: {  	_ = 	snop  }
0xc6: {  	_ =	swait.ge [sflag:s22], $0x4000  }
0xc7: {  	s30 =	sshra.s32 s30, $0x2;
	[sflag:s22] =	ssyncset.done $0x0  }
0xc8: {  	s31 =	sadd.s32 $0x80, s30;
	[sflag:s22] =	ssyncadd.s32 $0xFFFFC000  }
0xc9: {  	[tilespmem:s23], [sflag:$0x2] =	stream.indirect.gather [hbm4b:s4+s20], $0x80, s31, s20, $0xb8;
	[tilespmem:$0x1E400] =	vst v63  }
0xca: {  	s31 =	sadd.s32 $0x1400, s30  }
0xcb: {  	[spmem:s1] =	stream.indirect.scatter.add.f32 [tilespmem:s21], [sflag:$0x3], $0x80, s31, s20, $0xb8;
	[tilespmem:$0x1E400] =	vst v63  }
0xcc: {  	_ =	swait.ge [sflag:s18], $0x4000  }
0xcd: {  	[sflag:s18] =	ssyncset.done $0x0  }
0xce: {  	[sflag:s18] =	ssyncadd.s32 $0xFFFFC000  }
0xcf: {  	_ =	swait.ge [sflag:s24], $0x4000  }
0xd0: {  	[sflag:s24] =	ssyncset.done $0x0  }
0xd1: {  	s31 =	sadd.s32 $0x100, s30;
	[sflag:s24] =	ssyncadd.s32 $0xFFFFC000  }
0xd2: {  	[tilespmem:s21], [sflag:$0x1] =	stream.indirect.gather [hbm4b:s4+s20], $0x80, s31, s20, $0xb8;
	[tilespmem:$0x1E400] =	vst v63  }
.Ltmp6:
0xd3: {  	_ = 	snop;
	(pc) =	sbr.rel @p1 .LBB2_5-.Ltmp6, $4  }
0xd4: {  	s30 =	sadd.s32 $0x1480, s30  }
0xd5: {  	[spmem:s1] =	stream.indirect.scatter.add.f32 [tilespmem:s23], [sflag:$0x3], $0x80, s30, s20, $0xb8;
	[tilespmem:$0x1E400] =	vst v63  }
0xd6: {  	_ =	swait.ge [sflag:s18], $0x4000  }
0xd7: {  	[sflag:s18] =	ssyncset.done $0x0  }
0xd8: {  	[sflag:s18] =	ssyncadd.s32 $0xFFFFC000  }
0xd9: {  	_ =	swait.ge [sflag:s22], $0x4000  }
0xda: {  	[sflag:s22] =	ssyncset.done $0x0  }
0xdb: {  	[sflag:s22] =	ssyncadd.s32 $0xFFFFC000  }
0xdc: {  	[tilespmem:s23], [sflag:$0x2] =	stream.indirect.gather [hbm4b:s4+s20], $0x80, s25, s20, $0xb8;
	[tilespmem:$0x1E400] =	vst v63  }
0xdd: {  	_ = 	snop  }
0xde: {  	[spmem:s1] =	stream.indirect.scatter.add.f32 [tilespmem:s21], [sflag:$0x3], $0x80, s26, s20, $0xb8;
	[tilespmem:$0x1E400] =	vst v63  }
0xdf: {  	_ =	swait.ge [sflag:s18], $0x4000  }
0xe0: {  	[sflag:s18] =	ssyncset.done $0x0  }
0xe1: {  	[sflag:s18] =	ssyncadd.s32 $0xFFFFC000  }
0xe2: {  	_ =	swait.ge [sflag:s24], $0x4000  }
0xe3: {  	[sflag:s24] =	ssyncset.done $0x0  }
0xe4: {  	[sflag:s24] =	ssyncadd.s32 $0xFFFFC000  }
0xe5: {  	[spmem:s1] =	stream.indirect.scatter.add.f32 [tilespmem:s23], [sflag:$0x3], $0x80, s28, s20, $0xb8;
	[tilespmem:$0x1E400] =	vst v63  }
0xe6: {  	_ =	swait.ge [sflag:s18], $0x4000  }
0xe7: {  	[sflag:s18] =	ssyncset.done $0x0  }
0xe8: {  	s29 =	simm.s32 $0x0;
	[sflag:s18] =	ssyncadd.s32 $0xFFFFC000  }
0xe9: {  	[tilespmem:s29], [sflag:$0x3] =	stream.linear.gather [hbm4b:s11+s29], $0x1400, $0x38;
	[tilespmem:$0x1E400] =	vst v63  }
0xea: {  	_ =	swait.ge [sflag:s18], $0x1400  }
0xeb: {  	[sflag:s18] =	ssyncset.done $0x0  }
0xec: {  	[sflag:s18] =	ssyncadd.s32 $0xFFFFEC00  }
0xed: {  	[tilespmem:s19], [sflag:$0x3] =	stream.linear.gather [hbm4b:s12+s29], $0x1400, $0x38;
	[tilespmem:$0x1E400] =	vst v63  }
0xee: {  	_ =	swait.ge [sflag:s18], $0x1400  }
0xef: {  	[sflag:s18] =	ssyncset.done $0x0  }
0xf0: {  	[sflag:s18] =	ssyncadd.s32 $0xFFFFEC00  }
0xf1: {  	[tilespmem:s21], [sflag:$0x1] =	stream.indirect.gather [hbm4b:s4+s20], $0x80, s29, s20, $0xb8;
	[tilespmem:$0x1E400] =	vst v63  }
0xf2: {  	_ =	swait.ge [sflag:s22], $0x4000  }
0xf3: {  	[sflag:s22] =	ssyncset.done $0x0  }
0xf4: {  	s29 =	simm.s32 $0x80;
	[sflag:s22] =	ssyncadd.s32 $0xFFFFC000  }
0xf5: {  	[tilespmem:s23], [sflag:$0x2] =	stream.indirect.gather [hbm4b:s4+s20], $0x80, s29, s20, $0xb8;
	[tilespmem:$0x1E400] =	vst v63  }
0xf6: {  	s29 =	simm.s32 $0x1400  }
0xf7: {  	[spmem:s1] =	stream.indirect.scatter.add.f32 [tilespmem:s21], [sflag:$0x3], $0x80, s29, s20, $0xb8;
	[tilespmem:$0x1E400] =	vst v63  }
0xf8: {  	_ =	swait.ge [sflag:s18], $0x4000  }
0xf9: {  	[sflag:s18] =	ssyncset.done $0x0  }
0xfa: {  	[sflag:s18] =	ssyncadd.s32 $0xFFFFC000  }
0xfb: {  	_ =	swait.ge [sflag:s24], $0x4000  }
0xfc: {  	[sflag:s24] =	ssyncset.done $0x0  }
0xfd: {  	s29 =	simm.s32 $0x100;
	[sflag:s24] =	ssyncadd.s32 $0xFFFFC000  }
0xfe: {  	[tilespmem:s21], [sflag:$0x1] =	stream.indirect.gather [hbm4b:s4+s20], $0x80, s29, s20, $0xb8;
	[tilespmem:$0x1E400] =	vst v63  }
0xff: {  	s29 =	simm.s32 $0x1480  }
0x100: {  	[spmem:s1] =	stream.indirect.scatter.add.f32 [tilespmem:s23], [sflag:$0x3], $0x80, s29, s20, $0xb8;
	[tilespmem:$0x1E400] =	vst v63  }
0x101: {  	_ =	swait.ge [sflag:s18], $0x4000  }
0x102: {  	s29 =	simm.s32 $0x400;
	[sflag:s18] =	ssyncset.done $0x0  }
.LBB2_7:
0x103: {  	p1 =	seq.s32 s29, $0x4800  }
0x104: {  	[sflag:s18] =	ssyncadd.s32 $0xFFFFC000;
	s30 =	smov.u32 s29;
	s29 =	sadd.s32 $0x400, s29  }
0x105: {  	_ = 	snop  }
0x106: {  	_ =	swait.ge [sflag:s22], $0x4000  }
0x107: {  	s30 =	sshra.s32 s30, $0x2;
	[sflag:s22] =	ssyncset.done $0x0  }
0x108: {  	s31 =	sadd.s32 $0x80, s30;
	[sflag:s22] =	ssyncadd.s32 $0xFFFFC000  }
0x109: {  	[tilespmem:s23], [sflag:$0x2] =	stream.indirect.gather [hbm4b:s4+s20], $0x80, s31, s20, $0xb8;
	[tilespmem:$0x1E400] =	vst v63  }
0x10a: {  	s31 =	sadd.s32 $0x1400, s30  }
0x10b: {  	[spmem:s1] =	stream.indirect.scatter.add.f32 [tilespmem:s21], [sflag:$0x3], $0x80, s31, s20, $0xb8;
	[tilespmem:$0x1E400] =	vst v63  }
0x10c: {  	_ =	swait.ge [sflag:s18], $0x4000  }
0x10d: {  	[sflag:s18] =	ssyncset.done $0x0  }
0x10e: {  	[sflag:s18] =	ssyncadd.s32 $0xFFFFC000  }
0x10f: {  	_ =	swait.ge [sflag:s24], $0x4000  }
0x110: {  	[sflag:s24] =	ssyncset.done $0x0  }
0x111: {  	s31 =	sadd.s32 $0x100, s30;
	[sflag:s24] =	ssyncadd.s32 $0xFFFFC000  }
0x112: {  	[tilespmem:s21], [sflag:$0x1] =	stream.indirect.gather [hbm4b:s4+s20], $0x80, s31, s20, $0xb8;
	[tilespmem:$0x1E400] =	vst v63  }
.Ltmp7:
0x113: {  	_ = 	snop;
	(pc) =	sbr.rel @!p1 .LBB2_7-.Ltmp7, $4  }
0x114: {  	s30 =	sadd.s32 $0x1480, s30  }
0x115: {  	[spmem:s1] =	stream.indirect.scatter.add.f32 [tilespmem:s23], [sflag:$0x3], $0x80, s30, s20, $0xb8;
	[tilespmem:$0x1E400] =	vst v63  }
0x116: {  	_ =	swait.ge [sflag:s18], $0x4000  }
0x117: {  	[sflag:s18] =	ssyncset.done $0x0  }
.Ltmp8:
0x118: {  	(pc) =	sbr.rel .LBB2_12-.Ltmp8, $2  }
0x119: {  	_ =	sdelay $0x2  }
0x11a: {  	[sflag:s18] =	ssyncadd.s32 $0xFFFFC000  }
.LBB2_13:
0x11b: {  	_ =	sfence.sel $0x180000  }
0x11c: {  	[bflag:$0x0] =	sbarrier.arrive $0xFFFF  }
0x11d: {  	p0 =	sne.s32 s2, $0x0;
	_ =	strace $0x9000004D  }
0x11e: {  	s0 =	sadd.s32 @!p0 $0x100000, s0;
	[bflag:$0x2] =	sbarrier.arrive $0xFFFF  }
0x11f: {  	[sflag:s0] =	ssyncadd.tile.s32 @!p0 $0x1;
	_ =	shalt  }
.Lfunc_end2:
_tile_overlayer_lowered:
.L_overlay_start_2:
0x120: {  	(tag) =	ssettag $0x2  }
0x121: {  	s0 =	rddreg [dreg:$0x0];
	s2 =	stileid.u32  }
0x122: {  	s1 =	rddreg [dreg:$0x1];
	p0 =	sne.s32 s2, $0x0  }
0x123: {  	s3 =	rddreg [dreg:$0x2];
	[bflag:$0x3] =	sbarrier.arrive $0xFFFF;
	s2 =	simm.s32 @!p0 $0x1C03  }
0x124: {  	[timem:s3], [sflag:s2] =	dma.local @!p0 [hbm:s0], s1  }
0x125: {  	s0 =	simm.s32 @!p0 $0x3  }
0x126: {  	_ =	swait.ge @!p0 [sflag:s0], s1  }
0x127: {  	s1 =	ssub.s32 @!p0 $0x0, s1;
	[sflag:s0] =	ssyncset.done @!p0 $0x0  }
0x128: {  	[sflag:s0] =	ssyncadd.s32 @!p0 s1  }
0x129: {  	[bflag:$0x3] =	sbarrier.arrive $0xFFFF  }
0x12a: {  	_ =	shalt  }

// kernel: kernel.20.cloned.1.call-start
scs
__scs_entry_jumppad:
0x0: {  	(pc) =	sbr.rel $0x88, $3  }
0x1: {  	(tag) =	ssettag $0x0;
	lr =	simm.s32 $0x1  }
0x2: {  	[smem:$0x3F7E] =	sst lr;
	_ =	strace $0xD0000000  }
0x3: {  	_ = 	snop  }
0x4: {  	_ = 	snop  }
0x5: {  	_ = 	snop  }
0x6: {  	_ = 	snop  }
0x7: {  	_ = 	snop  }
__scs_overlays_trampoline_lowered:
0x8: {  	[smem:$0x3F8D] =	sst s0  }
0x9: {  	[smem:$0x3F8E] =	sst s1  }
0xa: {  	[smem:$0x3F8F] =	sst s2  }
0xb: {  	[smem:$0x3F90] =	sst s3  }
0xc: {  	[smem:$0x3F91] =	sst s4  }
0xd: {  	[smem:$0x3F92] =	sst s5  }
0xe: {  	[smem:$0x3F93] =	sst s6  }
0xf: {  	[smem:$0x3F94] =	sst s7  }
0x10: {  	[smem:$0x3F95] =	sst s8  }
0x11: {  	[smem:$0x3F96] =	sst s9;
	s0 =	simm.s32 @!p0 $0x0  }
0x12: {  	s1 =	sld [smem:$0x3F7C];
	s0 =	simm.s32 @p0 $0x1  }
0x13: {  	[smem:$0x3F97] =	sst s0;
	s0 =	simm.s32 @!p1 $0x0  }
0x14: {  	s2 =	sld [smem:$0x3F7B];
	s0 =	simm.s32 @p1 $0x1  }
0x15: {  	[smem:$0x3F98] =	sst s0;
	s0 =	simm.s32 @!p2 $0x0  }
0x16: {  	s3 =	sld [smem:$0x3FDB];
	s0 =	simm.s32 @p2 $0x1  }
0x17: {  	s4 =	simm.s32 $0x1BF5;
	[smem:$0x3F9A] =	sst s0  }
0x18: {  	s0 =	sld [smem:$0x3F7D];
	_ =	swait.ge [sflag:s4], $0x0  }
0x19: {  	s7 =	sld [smem:$0x3F7E]  }
0x1a: {  	s8 =	sadd.s32 $0xFFFFE003, lr  }
0x1b: {  	s9 =	sadd.s32 $0xFFFFFEF7, lr;
	s5 =	simm.s32 $0xFFFFFFFF;
	p2 =	slt.u32 s8, $0xFFFFF086  }
0x1c: {  	p1 =	slt.u32 s9, $0xF7A;
	s5 =	simm.s32 @!p2 $0x0  }
0x1d: {  	s5 =	simm.s32 @p1 $0x1;
	p0 =	seq.s32 s7, s2  }
0x1e: {  	s7 =	smul.u32 @!p0 $0xF7A, s2;
	p2 =	seq.s32 @!p0 s5, $0x0  }
0x1f: {  	s9 =	smul.u32 $0xF7A, s1;
	s8 =	simm.s32 @!p0 $0x1BF5;
	p2 =	por !p2, p0  }
0x20: {  	[sflag:s8] =	ssyncset.s32 @!p0 $0xFFFFF086;
	s6 =	sadd.s32 @!p0 s3, s7;
	s7 =	simm.s32 @!p0 $0x108  }
0x21: {  	s3 =	sadd.s32 s3, s9;
	s6 =	sadd.s32 @!p0 $0x88, s6;
	s7 =	simm.s32 @p2 $0x1082  }
0x22: {  	[simem:s7], [sflag:s8] =	dma.local @!p0 [hbm:s6], $0xF7A  }
0x23: {  	s9 =	sor.u32 $0xD0000000, s2;
	s6 =	simm.s32 $0x108;
	_ =	swait.ge @!p0 [sflag:s8], $0x0  }
0x24: {  	s3 =	sadd.s32 $0x88, s3;
	s6 =	simm.s32 @!p1 $0x1082;
	[sflag:s4] =	ssyncset.s32 $0xFFFFF086  }
0x25: {  	[simem:s6], [sflag:s4] =	dma.local [hbm:s3], $0xF7A  }
0x26: {  	[smem:$0x3F7E] =	sst s1;
	(tag) =	ssettag s2;
	_ =	strace s9  }
0x27: {  	s1 =	sld [smem:$0x3F8E]  }
0x28: {  	s2 =	sld [smem:$0x3F8F]  }
0x29: {  	s4 =	sld [smem:$0x3F91]  }
0x2a: {  	p0 =	seq.s32 s5, $0x0;
	s5 =	sld [smem:$0x3F92]  }
0x2b: {  	s6 =	sld [smem:$0x3F93]  }
0x2c: {  	s7 =	sld [smem:$0x3F94]  }
0x2d: {  	s3 =	simm.s32 $0x108;
	s8 =	sld [smem:$0x3F95]  }
0x2e: {  	s3 =	simm.s32 @!p0 $0x1082;
	s9 =	sld [smem:$0x3F96]  }
0x2f: {  	lr =	sadd.s32 s0, s3;
	s0 =	sld [smem:$0x3F8D]  }
0x30: {  	s3 =	sld [smem:$0x3F90]  }
0x31: {  	[smem:$0x3F99] =	sst s10  }
0x32: {  	s10 =	sld [smem:$0x3F97];
	_ =	sdelay $0x3  }
0x33: {  	p0 =	seq.s32 s10, $0x1;
	s10 =	sld [smem:$0x3F99];
	_ =	sdelay $0x3  }
0x34: {  	[smem:$0x3F99] =	sst s10  }
0x35: {  	s10 =	sld [smem:$0x3F98];
	_ =	sdelay $0x3  }
0x36: {  	p1 =	seq.s32 s10, $0x1;
	s10 =	sld [smem:$0x3F99];
	_ =	sdelay $0x3  }
0x37: {  	[smem:$0x3F99] =	sst s10  }
0x38: {  	s10 =	sld [smem:$0x3F9A]  }
0x39: {  	_ = 	snop;
	(pc) =	sbr.ind lr, $3  }
0x3a: {  	_ = 	snop  }
0x3b: {  	_ = 	snop  }
0x3c: {  	p2 =	seq.s32 s10, $0x1;
	s10 =	sld [smem:$0x3F99]  }
0x3d: {  	_ =	shalt  }
0x3e: {  	_ =	shalt  }
0x3f: {  	_ =	shalt  }
0x40: {  	_ =	shalt  }
0x41: {  	_ =	shalt  }
0x42: {  	_ =	shalt  }
0x43: {  	_ =	shalt  }
0x44: {  	_ =	shalt  }
0x45: {  	_ =	shalt  }
0x46: {  	_ =	shalt  }
0x47: {  	_ =	shalt  }
0x48: {  	_ =	shalt  }
0x49: {  	_ =	shalt  }
0x4a: {  	_ =	shalt  }
0x4b: {  	_ =	shalt  }
0x4c: {  	_ =	shalt  }
0x4d: {  	_ =	shalt  }
0x4e: {  	_ =	shalt  }
0x4f: {  	_ =	shalt  }
0x50: {  	_ =	shalt  }
0x51: {  	_ =	shalt  }
0x52: {  	_ =	shalt  }
0x53: {  	_ =	shalt  }
0x54: {  	_ =	shalt  }
0x55: {  	_ =	shalt  }
0x56: {  	_ =	shalt  }
0x57: {  	_ =	shalt  }
0x58: {  	_ =	shalt  }
0x59: {  	_ =	shalt  }
0x5a: {  	_ =	shalt  }
0x5b: {  	_ =	shalt  }
0x5c: {  	_ =	shalt  }
0x5d: {  	_ =	shalt  }
0x5e: {  	_ =	shalt  }
0x5f: {  	_ =	shalt  }
0x60: {  	_ =	shalt  }
0x61: {  	_ =	shalt  }
0x62: {  	_ =	shalt  }
0x63: {  	_ =	shalt  }
0x64: {  	_ =	shalt  }
0x65: {  	_ =	shalt  }
0x66: {  	_ =	shalt  }
0x67: {  	_ =	shalt  }
0x68: {  	_ =	shalt  }
0x69: {  	_ =	shalt  }
0x6a: {  	_ =	shalt  }
0x6b: {  	_ =	shalt  }
0x6c: {  	_ =	shalt  }
0x6d: {  	_ =	shalt  }
0x6e: {  	_ =	shalt  }
0x6f: {  	_ =	shalt  }
0x70: {  	_ =	shalt  }
0x71: {  	_ =	shalt  }
0x72: {  	_ =	shalt  }
0x73: {  	_ =	shalt  }
0x74: {  	_ =	shalt  }
0x75: {  	_ =	shalt  }
0x76: {  	_ =	shalt  }
0x77: {  	_ =	shalt  }
0x78: {  	_ =	shalt  }
0x79: {  	_ =	shalt  }
0x7a: {  	_ =	shalt  }
0x7b: {  	_ =	shalt  }
0x7c: {  	_ =	shalt  }
0x7d: {  	_ =	shalt  }
0x7e: {  	_ =	shalt  }
0x7f: {  	_ =	shalt  }
0x80: {  	_ =	shalt  }
0x81: {  	_ =	shalt  }
0x82: {  	_ =	shalt  }
0x83: {  	_ =	shalt  }
0x84: {  	_ =	shalt  }
0x85: {  	_ =	shalt  }
0x86: {  	_ =	shalt  }
0x87: {  	_ =	shalt  }
.Lfunc_end0:
.L_simem_size_0:
called_computation.3_lowered:
.L_overlay_start_0:
0x88: {  	s2 =	sld [smem:$0x3FD9]  }
0x89: {  	s3 =	sld [smem:$0x3FFE];
	_ =	sdelay $0x1  }
0x8a: {  	s1 =	srdreg.scid  }
0x8b: {  	s0 =	sand.u32 $0x1, s1  }
0x8c: {  	s17 =	sshll.u32 s0, $0xA;
	s2 =	sadd.s32 s3, s2  }
0x8d: {  	s2 =	sadd.s32 s2, s17  }
0x8e: {  	[smem:$0x3FA5] =	sst s2  }
0x8f: {  	_ = 	snop  }
0x90: {  	s2 =	sld [smem:$0x3FD0];
	(tm) =	ssettm $0x1  }
0x91: {  	s18 =	sld [smem:$0x3FFB];
	_ =	sdelay $0x3  }
0x92: {  	_ =	strace s18  }
0x93: {  	s3 =	sld [smem:$0x3FFC];
	_ =	sdelay $0x3  }
0x94: {  	_ =	strace s3  }
0x95: {  	s3 =	sld [smem:$0x3FFD];
	_ =	sdelay $0x3  }
0x96: {  	_ =	strace s3  }
0x97: {  	_ =	strace $0x8FFFFFFF  }
0x98: {  	s19 =	sld [smem:$0x3FDB];
	_ =	sdelay $0x1  }
0x99: {  	s4 =	simm.s32 $_scs_section_size  }
0x9a: {  	s5 =	simm.s32 $_size__tile_overlayer_lowered;
	s6 =	simm.s32 $_tile_overlayer_lowered  }
0x9b: {  	s22 =	simm.s32 $0x1BFF;
	s21 =	sshll.u32 s6, $0x1;
	s3 =	sadd.s32 s4, s19  }
0x9c: {  	s7 =	simm.s32 $0x0;
	s20 =	sshll.u32 s5, $0x1;
	s5 =	sadd.s32 s21, s3  }
0x9d: {  	[timem:s7], [sflag:s22] =	dma.local [hbm:s5], s20  }
0x9e: {  	_ =	swait.ge [sflag:s22], s20  }
0x9f: {  	s4 =	ssub.s32 $0x0, s20;
	[sflag:s22] =	ssyncset.done $0x0  }
0xa0: {  	[sflag:s22] =	ssyncadd.s32 s4;
	_ =	sdelay $0x1  }
0xa1: {  	s23 =	simm.s32 $0x1B8B  }
0xa2: {  	_ =	swait.ge [sflag:s23], $0x1  }
0xa3: {  	[sflag:s23] =	ssyncset.done $0x0  }
0xa4: {  	s25 =	simm.s32 $0x1B8E;
	s24 =	sld [smem:$0x3FFE];
	[sflag:s23] =	ssyncadd.s32 $0xFFFFFFFF  }
0xa5: {  	s26 =	simm.s32 $execute0_lowered;
	[smem:$0x3FD2] =	sst s25  }
0xa6: {  	s5 =	sshll.u32 s26, $0x1;
	_ =	strace $0x8000004F;
	[dreg:$0x1] =	wrdreg $0xFFFFFFFF  }
0xa7: {  	s28 =	simm.s32 $_size_execute0_lowered;
	s3 =	sadd.s32 s3, s5;
	[dreg:$0x0] =	wrdreg $0x0  }
0xa8: {  	s5 =	sshll.u32 s28, $0x1;
	[dreg:$0x2] =	wrdreg s3  }
0xa9: {  	[dreg:$0x3] =	wrdreg s5  }
0xaa: {  	[dreg:$0x4] =	wrdreg $0xC0  }
0xab: {  	_ =	task [dreg:s7], $0x5FFFF  }
0xac: {  	[dreg:$0x1] =	wrdreg $0xFFFFFFFF  }
0xad: {  	[dreg:$0x0] =	wrdreg $0x60  }
0xae: {  	[dreg:$0x2] =	wrdreg s24  }
0xaf: {  	[dreg:$0x3] =	wrdreg s2  }
0xb0: {  	[dreg:$0x4] =	wrdreg $0xA8000  }
0xb1: {  	[dreg:$0x5] =	wrdreg $0x9  }
0xb2: {  	_ =	task.clear_ibuf [dreg:s7], $0x6FFFF;
	_ =	strace $0x9000004F  }
0xb3: {  	s29 =	simm.s32 $0x9;
	_ =	strace $0x80000051  }
0xb4: {  	_ =	swait.ge [sflag:s29], $0x1  }
0xb5: {  	[sflag:s29] =	ssyncadd.s32 $0xFFFFFFFF  }
0xb6: {  	_ =	strace $0x90000051  }
0xb7: {  	_ =	sfence  }
0xb8: {  	s30 =	sld [smem:$0x0];
	_ =	sdelay $0x2  }
0xb9: {  	s31 =	sshll.u32 s1, $0xD;
	s1 =	sshrl.u32 s1, $0x2  }
0xba: {  	s3 =	sand.u32 $0x4000, s31;
	s1 =	sadd.s32 s1, s30  }
0xbb: {  	s0 =	sor.u32 s3, s0;
	s1 =	sshll.u32 s1, $0x11  }
0xbc: {  	s0 =	sor.u32 s1, s0  }
0xbd: {  	s0 =	sadd.s32 $0x8F2B, s0  }
0xbe: {  	[sflag:s0] =	ssyncadd.remote.s32 $0x1  }
0xbf: {  	_ =	sfence.sel $0xFFFF  }
0xc0: {  	[dreg:$0x0] =	wrdreg $0xFFFFFFFF;
	(pc) =	sbr.abs _section_cstart, $3  }
0xc1: {  	[dreg:$0x1] =	wrdreg $0xFFFFFFFF  }
0xc2: {  	_ =	task.clear_ibuf [dreg:s7], $0x2FFFF;
	_ =	strace $0x9FFFFFFF  }
0xc3: {  	(tm) =	ssettm $0x7FFFFFFF  }
tec
execute0_lowered:
.L_overlay_start_1:
0x0: {  	(tag) =	ssettag $0x1  }
0x1: {  	s5 =	rddreg [dreg:$0x0]  }
0x2: {  	s13 =	rddreg [dreg:$0x1]  }
0x3: {  	s1 =	rddreg [dreg:$0x2];
	s2 =	srdreg.scid  }
0x4: {  	s0 =	rddreg [dreg:$0x3];
	s3 =	simm.s32 $0x0;
	s20 =	simm.s32 $0x80  }
0x5: {  	s21 =	simm.s32 $0x2800;
	s7 =	sand.u32 $0x1, s2;
	s2 =	stileid.u32  }
0x6: {  	s22 =	simm.s32 $0x1;
	s28 =	simm.s32 $0x2780;
	s6 =	smul.u32 $0x2780, s2  }
0x7: {  	[smem:$0x7FF] =	sst s3;
	s14 =	sadd.s32 $0x5E00, s5;
	s10 =	smul.u32 $0x4F000, s2  }
0x8: {  	s4 =	sshll.u32 s7, $0x4;
	_ =	strace $0x80000050;
	s25 =	smul.u32 $0x3C00, s2  }
0x9: {  	s9 =	ssub.s32 $0x2, s7;
	s26 =	sshll.u32 s2, $0x6;
	s29 =	smul.u32 $0x780, s2  }
0xa: {  	p0 =	seq.s32 s7, $0x1;
	s12 =	smul.u32 $0x1400, s2;
	s8 =	sor.u32 s2, s4  }
0xb: {  	s4 =	sadd.s32 $0xFE00, s5;
	s23 =	sshrl.u32 s9, $0x1;
	s8 =	smul.u32 $0x2780, s8  }
0xc: {  	s6 =	sadd.s32 s6, s5;
	s16 =	ssub.s32 s9, s23;
	s24 =	sshrl.u32 s10, $0x2  }
0xd: {  	s11 =	sshrl.u32 s25, $0x3;
	s7 =	sadd.s32 s13, s29;
	s19 =	sshrl.u32 s12, $0x3  }
0xe: {  	s23 =	simm.s32 $0x6800;
	s25 =	simm.s32 $0x1380;
	s17 =	sadd.s32 s24, s1  }
0xf: {  	s30 =	sadd.s32 $0x280, s11;
	s18 =	sadd.s32 $0x500, s11;
	s31 =	sadd.s32 $0x7800, s19  }
0x10: {  	s16 =	smax.u32 s16, $0x1;
	s19 =	simm.s32 $0x1400;
	s24 =	simm.s32 $0x2  }
.Ltmp0:
0x11: {  	s15 =	sadd.s32 s8, s5;
	s5 =	sadd.s32 $0x37000, s6;
	(pc) =	sbr.rel .LBB2_1-.Ltmp0, $4  }
0x12: {  	s6 =	sor.u32 $0x1C03, s26;
	s8 =	sadd.s32 s14, s29;
	s9 =	sadd.s32 s13, s30  }
0x13: {  	s10 =	sadd.s32 s14, s30;
	s11 =	sadd.s32 s13, s18;
	s12 =	sadd.s32 s14, s18  }
0x14: {  	s13 =	sadd.s32 s13, s31;
	s14 =	sadd.s32 s14, s31;
	s17 =	sshrl.u32 s17, $0x3  }
0x15: {  	s18 =	simm.s32 $0x3;
	s26 =	simm.s32 $0x2700;
	s15 =	sadd.s32 $0x5E800, s15  }
.LBB2_11:
0x16: {  	[sflag:s18] =	ssyncadd.s32 $0xFFFFC000  }
.LBB2_12:
0x17: {  	_ =	swait.ge [sflag:s22], $0x4000  }
0x18: {  	[sflag:s22] =	ssyncset.done $0x0  }
0x19: {  	[sflag:s22] =	ssyncadd.s32 $0xFFFFC000  }
0x1a: {  	[tilespmem:s23], [sflag:$0x2] =	stream.indirect.gather [hbm4b:s4+s20], $0x80, s25, s20, $0xb8;
	[tilespmem:$0x1E400] =	vst v63  }
0x1b: {  	_ = 	snop  }
0x1c: {  	[spmem:s1] =	stream.indirect.scatter.add.f32 [tilespmem:s21], [sflag:$0x3], $0x80, s26, s20, $0xb8;
	[tilespmem:$0x1E400] =	vst v63  }
0x1d: {  	_ =	swait.ge [sflag:s18], $0x4000  }
0x1e: {  	[sflag:s18] =	ssyncset.done $0x0  }
0x1f: {  	[sflag:s18] =	ssyncadd.s32 $0xFFFFC000  }
0x20: {  	_ =	swait.ge [sflag:s24], $0x4000  }
0x21: {  	[sflag:s24] =	ssyncset.done $0x0  }
0x22: {  	[sflag:s24] =	ssyncadd.s32 $0xFFFFC000  }
0x23: {  	[spmem:s1] =	stream.indirect.scatter.add.f32 [tilespmem:s23], [sflag:$0x3], $0x80, s28, s20, $0xb8;
	[tilespmem:$0x1E400] =	vst v63  }
0x24: {  	_ =	swait.ge [sflag:s18], $0x4000  }
0x25: {  	[sflag:s18] =	ssyncset.done $0x0  }
0x26: {  	[sflag:s18] =	ssyncadd.s32 $0xFFFFC000  }
0x27: {  	[bflag:$0x0] =	sbarrier.arrive $0xFFFF  }
0x28: {  	_ =	sdelay $0x7ff  }
0x29: {  	_ =	sdelay $0x7ff  }
0x2a: {  	_ =	sdelay $0x7ff  }
0x2b: {  	s3 =	sadd.s32 $0x1, s3;
	_ =	sdelay $0x7ff  }
0x2c: {  	p1 =	sne.s32 s3, s16;
	_ =	sdelay $0x35b  }
.Ltmp1:
0x2d: {  	[bflag:$0x0] =	sbarrier.arrive $0xFFFF;
	(pc) =	sbr.rel @!p1 .LBB2_13-.Ltmp1, $4  }
0x2e: {  	[hbm:s15], [sflag:s6] =	dma.local [spmem:s17], $0x2780  }
0x2f: {  	_ =	swait.ge [sflag:s18], $0x2780  }
0x30: {  	[sflag:s18] =	ssyncset.done $0x0  }
0x31: {  	[sflag:s18] =	ssyncadd.s32 $0xFFFFD880  }
.LBB2_1:
0x32: {  	[spmem:s17], [sflag:s6] =	dma.local [hbm:s5], $0x2780  }
.Ltmp2:
0x33: {  	_ =	swait.ge [sflag:s18], $0x2780;
	(pc) =	sbr.rel @!p0 .LBB2_2-.Ltmp2, $4  }
0x34: {  	[sflag:s18] =	ssyncset.done $0x0  }
0x35: {  	[sflag:s18] =	ssyncadd.s32 $0xFFFFD880  }
0x36: {  	[bflag:$0x0] =	sbarrier.arrive $0xFFFF  }
0x37: {  	s29 =	simm.s32 $0x0  }
0x38: {  	[tilespmem:s29], [sflag:$0x3] =	stream.linear.gather [hbm4b:s13+s29], $0x1400, $0x38;
	[tilespmem:$0x1E400] =	vst v63  }
0x39: {  	_ =	swait.ge [sflag:s18], $0x1400  }
0x3a: {  	[sflag:s18] =	ssyncset.done $0x0  }
0x3b: {  	[sflag:s18] =	ssyncadd.s32 $0xFFFFEC00  }
0x3c: {  	[tilespmem:s19], [sflag:$0x3] =	stream.linear.gather [hbm4b:s14+s29], $0x1400, $0x38;
	[tilespmem:$0x1E400] =	vst v63  }
0x3d: {  	_ =	swait.ge [sflag:s18], $0x1400  }
0x3e: {  	[sflag:s18] =	ssyncset.done $0x0  }
0x3f: {  	[sflag:s18] =	ssyncadd.s32 $0xFFFFEC00  }
0x40: {  	[tilespmem:s21], [sflag:$0x1] =	stream.indirect.gather [hbm4b:s4+s20], $0x80, s29, s20, $0xb8;
	[tilespmem:$0x1E400] =	vst v63  }
0x41: {  	_ =	swait.ge [sflag:s22], $0x4000  }
0x42: {  	[sflag:s22] =	ssyncset.done $0x0  }
0x43: {  	s29 =	simm.s32 $0x80;
	[sflag:s22] =	ssyncadd.s32 $0xFFFFC000  }
0x44: {  	[tilespmem:s23], [sflag:$0x2] =	stream.indirect.gather [hbm4b:s4+s20], $0x80, s29, s20, $0xb8;
	[tilespmem:$0x1E400] =	vst v63  }
0x45: {  	s29 =	simm.s32 $0x1400  }
0x46: {  	[spmem:s1] =	stream.indirect.scatter.add.f32 [tilespmem:s21], [sflag:$0x3], $0x80, s29, s20, $0xb8;
	[tilespmem:$0x1E400] =	vst v63  }
0x47: {  	_ =	swait.ge [sflag:s18], $0x4000  }
0x48: {  	[sflag:s18] =	ssyncset.done $0x0  }
0x49: {  	[sflag:s18] =	ssyncadd.s32 $0xFFFFC000  }
0x4a: {  	_ =	swait.ge [sflag:s24], $0x4000  }
0x4b: {  	[sflag:s24] =	ssyncset.done $0x0  }
0x4c: {  	s29 =	simm.s32 $0x100;
	[sflag:s24] =	ssyncadd.s32 $0xFFFFC000  }
0x4d: {  	[tilespmem:s21], [sflag:$0x1] =	stream.indirect.gather [hbm4b:s4+s20], $0x80, s29, s20, $0xb8;
	[tilespmem:$0x1E400] =	vst v63  }
0x4e: {  	s29 =	simm.s32 $0x1480  }
0x4f: {  	[spmem:s1] =	stream.indirect.scatter.add.f32 [tilespmem:s23], [sflag:$0x3], $0x80, s29, s20, $0xb8;
	[tilespmem:$0x1E400] =	vst v63  }
0x50: {  	_ =	swait.ge [sflag:s18], $0x4000  }
0x51: {  	s29 =	simm.s32 $0x400;
	[sflag:s18] =	ssyncset.done $0x0  }
.LBB2_10:
0x52: {  	p1 =	sne.s32 s29, $0x4800  }
0x53: {  	[sflag:s18] =	ssyncadd.s32 $0xFFFFC000;
	s30 =	smov.u32 s29;
	s29 =	sadd.s32 $0x400, s29  }
0x54: {  	_ = 	snop  }
0x55: {  	_ =	swait.ge [sflag:s22], $0x4000  }
0x56: {  	s30 =	sshra.s32 s30, $0x2;
	[sflag:s22] =	ssyncset.done $0x0  }
0x57: {  	s31 =	sadd.s32 $0x80, s30;
	[sflag:s22] =	ssyncadd.s32 $0xFFFFC000  }
0x58: {  	[tilespmem:s23], [sflag:$0x2] =	stream.indirect.gather [hbm4b:s4+s20], $0x80, s31, s20, $0xb8;
	[tilespmem:$0x1E400] =	vst v63  }
0x59: {  	s31 =	sadd.s32 $0x1400, s30  }
0x5a: {  	[spmem:s1] =	stream.indirect.scatter.add.f32 [tilespmem:s21], [sflag:$0x3], $0x80, s31, s20, $0xb8;
	[tilespmem:$0x1E400] =	vst v63  }
0x5b: {  	_ =	swait.ge [sflag:s18], $0x4000  }
0x5c: {  	[sflag:s18] =	ssyncset.done $0x0  }
0x5d: {  	[sflag:s18] =	ssyncadd.s32 $0xFFFFC000  }
0x5e: {  	_ =	swait.ge [sflag:s24], $0x4000  }
0x5f: {  	[sflag:s24] =	ssyncset.done $0x0  }
0x60: {  	s31 =	sadd.s32 $0x100, s30;
	[sflag:s24] =	ssyncadd.s32 $0xFFFFC000  }
0x61: {  	[tilespmem:s21], [sflag:$0x1] =	stream.indirect.gather [hbm4b:s4+s20], $0x80, s31, s20, $0xb8;
	[tilespmem:$0x1E400] =	vst v63  }
.Ltmp3:
0x62: {  	_ = 	snop;
	(pc) =	sbr.rel @p1 .LBB2_10-.Ltmp3, $4  }
0x63: {  	s30 =	sadd.s32 $0x1480, s30  }
0x64: {  	[spmem:s1] =	stream.indirect.scatter.add.f32 [tilespmem:s23], [sflag:$0x3], $0x80, s30, s20, $0xb8;
	[tilespmem:$0x1E400] =	vst v63  }
0x65: {  	_ =	swait.ge [sflag:s18], $0x4000  }
0x66: {  	[sflag:s18] =	ssyncset.done $0x0  }
.Ltmp4:
0x67: {  	_ = 	snop;
	(pc) =	sbr.rel .LBB2_11-.Ltmp4, $1  }
0x68: {  	_ =	sdelay $0x3  }
.LBB2_2:
0x69: {  	[tilespmem:s29], [sflag:$0x3] =	stream.linear.gather [hbm4b:s7+s29], $0x1400, $0x38;
	[tilespmem:$0x1E400] =	vst v63  }
0x6a: {  	_ =	swait.ge [sflag:s18], $0x1400  }
0x6b: {  	[sflag:s18] =	ssyncset.done $0x0  }
0x6c: {  	[sflag:s18] =	ssyncadd.s32 $0xFFFFEC00  }
0x6d: {  	[tilespmem:s19], [sflag:$0x3] =	stream.linear.gather [hbm4b:s8+s29], $0x1400, $0x38;
	[tilespmem:$0x1E400] =	vst v63  }
0x6e: {  	_ =	swait.ge [sflag:s18], $0x1400  }
0x6f: {  	[sflag:s18] =	ssyncset.done $0x0  }
0x70: {  	[sflag:s18] =	ssyncadd.s32 $0xFFFFEC00  }
0x71: {  	[tilespmem:s21], [sflag:$0x1] =	stream.indirect.gather [hbm4b:s4+s20], $0x80, s29, s20, $0xb8;
	[tilespmem:$0x1E400] =	vst v63  }
0x72: {  	_ =	swait.ge [sflag:s22], $0x4000  }
0x73: {  	[sflag:s22] =	ssyncset.done $0x0  }
0x74: {  	s29 =	simm.s32 $0x80;
	[sflag:s22] =	ssyncadd.s32 $0xFFFFC000  }
0x75: {  	[tilespmem:s23], [sflag:$0x2] =	stream.indirect.gather [hbm4b:s4+s20], $0x80, s29, s20, $0xb8;
	[tilespmem:$0x1E400] =	vst v63  }
0x76: {  	s29 =	simm.s32 $0x1400  }
0x77: {  	[spmem:s1] =	stream.indirect.scatter.add.f32 [tilespmem:s21], [sflag:$0x3], $0x80, s29, s20, $0xb8;
	[tilespmem:$0x1E400] =	vst v63  }
0x78: {  	_ =	swait.ge [sflag:s18], $0x4000  }
0x79: {  	[sflag:s18] =	ssyncset.done $0x0  }
0x7a: {  	[sflag:s18] =	ssyncadd.s32 $0xFFFFC000  }
0x7b: {  	_ =	swait.ge [sflag:s24], $0x4000  }
0x7c: {  	[sflag:s24] =	ssyncset.done $0x0  }
0x7d: {  	s29 =	simm.s32 $0x100;
	[sflag:s24] =	ssyncadd.s32 $0xFFFFC000  }
0x7e: {  	[tilespmem:s21], [sflag:$0x1] =	stream.indirect.gather [hbm4b:s4+s20], $0x80, s29, s20, $0xb8;
	[tilespmem:$0x1E400] =	vst v63  }
0x7f: {  	s29 =	simm.s32 $0x1480  }
0x80: {  	[spmem:s1] =	stream.indirect.scatter.add.f32 [tilespmem:s23], [sflag:$0x3], $0x80, s29, s20, $0xb8;
	[tilespmem:$0x1E400] =	vst v63  }
0x81: {  	_ =	swait.ge [sflag:s18], $0x4000  }
0x82: {  	s29 =	simm.s32 $0x400;
	[sflag:s18] =	ssyncset.done $0x0  }
.LBB2_3:
0x83: {  	p1 =	sne.s32 s29, $0x4800  }
0x84: {  	[sflag:s18] =	ssyncadd.s32 $0xFFFFC000;
	s30 =	smov.u32 s29;
	s29 =	sadd.s32 $0x400, s29  }
0x85: {  	_ = 	snop  }
0x86: {  	_ =	swait.ge [sflag:s22], $0x4000  }
0x87: {  	s30 =	sshra.s32 s30, $0x2;
	[sflag:s22] =	ssyncset.done $0x0  }
0x88: {  	s31 =	sadd.s32 $0x80, s30;
	[sflag:s22] =	ssyncadd.s32 $0xFFFFC000  }
0x89: {  	[tilespmem:s23], [sflag:$0x2] =	stream.indirect.gather [hbm4b:s4+s20], $0x80, s31, s20, $0xb8;
	[tilespmem:$0x1E400] =	vst v63  }
0x8a: {  	s31 =	sadd.s32 $0x1400, s30  }
0x8b: {  	[spmem:s1] =	stream.indirect.scatter.add.f32 [tilespmem:s21], [sflag:$0x3], $0x80, s31, s20, $0xb8;
	[tilespmem:$0x1E400] =	vst v63  }
0x8c: {  	_ =	swait.ge [sflag:s18], $0x4000  }
0x8d: {  	[sflag:s18] =	ssyncset.done $0x0  }
0x8e: {  	[sflag:s18] =	ssyncadd.s32 $0xFFFFC000  }
0x8f: {  	_ =	swait.ge [sflag:s24], $0x4000  }
0x90: {  	[sflag:s24] =	ssyncset.done $0x0  }
0x91: {  	s31 =	sadd.s32 $0x100, s30;
	[sflag:s24] =	ssyncadd.s32 $0xFFFFC000  }
0x92: {  	[tilespmem:s21], [sflag:$0x1] =	stream.indirect.gather [hbm4b:s4+s20], $0x80, s31, s20, $0xb8;
	[tilespmem:$0x1E400] =	vst v63  }
.Ltmp5:
0x93: {  	_ = 	snop;
	(pc) =	sbr.rel @p1 .LBB2_3-.Ltmp5, $4  }
0x94: {  	s30 =	sadd.s32 $0x1480, s30  }
0x95: {  	[spmem:s1] =	stream.indirect.scatter.add.f32 [tilespmem:s23], [sflag:$0x3], $0x80, s30, s20, $0xb8;
	[tilespmem:$0x1E400] =	vst v63  }
0x96: {  	_ =	swait.ge [sflag:s18], $0x4000  }
0x97: {  	[sflag:s18] =	ssyncset.done $0x0  }
0x98: {  	[sflag:s18] =	ssyncadd.s32 $0xFFFFC000  }
0x99: {  	_ =	swait.ge [sflag:s22], $0x4000  }
0x9a: {  	[sflag:s22] =	ssyncset.done $0x0  }
0x9b: {  	[sflag:s22] =	ssyncadd.s32 $0xFFFFC000  }
0x9c: {  	[tilespmem:s23], [sflag:$0x2] =	stream.indirect.gather [hbm4b:s4+s20], $0x80, s25, s20, $0xb8;
	[tilespmem:$0x1E400] =	vst v63  }
0x9d: {  	_ = 	snop  }
0x9e: {  	[spmem:s1] =	stream.indirect.scatter.add.f32 [tilespmem:s21], [sflag:$0x3], $0x80, s26, s20, $0xb8;
	[tilespmem:$0x1E400] =	vst v63  }
0x9f: {  	_ =	swait.ge [sflag:s18], $0x4000  }
0xa0: {  	[sflag:s18] =	ssyncset.done $0x0  }
0xa1: {  	[sflag:s18] =	ssyncadd.s32 $0xFFFFC000  }
0xa2: {  	_ =	swait.ge [sflag:s24], $0x4000  }
0xa3: {  	[sflag:s24] =	ssyncset.done $0x0  }
0xa4: {  	[sflag:s24] =	ssyncadd.s32 $0xFFFFC000  }
0xa5: {  	[spmem:s1] =	stream.indirect.scatter.add.f32 [tilespmem:s23], [sflag:$0x3], $0x80, s28, s20, $0xb8;
	[tilespmem:$0x1E400] =	vst v63  }
0xa6: {  	_ =	swait.ge [sflag:s18], $0x4000  }
0xa7: {  	[sflag:s18] =	ssyncset.done $0x0  }
0xa8: {  	s29 =	simm.s32 $0x0;
	[sflag:s18] =	ssyncadd.s32 $0xFFFFC000  }
0xa9: {  	[tilespmem:s29], [sflag:$0x3] =	stream.linear.gather [hbm4b:s9+s29], $0x1400, $0x38;
	[tilespmem:$0x1E400] =	vst v63  }
0xaa: {  	_ =	swait.ge [sflag:s18], $0x1400  }
0xab: {  	[sflag:s18] =	ssyncset.done $0x0  }
0xac: {  	[sflag:s18] =	ssyncadd.s32 $0xFFFFEC00  }
0xad: {  	[tilespmem:s19], [sflag:$0x3] =	stream.linear.gather [hbm4b:s10+s29], $0x1400, $0x38;
	[tilespmem:$0x1E400] =	vst v63  }
0xae: {  	_ =	swait.ge [sflag:s18], $0x1400  }
0xaf: {  	[sflag:s18] =	ssyncset.done $0x0  }
0xb0: {  	[sflag:s18] =	ssyncadd.s32 $0xFFFFEC00  }
0xb1: {  	[tilespmem:s21], [sflag:$0x1] =	stream.indirect.gather [hbm4b:s4+s20], $0x80, s29, s20, $0xb8;
	[tilespmem:$0x1E400] =	vst v63  }
0xb2: {  	_ =	swait.ge [sflag:s22], $0x4000  }
0xb3: {  	[sflag:s22] =	ssyncset.done $0x0  }
0xb4: {  	s29 =	simm.s32 $0x80;
	[sflag:s22] =	ssyncadd.s32 $0xFFFFC000  }
0xb5: {  	[tilespmem:s23], [sflag:$0x2] =	stream.indirect.gather [hbm4b:s4+s20], $0x80, s29, s20, $0xb8;
	[tilespmem:$0x1E400] =	vst v63  }
0xb6: {  	s29 =	simm.s32 $0x1400  }
0xb7: {  	[spmem:s1] =	stream.indirect.scatter.add.f32 [tilespmem:s21], [sflag:$0x3], $0x80, s29, s20, $0xb8;
	[tilespmem:$0x1E400] =	vst v63  }
0xb8: {  	_ =	swait.ge [sflag:s18], $0x4000  }
0xb9: {  	[sflag:s18] =	ssyncset.done $0x0  }
0xba: {  	[sflag:s18] =	ssyncadd.s32 $0xFFFFC000  }
0xbb: {  	_ =	swait.ge [sflag:s24], $0x4000  }
0xbc: {  	[sflag:s24] =	ssyncset.done $0x0  }
0xbd: {  	s29 =	simm.s32 $0x100;
	[sflag:s24] =	ssyncadd.s32 $0xFFFFC000  }
0xbe: {  	[tilespmem:s21], [sflag:$0x1] =	stream.indirect.gather [hbm4b:s4+s20], $0x80, s29, s20, $0xb8;
	[tilespmem:$0x1E400] =	vst v63  }
0xbf: {  	s29 =	simm.s32 $0x1480  }
0xc0: {  	[spmem:s1] =	stream.indirect.scatter.add.f32 [tilespmem:s23], [sflag:$0x3], $0x80, s29, s20, $0xb8;
	[tilespmem:$0x1E400] =	vst v63  }
0xc1: {  	_ =	swait.ge [sflag:s18], $0x4000  }
0xc2: {  	s29 =	simm.s32 $0x400;
	[sflag:s18] =	ssyncset.done $0x0  }
.LBB2_5:
0xc3: {  	p1 =	sne.s32 s29, $0x4800  }
0xc4: {  	[sflag:s18] =	ssyncadd.s32 $0xFFFFC000;
	s30 =	smov.u32 s29;
	s29 =	sadd.s32 $0x400, s29  }
0xc5: {  	_ = 	snop  }
0xc6: {  	_ =	swait.ge [sflag:s22], $0x4000  }
0xc7: {  	s30 =	sshra.s32 s30, $0x2;
	[sflag:s22] =	ssyncset.done $0x0  }
0xc8: {  	s31 =	sadd.s32 $0x80, s30;
	[sflag:s22] =	ssyncadd.s32 $0xFFFFC000  }
0xc9: {  	[tilespmem:s23], [sflag:$0x2] =	stream.indirect.gather [hbm4b:s4+s20], $0x80, s31, s20, $0xb8;
	[tilespmem:$0x1E400] =	vst v63  }
0xca: {  	s31 =	sadd.s32 $0x1400, s30  }
0xcb: {  	[spmem:s1] =	stream.indirect.scatter.add.f32 [tilespmem:s21], [sflag:$0x3], $0x80, s31, s20, $0xb8;
	[tilespmem:$0x1E400] =	vst v63  }
0xcc: {  	_ =	swait.ge [sflag:s18], $0x4000  }
0xcd: {  	[sflag:s18] =	ssyncset.done $0x0  }
0xce: {  	[sflag:s18] =	ssyncadd.s32 $0xFFFFC000  }
0xcf: {  	_ =	swait.ge [sflag:s24], $0x4000  }
0xd0: {  	[sflag:s24] =	ssyncset.done $0x0  }
0xd1: {  	s31 =	sadd.s32 $0x100, s30;
	[sflag:s24] =	ssyncadd.s32 $0xFFFFC000  }
0xd2: {  	[tilespmem:s21], [sflag:$0x1] =	stream.indirect.gather [hbm4b:s4+s20], $0x80, s31, s20, $0xb8;
	[tilespmem:$0x1E400] =	vst v63  }
.Ltmp6:
0xd3: {  	_ = 	snop;
	(pc) =	sbr.rel @p1 .LBB2_5-.Ltmp6, $4  }
0xd4: {  	s30 =	sadd.s32 $0x1480, s30  }
0xd5: {  	[spmem:s1] =	stream.indirect.scatter.add.f32 [tilespmem:s23], [sflag:$0x3], $0x80, s30, s20, $0xb8;
	[tilespmem:$0x1E400] =	vst v63  }
0xd6: {  	_ =	swait.ge [sflag:s18], $0x4000  }
0xd7: {  	[sflag:s18] =	ssyncset.done $0x0  }
0xd8: {  	[sflag:s18] =	ssyncadd.s32 $0xFFFFC000  }
0xd9: {  	_ =	swait.ge [sflag:s22], $0x4000  }
0xda: {  	[sflag:s22] =	ssyncset.done $0x0  }
0xdb: {  	[sflag:s22] =	ssyncadd.s32 $0xFFFFC000  }
0xdc: {  	[tilespmem:s23], [sflag:$0x2] =	stream.indirect.gather [hbm4b:s4+s20], $0x80, s25, s20, $0xb8;
	[tilespmem:$0x1E400] =	vst v63  }
0xdd: {  	_ = 	snop  }
0xde: {  	[spmem:s1] =	stream.indirect.scatter.add.f32 [tilespmem:s21], [sflag:$0x3], $0x80, s26, s20, $0xb8;
	[tilespmem:$0x1E400] =	vst v63  }
0xdf: {  	_ =	swait.ge [sflag:s18], $0x4000  }
0xe0: {  	[sflag:s18] =	ssyncset.done $0x0  }
0xe1: {  	[sflag:s18] =	ssyncadd.s32 $0xFFFFC000  }
0xe2: {  	_ =	swait.ge [sflag:s24], $0x4000  }
0xe3: {  	[sflag:s24] =	ssyncset.done $0x0  }
0xe4: {  	[sflag:s24] =	ssyncadd.s32 $0xFFFFC000  }
0xe5: {  	[spmem:s1] =	stream.indirect.scatter.add.f32 [tilespmem:s23], [sflag:$0x3], $0x80, s28, s20, $0xb8;
	[tilespmem:$0x1E400] =	vst v63  }
0xe6: {  	_ =	swait.ge [sflag:s18], $0x4000  }
0xe7: {  	[sflag:s18] =	ssyncset.done $0x0  }
0xe8: {  	s29 =	simm.s32 $0x0;
	[sflag:s18] =	ssyncadd.s32 $0xFFFFC000  }
0xe9: {  	[tilespmem:s29], [sflag:$0x3] =	stream.linear.gather [hbm4b:s11+s29], $0x1400, $0x38;
	[tilespmem:$0x1E400] =	vst v63  }
0xea: {  	_ =	swait.ge [sflag:s18], $0x1400  }
0xeb: {  	[sflag:s18] =	ssyncset.done $0x0  }
0xec: {  	[sflag:s18] =	ssyncadd.s32 $0xFFFFEC00  }
0xed: {  	[tilespmem:s19], [sflag:$0x3] =	stream.linear.gather [hbm4b:s12+s29], $0x1400, $0x38;
	[tilespmem:$0x1E400] =	vst v63  }
0xee: {  	_ =	swait.ge [sflag:s18], $0x1400  }
0xef: {  	[sflag:s18] =	ssyncset.done $0x0  }
0xf0: {  	[sflag:s18] =	ssyncadd.s32 $0xFFFFEC00  }
0xf1: {  	[tilespmem:s21], [sflag:$0x1] =	stream.indirect.gather [hbm4b:s4+s20], $0x80, s29, s20, $0xb8;
	[tilespmem:$0x1E400] =	vst v63  }
0xf2: {  	_ =	swait.ge [sflag:s22], $0x4000  }
0xf3: {  	[sflag:s22] =	ssyncset.done $0x0  }
0xf4: {  	s29 =	simm.s32 $0x80;
	[sflag:s22] =	ssyncadd.s32 $0xFFFFC000  }
0xf5: {  	[tilespmem:s23], [sflag:$0x2] =	stream.indirect.gather [hbm4b:s4+s20], $0x80, s29, s20, $0xb8;
	[tilespmem:$0x1E400] =	vst v63  }
0xf6: {  	s29 =	simm.s32 $0x1400  }
0xf7: {  	[spmem:s1] =	stream.indirect.scatter.add.f32 [tilespmem:s21], [sflag:$0x3], $0x80, s29, s20, $0xb8;
	[tilespmem:$0x1E400] =	vst v63  }
0xf8: {  	_ =	swait.ge [sflag:s18], $0x4000  }
0xf9: {  	[sflag:s18] =	ssyncset.done $0x0  }
0xfa: {  	[sflag:s18] =	ssyncadd.s32 $0xFFFFC000  }
0xfb: {  	_ =	swait.ge [sflag:s24], $0x4000  }
0xfc: {  	[sflag:s24] =	ssyncset.done $0x0  }
0xfd: {  	s29 =	simm.s32 $0x100;
	[sflag:s24] =	ssyncadd.s32 $0xFFFFC000  }
0xfe: {  	[tilespmem:s21], [sflag:$0x1] =	stream.indirect.gather [hbm4b:s4+s20], $0x80, s29, s20, $0xb8;
	[tilespmem:$0x1E400] =	vst v63  }
0xff: {  	s29 =	simm.s32 $0x1480  }
0x100: {  	[spmem:s1] =	stream.indirect.scatter.add.f32 [tilespmem:s23], [sflag:$0x3], $0x80, s29, s20, $0xb8;
	[tilespmem:$0x1E400] =	vst v63  }
0x101: {  	_ =	swait.ge [sflag:s18], $0x4000  }
0x102: {  	s29 =	simm.s32 $0x400;
	[sflag:s18] =	ssyncset.done $0x0  }
.LBB2_7:
0x103: {  	p1 =	seq.s32 s29, $0x4800  }
0x104: {  	[sflag:s18] =	ssyncadd.s32 $0xFFFFC000;
	s30 =	smov.u32 s29;
	s29 =	sadd.s32 $0x400, s29  }
0x105: {  	_ = 	snop  }
0x106: {  	_ =	swait.ge [sflag:s22], $0x4000  }
0x107: {  	s30 =	sshra.s32 s30, $0x2;
	[sflag:s22] =	ssyncset.done $0x0  }
0x108: {  	s31 =	sadd.s32 $0x80, s30;
	[sflag:s22] =	ssyncadd.s32 $0xFFFFC000  }
0x109: {  	[tilespmem:s23], [sflag:$0x2] =	stream.indirect.gather [hbm4b:s4+s20], $0x80, s31, s20, $0xb8;
	[tilespmem:$0x1E400] =	vst v63  }
0x10a: {  	s31 =	sadd.s32 $0x1400, s30  }
0x10b: {  	[spmem:s1] =	stream.indirect.scatter.add.f32 [tilespmem:s21], [sflag:$0x3], $0x80, s31, s20, $0xb8;
	[tilespmem:$0x1E400] =	vst v63  }
0x10c: {  	_ =	swait.ge [sflag:s18], $0x4000  }
0x10d: {  	[sflag:s18] =	ssyncset.done $0x0  }
0x10e: {  	[sflag:s18] =	ssyncadd.s32 $0xFFFFC000  }
0x10f: {  	_ =	swait.ge [sflag:s24], $0x4000  }
0x110: {  	[sflag:s24] =	ssyncset.done $0x0  }
0x111: {  	s31 =	sadd.s32 $0x100, s30;
	[sflag:s24] =	ssyncadd.s32 $0xFFFFC000  }
0x112: {  	[tilespmem:s21], [sflag:$0x1] =	stream.indirect.gather [hbm4b:s4+s20], $0x80, s31, s20, $0xb8;
	[tilespmem:$0x1E400] =	vst v63  }
.Ltmp7:
0x113: {  	_ = 	snop;
	(pc) =	sbr.rel @!p1 .LBB2_7-.Ltmp7, $4  }
0x114: {  	s30 =	sadd.s32 $0x1480, s30  }
0x115: {  	[spmem:s1] =	stream.indirect.scatter.add.f32 [tilespmem:s23], [sflag:$0x3], $0x80, s30, s20, $0xb8;
	[tilespmem:$0x1E400] =	vst v63  }
0x116: {  	_ =	swait.ge [sflag:s18], $0x4000  }
0x117: {  	[sflag:s18] =	ssyncset.done $0x0  }
.Ltmp8:
0x118: {  	(pc) =	sbr.rel .LBB2_12-.Ltmp8, $2  }
0x119: {  	_ =	sdelay $0x2  }
0x11a: {  	[sflag:s18] =	ssyncadd.s32 $0xFFFFC000  }
.LBB2_13:
0x11b: {  	_ =	sfence.sel $0x180000  }
0x11c: {  	[bflag:$0x0] =	sbarrier.arrive $0xFFFF  }
0x11d: {  	p0 =	sne.s32 s2, $0x0;
	_ =	strace $0x90000050  }
0x11e: {  	s0 =	sadd.s32 @!p0 $0x100000, s0;
	[bflag:$0x2] =	sbarrier.arrive $0xFFFF  }
0x11f: {  	[sflag:s0] =	ssyncadd.tile.s32 @!p0 $0x1;
	_ =	shalt  }
.Lfunc_end2:
_tile_overlayer_lowered:
.L_overlay_start_2:
0x120: {  	(tag) =	ssettag $0x2  }
0x121: {  	s0 =	rddreg [dreg:$0x0];
	s2 =	stileid.u32  }
0x122: {  	s1 =	rddreg [dreg:$0x1];
	p0 =	sne.s32 s2, $0x0  }
0x123: {  	s3 =	rddreg [dreg:$0x2];
	[bflag:$0x3] =	sbarrier.arrive $0xFFFF;
	s2 =	simm.s32 @!p0 $0x1C03  }
0x124: {  	[timem:s3], [sflag:s2] =	dma.local @!p0 [hbm:s0], s1  }
0x125: {  	s0 =	simm.s32 @!p0 $0x3  }
0x126: {  	_ =	swait.ge @!p0 [sflag:s0], s1  }
0x127: {  	s1 =	ssub.s32 @!p0 $0x0, s1;
	[sflag:s0] =	ssyncset.done @!p0 $0x0  }
0x128: {  	[sflag:s0] =	ssyncadd.s32 @!p0 s1  }
0x129: {  	[bflag:$0x3] =	sbarrier.arrive $0xFFFF  }
0x12a: {  	_ =	shalt  }

</sc_bundles>
